<compile_context>
chip_gen: v7x
topology: tpu7x:2x2x1
jax: 0.10.2.dev20260603
libtpu: 0.0.44.dev20260713+nightly
codegen_flags: <defaults>
</compile_context>

<pallas_src>
import functools

import jax
import jax.numpy as jnp
from jax import lax
from jax.experimental import pallas as pl
from jax.experimental.pallas import tpu as pltpu
from jax.experimental.pallas import tpu_sc as plsc

_BATCH = 16384
_SEQ = 200
_DIM = 64
_TROWS = 201
_LP = 208
_NCH = _LP // 16
_NW = 32
_ROWS_PW = _BATCH // _NW
_R = 4
_STEPS = _ROWS_PW // _R
_IDXN = _R * _LP
_GCHUNK = 104


def _x_copy(x_hbm, xb, sx, base):
    return pltpu.make_async_copy(x_hbm.at[pl.ds(base, _R)],
                                 xb.at[pl.ds(0, _R), pl.ds(0, _SEQ)], sx)


def _g_copies(tbuf, idx, gb, sg):
    return [
        pltpu.make_async_copy(
            tbuf.at[idx.at[pl.ds((2 * r + h) * _GCHUNK, _GCHUNK)]],
            gb.at[r, pl.ds(h * _GCHUNK, _GCHUNK)],
            sg,
        )
        for r in range(_R)
        for h in range(2)
    ]


def _o_copy(out_hbm, gb, so, base):
    return pltpu.make_async_copy(gb.at[pl.ds(0, _R), pl.ds(0, _SEQ)],
                                 out_hbm.at[pl.ds(base, _R)], so)


def _sc_body(x_hbm, table_hbm, out_hbm,
             tbuf, xb0, xb1, id0, id1, gb0, gb1,
             semt, sx0, sx1, sg0, sg1, so0, so1):
    c = lax.axis_index("c")
    s = lax.axis_index("s")
    wid = s * 2 + c
    base0 = wid * _ROWS_PW

    xbs = [(xb0, sx0), (xb1, sx1)]
    ids = [id0, id1]
    gbs = [(gb0, sg0, so0), (gb1, sg1, so1)]

    @pl.when(s == 0)
    def _():
        pltpu.make_async_copy(table_hbm, tbuf, semt).start()

    zeros16 = jnp.zeros((16,), jnp.int32)
    for xb, _ in xbs:
        for r in range(_R):
            xb[r, pl.ds(192, 16)] = zeros16

    @pl.when(s == 0)
    def _():
        pltpu.make_async_copy(table_hbm, tbuf, semt).wait()
    plsc.subcore_barrier()

    _x_copy(x_hbm, xb0, sx0, base0).start()

    def substep(it, p):
        q = 1 - p
        xb, sx = xbs[p]
        idx = ids[p]
        gb, sg, so = gbs[p]
        gbq, sgq, soq = gbs[q]
        base = base0 + it * _R
        _x_copy(x_hbm, xb, sx, base).wait()
        for r in range(_R):
            carry = jnp.int32(0)
            for i in range(_NCH):
                v = xb[r, pl.ds(i * 16, 16)]
                m = jnp.minimum(jnp.abs(v), 1)
                cs = jnp.cumsum(m)
                idx[pl.ds(r * _LP + i * 16, 16)] = (carry + cs) * m
                carry = carry + cs[15]
        @pl.when(it >= 2)
        def _():
            _o_copy(out_hbm, gb, so, base0 + (it - 2) * _R).wait()
        for cp in _g_copies(tbuf, idx, gb, sg):
            cp.start()
        @pl.when(it + 1 < _STEPS)
        def _():
            _x_copy(x_hbm, xbs[q][0], xbs[q][1], base + _R).start()
        @pl.when(it >= 1)
        def _():
            for cp in _g_copies(tbuf, ids[q], gbq, sgq):
                cp.wait()
            _o_copy(out_hbm, gbq, soq, base0 + (it - 1) * _R).start()

    def step2(i2, carry_none):
        substep(i2 * 2, 0)
        substep(i2 * 2 + 1, 1)
        return carry_none

    lax.fori_loop(0, _STEPS // 2, step2, None)

    last = _STEPS - 1
    gb, sg, so = gbs[1]
    for cp in _g_copies(tbuf, ids[1], gb, sg):
        cp.wait()
    _o_copy(out_hbm, gb, so, base0 + last * _R).start()
    _o_copy(out_hbm, gbs[0][0], gbs[0][2], base0 + (last - 1) * _R).wait()
    _o_copy(out_hbm, gb, so, base0 + last * _R).wait()


def kernel(x, table):
    mesh = plsc.VectorSubcoreMesh(core_axis_name="c", subcore_axis_name="s")
    f = functools.partial(
        pl.kernel,
        mesh=mesh,
        compiler_params=pltpu.CompilerParams(use_tc_tiling_on_sc=False,
                                             needs_layout_passes=False),
        out_type=jax.ShapeDtypeStruct((_BATCH, _SEQ, _DIM), jnp.float32),
        scratch_types=[
            pltpu.VMEM_SHARED((_TROWS, _DIM), jnp.float32),
            pltpu.VMEM((_R, _LP), jnp.int32),
            pltpu.VMEM((_R, _LP), jnp.int32),
            pltpu.VMEM((_IDXN,), jnp.int32),
            pltpu.VMEM((_IDXN,), jnp.int32),
            pltpu.VMEM((_R, _LP, _DIM), jnp.float32),
            pltpu.VMEM((_R, _LP, _DIM), jnp.float32),
            pltpu.SemaphoreType.DMA,
            pltpu.SemaphoreType.DMA,
            pltpu.SemaphoreType.DMA,
            pltpu.SemaphoreType.DMA,
            pltpu.SemaphoreType.DMA,
            pltpu.SemaphoreType.DMA,
            pltpu.SemaphoreType.DMA,
        ],
    )(_sc_body)
    return f(x, table)

# --- scband reference (transcript-rebuilt; emitter-appended) ---
"""Pipeline reference for scband-positional-encoder-32968168964631 (READ-ONLY COPY).

The authoritative reference and input builder live on the scoring server;
editing this copy changes nothing except your own understanding.
"""

import jax, jax.numpy as jnp
import numpy as np

MAX_LEN = 200
EMB_DIM = 64
BATCH = 16384
SEQ = 200
VOCAB = 100000


def get_sinusoid_table(n_positions, d):
    pos = np.arange(n_positions)[:, None].astype(np.float64)
    i = np.arange(d)[None, :]
    angle = pos / np.power(10000.0, 2 * (i // 2) / d)
    table = np.zeros((n_positions, d), dtype=np.float64)
    table[:, 0::2] = np.sin(angle[:, 0::2])
    table[:, 1::2] = np.cos(angle[:, 1::2])
    return jnp.asarray(table, dtype=jnp.float32)


def setup_inputs(seed: int = 0):
    key = jax.random.key(seed)
    # token ids; 0 is treated as padding by get_positions
    x = jax.random.randint(key, (BATCH, SEQ), 0, VOCAB, dtype=jnp.int32)
    table = get_sinusoid_table(MAX_LEN + 1, EMB_DIM)  # [201, 64]
    return {"x": x, "table": table}


def reference(x, table):
    # get_positions: position ids start at 1 for non-pad tokens, 0 for pad
    mask = (x != 0).astype(jnp.int32)
    pos = jnp.cumsum(mask, axis=1) * mask  # int32[B, L], values in [0, SEQ] <= MAX_LEN
    # embedding lookup (gather) from the frozen sinusoid table
    embedded = jnp.take(table, pos, axis=0)  # float32[B, L, EMB_DIM]
    return embedded

if __name__ == "__main__":
    import jax
    _d = setup_inputs()
    print(jax.jit(kernel)(*tuple(_d.values())))

</pallas_src>

<mosaic_0001>
#map = affine_map<(d0, d1) -> (0, 0)>
#map1 = affine_map<(d0, d1) -> (0, 0, 0)>
module attributes {stable_mosaic.version = 14 : i64} {
  func.func @_sc_body(%arg0: i32, %arg1: i32, %arg2: memref<16384x200xi32, #tpu.memory_space<hbm>>, %arg3: memref<201x64xf32, #tpu.memory_space<hbm>>, %arg4: memref<16384x200x64xf32, #tpu.memory_space<hbm>>, %arg5: memref<201x64xf32, #tpu.memory_space<vmem_shared>>, %arg6: memref<4x208xi32, #tpu.memory_space<vmem>>, %arg7: memref<4x208xi32, #tpu.memory_space<vmem>>, %arg8: memref<832xi32, #tpu.memory_space<vmem>>, %arg9: memref<832xi32, #tpu.memory_space<vmem>>, %arg10: memref<4x208x64xf32, #tpu.memory_space<vmem>>, %arg11: memref<4x208x64xf32, #tpu.memory_space<vmem>>, %arg12: memref<!tpu.dma_semaphore, #tpu.memory_space<semaphore_mem>>, %arg13: memref<!tpu.dma_semaphore, #tpu.memory_space<semaphore_mem>>, %arg14: memref<!tpu.dma_semaphore, #tpu.memory_space<semaphore_mem>>, %arg15: memref<!tpu.dma_semaphore, #tpu.memory_space<semaphore_mem>>, %arg16: memref<!tpu.dma_semaphore, #tpu.memory_space<semaphore_mem>>, %arg17: memref<!tpu.dma_semaphore, #tpu.memory_space<semaphore_mem>>, %arg18: memref<!tpu.dma_semaphore, #tpu.memory_space<semaphore_mem>>) attributes {dimension_semantics = [#tpu.dimension_semantics<core_parallel>, #tpu.dimension_semantics<subcore_parallel>], iteration_bounds = array<i64: 2, 16>, scalar_prefetch = 0 : i64, scratch_operands = 14 : i64, tpu.core_type = #tpu.core_type<sc_vector_subcore>, window_params = [{transform_indices = #map}, {transform_indices = #map}, {transform_indices = #map1}]} {
    %mul3A = arith.constant 2 : i32
    %mul3A_0 = arith.muli %arg1, %mul3A : i32
    %add3A = arith.addi %mul3A_0, %arg0 : i32
    %mul3A_1 = arith.constant 512 : i32
    %mul3A_2 = arith.muli %add3A, %mul3A_1 : i32
    %eq3A = arith.constant 0 : i32
    %eq3A_3 = arith.cmpi eq, %arg1, %eq3A : i32
    %convert_element_type3A = arith.extui %eq3A_3 : i1 to i32
    %cond3A = arith.constant 0 : i32
    %cond3A_4 = arith.cmpi ne, %convert_element_type3A, %cond3A : i32
    scf.if %cond3A_4 {
      tpu.enqueue_dma source(%arg3 : memref<201x64xf32, #tpu.memory_space<hbm>>) target(%arg5 : memref<201x64xf32, #tpu.memory_space<vmem_shared>>) target_semaphore(%arg12 : memref<!tpu.dma_semaphore, #tpu.memory_space<semaphore_mem>>)
    } else {
    }
    %broadcast_in_dim3A = arith.constant 0 : i32
    %broadcast_in_dim3A_5 = vector.broadcast %broadcast_in_dim3A : i32 to vector<16xi32>
    %swap3A = arith.constant 0 : i32
    %swap3A_6 = arith.index_cast %swap3A : i32 to index
    %swap3A_7 = arith.constant 192 : index
    %swap3A_8 = tpu.vector_load %arg6[%swap3A_6, %swap3A_7] {strides = array<i32>} : memref<4x208xi32, #tpu.memory_space<vmem>>, vector<16xi32>,
    tpu.vector_store %arg6[%swap3A_6, %swap3A_7], %broadcast_in_dim3A_5 {strides = array<i32>} : memref<4x208xi32, #tpu.memory_space<vmem>>, vector<16xi32>,
    %swap3A_9 = arith.constant 1 : i32
    %swap3A_10 = arith.index_cast %swap3A_9 : i32 to index
    %swap3A_11 = arith.constant 192 : index
    %swap3A_12 = tpu.vector_load %arg6[%swap3A_10, %swap3A_11] {strides = array<i32>} : memref<4x208xi32, #tpu.memory_space<vmem>>, vector<16xi32>,
    tpu.vector_store %arg6[%swap3A_10, %swap3A_11], %broadcast_in_dim3A_5 {strides = array<i32>} : memref<4x208xi32, #tpu.memory_space<vmem>>, vector<16xi32>,
    %swap3A_13 = arith.constant 2 : i32
    %swap3A_14 = arith.index_cast %swap3A_13 : i32 to index
    %swap3A_15 = arith.constant 192 : index
    %swap3A_16 = tpu.vector_load %arg6[%swap3A_14, %swap3A_15] {strides = array<i32>} : memref<4x208xi32, #tpu.memory_space<vmem>>, vector<16xi32>,
    tpu.vector_store %arg6[%swap3A_14, %swap3A_15], %broadcast_in_dim3A_5 {strides = array<i32>} : memref<4x208xi32, #tpu.memory_space<vmem>>, vector<16xi32>,
    %swap3A_17 = arith.constant 3 : i32
    %swap3A_18 = arith.index_cast %swap3A_17 : i32 to index
    %swap3A_19 = arith.constant 192 : index
    %swap3A_20 = tpu.vector_load %arg6[%swap3A_18, %swap3A_19] {strides = array<i32>} : memref<4x208xi32, #tpu.memory_space<vmem>>, vector<16xi32>,
    tpu.vector_store %arg6[%swap3A_18, %swap3A_19], %broadcast_in_dim3A_5 {strides = array<i32>} : memref<4x208xi32, #tpu.memory_space<vmem>>, vector<16xi32>,
    %swap3A_21 = arith.constant 0 : i32
    %swap3A_22 = arith.index_cast %swap3A_21 : i32 to index
    %swap3A_23 = arith.constant 192 : index
    %swap3A_24 = tpu.vector_load %arg7[%swap3A_22, %swap3A_23] {strides = array<i32>} : memref<4x208xi32, #tpu.memory_space<vmem>>, vector<16xi32>,
    tpu.vector_store %arg7[%swap3A_22, %swap3A_23], %broadcast_in_dim3A_5 {strides = array<i32>} : memref<4x208xi32, #tpu.memory_space<vmem>>, vector<16xi32>,
    %swap3A_25 = arith.constant 1 : i32
    %swap3A_26 = arith.index_cast %swap3A_25 : i32 to index
    %swap3A_27 = arith.constant 192 : index
    %swap3A_28 = tpu.vector_load %arg7[%swap3A_26, %swap3A_27] {strides = array<i32>} : memref<4x208xi32, #tpu.memory_space<vmem>>, vector<16xi32>,
    tpu.vector_store %arg7[%swap3A_26, %swap3A_27], %broadcast_in_dim3A_5 {strides = array<i32>} : memref<4x208xi32, #tpu.memory_space<vmem>>, vector<16xi32>,
    %swap3A_29 = arith.constant 2 : i32
    %swap3A_30 = arith.index_cast %swap3A_29 : i32 to index
    %swap3A_31 = arith.constant 192 : index
    %swap3A_32 = tpu.vector_load %arg7[%swap3A_30, %swap3A_31] {strides = array<i32>} : memref<4x208xi32, #tpu.memory_space<vmem>>, vector<16xi32>,
    tpu.vector_store %arg7[%swap3A_30, %swap3A_31], %broadcast_in_dim3A_5 {strides = array<i32>} : memref<4x208xi32, #tpu.memory_space<vmem>>, vector<16xi32>,
    %swap3A_33 = arith.constant 3 : i32
    %swap3A_34 = arith.index_cast %swap3A_33 : i32 to index
    %swap3A_35 = arith.constant 192 : index
    %swap3A_36 = tpu.vector_load %arg7[%swap3A_34, %swap3A_35] {strides = array<i32>} : memref<4x208xi32, #tpu.memory_space<vmem>>, vector<16xi32>,
    tpu.vector_store %arg7[%swap3A_34, %swap3A_35], %broadcast_in_dim3A_5 {strides = array<i32>} : memref<4x208xi32, #tpu.memory_space<vmem>>, vector<16xi32>,
    %eq3A_37 = arith.constant 0 : i32
    %eq3A_38 = arith.cmpi eq, %arg1, %eq3A_37 : i32
    %convert_element_type3A_39 = arith.extui %eq3A_38 : i1 to i32
    %cond3A_40 = arith.constant 0 : i32
    %cond3A_41 = arith.cmpi ne, %convert_element_type3A_39, %cond3A_40 : i32
    scf.if %cond3A_41 {
      tpu.wait_dma2 semaphore(%arg12 : memref<!tpu.dma_semaphore, #tpu.memory_space<semaphore_mem>>) src(%arg3 : memref<201x64xf32, #tpu.memory_space<hbm>>) dst(%arg5 : memref<201x64xf32, #tpu.memory_space<vmem_shared>>)
    } else {
    }
    %barrier3A = arith.constant 0 : index
    tpu.barrier barrier_id(%barrier3A)
    %dma_start3A = arith.constant 0 : i32
    %dma_start3A_42 = arith.constant 0 : i32
    %dma_start3A_43 = tpu.memref_slice %arg6[%dma_start3A, %dma_start3A_42] : memref<4x208xi32, #tpu.memory_space<vmem>> -> memref<4x200xi32, #tpu.memory_space<vmem>>
    %dma_start3A_44 = arith.constant 0 : i32
    %dma_start3A_45 = tpu.memref_slice %arg2[%mul3A_2, %dma_start3A_44] : memref<16384x200xi32, #tpu.memory_space<hbm>> -> memref<4x200xi32, #tpu.memory_space<hbm>>
    %dma_start3A_46 = arith.constant 0 : i32
    %dma_start3A_47 = arith.constant 0 : i32
    %dma_start3A_48 = tpu.memref_slice %arg6[%dma_start3A_46, %dma_start3A_47] : memref<4x208xi32, #tpu.memory_space<vmem>> -> memref<4x200xi32, #tpu.memory_space<vmem>>
    %dma_start3A_49 = arith.constant 0 : i32
    %dma_start3A_50 = tpu.memref_slice %arg2[%mul3A_2, %dma_start3A_49] : memref<16384x200xi32, #tpu.memory_space<hbm>> -> memref<4x200xi32, #tpu.memory_space<hbm>>
    tpu.enqueue_dma source(%dma_start3A_50 : memref<4x200xi32, #tpu.memory_space<hbm>>) target(%dma_start3A_48 : memref<4x200xi32, #tpu.memory_space<vmem>>) target_semaphore(%arg13 : memref<!tpu.dma_semaphore, #tpu.memory_space<semaphore_mem>>)
    %scan3A = arith.constant 0 : i32
    %scan3A_51 = arith.constant 64 : i32
    %scan3A_52 = arith.addi %scan3A, %scan3A_51 : i32
    %scan3A_53 = arith.constant 1 : i32
    scf.for %scan3A_182 = %scan3A to %scan3A_52 step %scan3A_53  : i32 {
      %mul3A_183 = arith.constant 2 : i32
      %mul3A_184 = arith.muli %scan3A_182, %mul3A_183 : i32
      %mul3A_185 = arith.constant 4 : i32
      %mul3A_186 = arith.muli %mul3A_184, %mul3A_185 : i32
      %add3A_187 = arith.addi %mul3A_2, %mul3A_186 : i32
      %dma_wait3A_188 = arith.constant 0 : i32
      %dma_wait3A_189 = arith.constant 0 : i32
      %dma_wait3A_190 = tpu.memref_slice %arg6[%dma_wait3A_188, %dma_wait3A_189] : memref<4x208xi32, #tpu.memory_space<vmem>> -> memref<4x200xi32, #tpu.memory_space<vmem>>
      %dma_wait3A_191 = arith.constant 0 : i32
      %dma_wait3A_192 = tpu.memref_slice %arg2[%add3A_187, %dma_wait3A_191] : memref<16384x200xi32, #tpu.memory_space<hbm>> -> memref<4x200xi32, #tpu.memory_space<hbm>>
      %dma_wait3A_193 = arith.constant 0 : i32
      %dma_wait3A_194 = arith.constant 0 : i32
      %dma_wait3A_195 = tpu.memref_slice %arg6[%dma_wait3A_193, %dma_wait3A_194] : memref<4x208xi32, #tpu.memory_space<vmem>> -> memref<4x200xi32, #tpu.memory_space<vmem>>
      %dma_wait3A_196 = arith.constant 0 : i32
      %dma_wait3A_197 = tpu.memref_slice %arg2[%add3A_187, %dma_wait3A_196] : memref<16384x200xi32, #tpu.memory_space<hbm>> -> memref<4x200xi32, #tpu.memory_space<hbm>>
      tpu.wait_dma2 semaphore(%arg13 : memref<!tpu.dma_semaphore, #tpu.memory_space<semaphore_mem>>) src(%dma_wait3A_197 : memref<4x200xi32, #tpu.memory_space<hbm>>) dst(%dma_wait3A_195 : memref<4x200xi32, #tpu.memory_space<vmem>>)
      %get3A = arith.constant 0 : i32
      %get3A_198 = arith.index_cast %get3A : i32 to index
      %get3A_199 = arith.constant 0 : index
      %get3A_200 = tpu.vector_load %arg6[%get3A_198, %get3A_199] {strides = array<i32>} : memref<4x208xi32, #tpu.memory_space<vmem>>, vector<16xi32>,
      %abs3A = math.absi %get3A_200 : vector<16xi32>
      %min3A = arith.constant 1 : i32
      %min3A_201 = vector.broadcast %min3A : i32 to vector<16xi32>
      %min3A_202 = arith.minsi %abs3A, %min3A_201 : vector<16xi32>
      %cumsum3A = arith.constant true
      %cumsum3A_203 = vector.broadcast %cumsum3A : i1 to vector<16xi1>
      %cumsum3A_204 = tpu.scan <sum>, %min3A_202 masked %cumsum3A_203 : vector<16xi32>, vector<16xi1> -> vector<16xi32>
      %add3A_205 = arith.constant 0 : i32
      %add3A_206 = vector.broadcast %add3A_205 : i32 to vector<16xi32>
      %add3A_207 = arith.addi %add3A_206, %cumsum3A_204 : vector<16xi32>
      %mul3A_208 = arith.muli %add3A_207, %min3A_202 : vector<16xi32>
      %swap3A_209 = arith.constant 0 : index
      %swap3A_210 = tpu.vector_load %arg8[%swap3A_209] {strides = array<i32>} : memref<832xi32, #tpu.memory_space<vmem>>, vector<16xi32>,
      tpu.vector_store %arg8[%swap3A_209], %mul3A_208 {strides = array<i32>} : memref<832xi32, #tpu.memory_space<vmem>>, vector<16xi32>,
      %slice3A = vector.extract_strided_slice %cumsum3A_204 {offsets = [15], sizes = [1], strides = [1]} : vector<16xi32> to vector<1xi32>
      %squeeze3A = vector.extract %slice3A[0] : i32 from vector<1xi32>
      %add3A_211 = arith.constant 0 : i32
      %add3A_212 = arith.addi %add3A_211, %squeeze3A : i32
      %get3A_213 = arith.constant 0 : i32
      %get3A_214 = arith.index_cast %get3A_213 : i32 to index
      %get3A_215 = arith.constant 16 : index
      %get3A_216 = tpu.vector_load %arg6[%get3A_214, %get3A_215] {strides = array<i32>} : memref<4x208xi32, #tpu.memory_space<vmem>>, vector<16xi32>,
      %abs3A_217 = math.absi %get3A_216 : vector<16xi32>
      %min3A_218 = arith.constant 1 : i32
      %min3A_219 = vector.broadcast %min3A_218 : i32 to vector<16xi32>
      %min3A_220 = arith.minsi %abs3A_217, %min3A_219 : vector<16xi32>
      %cumsum3A_221 = arith.constant true
      %cumsum3A_222 = vector.broadcast %cumsum3A_221 : i1 to vector<16xi1>
      %cumsum3A_223 = tpu.scan <sum>, %min3A_220 masked %cumsum3A_222 : vector<16xi32>, vector<16xi1> -> vector<16xi32>
      %add3A_224 = vector.broadcast %add3A_212 : i32 to vector<16xi32>
      %add3A_225 = arith.addi %add3A_224, %cumsum3A_223 : vector<16xi32>
      %mul3A_226 = arith.muli %add3A_225, %min3A_220 : vector<16xi32>
      %swap3A_227 = arith.constant 16 : index
      %swap3A_228 = tpu.vector_load %arg8[%swap3A_227] {strides = array<i32>} : memref<832xi32, #tpu.memory_space<vmem>>, vector<16xi32>,
      tpu.vector_store %arg8[%swap3A_227], %mul3A_226 {strides = array<i32>} : memref<832xi32, #tpu.memory_space<vmem>>, vector<16xi32>,
      %slice3A_229 = vector.extract_strided_slice %cumsum3A_223 {offsets = [15], sizes = [1], strides = [1]} : vector<16xi32> to vector<1xi32>
      %squeeze3A_230 = vector.extract %slice3A_229[0] : i32 from vector<1xi32>
      %add3A_231 = arith.addi %add3A_212, %squeeze3A_230 : i32
      %get3A_232 = arith.constant 0 : i32
      %get3A_233 = arith.index_cast %get3A_232 : i32 to index
      %get3A_234 = arith.constant 32 : index
      %get3A_235 = tpu.vector_load %arg6[%get3A_233, %get3A_234] {strides = array<i32>} : memref<4x208xi32, #tpu.memory_space<vmem>>, vector<16xi32>,
      %abs3A_236 = math.absi %get3A_235 : vector<16xi32>
      %min3A_237 = arith.constant 1 : i32
      %min3A_238 = vector.broadcast %min3A_237 : i32 to vector<16xi32>
      %min3A_239 = arith.minsi %abs3A_236, %min3A_238 : vector<16xi32>
      %cumsum3A_240 = arith.constant true
      %cumsum3A_241 = vector.broadcast %cumsum3A_240 : i1 to vector<16xi1>
      %cumsum3A_242 = tpu.scan <sum>, %min3A_239 masked %cumsum3A_241 : vector<16xi32>, vector<16xi1> -> vector<16xi32>
      %add3A_243 = vector.broadcast %add3A_231 : i32 to vector<16xi32>
      %add3A_244 = arith.addi %add3A_243, %cumsum3A_242 : vector<16xi32>
      %mul3A_245 = arith.muli %add3A_244, %min3A_239 : vector<16xi32>
      %swap3A_246 = arith.constant 32 : index
      %swap3A_247 = tpu.vector_load %arg8[%swap3A_246] {strides = array<i32>} : memref<832xi32, #tpu.memory_space<vmem>>, vector<16xi32>,
      tpu.vector_store %arg8[%swap3A_246], %mul3A_245 {strides = array<i32>} : memref<832xi32, #tpu.memory_space<vmem>>, vector<16xi32>,
      %slice3A_248 = vector.extract_strided_slice %cumsum3A_242 {offsets = [15], sizes = [1], strides = [1]} : vector<16xi32> to vector<1xi32>
      %squeeze3A_249 = vector.extract %slice3A_248[0] : i32 from vector<1xi32>
      %add3A_250 = arith.addi %add3A_231, %squeeze3A_249 : i32
      %get3A_251 = arith.constant 0 : i32
      %get3A_252 = arith.index_cast %get3A_251 : i32 to index
      %get3A_253 = arith.constant 48 : index
      %get3A_254 = tpu.vector_load %arg6[%get3A_252, %get3A_253] {strides = array<i32>} : memref<4x208xi32, #tpu.memory_space<vmem>>, vector<16xi32>,
      %abs3A_255 = math.absi %get3A_254 : vector<16xi32>
      %min3A_256 = arith.constant 1 : i32
      %min3A_257 = vector.broadcast %min3A_256 : i32 to vector<16xi32>
      %min3A_258 = arith.minsi %abs3A_255, %min3A_257 : vector<16xi32>
      %cumsum3A_259 = arith.constant true
      %cumsum3A_260 = vector.broadcast %cumsum3A_259 : i1 to vector<16xi1>
      %cumsum3A_261 = tpu.scan <sum>, %min3A_258 masked %cumsum3A_260 : vector<16xi32>, vector<16xi1> -> vector<16xi32>
      %add3A_262 = vector.broadcast %add3A_250 : i32 to vector<16xi32>
      %add3A_263 = arith.addi %add3A_262, %cumsum3A_261 : vector<16xi32>
      %mul3A_264 = arith.muli %add3A_263, %min3A_258 : vector<16xi32>
      %swap3A_265 = arith.constant 48 : index
      %swap3A_266 = tpu.vector_load %arg8[%swap3A_265] {strides = array<i32>} : memref<832xi32, #tpu.memory_space<vmem>>, vector<16xi32>,
      tpu.vector_store %arg8[%swap3A_265], %mul3A_264 {strides = array<i32>} : memref<832xi32, #tpu.memory_space<vmem>>, vector<16xi32>,
      %slice3A_267 = vector.extract_strided_slice %cumsum3A_261 {offsets = [15], sizes = [1], strides = [1]} : vector<16xi32> to vector<1xi32>
      %squeeze3A_268 = vector.extract %slice3A_267[0] : i32 from vector<1xi32>
      %add3A_269 = arith.addi %add3A_250, %squeeze3A_268 : i32
      %get3A_270 = arith.constant 0 : i32
      %get3A_271 = arith.index_cast %get3A_270 : i32 to index
      %get3A_272 = arith.constant 64 : index
      %get3A_273 = tpu.vector_load %arg6[%get3A_271, %get3A_272] {strides = array<i32>} : memref<4x208xi32, #tpu.memory_space<vmem>>, vector<16xi32>,
      %abs3A_274 = math.absi %get3A_273 : vector<16xi32>
      %min3A_275 = arith.constant 1 : i32
      %min3A_276 = vector.broadcast %min3A_275 : i32 to vector<16xi32>
      %min3A_277 = arith.minsi %abs3A_274, %min3A_276 : vector<16xi32>
      %cumsum3A_278 = arith.constant true
      %cumsum3A_279 = vector.broadcast %cumsum3A_278 : i1 to vector<16xi1>
      %cumsum3A_280 = tpu.scan <sum>, %min3A_277 masked %cumsum3A_279 : vector<16xi32>, vector<16xi1> -> vector<16xi32>
      %add3A_281 = vector.broadcast %add3A_269 : i32 to vector<16xi32>
      %add3A_282 = arith.addi %add3A_281, %cumsum3A_280 : vector<16xi32>
      %mul3A_283 = arith.muli %add3A_282, %min3A_277 : vector<16xi32>
      %swap3A_284 = arith.constant 64 : index
      %swap3A_285 = tpu.vector_load %arg8[%swap3A_284] {strides = array<i32>} : memref<832xi32, #tpu.memory_space<vmem>>, vector<16xi32>,
      tpu.vector_store %arg8[%swap3A_284], %mul3A_283 {strides = array<i32>} : memref<832xi32, #tpu.memory_space<vmem>>, vector<16xi32>,
      %slice3A_286 = vector.extract_strided_slice %cumsum3A_280 {offsets = [15], sizes = [1], strides = [1]} : vector<16xi32> to vector<1xi32>
      %squeeze3A_287 = vector.extract %slice3A_286[0] : i32 from vector<1xi32>
      %add3A_288 = arith.addi %add3A_269, %squeeze3A_287 : i32
      %get3A_289 = arith.constant 0 : i32
      %get3A_290 = arith.index_cast %get3A_289 : i32 to index
      %get3A_291 = arith.constant 80 : index
      %get3A_292 = tpu.vector_load %arg6[%get3A_290, %get3A_291] {strides = array<i32>} : memref<4x208xi32, #tpu.memory_space<vmem>>, vector<16xi32>,
      %abs3A_293 = math.absi %get3A_292 : vector<16xi32>
      %min3A_294 = arith.constant 1 : i32
      %min3A_295 = vector.broadcast %min3A_294 : i32 to vector<16xi32>
      %min3A_296 = arith.minsi %abs3A_293, %min3A_295 : vector<16xi32>
      %cumsum3A_297 = arith.constant true
      %cumsum3A_298 = vector.broadcast %cumsum3A_297 : i1 to vector<16xi1>
      %cumsum3A_299 = tpu.scan <sum>, %min3A_296 masked %cumsum3A_298 : vector<16xi32>, vector<16xi1> -> vector<16xi32>
      %add3A_300 = vector.broadcast %add3A_288 : i32 to vector<16xi32>
      %add3A_301 = arith.addi %add3A_300, %cumsum3A_299 : vector<16xi32>
      %mul3A_302 = arith.muli %add3A_301, %min3A_296 : vector<16xi32>
      %swap3A_303 = arith.constant 80 : index
      %swap3A_304 = tpu.vector_load %arg8[%swap3A_303] {strides = array<i32>} : memref<832xi32, #tpu.memory_space<vmem>>, vector<16xi32>,
      tpu.vector_store %arg8[%swap3A_303], %mul3A_302 {strides = array<i32>} : memref<832xi32, #tpu.memory_space<vmem>>, vector<16xi32>,
      %slice3A_305 = vector.extract_strided_slice %cumsum3A_299 {offsets = [15], sizes = [1], strides = [1]} : vector<16xi32> to vector<1xi32>
      %squeeze3A_306 = vector.extract %slice3A_305[0] : i32 from vector<1xi32>
      %add3A_307 = arith.addi %add3A_288, %squeeze3A_306 : i32
      %get3A_308 = arith.constant 0 : i32
      %get3A_309 = arith.index_cast %get3A_308 : i32 to index
      %get3A_310 = arith.constant 96 : index
      %get3A_311 = tpu.vector_load %arg6[%get3A_309, %get3A_310] {strides = array<i32>} : memref<4x208xi32, #tpu.memory_space<vmem>>, vector<16xi32>,
      %abs3A_312 = math.absi %get3A_311 : vector<16xi32>
      %min3A_313 = arith.constant 1 : i32
      %min3A_314 = vector.broadcast %min3A_313 : i32 to vector<16xi32>
      %min3A_315 = arith.minsi %abs3A_312, %min3A_314 : vector<16xi32>
      %cumsum3A_316 = arith.constant true
      %cumsum3A_317 = vector.broadcast %cumsum3A_316 : i1 to vector<16xi1>
      %cumsum3A_318 = tpu.scan <sum>, %min3A_315 masked %cumsum3A_317 : vector<16xi32>, vector<16xi1> -> vector<16xi32>
      %add3A_319 = vector.broadcast %add3A_307 : i32 to vector<16xi32>
      %add3A_320 = arith.addi %add3A_319, %cumsum3A_318 : vector<16xi32>
      %mul3A_321 = arith.muli %add3A_320, %min3A_315 : vector<16xi32>
      %swap3A_322 = arith.constant 96 : index
      %swap3A_323 = tpu.vector_load %arg8[%swap3A_322] {strides = array<i32>} : memref<832xi32, #tpu.memory_space<vmem>>, vector<16xi32>,
      tpu.vector_store %arg8[%swap3A_322], %mul3A_321 {strides = array<i32>} : memref<832xi32, #tpu.memory_space<vmem>>, vector<16xi32>,
      %slice3A_324 = vector.extract_strided_slice %cumsum3A_318 {offsets = [15], sizes = [1], strides = [1]} : vector<16xi32> to vector<1xi32>
      %squeeze3A_325 = vector.extract %slice3A_324[0] : i32 from vector<1xi32>
      %add3A_326 = arith.addi %add3A_307, %squeeze3A_325 : i32
      %get3A_327 = arith.constant 0 : i32
      %get3A_328 = arith.index_cast %get3A_327 : i32 to index
      %get3A_329 = arith.constant 112 : index
      %get3A_330 = tpu.vector_load %arg6[%get3A_328, %get3A_329] {strides = array<i32>} : memref<4x208xi32, #tpu.memory_space<vmem>>, vector<16xi32>,
      %abs3A_331 = math.absi %get3A_330 : vector<16xi32>
      %min3A_332 = arith.constant 1 : i32
      %min3A_333 = vector.broadcast %min3A_332 : i32 to vector<16xi32>
      %min3A_334 = arith.minsi %abs3A_331, %min3A_333 : vector<16xi32>
      %cumsum3A_335 = arith.constant true
      %cumsum3A_336 = vector.broadcast %cumsum3A_335 : i1 to vector<16xi1>
      %cumsum3A_337 = tpu.scan <sum>, %min3A_334 masked %cumsum3A_336 : vector<16xi32>, vector<16xi1> -> vector<16xi32>
      %add3A_338 = vector.broadcast %add3A_326 : i32 to vector<16xi32>
      %add3A_339 = arith.addi %add3A_338, %cumsum3A_337 : vector<16xi32>
      %mul3A_340 = arith.muli %add3A_339, %min3A_334 : vector<16xi32>
      %swap3A_341 = arith.constant 112 : index
      %swap3A_342 = tpu.vector_load %arg8[%swap3A_341] {strides = array<i32>} : memref<832xi32, #tpu.memory_space<vmem>>, vector<16xi32>,
      tpu.vector_store %arg8[%swap3A_341], %mul3A_340 {strides = array<i32>} : memref<832xi32, #tpu.memory_space<vmem>>, vector<16xi32>,
      %slice3A_343 = vector.extract_strided_slice %cumsum3A_337 {offsets = [15], sizes = [1], strides = [1]} : vector<16xi32> to vector<1xi32>
      %squeeze3A_344 = vector.extract %slice3A_343[0] : i32 from vector<1xi32>
      %add3A_345 = arith.addi %add3A_326, %squeeze3A_344 : i32
      %get3A_346 = arith.constant 0 : i32
      %get3A_347 = arith.index_cast %get3A_346 : i32 to index
      %get3A_348 = arith.constant 128 : index
      %get3A_349 = tpu.vector_load %arg6[%get3A_347, %get3A_348] {strides = array<i32>} : memref<4x208xi32, #tpu.memory_space<vmem>>, vector<16xi32>,
      %abs3A_350 = math.absi %get3A_349 : vector<16xi32>
      %min3A_351 = arith.constant 1 : i32
      %min3A_352 = vector.broadcast %min3A_351 : i32 to vector<16xi32>
      %min3A_353 = arith.minsi %abs3A_350, %min3A_352 : vector<16xi32>
      %cumsum3A_354 = arith.constant true
      %cumsum3A_355 = vector.broadcast %cumsum3A_354 : i1 to vector<16xi1>
      %cumsum3A_356 = tpu.scan <sum>, %min3A_353 masked %cumsum3A_355 : vector<16xi32>, vector<16xi1> -> vector<16xi32>
      %add3A_357 = vector.broadcast %add3A_345 : i32 to vector<16xi32>
      %add3A_358 = arith.addi %add3A_357, %cumsum3A_356 : vector<16xi32>
      %mul3A_359 = arith.muli %add3A_358, %min3A_353 : vector<16xi32>
      %swap3A_360 = arith.constant 128 : index
      %swap3A_361 = tpu.vector_load %arg8[%swap3A_360] {strides = array<i32>} : memref<832xi32, #tpu.memory_space<vmem>>, vector<16xi32>,
      tpu.vector_store %arg8[%swap3A_360], %mul3A_359 {strides = array<i32>} : memref<832xi32, #tpu.memory_space<vmem>>, vector<16xi32>,
      %slice3A_362 = vector.extract_strided_slice %cumsum3A_356 {offsets = [15], sizes = [1], strides = [1]} : vector<16xi32> to vector<1xi32>
      %squeeze3A_363 = vector.extract %slice3A_362[0] : i32 from vector<1xi32>
      %add3A_364 = arith.addi %add3A_345, %squeeze3A_363 : i32
      %get3A_365 = arith.constant 0 : i32
      %get3A_366 = arith.index_cast %get3A_365 : i32 to index
      %get3A_367 = arith.constant 144 : index
      %get3A_368 = tpu.vector_load %arg6[%get3A_366, %get3A_367] {strides = array<i32>} : memref<4x208xi32, #tpu.memory_space<vmem>>, vector<16xi32>,
      %abs3A_369 = math.absi %get3A_368 : vector<16xi32>
      %min3A_370 = arith.constant 1 : i32
      %min3A_371 = vector.broadcast %min3A_370 : i32 to vector<16xi32>
      %min3A_372 = arith.minsi %abs3A_369, %min3A_371 : vector<16xi32>
      %cumsum3A_373 = arith.constant true
      %cumsum3A_374 = vector.broadcast %cumsum3A_373 : i1 to vector<16xi1>
      %cumsum3A_375 = tpu.scan <sum>, %min3A_372 masked %cumsum3A_374 : vector<16xi32>, vector<16xi1> -> vector<16xi32>
      %add3A_376 = vector.broadcast %add3A_364 : i32 to vector<16xi32>
      %add3A_377 = arith.addi %add3A_376, %cumsum3A_375 : vector<16xi32>
      %mul3A_378 = arith.muli %add3A_377, %min3A_372 : vector<16xi32>
      %swap3A_379 = arith.constant 144 : index
      %swap3A_380 = tpu.vector_load %arg8[%swap3A_379] {strides = array<i32>} : memref<832xi32, #tpu.memory_space<vmem>>, vector<16xi32>,
      tpu.vector_store %arg8[%swap3A_379], %mul3A_378 {strides = array<i32>} : memref<832xi32, #tpu.memory_space<vmem>>, vector<16xi32>,
      %slice3A_381 = vector.extract_strided_slice %cumsum3A_375 {offsets = [15], sizes = [1], strides = [1]} : vector<16xi32> to vector<1xi32>
      %squeeze3A_382 = vector.extract %slice3A_381[0] : i32 from vector<1xi32>
      %add3A_383 = arith.addi %add3A_364, %squeeze3A_382 : i32
      %get3A_384 = arith.constant 0 : i32
      %get3A_385 = arith.index_cast %get3A_384 : i32 to index
      %get3A_386 = arith.constant 160 : index
      %get3A_387 = tpu.vector_load %arg6[%get3A_385, %get3A_386] {strides = array<i32>} : memref<4x208xi32, #tpu.memory_space<vmem>>, vector<16xi32>,
      %abs3A_388 = math.absi %get3A_387 : vector<16xi32>
      %min3A_389 = arith.constant 1 : i32
      %min3A_390 = vector.broadcast %min3A_389 : i32 to vector<16xi32>
      %min3A_391 = arith.minsi %abs3A_388, %min3A_390 : vector<16xi32>
      %cumsum3A_392 = arith.constant true
      %cumsum3A_393 = vector.broadcast %cumsum3A_392 : i1 to vector<16xi1>
      %cumsum3A_394 = tpu.scan <sum>, %min3A_391 masked %cumsum3A_393 : vector<16xi32>, vector<16xi1> -> vector<16xi32>
      %add3A_395 = vector.broadcast %add3A_383 : i32 to vector<16xi32>
      %add3A_396 = arith.addi %add3A_395, %cumsum3A_394 : vector<16xi32>
      %mul3A_397 = arith.muli %add3A_396, %min3A_391 : vector<16xi32>
      %swap3A_398 = arith.constant 160 : index
      %swap3A_399 = tpu.vector_load %arg8[%swap3A_398] {strides = array<i32>} : memref<832xi32, #tpu.memory_space<vmem>>, vector<16xi32>,
      tpu.vector_store %arg8[%swap3A_398], %mul3A_397 {strides = array<i32>} : memref<832xi32, #tpu.memory_space<vmem>>, vector<16xi32>,
      %slice3A_400 = vector.extract_strided_slice %cumsum3A_394 {offsets = [15], sizes = [1], strides = [1]} : vector<16xi32> to vector<1xi32>
      %squeeze3A_401 = vector.extract %slice3A_400[0] : i32 from vector<1xi32>
      %add3A_402 = arith.addi %add3A_383, %squeeze3A_401 : i32
      %get3A_403 = arith.constant 0 : i32
      %get3A_404 = arith.index_cast %get3A_403 : i32 to index
      %get3A_405 = arith.constant 176 : index
      %get3A_406 = tpu.vector_load %arg6[%get3A_404, %get3A_405] {strides = array<i32>} : memref<4x208xi32, #tpu.memory_space<vmem>>, vector<16xi32>,
      %abs3A_407 = math.absi %get3A_406 : vector<16xi32>
      %min3A_408 = arith.constant 1 : i32
      %min3A_409 = vector.broadcast %min3A_408 : i32 to vector<16xi32>
      %min3A_410 = arith.minsi %abs3A_407, %min3A_409 : vector<16xi32>
      %cumsum3A_411 = arith.constant true
      %cumsum3A_412 = vector.broadcast %cumsum3A_411 : i1 to vector<16xi1>
      %cumsum3A_413 = tpu.scan <sum>, %min3A_410 masked %cumsum3A_412 : vector<16xi32>, vector<16xi1> -> vector<16xi32>
      %add3A_414 = vector.broadcast %add3A_402 : i32 to vector<16xi32>
      %add3A_415 = arith.addi %add3A_414, %cumsum3A_413 : vector<16xi32>
      %mul3A_416 = arith.muli %add3A_415, %min3A_410 : vector<16xi32>
      %swap3A_417 = arith.constant 176 : index
      %swap3A_418 = tpu.vector_load %arg8[%swap3A_417] {strides = array<i32>} : memref<832xi32, #tpu.memory_space<vmem>>, vector<16xi32>,
      tpu.vector_store %arg8[%swap3A_417], %mul3A_416 {strides = array<i32>} : memref<832xi32, #tpu.memory_space<vmem>>, vector<16xi32>,
      %slice3A_419 = vector.extract_strided_slice %cumsum3A_413 {offsets = [15], sizes = [1], strides = [1]} : vector<16xi32> to vector<1xi32>
      %squeeze3A_420 = vector.extract %slice3A_419[0] : i32 from vector<1xi32>
      %add3A_421 = arith.addi %add3A_402, %squeeze3A_420 : i32
      %get3A_422 = arith.constant 0 : i32
      %get3A_423 = arith.index_cast %get3A_422 : i32 to index
      %get3A_424 = arith.constant 192 : index
      %get3A_425 = tpu.vector_load %arg6[%get3A_423, %get3A_424] {strides = array<i32>} : memref<4x208xi32, #tpu.memory_space<vmem>>, vector<16xi32>,
      %abs3A_426 = math.absi %get3A_425 : vector<16xi32>
      %min3A_427 = arith.constant 1 : i32
      %min3A_428 = vector.broadcast %min3A_427 : i32 to vector<16xi32>
      %min3A_429 = arith.minsi %abs3A_426, %min3A_428 : vector<16xi32>
      %cumsum3A_430 = arith.constant true
      %cumsum3A_431 = vector.broadcast %cumsum3A_430 : i1 to vector<16xi1>
      %cumsum3A_432 = tpu.scan <sum>, %min3A_429 masked %cumsum3A_431 : vector<16xi32>, vector<16xi1> -> vector<16xi32>
      %add3A_433 = vector.broadcast %add3A_421 : i32 to vector<16xi32>
      %add3A_434 = arith.addi %add3A_433, %cumsum3A_432 : vector<16xi32>
      %mul3A_435 = arith.muli %add3A_434, %min3A_429 : vector<16xi32>
      %swap3A_436 = arith.constant 192 : index
      %swap3A_437 = tpu.vector_load %arg8[%swap3A_436] {strides = array<i32>} : memref<832xi32, #tpu.memory_space<vmem>>, vector<16xi32>,
      tpu.vector_store %arg8[%swap3A_436], %mul3A_435 {strides = array<i32>} : memref<832xi32, #tpu.memory_space<vmem>>, vector<16xi32>,
      %slice3A_438 = vector.extract_strided_slice %cumsum3A_432 {offsets = [15], sizes = [1], strides = [1]} : vector<16xi32> to vector<1xi32>
      %squeeze3A_439 = vector.extract %slice3A_438[0] : i32 from vector<1xi32>
      %add3A_440 = arith.addi %add3A_421, %squeeze3A_439 : i32
      %get3A_441 = arith.constant 1 : i32
      %get3A_442 = arith.index_cast %get3A_441 : i32 to index
      %get3A_443 = arith.constant 0 : index
      %get3A_444 = tpu.vector_load %arg6[%get3A_442, %get3A_443] {strides = array<i32>} : memref<4x208xi32, #tpu.memory_space<vmem>>, vector<16xi32>,
      %abs3A_445 = math.absi %get3A_444 : vector<16xi32>
      %min3A_446 = arith.constant 1 : i32
      %min3A_447 = vector.broadcast %min3A_446 : i32 to vector<16xi32>
      %min3A_448 = arith.minsi %abs3A_445, %min3A_447 : vector<16xi32>
      %cumsum3A_449 = arith.constant true
      %cumsum3A_450 = vector.broadcast %cumsum3A_449 : i1 to vector<16xi1>
      %cumsum3A_451 = tpu.scan <sum>, %min3A_448 masked %cumsum3A_450 : vector<16xi32>, vector<16xi1> -> vector<16xi32>
      %add3A_452 = arith.constant 0 : i32
      %add3A_453 = vector.broadcast %add3A_452 : i32 to vector<16xi32>
      %add3A_454 = arith.addi %add3A_453, %cumsum3A_451 : vector<16xi32>
      %mul3A_455 = arith.muli %add3A_454, %min3A_448 : vector<16xi32>
      %swap3A_456 = arith.constant 208 : index
      %swap3A_457 = tpu.vector_load %arg8[%swap3A_456] {strides = array<i32>} : memref<832xi32, #tpu.memory_space<vmem>>, vector<16xi32>,
      tpu.vector_store %arg8[%swap3A_456], %mul3A_455 {strides = array<i32>} : memref<832xi32, #tpu.memory_space<vmem>>, vector<16xi32>,
      %slice3A_458 = vector.extract_strided_slice %cumsum3A_451 {offsets = [15], sizes = [1], strides = [1]} : vector<16xi32> to vector<1xi32>
      %squeeze3A_459 = vector.extract %slice3A_458[0] : i32 from vector<1xi32>
      %add3A_460 = arith.constant 0 : i32
      %add3A_461 = arith.addi %add3A_460, %squeeze3A_459 : i32
      %get3A_462 = arith.constant 1 : i32
      %get3A_463 = arith.index_cast %get3A_462 : i32 to index
      %get3A_464 = arith.constant 16 : index
      %get3A_465 = tpu.vector_load %arg6[%get3A_463, %get3A_464] {strides = array<i32>} : memref<4x208xi32, #tpu.memory_space<vmem>>, vector<16xi32>,
      %abs3A_466 = math.absi %get3A_465 : vector<16xi32>
      %min3A_467 = arith.constant 1 : i32
      %min3A_468 = vector.broadcast %min3A_467 : i32 to vector<16xi32>
      %min3A_469 = arith.minsi %abs3A_466, %min3A_468 : vector<16xi32>
      %cumsum3A_470 = arith.constant true
      %cumsum3A_471 = vector.broadcast %cumsum3A_470 : i1 to vector<16xi1>
      %cumsum3A_472 = tpu.scan <sum>, %min3A_469 masked %cumsum3A_471 : vector<16xi32>, vector<16xi1> -> vector<16xi32>
      %add3A_473 = vector.broadcast %add3A_461 : i32 to vector<16xi32>
      %add3A_474 = arith.addi %add3A_473, %cumsum3A_472 : vector<16xi32>
      %mul3A_475 = arith.muli %add3A_474, %min3A_469 : vector<16xi32>
      %swap3A_476 = arith.constant 224 : index
      %swap3A_477 = tpu.vector_load %arg8[%swap3A_476] {strides = array<i32>} : memref<832xi32, #tpu.memory_space<vmem>>, vector<16xi32>,
      tpu.vector_store %arg8[%swap3A_476], %mul3A_475 {strides = array<i32>} : memref<832xi32, #tpu.memory_space<vmem>>, vector<16xi32>,
      %slice3A_478 = vector.extract_strided_slice %cumsum3A_472 {offsets = [15], sizes = [1], strides = [1]} : vector<16xi32> to vector<1xi32>
      %squeeze3A_479 = vector.extract %slice3A_478[0] : i32 from vector<1xi32>
      %add3A_480 = arith.addi %add3A_461, %squeeze3A_479 : i32
      %get3A_481 = arith.constant 1 : i32
      %get3A_482 = arith.index_cast %get3A_481 : i32 to index
      %get3A_483 = arith.constant 32 : index
      %get3A_484 = tpu.vector_load %arg6[%get3A_482, %get3A_483] {strides = array<i32>} : memref<4x208xi32, #tpu.memory_space<vmem>>, vector<16xi32>,
      %abs3A_485 = math.absi %get3A_484 : vector<16xi32>
      %min3A_486 = arith.constant 1 : i32
      %min3A_487 = vector.broadcast %min3A_486 : i32 to vector<16xi32>
      %min3A_488 = arith.minsi %abs3A_485, %min3A_487 : vector<16xi32>
      %cumsum3A_489 = arith.constant true
      %cumsum3A_490 = vector.broadcast %cumsum3A_489 : i1 to vector<16xi1>
      %cumsum3A_491 = tpu.scan <sum>, %min3A_488 masked %cumsum3A_490 : vector<16xi32>, vector<16xi1> -> vector<16xi32>
      %add3A_492 = vector.broadcast %add3A_480 : i32 to vector<16xi32>
      %add3A_493 = arith.addi %add3A_492, %cumsum3A_491 : vector<16xi32>
      %mul3A_494 = arith.muli %add3A_493, %min3A_488 : vector<16xi32>
      %swap3A_495 = arith.constant 240 : index
      %swap3A_496 = tpu.vector_load %arg8[%swap3A_495] {strides = array<i32>} : memref<832xi32, #tpu.memory_space<vmem>>, vector<16xi32>,
      tpu.vector_store %arg8[%swap3A_495], %mul3A_494 {strides = array<i32>} : memref<832xi32, #tpu.memory_space<vmem>>, vector<16xi32>,
      %slice3A_497 = vector.extract_strided_slice %cumsum3A_491 {offsets = [15], sizes = [1], strides = [1]} : vector<16xi32> to vector<1xi32>
      %squeeze3A_498 = vector.extract %slice3A_497[0] : i32 from vector<1xi32>
      %add3A_499 = arith.addi %add3A_480, %squeeze3A_498 : i32
      %get3A_500 = arith.constant 1 : i32
      %get3A_501 = arith.index_cast %get3A_500 : i32 to index
      %get3A_502 = arith.constant 48 : index
      %get3A_503 = tpu.vector_load %arg6[%get3A_501, %get3A_502] {strides = array<i32>} : memref<4x208xi32, #tpu.memory_space<vmem>>, vector<16xi32>,
      %abs3A_504 = math.absi %get3A_503 : vector<16xi32>
      %min3A_505 = arith.constant 1 : i32
      %min3A_506 = vector.broadcast %min3A_505 : i32 to vector<16xi32>
      %min3A_507 = arith.minsi %abs3A_504, %min3A_506 : vector<16xi32>
      %cumsum3A_508 = arith.constant true
      %cumsum3A_509 = vector.broadcast %cumsum3A_508 : i1 to vector<16xi1>
      %cumsum3A_510 = tpu.scan <sum>, %min3A_507 masked %cumsum3A_509 : vector<16xi32>, vector<16xi1> -> vector<16xi32>
      %add3A_511 = vector.broadcast %add3A_499 : i32 to vector<16xi32>
      %add3A_512 = arith.addi %add3A_511, %cumsum3A_510 : vector<16xi32>
      %mul3A_513 = arith.muli %add3A_512, %min3A_507 : vector<16xi32>
      %swap3A_514 = arith.constant 256 : index
      %swap3A_515 = tpu.vector_load %arg8[%swap3A_514] {strides = array<i32>} : memref<832xi32, #tpu.memory_space<vmem>>, vector<16xi32>,
      tpu.vector_store %arg8[%swap3A_514], %mul3A_513 {strides = array<i32>} : memref<832xi32, #tpu.memory_space<vmem>>, vector<16xi32>,
      %slice3A_516 = vector.extract_strided_slice %cumsum3A_510 {offsets = [15], sizes = [1], strides = [1]} : vector<16xi32> to vector<1xi32>
      %squeeze3A_517 = vector.extract %slice3A_516[0] : i32 from vector<1xi32>
      %add3A_518 = arith.addi %add3A_499, %squeeze3A_517 : i32
      %get3A_519 = arith.constant 1 : i32
      %get3A_520 = arith.index_cast %get3A_519 : i32 to index
      %get3A_521 = arith.constant 64 : index
      %get3A_522 = tpu.vector_load %arg6[%get3A_520, %get3A_521] {strides = array<i32>} : memref<4x208xi32, #tpu.memory_space<vmem>>, vector<16xi32>,
      %abs3A_523 = math.absi %get3A_522 : vector<16xi32>
      %min3A_524 = arith.constant 1 : i32
      %min3A_525 = vector.broadcast %min3A_524 : i32 to vector<16xi32>
      %min3A_526 = arith.minsi %abs3A_523, %min3A_525 : vector<16xi32>
      %cumsum3A_527 = arith.constant true
      %cumsum3A_528 = vector.broadcast %cumsum3A_527 : i1 to vector<16xi1>
      %cumsum3A_529 = tpu.scan <sum>, %min3A_526 masked %cumsum3A_528 : vector<16xi32>, vector<16xi1> -> vector<16xi32>
      %add3A_530 = vector.broadcast %add3A_518 : i32 to vector<16xi32>
      %add3A_531 = arith.addi %add3A_530, %cumsum3A_529 : vector<16xi32>
      %mul3A_532 = arith.muli %add3A_531, %min3A_526 : vector<16xi32>
      %swap3A_533 = arith.constant 272 : index
      %swap3A_534 = tpu.vector_load %arg8[%swap3A_533] {strides = array<i32>} : memref<832xi32, #tpu.memory_space<vmem>>, vector<16xi32>,
      tpu.vector_store %arg8[%swap3A_533], %mul3A_532 {strides = array<i32>} : memref<832xi32, #tpu.memory_space<vmem>>, vector<16xi32>,
      %slice3A_535 = vector.extract_strided_slice %cumsum3A_529 {offsets = [15], sizes = [1], strides = [1]} : vector<16xi32> to vector<1xi32>
      %squeeze3A_536 = vector.extract %slice3A_535[0] : i32 from vector<1xi32>
      %add3A_537 = arith.addi %add3A_518, %squeeze3A_536 : i32
      %get3A_538 = arith.constant 1 : i32
      %get3A_539 = arith.index_cast %get3A_538 : i32 to index
      %get3A_540 = arith.constant 80 : index
      %get3A_541 = tpu.vector_load %arg6[%get3A_539, %get3A_540] {strides = array<i32>} : memref<4x208xi32, #tpu.memory_space<vmem>>, vector<16xi32>,
      %abs3A_542 = math.absi %get3A_541 : vector<16xi32>
      %min3A_543 = arith.constant 1 : i32
      %min3A_544 = vector.broadcast %min3A_543 : i32 to vector<16xi32>
      %min3A_545 = arith.minsi %abs3A_542, %min3A_544 : vector<16xi32>
      %cumsum3A_546 = arith.constant true
      %cumsum3A_547 = vector.broadcast %cumsum3A_546 : i1 to vector<16xi1>
      %cumsum3A_548 = tpu.scan <sum>, %min3A_545 masked %cumsum3A_547 : vector<16xi32>, vector<16xi1> -> vector<16xi32>
      %add3A_549 = vector.broadcast %add3A_537 : i32 to vector<16xi32>
      %add3A_550 = arith.addi %add3A_549, %cumsum3A_548 : vector<16xi32>
      %mul3A_551 = arith.muli %add3A_550, %min3A_545 : vector<16xi32>
      %swap3A_552 = arith.constant 288 : index
      %swap3A_553 = tpu.vector_load %arg8[%swap3A_552] {strides = array<i32>} : memref<832xi32, #tpu.memory_space<vmem>>, vector<16xi32>,
      tpu.vector_store %arg8[%swap3A_552], %mul3A_551 {strides = array<i32>} : memref<832xi32, #tpu.memory_space<vmem>>, vector<16xi32>,
      %slice3A_554 = vector.extract_strided_slice %cumsum3A_548 {offsets = [15], sizes = [1], strides = [1]} : vector<16xi32> to vector<1xi32>
      %squeeze3A_555 = vector.extract %slice3A_554[0] : i32 from vector<1xi32>
      %add3A_556 = arith.addi %add3A_537, %squeeze3A_555 : i32
      %get3A_557 = arith.constant 1 : i32
      %get3A_558 = arith.index_cast %get3A_557 : i32 to index
      %get3A_559 = arith.constant 96 : index
      %get3A_560 = tpu.vector_load %arg6[%get3A_558, %get3A_559] {strides = array<i32>} : memref<4x208xi32, #tpu.memory_space<vmem>>, vector<16xi32>,
      %abs3A_561 = math.absi %get3A_560 : vector<16xi32>
      %min3A_562 = arith.constant 1 : i32
      %min3A_563 = vector.broadcast %min3A_562 : i32 to vector<16xi32>
      %min3A_564 = arith.minsi %abs3A_561, %min3A_563 : vector<16xi32>
      %cumsum3A_565 = arith.constant true
      %cumsum3A_566 = vector.broadcast %cumsum3A_565 : i1 to vector<16xi1>
      %cumsum3A_567 = tpu.scan <sum>, %min3A_564 masked %cumsum3A_566 : vector<16xi32>, vector<16xi1> -> vector<16xi32>
      %add3A_568 = vector.broadcast %add3A_556 : i32 to vector<16xi32>
      %add3A_569 = arith.addi %add3A_568, %cumsum3A_567 : vector<16xi32>
      %mul3A_570 = arith.muli %add3A_569, %min3A_564 : vector<16xi32>
      %swap3A_571 = arith.constant 304 : index
      %swap3A_572 = tpu.vector_load %arg8[%swap3A_571] {strides = array<i32>} : memref<832xi32, #tpu.memory_space<vmem>>, vector<16xi32>,
      tpu.vector_store %arg8[%swap3A_571], %mul3A_570 {strides = array<i32>} : memref<832xi32, #tpu.memory_space<vmem>>, vector<16xi32>,
      %slice3A_573 = vector.extract_strided_slice %cumsum3A_567 {offsets = [15], sizes = [1], strides = [1]} : vector<16xi32> to vector<1xi32>
      %squeeze3A_574 = vector.extract %slice3A_573[0] : i32 from vector<1xi32>
      %add3A_575 = arith.addi %add3A_556, %squeeze3A_574 : i32
      %get3A_576 = arith.constant 1 : i32
      %get3A_577 = arith.index_cast %get3A_576 : i32 to index
      %get3A_578 = arith.constant 112 : index
      %get3A_579 = tpu.vector_load %arg6[%get3A_577, %get3A_578] {strides = array<i32>} : memref<4x208xi32, #tpu.memory_space<vmem>>, vector<16xi32>,
      %abs3A_580 = math.absi %get3A_579 : vector<16xi32>
      %min3A_581 = arith.constant 1 : i32
      %min3A_582 = vector.broadcast %min3A_581 : i32 to vector<16xi32>
      %min3A_583 = arith.minsi %abs3A_580, %min3A_582 : vector<16xi32>
      %cumsum3A_584 = arith.constant true
      %cumsum3A_585 = vector.broadcast %cumsum3A_584 : i1 to vector<16xi1>
      %cumsum3A_586 = tpu.scan <sum>, %min3A_583 masked %cumsum3A_585 : vector<16xi32>, vector<16xi1> -> vector<16xi32>
      %add3A_587 = vector.broadcast %add3A_575 : i32 to vector<16xi32>
      %add3A_588 = arith.addi %add3A_587, %cumsum3A_586 : vector<16xi32>
      %mul3A_589 = arith.muli %add3A_588, %min3A_583 : vector<16xi32>
      %swap3A_590 = arith.constant 320 : index
      %swap3A_591 = tpu.vector_load %arg8[%swap3A_590] {strides = array<i32>} : memref<832xi32, #tpu.memory_space<vmem>>, vector<16xi32>,
      tpu.vector_store %arg8[%swap3A_590], %mul3A_589 {strides = array<i32>} : memref<832xi32, #tpu.memory_space<vmem>>, vector<16xi32>,
      %slice3A_592 = vector.extract_strided_slice %cumsum3A_586 {offsets = [15], sizes = [1], strides = [1]} : vector<16xi32> to vector<1xi32>
      %squeeze3A_593 = vector.extract %slice3A_592[0] : i32 from vector<1xi32>
      %add3A_594 = arith.addi %add3A_575, %squeeze3A_593 : i32
      %get3A_595 = arith.constant 1 : i32
      %get3A_596 = arith.index_cast %get3A_595 : i32 to index
      %get3A_597 = arith.constant 128 : index
      %get3A_598 = tpu.vector_load %arg6[%get3A_596, %get3A_597] {strides = array<i32>} : memref<4x208xi32, #tpu.memory_space<vmem>>, vector<16xi32>,
      %abs3A_599 = math.absi %get3A_598 : vector<16xi32>
      %min3A_600 = arith.constant 1 : i32
      %min3A_601 = vector.broadcast %min3A_600 : i32 to vector<16xi32>
      %min3A_602 = arith.minsi %abs3A_599, %min3A_601 : vector<16xi32>
      %cumsum3A_603 = arith.constant true
      %cumsum3A_604 = vector.broadcast %cumsum3A_603 : i1 to vector<16xi1>
      %cumsum3A_605 = tpu.scan <sum>, %min3A_602 masked %cumsum3A_604 : vector<16xi32>, vector<16xi1> -> vector<16xi32>
      %add3A_606 = vector.broadcast %add3A_594 : i32 to vector<16xi32>
      %add3A_607 = arith.addi %add3A_606, %cumsum3A_605 : vector<16xi32>
      %mul3A_608 = arith.muli %add3A_607, %min3A_602 : vector<16xi32>
      %swap3A_609 = arith.constant 336 : index
      %swap3A_610 = tpu.vector_load %arg8[%swap3A_609] {strides = array<i32>} : memref<832xi32, #tpu.memory_space<vmem>>, vector<16xi32>,
      tpu.vector_store %arg8[%swap3A_609], %mul3A_608 {strides = array<i32>} : memref<832xi32, #tpu.memory_space<vmem>>, vector<16xi32>,
      %slice3A_611 = vector.extract_strided_slice %cumsum3A_605 {offsets = [15], sizes = [1], strides = [1]} : vector<16xi32> to vector<1xi32>
      %squeeze3A_612 = vector.extract %slice3A_611[0] : i32 from vector<1xi32>
      %add3A_613 = arith.addi %add3A_594, %squeeze3A_612 : i32
      %get3A_614 = arith.constant 1 : i32
      %get3A_615 = arith.index_cast %get3A_614 : i32 to index
      %get3A_616 = arith.constant 144 : index
      %get3A_617 = tpu.vector_load %arg6[%get3A_615, %get3A_616] {strides = array<i32>} : memref<4x208xi32, #tpu.memory_space<vmem>>, vector<16xi32>,
      %abs3A_618 = math.absi %get3A_617 : vector<16xi32>
      %min3A_619 = arith.constant 1 : i32
      %min3A_620 = vector.broadcast %min3A_619 : i32 to vector<16xi32>
      %min3A_621 = arith.minsi %abs3A_618, %min3A_620 : vector<16xi32>
      %cumsum3A_622 = arith.constant true
      %cumsum3A_623 = vector.broadcast %cumsum3A_622 : i1 to vector<16xi1>
      %cumsum3A_624 = tpu.scan <sum>, %min3A_621 masked %cumsum3A_623 : vector<16xi32>, vector<16xi1> -> vector<16xi32>
      %add3A_625 = vector.broadcast %add3A_613 : i32 to vector<16xi32>
      %add3A_626 = arith.addi %add3A_625, %cumsum3A_624 : vector<16xi32>
      %mul3A_627 = arith.muli %add3A_626, %min3A_621 : vector<16xi32>
      %swap3A_628 = arith.constant 352 : index
      %swap3A_629 = tpu.vector_load %arg8[%swap3A_628] {strides = array<i32>} : memref<832xi32, #tpu.memory_space<vmem>>, vector<16xi32>,
      tpu.vector_store %arg8[%swap3A_628], %mul3A_627 {strides = array<i32>} : memref<832xi32, #tpu.memory_space<vmem>>, vector<16xi32>,
      %slice3A_630 = vector.extract_strided_slice %cumsum3A_624 {offsets = [15], sizes = [1], strides = [1]} : vector<16xi32> to vector<1xi32>
      %squeeze3A_631 = vector.extract %slice3A_630[0] : i32 from vector<1xi32>
      %add3A_632 = arith.addi %add3A_613, %squeeze3A_631 : i32
      %get3A_633 = arith.constant 1 : i32
      %get3A_634 = arith.index_cast %get3A_633 : i32 to index
      %get3A_635 = arith.constant 160 : index
      %get3A_636 = tpu.vector_load %arg6[%get3A_634, %get3A_635] {strides = array<i32>} : memref<4x208xi32, #tpu.memory_space<vmem>>, vector<16xi32>,
      %abs3A_637 = math.absi %get3A_636 : vector<16xi32>
      %min3A_638 = arith.constant 1 : i32
      %min3A_639 = vector.broadcast %min3A_638 : i32 to vector<16xi32>
      %min3A_640 = arith.minsi %abs3A_637, %min3A_639 : vector<16xi32>
      %cumsum3A_641 = arith.constant true
      %cumsum3A_642 = vector.broadcast %cumsum3A_641 : i1 to vector<16xi1>
      %cumsum3A_643 = tpu.scan <sum>, %min3A_640 masked %cumsum3A_642 : vector<16xi32>, vector<16xi1> -> vector<16xi32>
      %add3A_644 = vector.broadcast %add3A_632 : i32 to vector<16xi32>
      %add3A_645 = arith.addi %add3A_644, %cumsum3A_643 : vector<16xi32>
      %mul3A_646 = arith.muli %add3A_645, %min3A_640 : vector<16xi32>
      %swap3A_647 = arith.constant 368 : index
      %swap3A_648 = tpu.vector_load %arg8[%swap3A_647] {strides = array<i32>} : memref<832xi32, #tpu.memory_space<vmem>>, vector<16xi32>,
      tpu.vector_store %arg8[%swap3A_647], %mul3A_646 {strides = array<i32>} : memref<832xi32, #tpu.memory_space<vmem>>, vector<16xi32>,
      %slice3A_649 = vector.extract_strided_slice %cumsum3A_643 {offsets = [15], sizes = [1], strides = [1]} : vector<16xi32> to vector<1xi32>
      %squeeze3A_650 = vector.extract %slice3A_649[0] : i32 from vector<1xi32>
      %add3A_651 = arith.addi %add3A_632, %squeeze3A_650 : i32
      %get3A_652 = arith.constant 1 : i32
      %get3A_653 = arith.index_cast %get3A_652 : i32 to index
      %get3A_654 = arith.constant 176 : index
      %get3A_655 = tpu.vector_load %arg6[%get3A_653, %get3A_654] {strides = array<i32>} : memref<4x208xi32, #tpu.memory_space<vmem>>, vector<16xi32>,
      %abs3A_656 = math.absi %get3A_655 : vector<16xi32>
      %min3A_657 = arith.constant 1 : i32
      %min3A_658 = vector.broadcast %min3A_657 : i32 to vector<16xi32>
      %min3A_659 = arith.minsi %abs3A_656, %min3A_658 : vector<16xi32>
      %cumsum3A_660 = arith.constant true
      %cumsum3A_661 = vector.broadcast %cumsum3A_660 : i1 to vector<16xi1>
      %cumsum3A_662 = tpu.scan <sum>, %min3A_659 masked %cumsum3A_661 : vector<16xi32>, vector<16xi1> -> vector<16xi32>
      %add3A_663 = vector.broadcast %add3A_651 : i32 to vector<16xi32>
      %add3A_664 = arith.addi %add3A_663, %cumsum3A_662 : vector<16xi32>
      %mul3A_665 = arith.muli %add3A_664, %min3A_659 : vector<16xi32>
      %swap3A_666 = arith.constant 384 : index
      %swap3A_667 = tpu.vector_load %arg8[%swap3A_666] {strides = array<i32>} : memref<832xi32, #tpu.memory_space<vmem>>, vector<16xi32>,
      tpu.vector_store %arg8[%swap3A_666], %mul3A_665 {strides = array<i32>} : memref<832xi32, #tpu.memory_space<vmem>>, vector<16xi32>,
      %slice3A_668 = vector.extract_strided_slice %cumsum3A_662 {offsets = [15], sizes = [1], strides = [1]} : vector<16xi32> to vector<1xi32>
      %squeeze3A_669 = vector.extract %slice3A_668[0] : i32 from vector<1xi32>
      %add3A_670 = arith.addi %add3A_651, %squeeze3A_669 : i32
      %get3A_671 = arith.constant 1 : i32
      %get3A_672 = arith.index_cast %get3A_671 : i32 to index
      %get3A_673 = arith.constant 192 : index
      %get3A_674 = tpu.vector_load %arg6[%get3A_672, %get3A_673] {strides = array<i32>} : memref<4x208xi32, #tpu.memory_space<vmem>>, vector<16xi32>,
      %abs3A_675 = math.absi %get3A_674 : vector<16xi32>
      %min3A_676 = arith.constant 1 : i32
      %min3A_677 = vector.broadcast %min3A_676 : i32 to vector<16xi32>
      %min3A_678 = arith.minsi %abs3A_675, %min3A_677 : vector<16xi32>
      %cumsum3A_679 = arith.constant true
      %cumsum3A_680 = vector.broadcast %cumsum3A_679 : i1 to vector<16xi1>
      %cumsum3A_681 = tpu.scan <sum>, %min3A_678 masked %cumsum3A_680 : vector<16xi32>, vector<16xi1> -> vector<16xi32>
      %add3A_682 = vector.broadcast %add3A_670 : i32 to vector<16xi32>
      %add3A_683 = arith.addi %add3A_682, %cumsum3A_681 : vector<16xi32>
      %mul3A_684 = arith.muli %add3A_683, %min3A_678 : vector<16xi32>
      %swap3A_685 = arith.constant 400 : index
      %swap3A_686 = tpu.vector_load %arg8[%swap3A_685] {strides = array<i32>} : memref<832xi32, #tpu.memory_space<vmem>>, vector<16xi32>,
      tpu.vector_store %arg8[%swap3A_685], %mul3A_684 {strides = array<i32>} : memref<832xi32, #tpu.memory_space<vmem>>, vector<16xi32>,
      %slice3A_687 = vector.extract_strided_slice %cumsum3A_681 {offsets = [15], sizes = [1], strides = [1]} : vector<16xi32> to vector<1xi32>
      %squeeze3A_688 = vector.extract %slice3A_687[0] : i32 from vector<1xi32>
      %add3A_689 = arith.addi %add3A_670, %squeeze3A_688 : i32
      %get3A_690 = arith.constant 2 : i32
      %get3A_691 = arith.index_cast %get3A_690 : i32 to index
      %get3A_692 = arith.constant 0 : index
      %get3A_693 = tpu.vector_load %arg6[%get3A_691, %get3A_692] {strides = array<i32>} : memref<4x208xi32, #tpu.memory_space<vmem>>, vector<16xi32>,
      %abs3A_694 = math.absi %get3A_693 : vector<16xi32>
      %min3A_695 = arith.constant 1 : i32
      %min3A_696 = vector.broadcast %min3A_695 : i32 to vector<16xi32>
      %min3A_697 = arith.minsi %abs3A_694, %min3A_696 : vector<16xi32>
      %cumsum3A_698 = arith.constant true
      %cumsum3A_699 = vector.broadcast %cumsum3A_698 : i1 to vector<16xi1>
      %cumsum3A_700 = tpu.scan <sum>, %min3A_697 masked %cumsum3A_699 : vector<16xi32>, vector<16xi1> -> vector<16xi32>
      %add3A_701 = arith.constant 0 : i32
      %add3A_702 = vector.broadcast %add3A_701 : i32 to vector<16xi32>
      %add3A_703 = arith.addi %add3A_702, %cumsum3A_700 : vector<16xi32>
      %mul3A_704 = arith.muli %add3A_703, %min3A_697 : vector<16xi32>
      %swap3A_705 = arith.constant 416 : index
      %swap3A_706 = tpu.vector_load %arg8[%swap3A_705] {strides = array<i32>} : memref<832xi32, #tpu.memory_space<vmem>>, vector<16xi32>,
      tpu.vector_store %arg8[%swap3A_705], %mul3A_704 {strides = array<i32>} : memref<832xi32, #tpu.memory_space<vmem>>, vector<16xi32>,
      %slice3A_707 = vector.extract_strided_slice %cumsum3A_700 {offsets = [15], sizes = [1], strides = [1]} : vector<16xi32> to vector<1xi32>
      %squeeze3A_708 = vector.extract %slice3A_707[0] : i32 from vector<1xi32>
      %add3A_709 = arith.constant 0 : i32
      %add3A_710 = arith.addi %add3A_709, %squeeze3A_708 : i32
      %get3A_711 = arith.constant 2 : i32
      %get3A_712 = arith.index_cast %get3A_711 : i32 to index
      %get3A_713 = arith.constant 16 : index
      %get3A_714 = tpu.vector_load %arg6[%get3A_712, %get3A_713] {strides = array<i32>} : memref<4x208xi32, #tpu.memory_space<vmem>>, vector<16xi32>,
      %abs3A_715 = math.absi %get3A_714 : vector<16xi32>
      %min3A_716 = arith.constant 1 : i32
      %min3A_717 = vector.broadcast %min3A_716 : i32 to vector<16xi32>
      %min3A_718 = arith.minsi %abs3A_715, %min3A_717 : vector<16xi32>
      %cumsum3A_719 = arith.constant true
      %cumsum3A_720 = vector.broadcast %cumsum3A_719 : i1 to vector<16xi1>
      %cumsum3A_721 = tpu.scan <sum>, %min3A_718 masked %cumsum3A_720 : vector<16xi32>, vector<16xi1> -> vector<16xi32>
      %add3A_722 = vector.broadcast %add3A_710 : i32 to vector<16xi32>
      %add3A_723 = arith.addi %add3A_722, %cumsum3A_721 : vector<16xi32>
      %mul3A_724 = arith.muli %add3A_723, %min3A_718 : vector<16xi32>
      %swap3A_725 = arith.constant 432 : index
      %swap3A_726 = tpu.vector_load %arg8[%swap3A_725] {strides = array<i32>} : memref<832xi32, #tpu.memory_space<vmem>>, vector<16xi32>,
      tpu.vector_store %arg8[%swap3A_725], %mul3A_724 {strides = array<i32>} : memref<832xi32, #tpu.memory_space<vmem>>, vector<16xi32>,
      %slice3A_727 = vector.extract_strided_slice %cumsum3A_721 {offsets = [15], sizes = [1], strides = [1]} : vector<16xi32> to vector<1xi32>
      %squeeze3A_728 = vector.extract %slice3A_727[0] : i32 from vector<1xi32>
      %add3A_729 = arith.addi %add3A_710, %squeeze3A_728 : i32
      %get3A_730 = arith.constant 2 : i32
      %get3A_731 = arith.index_cast %get3A_730 : i32 to index
      %get3A_732 = arith.constant 32 : index
      %get3A_733 = tpu.vector_load %arg6[%get3A_731, %get3A_732] {strides = array<i32>} : memref<4x208xi32, #tpu.memory_space<vmem>>, vector<16xi32>,
      %abs3A_734 = math.absi %get3A_733 : vector<16xi32>
      %min3A_735 = arith.constant 1 : i32
      %min3A_736 = vector.broadcast %min3A_735 : i32 to vector<16xi32>
      %min3A_737 = arith.minsi %abs3A_734, %min3A_736 : vector<16xi32>
      %cumsum3A_738 = arith.constant true
      %cumsum3A_739 = vector.broadcast %cumsum3A_738 : i1 to vector<16xi1>
      %cumsum3A_740 = tpu.scan <sum>, %min3A_737 masked %cumsum3A_739 : vector<16xi32>, vector<16xi1> -> vector<16xi32>
      %add3A_741 = vector.broadcast %add3A_729 : i32 to vector<16xi32>
      %add3A_742 = arith.addi %add3A_741, %cumsum3A_740 : vector<16xi32>
      %mul3A_743 = arith.muli %add3A_742, %min3A_737 : vector<16xi32>
      %swap3A_744 = arith.constant 448 : index
      %swap3A_745 = tpu.vector_load %arg8[%swap3A_744] {strides = array<i32>} : memref<832xi32, #tpu.memory_space<vmem>>, vector<16xi32>,
      tpu.vector_store %arg8[%swap3A_744], %mul3A_743 {strides = array<i32>} : memref<832xi32, #tpu.memory_space<vmem>>, vector<16xi32>,
      %slice3A_746 = vector.extract_strided_slice %cumsum3A_740 {offsets = [15], sizes = [1], strides = [1]} : vector<16xi32> to vector<1xi32>
      %squeeze3A_747 = vector.extract %slice3A_746[0] : i32 from vector<1xi32>
      %add3A_748 = arith.addi %add3A_729, %squeeze3A_747 : i32
      %get3A_749 = arith.constant 2 : i32
      %get3A_750 = arith.index_cast %get3A_749 : i32 to index
      %get3A_751 = arith.constant 48 : index
      %get3A_752 = tpu.vector_load %arg6[%get3A_750, %get3A_751] {strides = array<i32>} : memref<4x208xi32, #tpu.memory_space<vmem>>, vector<16xi32>,
      %abs3A_753 = math.absi %get3A_752 : vector<16xi32>
      %min3A_754 = arith.constant 1 : i32
      %min3A_755 = vector.broadcast %min3A_754 : i32 to vector<16xi32>
      %min3A_756 = arith.minsi %abs3A_753, %min3A_755 : vector<16xi32>
      %cumsum3A_757 = arith.constant true
      %cumsum3A_758 = vector.broadcast %cumsum3A_757 : i1 to vector<16xi1>
      %cumsum3A_759 = tpu.scan <sum>, %min3A_756 masked %cumsum3A_758 : vector<16xi32>, vector<16xi1> -> vector<16xi32>
      %add3A_760 = vector.broadcast %add3A_748 : i32 to vector<16xi32>
      %add3A_761 = arith.addi %add3A_760, %cumsum3A_759 : vector<16xi32>
      %mul3A_762 = arith.muli %add3A_761, %min3A_756 : vector<16xi32>
      %swap3A_763 = arith.constant 464 : index
      %swap3A_764 = tpu.vector_load %arg8[%swap3A_763] {strides = array<i32>} : memref<832xi32, #tpu.memory_space<vmem>>, vector<16xi32>,
      tpu.vector_store %arg8[%swap3A_763], %mul3A_762 {strides = array<i32>} : memref<832xi32, #tpu.memory_space<vmem>>, vector<16xi32>,
      %slice3A_765 = vector.extract_strided_slice %cumsum3A_759 {offsets = [15], sizes = [1], strides = [1]} : vector<16xi32> to vector<1xi32>
      %squeeze3A_766 = vector.extract %slice3A_765[0] : i32 from vector<1xi32>
      %add3A_767 = arith.addi %add3A_748, %squeeze3A_766 : i32
      %get3A_768 = arith.constant 2 : i32
      %get3A_769 = arith.index_cast %get3A_768 : i32 to index
      %get3A_770 = arith.constant 64 : index
      %get3A_771 = tpu.vector_load %arg6[%get3A_769, %get3A_770] {strides = array<i32>} : memref<4x208xi32, #tpu.memory_space<vmem>>, vector<16xi32>,
      %abs3A_772 = math.absi %get3A_771 : vector<16xi32>
      %min3A_773 = arith.constant 1 : i32
      %min3A_774 = vector.broadcast %min3A_773 : i32 to vector<16xi32>
      %min3A_775 = arith.minsi %abs3A_772, %min3A_774 : vector<16xi32>
      %cumsum3A_776 = arith.constant true
      %cumsum3A_777 = vector.broadcast %cumsum3A_776 : i1 to vector<16xi1>
      %cumsum3A_778 = tpu.scan <sum>, %min3A_775 masked %cumsum3A_777 : vector<16xi32>, vector<16xi1> -> vector<16xi32>
      %add3A_779 = vector.broadcast %add3A_767 : i32 to vector<16xi32>
      %add3A_780 = arith.addi %add3A_779, %cumsum3A_778 : vector<16xi32>
      %mul3A_781 = arith.muli %add3A_780, %min3A_775 : vector<16xi32>
      %swap3A_782 = arith.constant 480 : index
      %swap3A_783 = tpu.vector_load %arg8[%swap3A_782] {strides = array<i32>} : memref<832xi32, #tpu.memory_space<vmem>>, vector<16xi32>,
      tpu.vector_store %arg8[%swap3A_782], %mul3A_781 {strides = array<i32>} : memref<832xi32, #tpu.memory_space<vmem>>, vector<16xi32>,
      %slice3A_784 = vector.extract_strided_slice %cumsum3A_778 {offsets = [15], sizes = [1], strides = [1]} : vector<16xi32> to vector<1xi32>
      %squeeze3A_785 = vector.extract %slice3A_784[0] : i32 from vector<1xi32>
      %add3A_786 = arith.addi %add3A_767, %squeeze3A_785 : i32
      %get3A_787 = arith.constant 2 : i32
      %get3A_788 = arith.index_cast %get3A_787 : i32 to index
      %get3A_789 = arith.constant 80 : index
      %get3A_790 = tpu.vector_load %arg6[%get3A_788, %get3A_789] {strides = array<i32>} : memref<4x208xi32, #tpu.memory_space<vmem>>, vector<16xi32>,
      %abs3A_791 = math.absi %get3A_790 : vector<16xi32>
      %min3A_792 = arith.constant 1 : i32
      %min3A_793 = vector.broadcast %min3A_792 : i32 to vector<16xi32>
      %min3A_794 = arith.minsi %abs3A_791, %min3A_793 : vector<16xi32>
      %cumsum3A_795 = arith.constant true
      %cumsum3A_796 = vector.broadcast %cumsum3A_795 : i1 to vector<16xi1>
      %cumsum3A_797 = tpu.scan <sum>, %min3A_794 masked %cumsum3A_796 : vector<16xi32>, vector<16xi1> -> vector<16xi32>
      %add3A_798 = vector.broadcast %add3A_786 : i32 to vector<16xi32>
      %add3A_799 = arith.addi %add3A_798, %cumsum3A_797 : vector<16xi32>
      %mul3A_800 = arith.muli %add3A_799, %min3A_794 : vector<16xi32>
      %swap3A_801 = arith.constant 496 : index
      %swap3A_802 = tpu.vector_load %arg8[%swap3A_801] {strides = array<i32>} : memref<832xi32, #tpu.memory_space<vmem>>, vector<16xi32>,
      tpu.vector_store %arg8[%swap3A_801], %mul3A_800 {strides = array<i32>} : memref<832xi32, #tpu.memory_space<vmem>>, vector<16xi32>,
      %slice3A_803 = vector.extract_strided_slice %cumsum3A_797 {offsets = [15], sizes = [1], strides = [1]} : vector<16xi32> to vector<1xi32>
      %squeeze3A_804 = vector.extract %slice3A_803[0] : i32 from vector<1xi32>
      %add3A_805 = arith.addi %add3A_786, %squeeze3A_804 : i32
      %get3A_806 = arith.constant 2 : i32
      %get3A_807 = arith.index_cast %get3A_806 : i32 to index
      %get3A_808 = arith.constant 96 : index
      %get3A_809 = tpu.vector_load %arg6[%get3A_807, %get3A_808] {strides = array<i32>} : memref<4x208xi32, #tpu.memory_space<vmem>>, vector<16xi32>,
      %abs3A_810 = math.absi %get3A_809 : vector<16xi32>
      %min3A_811 = arith.constant 1 : i32
      %min3A_812 = vector.broadcast %min3A_811 : i32 to vector<16xi32>
      %min3A_813 = arith.minsi %abs3A_810, %min3A_812 : vector<16xi32>
      %cumsum3A_814 = arith.constant true
      %cumsum3A_815 = vector.broadcast %cumsum3A_814 : i1 to vector<16xi1>
      %cumsum3A_816 = tpu.scan <sum>, %min3A_813 masked %cumsum3A_815 : vector<16xi32>, vector<16xi1> -> vector<16xi32>
      %add3A_817 = vector.broadcast %add3A_805 : i32 to vector<16xi32>
      %add3A_818 = arith.addi %add3A_817, %cumsum3A_816 : vector<16xi32>
      %mul3A_819 = arith.muli %add3A_818, %min3A_813 : vector<16xi32>
      %swap3A_820 = arith.constant 512 : index
      %swap3A_821 = tpu.vector_load %arg8[%swap3A_820] {strides = array<i32>} : memref<832xi32, #tpu.memory_space<vmem>>, vector<16xi32>,
      tpu.vector_store %arg8[%swap3A_820], %mul3A_819 {strides = array<i32>} : memref<832xi32, #tpu.memory_space<vmem>>, vector<16xi32>,
      %slice3A_822 = vector.extract_strided_slice %cumsum3A_816 {offsets = [15], sizes = [1], strides = [1]} : vector<16xi32> to vector<1xi32>
      %squeeze3A_823 = vector.extract %slice3A_822[0] : i32 from vector<1xi32>
      %add3A_824 = arith.addi %add3A_805, %squeeze3A_823 : i32
      %get3A_825 = arith.constant 2 : i32
      %get3A_826 = arith.index_cast %get3A_825 : i32 to index
      %get3A_827 = arith.constant 112 : index
      %get3A_828 = tpu.vector_load %arg6[%get3A_826, %get3A_827] {strides = array<i32>} : memref<4x208xi32, #tpu.memory_space<vmem>>, vector<16xi32>,
      %abs3A_829 = math.absi %get3A_828 : vector<16xi32>
      %min3A_830 = arith.constant 1 : i32
      %min3A_831 = vector.broadcast %min3A_830 : i32 to vector<16xi32>
      %min3A_832 = arith.minsi %abs3A_829, %min3A_831 : vector<16xi32>
      %cumsum3A_833 = arith.constant true
      %cumsum3A_834 = vector.broadcast %cumsum3A_833 : i1 to vector<16xi1>
      %cumsum3A_835 = tpu.scan <sum>, %min3A_832 masked %cumsum3A_834 : vector<16xi32>, vector<16xi1> -> vector<16xi32>
      %add3A_836 = vector.broadcast %add3A_824 : i32 to vector<16xi32>
      %add3A_837 = arith.addi %add3A_836, %cumsum3A_835 : vector<16xi32>
      %mul3A_838 = arith.muli %add3A_837, %min3A_832 : vector<16xi32>
      %swap3A_839 = arith.constant 528 : index
      %swap3A_840 = tpu.vector_load %arg8[%swap3A_839] {strides = array<i32>} : memref<832xi32, #tpu.memory_space<vmem>>, vector<16xi32>,
      tpu.vector_store %arg8[%swap3A_839], %mul3A_838 {strides = array<i32>} : memref<832xi32, #tpu.memory_space<vmem>>, vector<16xi32>,
      %slice3A_841 = vector.extract_strided_slice %cumsum3A_835 {offsets = [15], sizes = [1], strides = [1]} : vector<16xi32> to vector<1xi32>
      %squeeze3A_842 = vector.extract %slice3A_841[0] : i32 from vector<1xi32>
      %add3A_843 = arith.addi %add3A_824, %squeeze3A_842 : i32
      %get3A_844 = arith.constant 2 : i32
      %get3A_845 = arith.index_cast %get3A_844 : i32 to index
      %get3A_846 = arith.constant 128 : index
      %get3A_847 = tpu.vector_load %arg6[%get3A_845, %get3A_846] {strides = array<i32>} : memref<4x208xi32, #tpu.memory_space<vmem>>, vector<16xi32>,
      %abs3A_848 = math.absi %get3A_847 : vector<16xi32>
      %min3A_849 = arith.constant 1 : i32
      %min3A_850 = vector.broadcast %min3A_849 : i32 to vector<16xi32>
      %min3A_851 = arith.minsi %abs3A_848, %min3A_850 : vector<16xi32>
      %cumsum3A_852 = arith.constant true
      %cumsum3A_853 = vector.broadcast %cumsum3A_852 : i1 to vector<16xi1>
      %cumsum3A_854 = tpu.scan <sum>, %min3A_851 masked %cumsum3A_853 : vector<16xi32>, vector<16xi1> -> vector<16xi32>
      %add3A_855 = vector.broadcast %add3A_843 : i32 to vector<16xi32>
      %add3A_856 = arith.addi %add3A_855, %cumsum3A_854 : vector<16xi32>
      %mul3A_857 = arith.muli %add3A_856, %min3A_851 : vector<16xi32>
      %swap3A_858 = arith.constant 544 : index
      %swap3A_859 = tpu.vector_load %arg8[%swap3A_858] {strides = array<i32>} : memref<832xi32, #tpu.memory_space<vmem>>, vector<16xi32>,
      tpu.vector_store %arg8[%swap3A_858], %mul3A_857 {strides = array<i32>} : memref<832xi32, #tpu.memory_space<vmem>>, vector<16xi32>,
      %slice3A_860 = vector.extract_strided_slice %cumsum3A_854 {offsets = [15], sizes = [1], strides = [1]} : vector<16xi32> to vector<1xi32>
      %squeeze3A_861 = vector.extract %slice3A_860[0] : i32 from vector<1xi32>
      %add3A_862 = arith.addi %add3A_843, %squeeze3A_861 : i32
      %get3A_863 = arith.constant 2 : i32
      %get3A_864 = arith.index_cast %get3A_863 : i32 to index
      %get3A_865 = arith.constant 144 : index
      %get3A_866 = tpu.vector_load %arg6[%get3A_864, %get3A_865] {strides = array<i32>} : memref<4x208xi32, #tpu.memory_space<vmem>>, vector<16xi32>,
      %abs3A_867 = math.absi %get3A_866 : vector<16xi32>
      %min3A_868 = arith.constant 1 : i32
      %min3A_869 = vector.broadcast %min3A_868 : i32 to vector<16xi32>
      %min3A_870 = arith.minsi %abs3A_867, %min3A_869 : vector<16xi32>
      %cumsum3A_871 = arith.constant true
      %cumsum3A_872 = vector.broadcast %cumsum3A_871 : i1 to vector<16xi1>
      %cumsum3A_873 = tpu.scan <sum>, %min3A_870 masked %cumsum3A_872 : vector<16xi32>, vector<16xi1> -> vector<16xi32>
      %add3A_874 = vector.broadcast %add3A_862 : i32 to vector<16xi32>
      %add3A_875 = arith.addi %add3A_874, %cumsum3A_873 : vector<16xi32>
      %mul3A_876 = arith.muli %add3A_875, %min3A_870 : vector<16xi32>
      %swap3A_877 = arith.constant 560 : index
      %swap3A_878 = tpu.vector_load %arg8[%swap3A_877] {strides = array<i32>} : memref<832xi32, #tpu.memory_space<vmem>>, vector<16xi32>,
      tpu.vector_store %arg8[%swap3A_877], %mul3A_876 {strides = array<i32>} : memref<832xi32, #tpu.memory_space<vmem>>, vector<16xi32>,
      %slice3A_879 = vector.extract_strided_slice %cumsum3A_873 {offsets = [15], sizes = [1], strides = [1]} : vector<16xi32> to vector<1xi32>
      %squeeze3A_880 = vector.extract %slice3A_879[0] : i32 from vector<1xi32>
      %add3A_881 = arith.addi %add3A_862, %squeeze3A_880 : i32
      %get3A_882 = arith.constant 2 : i32
      %get3A_883 = arith.index_cast %get3A_882 : i32 to index
      %get3A_884 = arith.constant 160 : index
      %get3A_885 = tpu.vector_load %arg6[%get3A_883, %get3A_884] {strides = array<i32>} : memref<4x208xi32, #tpu.memory_space<vmem>>, vector<16xi32>,
      %abs3A_886 = math.absi %get3A_885 : vector<16xi32>
      %min3A_887 = arith.constant 1 : i32
      %min3A_888 = vector.broadcast %min3A_887 : i32 to vector<16xi32>
      %min3A_889 = arith.minsi %abs3A_886, %min3A_888 : vector<16xi32>
      %cumsum3A_890 = arith.constant true
      %cumsum3A_891 = vector.broadcast %cumsum3A_890 : i1 to vector<16xi1>
      %cumsum3A_892 = tpu.scan <sum>, %min3A_889 masked %cumsum3A_891 : vector<16xi32>, vector<16xi1> -> vector<16xi32>
      %add3A_893 = vector.broadcast %add3A_881 : i32 to vector<16xi32>
      %add3A_894 = arith.addi %add3A_893, %cumsum3A_892 : vector<16xi32>
      %mul3A_895 = arith.muli %add3A_894, %min3A_889 : vector<16xi32>
      %swap3A_896 = arith.constant 576 : index
      %swap3A_897 = tpu.vector_load %arg8[%swap3A_896] {strides = array<i32>} : memref<832xi32, #tpu.memory_space<vmem>>, vector<16xi32>,
      tpu.vector_store %arg8[%swap3A_896], %mul3A_895 {strides = array<i32>} : memref<832xi32, #tpu.memory_space<vmem>>, vector<16xi32>,
      %slice3A_898 = vector.extract_strided_slice %cumsum3A_892 {offsets = [15], sizes = [1], strides = [1]} : vector<16xi32> to vector<1xi32>
      %squeeze3A_899 = vector.extract %slice3A_898[0] : i32 from vector<1xi32>
      %add3A_900 = arith.addi %add3A_881, %squeeze3A_899 : i32
      %get3A_901 = arith.constant 2 : i32
      %get3A_902 = arith.index_cast %get3A_901 : i32 to index
      %get3A_903 = arith.constant 176 : index
      %get3A_904 = tpu.vector_load %arg6[%get3A_902, %get3A_903] {strides = array<i32>} : memref<4x208xi32, #tpu.memory_space<vmem>>, vector<16xi32>,
      %abs3A_905 = math.absi %get3A_904 : vector<16xi32>
      %min3A_906 = arith.constant 1 : i32
      %min3A_907 = vector.broadcast %min3A_906 : i32 to vector<16xi32>
      %min3A_908 = arith.minsi %abs3A_905, %min3A_907 : vector<16xi32>
      %cumsum3A_909 = arith.constant true
      %cumsum3A_910 = vector.broadcast %cumsum3A_909 : i1 to vector<16xi1>
      %cumsum3A_911 = tpu.scan <sum>, %min3A_908 masked %cumsum3A_910 : vector<16xi32>, vector<16xi1> -> vector<16xi32>
      %add3A_912 = vector.broadcast %add3A_900 : i32 to vector<16xi32>
      %add3A_913 = arith.addi %add3A_912, %cumsum3A_911 : vector<16xi32>
      %mul3A_914 = arith.muli %add3A_913, %min3A_908 : vector<16xi32>
      %swap3A_915 = arith.constant 592 : index
      %swap3A_916 = tpu.vector_load %arg8[%swap3A_915] {strides = array<i32>} : memref<832xi32, #tpu.memory_space<vmem>>, vector<16xi32>,
      tpu.vector_store %arg8[%swap3A_915], %mul3A_914 {strides = array<i32>} : memref<832xi32, #tpu.memory_space<vmem>>, vector<16xi32>,
      %slice3A_917 = vector.extract_strided_slice %cumsum3A_911 {offsets = [15], sizes = [1], strides = [1]} : vector<16xi32> to vector<1xi32>
      %squeeze3A_918 = vector.extract %slice3A_917[0] : i32 from vector<1xi32>
      %add3A_919 = arith.addi %add3A_900, %squeeze3A_918 : i32
      %get3A_920 = arith.constant 2 : i32
      %get3A_921 = arith.index_cast %get3A_920 : i32 to index
      %get3A_922 = arith.constant 192 : index
      %get3A_923 = tpu.vector_load %arg6[%get3A_921, %get3A_922] {strides = array<i32>} : memref<4x208xi32, #tpu.memory_space<vmem>>, vector<16xi32>,
      %abs3A_924 = math.absi %get3A_923 : vector<16xi32>
      %min3A_925 = arith.constant 1 : i32
      %min3A_926 = vector.broadcast %min3A_925 : i32 to vector<16xi32>
      %min3A_927 = arith.minsi %abs3A_924, %min3A_926 : vector<16xi32>
      %cumsum3A_928 = arith.constant true
      %cumsum3A_929 = vector.broadcast %cumsum3A_928 : i1 to vector<16xi1>
      %cumsum3A_930 = tpu.scan <sum>, %min3A_927 masked %cumsum3A_929 : vector<16xi32>, vector<16xi1> -> vector<16xi32>
      %add3A_931 = vector.broadcast %add3A_919 : i32 to vector<16xi32>
      %add3A_932 = arith.addi %add3A_931, %cumsum3A_930 : vector<16xi32>
      %mul3A_933 = arith.muli %add3A_932, %min3A_927 : vector<16xi32>
      %swap3A_934 = arith.constant 608 : index
      %swap3A_935 = tpu.vector_load %arg8[%swap3A_934] {strides = array<i32>} : memref<832xi32, #tpu.memory_space<vmem>>, vector<16xi32>,
      tpu.vector_store %arg8[%swap3A_934], %mul3A_933 {strides = array<i32>} : memref<832xi32, #tpu.memory_space<vmem>>, vector<16xi32>,
      %slice3A_936 = vector.extract_strided_slice %cumsum3A_930 {offsets = [15], sizes = [1], strides = [1]} : vector<16xi32> to vector<1xi32>
      %squeeze3A_937 = vector.extract %slice3A_936[0] : i32 from vector<1xi32>
      %add3A_938 = arith.addi %add3A_919, %squeeze3A_937 : i32
      %get3A_939 = arith.constant 3 : i32
      %get3A_940 = arith.index_cast %get3A_939 : i32 to index
      %get3A_941 = arith.constant 0 : index
      %get3A_942 = tpu.vector_load %arg6[%get3A_940, %get3A_941] {strides = array<i32>} : memref<4x208xi32, #tpu.memory_space<vmem>>, vector<16xi32>,
      %abs3A_943 = math.absi %get3A_942 : vector<16xi32>
      %min3A_944 = arith.constant 1 : i32
      %min3A_945 = vector.broadcast %min3A_944 : i32 to vector<16xi32>
      %min3A_946 = arith.minsi %abs3A_943, %min3A_945 : vector<16xi32>
      %cumsum3A_947 = arith.constant true
      %cumsum3A_948 = vector.broadcast %cumsum3A_947 : i1 to vector<16xi1>
      %cumsum3A_949 = tpu.scan <sum>, %min3A_946 masked %cumsum3A_948 : vector<16xi32>, vector<16xi1> -> vector<16xi32>
      %add3A_950 = arith.constant 0 : i32
      %add3A_951 = vector.broadcast %add3A_950 : i32 to vector<16xi32>
      %add3A_952 = arith.addi %add3A_951, %cumsum3A_949 : vector<16xi32>
      %mul3A_953 = arith.muli %add3A_952, %min3A_946 : vector<16xi32>
      %swap3A_954 = arith.constant 624 : index
      %swap3A_955 = tpu.vector_load %arg8[%swap3A_954] {strides = array<i32>} : memref<832xi32, #tpu.memory_space<vmem>>, vector<16xi32>,
      tpu.vector_store %arg8[%swap3A_954], %mul3A_953 {strides = array<i32>} : memref<832xi32, #tpu.memory_space<vmem>>, vector<16xi32>,
      %slice3A_956 = vector.extract_strided_slice %cumsum3A_949 {offsets = [15], sizes = [1], strides = [1]} : vector<16xi32> to vector<1xi32>
      %squeeze3A_957 = vector.extract %slice3A_956[0] : i32 from vector<1xi32>
      %add3A_958 = arith.constant 0 : i32
      %add3A_959 = arith.addi %add3A_958, %squeeze3A_957 : i32
      %get3A_960 = arith.constant 3 : i32
      %get3A_961 = arith.index_cast %get3A_960 : i32 to index
      %get3A_962 = arith.constant 16 : index
      %get3A_963 = tpu.vector_load %arg6[%get3A_961, %get3A_962] {strides = array<i32>} : memref<4x208xi32, #tpu.memory_space<vmem>>, vector<16xi32>,
      %abs3A_964 = math.absi %get3A_963 : vector<16xi32>
      %min3A_965 = arith.constant 1 : i32
      %min3A_966 = vector.broadcast %min3A_965 : i32 to vector<16xi32>
      %min3A_967 = arith.minsi %abs3A_964, %min3A_966 : vector<16xi32>
      %cumsum3A_968 = arith.constant true
      %cumsum3A_969 = vector.broadcast %cumsum3A_968 : i1 to vector<16xi1>
      %cumsum3A_970 = tpu.scan <sum>, %min3A_967 masked %cumsum3A_969 : vector<16xi32>, vector<16xi1> -> vector<16xi32>
      %add3A_971 = vector.broadcast %add3A_959 : i32 to vector<16xi32>
      %add3A_972 = arith.addi %add3A_971, %cumsum3A_970 : vector<16xi32>
      %mul3A_973 = arith.muli %add3A_972, %min3A_967 : vector<16xi32>
      %swap3A_974 = arith.constant 640 : index
      %swap3A_975 = tpu.vector_load %arg8[%swap3A_974] {strides = array<i32>} : memref<832xi32, #tpu.memory_space<vmem>>, vector<16xi32>,
      tpu.vector_store %arg8[%swap3A_974], %mul3A_973 {strides = array<i32>} : memref<832xi32, #tpu.memory_space<vmem>>, vector<16xi32>,
      %slice3A_976 = vector.extract_strided_slice %cumsum3A_970 {offsets = [15], sizes = [1], strides = [1]} : vector<16xi32> to vector<1xi32>
      %squeeze3A_977 = vector.extract %slice3A_976[0] : i32 from vector<1xi32>
      %add3A_978 = arith.addi %add3A_959, %squeeze3A_977 : i32
      %get3A_979 = arith.constant 3 : i32
      %get3A_980 = arith.index_cast %get3A_979 : i32 to index
      %get3A_981 = arith.constant 32 : index
      %get3A_982 = tpu.vector_load %arg6[%get3A_980, %get3A_981] {strides = array<i32>} : memref<4x208xi32, #tpu.memory_space<vmem>>, vector<16xi32>,
      %abs3A_983 = math.absi %get3A_982 : vector<16xi32>
      %min3A_984 = arith.constant 1 : i32
      %min3A_985 = vector.broadcast %min3A_984 : i32 to vector<16xi32>
      %min3A_986 = arith.minsi %abs3A_983, %min3A_985 : vector<16xi32>
      %cumsum3A_987 = arith.constant true
      %cumsum3A_988 = vector.broadcast %cumsum3A_987 : i1 to vector<16xi1>
      %cumsum3A_989 = tpu.scan <sum>, %min3A_986 masked %cumsum3A_988 : vector<16xi32>, vector<16xi1> -> vector<16xi32>
      %add3A_990 = vector.broadcast %add3A_978 : i32 to vector<16xi32>
      %add3A_991 = arith.addi %add3A_990, %cumsum3A_989 : vector<16xi32>
      %mul3A_992 = arith.muli %add3A_991, %min3A_986 : vector<16xi32>
      %swap3A_993 = arith.constant 656 : index
      %swap3A_994 = tpu.vector_load %arg8[%swap3A_993] {strides = array<i32>} : memref<832xi32, #tpu.memory_space<vmem>>, vector<16xi32>,
      tpu.vector_store %arg8[%swap3A_993], %mul3A_992 {strides = array<i32>} : memref<832xi32, #tpu.memory_space<vmem>>, vector<16xi32>,
      %slice3A_995 = vector.extract_strided_slice %cumsum3A_989 {offsets = [15], sizes = [1], strides = [1]} : vector<16xi32> to vector<1xi32>
      %squeeze3A_996 = vector.extract %slice3A_995[0] : i32 from vector<1xi32>
      %add3A_997 = arith.addi %add3A_978, %squeeze3A_996 : i32
      %get3A_998 = arith.constant 3 : i32
      %get3A_999 = arith.index_cast %get3A_998 : i32 to index
      %get3A_1000 = arith.constant 48 : index
      %get3A_1001 = tpu.vector_load %arg6[%get3A_999, %get3A_1000] {strides = array<i32>} : memref<4x208xi32, #tpu.memory_space<vmem>>, vector<16xi32>,
      %abs3A_1002 = math.absi %get3A_1001 : vector<16xi32>
      %min3A_1003 = arith.constant 1 : i32
      %min3A_1004 = vector.broadcast %min3A_1003 : i32 to vector<16xi32>
      %min3A_1005 = arith.minsi %abs3A_1002, %min3A_1004 : vector<16xi32>
      %cumsum3A_1006 = arith.constant true
      %cumsum3A_1007 = vector.broadcast %cumsum3A_1006 : i1 to vector<16xi1>
      %cumsum3A_1008 = tpu.scan <sum>, %min3A_1005 masked %cumsum3A_1007 : vector<16xi32>, vector<16xi1> -> vector<16xi32>
      %add3A_1009 = vector.broadcast %add3A_997 : i32 to vector<16xi32>
      %add3A_1010 = arith.addi %add3A_1009, %cumsum3A_1008 : vector<16xi32>
      %mul3A_1011 = arith.muli %add3A_1010, %min3A_1005 : vector<16xi32>
      %swap3A_1012 = arith.constant 672 : index
      %swap3A_1013 = tpu.vector_load %arg8[%swap3A_1012] {strides = array<i32>} : memref<832xi32, #tpu.memory_space<vmem>>, vector<16xi32>,
      tpu.vector_store %arg8[%swap3A_1012], %mul3A_1011 {strides = array<i32>} : memref<832xi32, #tpu.memory_space<vmem>>, vector<16xi32>,
      %slice3A_1014 = vector.extract_strided_slice %cumsum3A_1008 {offsets = [15], sizes = [1], strides = [1]} : vector<16xi32> to vector<1xi32>
      %squeeze3A_1015 = vector.extract %slice3A_1014[0] : i32 from vector<1xi32>
      %add3A_1016 = arith.addi %add3A_997, %squeeze3A_1015 : i32
      %get3A_1017 = arith.constant 3 : i32
      %get3A_1018 = arith.index_cast %get3A_1017 : i32 to index
      %get3A_1019 = arith.constant 64 : index
      %get3A_1020 = tpu.vector_load %arg6[%get3A_1018, %get3A_1019] {strides = array<i32>} : memref<4x208xi32, #tpu.memory_space<vmem>>, vector<16xi32>,
      %abs3A_1021 = math.absi %get3A_1020 : vector<16xi32>
      %min3A_1022 = arith.constant 1 : i32
      %min3A_1023 = vector.broadcast %min3A_1022 : i32 to vector<16xi32>
      %min3A_1024 = arith.minsi %abs3A_1021, %min3A_1023 : vector<16xi32>
      %cumsum3A_1025 = arith.constant true
      %cumsum3A_1026 = vector.broadcast %cumsum3A_1025 : i1 to vector<16xi1>
      %cumsum3A_1027 = tpu.scan <sum>, %min3A_1024 masked %cumsum3A_1026 : vector<16xi32>, vector<16xi1> -> vector<16xi32>
      %add3A_1028 = vector.broadcast %add3A_1016 : i32 to vector<16xi32>
      %add3A_1029 = arith.addi %add3A_1028, %cumsum3A_1027 : vector<16xi32>
      %mul3A_1030 = arith.muli %add3A_1029, %min3A_1024 : vector<16xi32>
      %swap3A_1031 = arith.constant 688 : index
      %swap3A_1032 = tpu.vector_load %arg8[%swap3A_1031] {strides = array<i32>} : memref<832xi32, #tpu.memory_space<vmem>>, vector<16xi32>,
      tpu.vector_store %arg8[%swap3A_1031], %mul3A_1030 {strides = array<i32>} : memref<832xi32, #tpu.memory_space<vmem>>, vector<16xi32>,
      %slice3A_1033 = vector.extract_strided_slice %cumsum3A_1027 {offsets = [15], sizes = [1], strides = [1]} : vector<16xi32> to vector<1xi32>
      %squeeze3A_1034 = vector.extract %slice3A_1033[0] : i32 from vector<1xi32>
      %add3A_1035 = arith.addi %add3A_1016, %squeeze3A_1034 : i32
      %get3A_1036 = arith.constant 3 : i32
      %get3A_1037 = arith.index_cast %get3A_1036 : i32 to index
      %get3A_1038 = arith.constant 80 : index
      %get3A_1039 = tpu.vector_load %arg6[%get3A_1037, %get3A_1038] {strides = array<i32>} : memref<4x208xi32, #tpu.memory_space<vmem>>, vector<16xi32>,
      %abs3A_1040 = math.absi %get3A_1039 : vector<16xi32>
      %min3A_1041 = arith.constant 1 : i32
      %min3A_1042 = vector.broadcast %min3A_1041 : i32 to vector<16xi32>
      %min3A_1043 = arith.minsi %abs3A_1040, %min3A_1042 : vector<16xi32>
      %cumsum3A_1044 = arith.constant true
      %cumsum3A_1045 = vector.broadcast %cumsum3A_1044 : i1 to vector<16xi1>
      %cumsum3A_1046 = tpu.scan <sum>, %min3A_1043 masked %cumsum3A_1045 : vector<16xi32>, vector<16xi1> -> vector<16xi32>
      %add3A_1047 = vector.broadcast %add3A_1035 : i32 to vector<16xi32>
      %add3A_1048 = arith.addi %add3A_1047, %cumsum3A_1046 : vector<16xi32>
      %mul3A_1049 = arith.muli %add3A_1048, %min3A_1043 : vector<16xi32>
      %swap3A_1050 = arith.constant 704 : index
      %swap3A_1051 = tpu.vector_load %arg8[%swap3A_1050] {strides = array<i32>} : memref<832xi32, #tpu.memory_space<vmem>>, vector<16xi32>,
      tpu.vector_store %arg8[%swap3A_1050], %mul3A_1049 {strides = array<i32>} : memref<832xi32, #tpu.memory_space<vmem>>, vector<16xi32>,
      %slice3A_1052 = vector.extract_strided_slice %cumsum3A_1046 {offsets = [15], sizes = [1], strides = [1]} : vector<16xi32> to vector<1xi32>
      %squeeze3A_1053 = vector.extract %slice3A_1052[0] : i32 from vector<1xi32>
      %add3A_1054 = arith.addi %add3A_1035, %squeeze3A_1053 : i32
      %get3A_1055 = arith.constant 3 : i32
      %get3A_1056 = arith.index_cast %get3A_1055 : i32 to index
      %get3A_1057 = arith.constant 96 : index
      %get3A_1058 = tpu.vector_load %arg6[%get3A_1056, %get3A_1057] {strides = array<i32>} : memref<4x208xi32, #tpu.memory_space<vmem>>, vector<16xi32>,
      %abs3A_1059 = math.absi %get3A_1058 : vector<16xi32>
      %min3A_1060 = arith.constant 1 : i32
      %min3A_1061 = vector.broadcast %min3A_1060 : i32 to vector<16xi32>
      %min3A_1062 = arith.minsi %abs3A_1059, %min3A_1061 : vector<16xi32>
      %cumsum3A_1063 = arith.constant true
      %cumsum3A_1064 = vector.broadcast %cumsum3A_1063 : i1 to vector<16xi1>
      %cumsum3A_1065 = tpu.scan <sum>, %min3A_1062 masked %cumsum3A_1064 : vector<16xi32>, vector<16xi1> -> vector<16xi32>
      %add3A_1066 = vector.broadcast %add3A_1054 : i32 to vector<16xi32>
      %add3A_1067 = arith.addi %add3A_1066, %cumsum3A_1065 : vector<16xi32>
      %mul3A_1068 = arith.muli %add3A_1067, %min3A_1062 : vector<16xi32>
      %swap3A_1069 = arith.constant 720 : index
      %swap3A_1070 = tpu.vector_load %arg8[%swap3A_1069] {strides = array<i32>} : memref<832xi32, #tpu.memory_space<vmem>>, vector<16xi32>,
      tpu.vector_store %arg8[%swap3A_1069], %mul3A_1068 {strides = array<i32>} : memref<832xi32, #tpu.memory_space<vmem>>, vector<16xi32>,
      %slice3A_1071 = vector.extract_strided_slice %cumsum3A_1065 {offsets = [15], sizes = [1], strides = [1]} : vector<16xi32> to vector<1xi32>
      %squeeze3A_1072 = vector.extract %slice3A_1071[0] : i32 from vector<1xi32>
      %add3A_1073 = arith.addi %add3A_1054, %squeeze3A_1072 : i32
      %get3A_1074 = arith.constant 3 : i32
      %get3A_1075 = arith.index_cast %get3A_1074 : i32 to index
      %get3A_1076 = arith.constant 112 : index
      %get3A_1077 = tpu.vector_load %arg6[%get3A_1075, %get3A_1076] {strides = array<i32>} : memref<4x208xi32, #tpu.memory_space<vmem>>, vector<16xi32>,
      %abs3A_1078 = math.absi %get3A_1077 : vector<16xi32>
      %min3A_1079 = arith.constant 1 : i32
      %min3A_1080 = vector.broadcast %min3A_1079 : i32 to vector<16xi32>
      %min3A_1081 = arith.minsi %abs3A_1078, %min3A_1080 : vector<16xi32>
      %cumsum3A_1082 = arith.constant true
      %cumsum3A_1083 = vector.broadcast %cumsum3A_1082 : i1 to vector<16xi1>
      %cumsum3A_1084 = tpu.scan <sum>, %min3A_1081 masked %cumsum3A_1083 : vector<16xi32>, vector<16xi1> -> vector<16xi32>
      %add3A_1085 = vector.broadcast %add3A_1073 : i32 to vector<16xi32>
      %add3A_1086 = arith.addi %add3A_1085, %cumsum3A_1084 : vector<16xi32>
      %mul3A_1087 = arith.muli %add3A_1086, %min3A_1081 : vector<16xi32>
      %swap3A_1088 = arith.constant 736 : index
      %swap3A_1089 = tpu.vector_load %arg8[%swap3A_1088] {strides = array<i32>} : memref<832xi32, #tpu.memory_space<vmem>>, vector<16xi32>,
      tpu.vector_store %arg8[%swap3A_1088], %mul3A_1087 {strides = array<i32>} : memref<832xi32, #tpu.memory_space<vmem>>, vector<16xi32>,
      %slice3A_1090 = vector.extract_strided_slice %cumsum3A_1084 {offsets = [15], sizes = [1], strides = [1]} : vector<16xi32> to vector<1xi32>
      %squeeze3A_1091 = vector.extract %slice3A_1090[0] : i32 from vector<1xi32>
      %add3A_1092 = arith.addi %add3A_1073, %squeeze3A_1091 : i32
      %get3A_1093 = arith.constant 3 : i32
      %get3A_1094 = arith.index_cast %get3A_1093 : i32 to index
      %get3A_1095 = arith.constant 128 : index
      %get3A_1096 = tpu.vector_load %arg6[%get3A_1094, %get3A_1095] {strides = array<i32>} : memref<4x208xi32, #tpu.memory_space<vmem>>, vector<16xi32>,
      %abs3A_1097 = math.absi %get3A_1096 : vector<16xi32>
      %min3A_1098 = arith.constant 1 : i32
      %min3A_1099 = vector.broadcast %min3A_1098 : i32 to vector<16xi32>
      %min3A_1100 = arith.minsi %abs3A_1097, %min3A_1099 : vector<16xi32>
      %cumsum3A_1101 = arith.constant true
      %cumsum3A_1102 = vector.broadcast %cumsum3A_1101 : i1 to vector<16xi1>
      %cumsum3A_1103 = tpu.scan <sum>, %min3A_1100 masked %cumsum3A_1102 : vector<16xi32>, vector<16xi1> -> vector<16xi32>
      %add3A_1104 = vector.broadcast %add3A_1092 : i32 to vector<16xi32>
      %add3A_1105 = arith.addi %add3A_1104, %cumsum3A_1103 : vector<16xi32>
      %mul3A_1106 = arith.muli %add3A_1105, %min3A_1100 : vector<16xi32>
      %swap3A_1107 = arith.constant 752 : index
      %swap3A_1108 = tpu.vector_load %arg8[%swap3A_1107] {strides = array<i32>} : memref<832xi32, #tpu.memory_space<vmem>>, vector<16xi32>,
      tpu.vector_store %arg8[%swap3A_1107], %mul3A_1106 {strides = array<i32>} : memref<832xi32, #tpu.memory_space<vmem>>, vector<16xi32>,
      %slice3A_1109 = vector.extract_strided_slice %cumsum3A_1103 {offsets = [15], sizes = [1], strides = [1]} : vector<16xi32> to vector<1xi32>
      %squeeze3A_1110 = vector.extract %slice3A_1109[0] : i32 from vector<1xi32>
      %add3A_1111 = arith.addi %add3A_1092, %squeeze3A_1110 : i32
      %get3A_1112 = arith.constant 3 : i32
      %get3A_1113 = arith.index_cast %get3A_1112 : i32 to index
      %get3A_1114 = arith.constant 144 : index
      %get3A_1115 = tpu.vector_load %arg6[%get3A_1113, %get3A_1114] {strides = array<i32>} : memref<4x208xi32, #tpu.memory_space<vmem>>, vector<16xi32>,
      %abs3A_1116 = math.absi %get3A_1115 : vector<16xi32>
      %min3A_1117 = arith.constant 1 : i32
      %min3A_1118 = vector.broadcast %min3A_1117 : i32 to vector<16xi32>
      %min3A_1119 = arith.minsi %abs3A_1116, %min3A_1118 : vector<16xi32>
      %cumsum3A_1120 = arith.constant true
      %cumsum3A_1121 = vector.broadcast %cumsum3A_1120 : i1 to vector<16xi1>
      %cumsum3A_1122 = tpu.scan <sum>, %min3A_1119 masked %cumsum3A_1121 : vector<16xi32>, vector<16xi1> -> vector<16xi32>
      %add3A_1123 = vector.broadcast %add3A_1111 : i32 to vector<16xi32>
      %add3A_1124 = arith.addi %add3A_1123, %cumsum3A_1122 : vector<16xi32>
      %mul3A_1125 = arith.muli %add3A_1124, %min3A_1119 : vector<16xi32>
      %swap3A_1126 = arith.constant 768 : index
      %swap3A_1127 = tpu.vector_load %arg8[%swap3A_1126] {strides = array<i32>} : memref<832xi32, #tpu.memory_space<vmem>>, vector<16xi32>,
      tpu.vector_store %arg8[%swap3A_1126], %mul3A_1125 {strides = array<i32>} : memref<832xi32, #tpu.memory_space<vmem>>, vector<16xi32>,
      %slice3A_1128 = vector.extract_strided_slice %cumsum3A_1122 {offsets = [15], sizes = [1], strides = [1]} : vector<16xi32> to vector<1xi32>
      %squeeze3A_1129 = vector.extract %slice3A_1128[0] : i32 from vector<1xi32>
      %add3A_1130 = arith.addi %add3A_1111, %squeeze3A_1129 : i32
      %get3A_1131 = arith.constant 3 : i32
      %get3A_1132 = arith.index_cast %get3A_1131 : i32 to index
      %get3A_1133 = arith.constant 160 : index
      %get3A_1134 = tpu.vector_load %arg6[%get3A_1132, %get3A_1133] {strides = array<i32>} : memref<4x208xi32, #tpu.memory_space<vmem>>, vector<16xi32>,
      %abs3A_1135 = math.absi %get3A_1134 : vector<16xi32>
      %min3A_1136 = arith.constant 1 : i32
      %min3A_1137 = vector.broadcast %min3A_1136 : i32 to vector<16xi32>
      %min3A_1138 = arith.minsi %abs3A_1135, %min3A_1137 : vector<16xi32>
      %cumsum3A_1139 = arith.constant true
      %cumsum3A_1140 = vector.broadcast %cumsum3A_1139 : i1 to vector<16xi1>
      %cumsum3A_1141 = tpu.scan <sum>, %min3A_1138 masked %cumsum3A_1140 : vector<16xi32>, vector<16xi1> -> vector<16xi32>
      %add3A_1142 = vector.broadcast %add3A_1130 : i32 to vector<16xi32>
      %add3A_1143 = arith.addi %add3A_1142, %cumsum3A_1141 : vector<16xi32>
      %mul3A_1144 = arith.muli %add3A_1143, %min3A_1138 : vector<16xi32>
      %swap3A_1145 = arith.constant 784 : index
      %swap3A_1146 = tpu.vector_load %arg8[%swap3A_1145] {strides = array<i32>} : memref<832xi32, #tpu.memory_space<vmem>>, vector<16xi32>,
      tpu.vector_store %arg8[%swap3A_1145], %mul3A_1144 {strides = array<i32>} : memref<832xi32, #tpu.memory_space<vmem>>, vector<16xi32>,
      %slice3A_1147 = vector.extract_strided_slice %cumsum3A_1141 {offsets = [15], sizes = [1], strides = [1]} : vector<16xi32> to vector<1xi32>
      %squeeze3A_1148 = vector.extract %slice3A_1147[0] : i32 from vector<1xi32>
      %add3A_1149 = arith.addi %add3A_1130, %squeeze3A_1148 : i32
      %get3A_1150 = arith.constant 3 : i32
      %get3A_1151 = arith.index_cast %get3A_1150 : i32 to index
      %get3A_1152 = arith.constant 176 : index
      %get3A_1153 = tpu.vector_load %arg6[%get3A_1151, %get3A_1152] {strides = array<i32>} : memref<4x208xi32, #tpu.memory_space<vmem>>, vector<16xi32>,
      %abs3A_1154 = math.absi %get3A_1153 : vector<16xi32>
      %min3A_1155 = arith.constant 1 : i32
      %min3A_1156 = vector.broadcast %min3A_1155 : i32 to vector<16xi32>
      %min3A_1157 = arith.minsi %abs3A_1154, %min3A_1156 : vector<16xi32>
      %cumsum3A_1158 = arith.constant true
      %cumsum3A_1159 = vector.broadcast %cumsum3A_1158 : i1 to vector<16xi1>
      %cumsum3A_1160 = tpu.scan <sum>, %min3A_1157 masked %cumsum3A_1159 : vector<16xi32>, vector<16xi1> -> vector<16xi32>
      %add3A_1161 = vector.broadcast %add3A_1149 : i32 to vector<16xi32>
      %add3A_1162 = arith.addi %add3A_1161, %cumsum3A_1160 : vector<16xi32>
      %mul3A_1163 = arith.muli %add3A_1162, %min3A_1157 : vector<16xi32>
      %swap3A_1164 = arith.constant 800 : index
      %swap3A_1165 = tpu.vector_load %arg8[%swap3A_1164] {strides = array<i32>} : memref<832xi32, #tpu.memory_space<vmem>>, vector<16xi32>,
      tpu.vector_store %arg8[%swap3A_1164], %mul3A_1163 {strides = array<i32>} : memref<832xi32, #tpu.memory_space<vmem>>, vector<16xi32>,
      %slice3A_1166 = vector.extract_strided_slice %cumsum3A_1160 {offsets = [15], sizes = [1], strides = [1]} : vector<16xi32> to vector<1xi32>
      %squeeze3A_1167 = vector.extract %slice3A_1166[0] : i32 from vector<1xi32>
      %add3A_1168 = arith.addi %add3A_1149, %squeeze3A_1167 : i32
      %get3A_1169 = arith.constant 3 : i32
      %get3A_1170 = arith.index_cast %get3A_1169 : i32 to index
      %get3A_1171 = arith.constant 192 : index
      %get3A_1172 = tpu.vector_load %arg6[%get3A_1170, %get3A_1171] {strides = array<i32>} : memref<4x208xi32, #tpu.memory_space<vmem>>, vector<16xi32>,
      %abs3A_1173 = math.absi %get3A_1172 : vector<16xi32>
      %min3A_1174 = arith.constant 1 : i32
      %min3A_1175 = vector.broadcast %min3A_1174 : i32 to vector<16xi32>
      %min3A_1176 = arith.minsi %abs3A_1173, %min3A_1175 : vector<16xi32>
      %cumsum3A_1177 = arith.constant true
      %cumsum3A_1178 = vector.broadcast %cumsum3A_1177 : i1 to vector<16xi1>
      %cumsum3A_1179 = tpu.scan <sum>, %min3A_1176 masked %cumsum3A_1178 : vector<16xi32>, vector<16xi1> -> vector<16xi32>
      %add3A_1180 = vector.broadcast %add3A_1168 : i32 to vector<16xi32>
      %add3A_1181 = arith.addi %add3A_1180, %cumsum3A_1179 : vector<16xi32>
      %mul3A_1182 = arith.muli %add3A_1181, %min3A_1176 : vector<16xi32>
      %swap3A_1183 = arith.constant 816 : index
      %swap3A_1184 = tpu.vector_load %arg8[%swap3A_1183] {strides = array<i32>} : memref<832xi32, #tpu.memory_space<vmem>>, vector<16xi32>,
      tpu.vector_store %arg8[%swap3A_1183], %mul3A_1182 {strides = array<i32>} : memref<832xi32, #tpu.memory_space<vmem>>, vector<16xi32>,
      %slice3A_1185 = vector.extract_strided_slice %cumsum3A_1179 {offsets = [15], sizes = [1], strides = [1]} : vector<16xi32> to vector<1xi32>
      %squeeze3A_1186 = vector.extract %slice3A_1185[0] : i32 from vector<1xi32>
      %add3A_1187 = arith.addi %add3A_1168, %squeeze3A_1186 : i32
      %ge3A = arith.constant 2 : i32
      %ge3A_1188 = arith.cmpi sge, %mul3A_184, %ge3A : i32
      %convert_element_type3A_1189 = arith.extui %ge3A_1188 : i1 to i32
      %cond3A_1190 = arith.constant 0 : i32
      %cond3A_1191 = arith.cmpi ne, %convert_element_type3A_1189, %cond3A_1190 : i32
      scf.if %cond3A_1191 {
        %sub3A = arith.constant 2 : i32
        %sub3A_2393 = arith.subi %mul3A_184, %sub3A : i32
        %mul3A_2394 = arith.constant 4 : i32
        %mul3A_2395 = arith.muli %sub3A_2393, %mul3A_2394 : i32
        %add3A_2396 = arith.addi %mul3A_2, %mul3A_2395 : i32
        %dma_wait3A_2397 = arith.constant 0 : i32
        %dma_wait3A_2398 = arith.constant 0 : i32
        %dma_wait3A_2399 = arith.constant 0 : i32
        %dma_wait3A_2400 = tpu.memref_slice %arg10[%dma_wait3A_2397, %dma_wait3A_2398, %dma_wait3A_2399] : memref<4x208x64xf32, #tpu.memory_space<vmem>> -> memref<4x200x64xf32, #tpu.memory_space<vmem>>
        %dma_wait3A_2401 = arith.constant 0 : i32
        %dma_wait3A_2402 = arith.constant 0 : i32
        %dma_wait3A_2403 = tpu.memref_slice %arg4[%add3A_2396, %dma_wait3A_2401, %dma_wait3A_2402] : memref<16384x200x64xf32, #tpu.memory_space<hbm>> -> memref<4x200x64xf32, #tpu.memory_space<hbm>>
        %dma_wait3A_2404 = arith.constant 0 : i32
        %dma_wait3A_2405 = arith.constant 0 : i32
        %dma_wait3A_2406 = tpu.memref_slice %arg4[%add3A_2396, %dma_wait3A_2404, %dma_wait3A_2405] : memref<16384x200x64xf32, #tpu.memory_space<hbm>> -> memref<4x200x64xf32, #tpu.memory_space<hbm>>
        %dma_wait3A_2407 = arith.constant 0 : i32
        %dma_wait3A_2408 = arith.constant 0 : i32
        %dma_wait3A_2409 = arith.constant 0 : i32
        %dma_wait3A_2410 = tpu.memref_slice %arg10[%dma_wait3A_2407, %dma_wait3A_2408, %dma_wait3A_2409] : memref<4x208x64xf32, #tpu.memory_space<vmem>> -> memref<4x200x64xf32, #tpu.memory_space<vmem>>
        tpu.wait_dma2 semaphore(%arg17 : memref<!tpu.dma_semaphore, #tpu.memory_space<semaphore_mem>>) src(%dma_wait3A_2410 : memref<4x200x64xf32, #tpu.memory_space<vmem>>) dst(%dma_wait3A_2406 : memref<4x200x64xf32, #tpu.memory_space<hbm>>)
      } else {
      }
      %dma_start3A_1192 = arith.constant 0 : i32
      %dma_start3A_1193 = arith.constant 0 : i32
      %dma_start3A_1194 = arith.constant 0 : i32
      %dma_start3A_1195 = tpu.memref_slice %arg10[%dma_start3A_1192, %dma_start3A_1193, %dma_start3A_1194] : memref<4x208x64xf32, #tpu.memory_space<vmem>> -> memref<1x104x64xf32, #tpu.memory_space<vmem>>
      %dma_start3A_1196 = tpu.memref_squeeze %dma_start3A_1195 : memref<1x104x64xf32, #tpu.memory_space<vmem>> -> memref<104x64xf32, #tpu.memory_space<vmem>>
      %dma_start3A_1197 = arith.constant 0 : i32
      %dma_start3A_1198 = tpu.memref_slice %arg8[%dma_start3A_1197] : memref<832xi32, #tpu.memory_space<vmem>> -> memref<104xi32, #tpu.memory_space<vmem>>
      %dma_start3A_1199 = arith.constant 0 : i32
      %dma_start3A_1200 = arith.constant 0 : i32
      %dma_start3A_1201 = tpu.memref_slice %arg5[%dma_start3A_1199, %dma_start3A_1200] : memref<201x64xf32, #tpu.memory_space<vmem_shared>> -> memref<201x64xf32, #tpu.memory_space<vmem_shared>>
      tpu.enqueue_indirect_dma source(%dma_start3A_1201 : memref<201x64xf32, #tpu.memory_space<vmem_shared>>) target(%dma_start3A_1196 : memref<104x64xf32, #tpu.memory_space<vmem>>) offsets(%dma_start3A_1198 : memref<104xi32, #tpu.memory_space<vmem>>) semaphore(%arg15 : memref<!tpu.dma_semaphore, #tpu.memory_space<semaphore_mem>>)
      %dma_start3A_1202 = arith.constant 0 : i32
      %dma_start3A_1203 = arith.constant 104 : i32
      %dma_start3A_1204 = arith.constant 0 : i32
      %dma_start3A_1205 = tpu.memref_slice %arg10[%dma_start3A_1202, %dma_start3A_1203, %dma_start3A_1204] : memref<4x208x64xf32, #tpu.memory_space<vmem>> -> memref<1x104x64xf32, #tpu.memory_space<vmem>>
      %dma_start3A_1206 = tpu.memref_squeeze %dma_start3A_1205 : memref<1x104x64xf32, #tpu.memory_space<vmem>> -> memref<104x64xf32, #tpu.memory_space<vmem>>
      %dma_start3A_1207 = arith.constant 104 : i32
      %dma_start3A_1208 = tpu.memref_slice %arg8[%dma_start3A_1207] : memref<832xi32, #tpu.memory_space<vmem>> -> memref<104xi32, #tpu.memory_space<vmem>>
      %dma_start3A_1209 = arith.constant 0 : i32
      %dma_start3A_1210 = arith.constant 0 : i32
      %dma_start3A_1211 = tpu.memref_slice %arg5[%dma_start3A_1209, %dma_start3A_1210] : memref<201x64xf32, #tpu.memory_space<vmem_shared>> -> memref<201x64xf32, #tpu.memory_space<vmem_shared>>
      tpu.enqueue_indirect_dma source(%dma_start3A_1211 : memref<201x64xf32, #tpu.memory_space<vmem_shared>>) target(%dma_start3A_1206 : memref<104x64xf32, #tpu.memory_space<vmem>>) offsets(%dma_start3A_1208 : memref<104xi32, #tpu.memory_space<vmem>>) semaphore(%arg15 : memref<!tpu.dma_semaphore, #tpu.memory_space<semaphore_mem>>)
      %dma_start3A_1212 = arith.constant 1 : i32
      %dma_start3A_1213 = arith.constant 0 : i32
      %dma_start3A_1214 = arith.constant 0 : i32
      %dma_start3A_1215 = tpu.memref_slice %arg10[%dma_start3A_1212, %dma_start3A_1213, %dma_start3A_1214] : memref<4x208x64xf32, #tpu.memory_space<vmem>> -> memref<1x104x64xf32, #tpu.memory_space<vmem>>
      %dma_start3A_1216 = tpu.memref_squeeze %dma_start3A_1215 : memref<1x104x64xf32, #tpu.memory_space<vmem>> -> memref<104x64xf32, #tpu.memory_space<vmem>>
      %dma_start3A_1217 = arith.constant 208 : i32
      %dma_start3A_1218 = tpu.memref_slice %arg8[%dma_start3A_1217] : memref<832xi32, #tpu.memory_space<vmem>> -> memref<104xi32, #tpu.memory_space<vmem>>
      %dma_start3A_1219 = arith.constant 0 : i32
      %dma_start3A_1220 = arith.constant 0 : i32
      %dma_start3A_1221 = tpu.memref_slice %arg5[%dma_start3A_1219, %dma_start3A_1220] : memref<201x64xf32, #tpu.memory_space<vmem_shared>> -> memref<201x64xf32, #tpu.memory_space<vmem_shared>>
      tpu.enqueue_indirect_dma source(%dma_start3A_1221 : memref<201x64xf32, #tpu.memory_space<vmem_shared>>) target(%dma_start3A_1216 : memref<104x64xf32, #tpu.memory_space<vmem>>) offsets(%dma_start3A_1218 : memref<104xi32, #tpu.memory_space<vmem>>) semaphore(%arg15 : memref<!tpu.dma_semaphore, #tpu.memory_space<semaphore_mem>>)
      %dma_start3A_1222 = arith.constant 1 : i32
      %dma_start3A_1223 = arith.constant 104 : i32
      %dma_start3A_1224 = arith.constant 0 : i32
      %dma_start3A_1225 = tpu.memref_slice %arg10[%dma_start3A_1222, %dma_start3A_1223, %dma_start3A_1224] : memref<4x208x64xf32, #tpu.memory_space<vmem>> -> memref<1x104x64xf32, #tpu.memory_space<vmem>>
      %dma_start3A_1226 = tpu.memref_squeeze %dma_start3A_1225 : memref<1x104x64xf32, #tpu.memory_space<vmem>> -> memref<104x64xf32, #tpu.memory_space<vmem>>
      %dma_start3A_1227 = arith.constant 312 : i32
      %dma_start3A_1228 = tpu.memref_slice %arg8[%dma_start3A_1227] : memref<832xi32, #tpu.memory_space<vmem>> -> memref<104xi32, #tpu.memory_space<vmem>>
      %dma_start3A_1229 = arith.constant 0 : i32
      %dma_start3A_1230 = arith.constant 0 : i32
      %dma_start3A_1231 = tpu.memref_slice %arg5[%dma_start3A_1229, %dma_start3A_1230] : memref<201x64xf32, #tpu.memory_space<vmem_shared>> -> memref<201x64xf32, #tpu.memory_space<vmem_shared>>
      tpu.enqueue_indirect_dma source(%dma_start3A_1231 : memref<201x64xf32, #tpu.memory_space<vmem_shared>>) target(%dma_start3A_1226 : memref<104x64xf32, #tpu.memory_space<vmem>>) offsets(%dma_start3A_1228 : memref<104xi32, #tpu.memory_space<vmem>>) semaphore(%arg15 : memref<!tpu.dma_semaphore, #tpu.memory_space<semaphore_mem>>)
      %dma_start3A_1232 = arith.constant 2 : i32
      %dma_start3A_1233 = arith.constant 0 : i32
      %dma_start3A_1234 = arith.constant 0 : i32
      %dma_start3A_1235 = tpu.memref_slice %arg10[%dma_start3A_1232, %dma_start3A_1233, %dma_start3A_1234] : memref<4x208x64xf32, #tpu.memory_space<vmem>> -> memref<1x104x64xf32, #tpu.memory_space<vmem>>
      %dma_start3A_1236 = tpu.memref_squeeze %dma_start3A_1235 : memref<1x104x64xf32, #tpu.memory_space<vmem>> -> memref<104x64xf32, #tpu.memory_space<vmem>>
      %dma_start3A_1237 = arith.constant 416 : i32
      %dma_start3A_1238 = tpu.memref_slice %arg8[%dma_start3A_1237] : memref<832xi32, #tpu.memory_space<vmem>> -> memref<104xi32, #tpu.memory_space<vmem>>
      %dma_start3A_1239 = arith.constant 0 : i32
      %dma_start3A_1240 = arith.constant 0 : i32
      %dma_start3A_1241 = tpu.memref_slice %arg5[%dma_start3A_1239, %dma_start3A_1240] : memref<201x64xf32, #tpu.memory_space<vmem_shared>> -> memref<201x64xf32, #tpu.memory_space<vmem_shared>>
      tpu.enqueue_indirect_dma source(%dma_start3A_1241 : memref<201x64xf32, #tpu.memory_space<vmem_shared>>) target(%dma_start3A_1236 : memref<104x64xf32, #tpu.memory_space<vmem>>) offsets(%dma_start3A_1238 : memref<104xi32, #tpu.memory_space<vmem>>) semaphore(%arg15 : memref<!tpu.dma_semaphore, #tpu.memory_space<semaphore_mem>>)
      %dma_start3A_1242 = arith.constant 2 : i32
      %dma_start3A_1243 = arith.constant 104 : i32
      %dma_start3A_1244 = arith.constant 0 : i32
      %dma_start3A_1245 = tpu.memref_slice %arg10[%dma_start3A_1242, %dma_start3A_1243, %dma_start3A_1244] : memref<4x208x64xf32, #tpu.memory_space<vmem>> -> memref<1x104x64xf32, #tpu.memory_space<vmem>>
      %dma_start3A_1246 = tpu.memref_squeeze %dma_start3A_1245 : memref<1x104x64xf32, #tpu.memory_space<vmem>> -> memref<104x64xf32, #tpu.memory_space<vmem>>
      %dma_start3A_1247 = arith.constant 520 : i32
      %dma_start3A_1248 = tpu.memref_slice %arg8[%dma_start3A_1247] : memref<832xi32, #tpu.memory_space<vmem>> -> memref<104xi32, #tpu.memory_space<vmem>>
      %dma_start3A_1249 = arith.constant 0 : i32
      %dma_start3A_1250 = arith.constant 0 : i32
      %dma_start3A_1251 = tpu.memref_slice %arg5[%dma_start3A_1249, %dma_start3A_1250] : memref<201x64xf32, #tpu.memory_space<vmem_shared>> -> memref<201x64xf32, #tpu.memory_space<vmem_shared>>
      tpu.enqueue_indirect_dma source(%dma_start3A_1251 : memref<201x64xf32, #tpu.memory_space<vmem_shared>>) target(%dma_start3A_1246 : memref<104x64xf32, #tpu.memory_space<vmem>>) offsets(%dma_start3A_1248 : memref<104xi32, #tpu.memory_space<vmem>>) semaphore(%arg15 : memref<!tpu.dma_semaphore, #tpu.memory_space<semaphore_mem>>)
      %dma_start3A_1252 = arith.constant 3 : i32
      %dma_start3A_1253 = arith.constant 0 : i32
      %dma_start3A_1254 = arith.constant 0 : i32
      %dma_start3A_1255 = tpu.memref_slice %arg10[%dma_start3A_1252, %dma_start3A_1253, %dma_start3A_1254] : memref<4x208x64xf32, #tpu.memory_space<vmem>> -> memref<1x104x64xf32, #tpu.memory_space<vmem>>
      %dma_start3A_1256 = tpu.memref_squeeze %dma_start3A_1255 : memref<1x104x64xf32, #tpu.memory_space<vmem>> -> memref<104x64xf32, #tpu.memory_space<vmem>>
      %dma_start3A_1257 = arith.constant 624 : i32
      %dma_start3A_1258 = tpu.memref_slice %arg8[%dma_start3A_1257] : memref<832xi32, #tpu.memory_space<vmem>> -> memref<104xi32, #tpu.memory_space<vmem>>
      %dma_start3A_1259 = arith.constant 0 : i32
      %dma_start3A_1260 = arith.constant 0 : i32
      %dma_start3A_1261 = tpu.memref_slice %arg5[%dma_start3A_1259, %dma_start3A_1260] : memref<201x64xf32, #tpu.memory_space<vmem_shared>> -> memref<201x64xf32, #tpu.memory_space<vmem_shared>>
      tpu.enqueue_indirect_dma source(%dma_start3A_1261 : memref<201x64xf32, #tpu.memory_space<vmem_shared>>) target(%dma_start3A_1256 : memref<104x64xf32, #tpu.memory_space<vmem>>) offsets(%dma_start3A_1258 : memref<104xi32, #tpu.memory_space<vmem>>) semaphore(%arg15 : memref<!tpu.dma_semaphore, #tpu.memory_space<semaphore_mem>>)
      %dma_start3A_1262 = arith.constant 3 : i32
      %dma_start3A_1263 = arith.constant 104 : i32
      %dma_start3A_1264 = arith.constant 0 : i32
      %dma_start3A_1265 = tpu.memref_slice %arg10[%dma_start3A_1262, %dma_start3A_1263, %dma_start3A_1264] : memref<4x208x64xf32, #tpu.memory_space<vmem>> -> memref<1x104x64xf32, #tpu.memory_space<vmem>>
      %dma_start3A_1266 = tpu.memref_squeeze %dma_start3A_1265 : memref<1x104x64xf32, #tpu.memory_space<vmem>> -> memref<104x64xf32, #tpu.memory_space<vmem>>
      %dma_start3A_1267 = arith.constant 728 : i32
      %dma_start3A_1268 = tpu.memref_slice %arg8[%dma_start3A_1267] : memref<832xi32, #tpu.memory_space<vmem>> -> memref<104xi32, #tpu.memory_space<vmem>>
      %dma_start3A_1269 = arith.constant 0 : i32
      %dma_start3A_1270 = arith.constant 0 : i32
      %dma_start3A_1271 = tpu.memref_slice %arg5[%dma_start3A_1269, %dma_start3A_1270] : memref<201x64xf32, #tpu.memory_space<vmem_shared>> -> memref<201x64xf32, #tpu.memory_space<vmem_shared>>
      tpu.enqueue_indirect_dma source(%dma_start3A_1271 : memref<201x64xf32, #tpu.memory_space<vmem_shared>>) target(%dma_start3A_1266 : memref<104x64xf32, #tpu.memory_space<vmem>>) offsets(%dma_start3A_1268 : memref<104xi32, #tpu.memory_space<vmem>>) semaphore(%arg15 : memref<!tpu.dma_semaphore, #tpu.memory_space<semaphore_mem>>)
      %add3A_1272 = arith.constant 1 : i32
      %add3A_1273 = arith.addi %mul3A_184, %add3A_1272 : i32
      %lt3A = arith.constant 128 : i32
      %lt3A_1274 = arith.cmpi slt, %add3A_1273, %lt3A : i32
      %convert_element_type3A_1275 = arith.extui %lt3A_1274 : i1 to i32
      %cond3A_1276 = arith.constant 0 : i32
      %cond3A_1277 = arith.cmpi ne, %convert_element_type3A_1275, %cond3A_1276 : i32
      scf.if %cond3A_1277 {
        %add3A_2393 = arith.constant 4 : i32
        %add3A_2394 = arith.addi %add3A_187, %add3A_2393 : i32
        %dma_start3A_2395 = arith.constant 0 : i32
        %dma_start3A_2396 = arith.constant 0 : i32
        %dma_start3A_2397 = tpu.memref_slice %arg7[%dma_start3A_2395, %dma_start3A_2396] : memref<4x208xi32, #tpu.memory_space<vmem>> -> memref<4x200xi32, #tpu.memory_space<vmem>>
        %dma_start3A_2398 = arith.constant 0 : i32
        %dma_start3A_2399 = tpu.memref_slice %arg2[%add3A_2394, %dma_start3A_2398] : memref<16384x200xi32, #tpu.memory_space<hbm>> -> memref<4x200xi32, #tpu.memory_space<hbm>>
        %dma_start3A_2400 = arith.constant 0 : i32
        %dma_start3A_2401 = arith.constant 0 : i32
        %dma_start3A_2402 = tpu.memref_slice %arg7[%dma_start3A_2400, %dma_start3A_2401] : memref<4x208xi32, #tpu.memory_space<vmem>> -> memref<4x200xi32, #tpu.memory_space<vmem>>
        %dma_start3A_2403 = arith.constant 0 : i32
        %dma_start3A_2404 = tpu.memref_slice %arg2[%add3A_2394, %dma_start3A_2403] : memref<16384x200xi32, #tpu.memory_space<hbm>> -> memref<4x200xi32, #tpu.memory_space<hbm>>
        tpu.enqueue_dma source(%dma_start3A_2404 : memref<4x200xi32, #tpu.memory_space<hbm>>) target(%dma_start3A_2402 : memref<4x200xi32, #tpu.memory_space<vmem>>) target_semaphore(%arg14 : memref<!tpu.dma_semaphore, #tpu.memory_space<semaphore_mem>>)
      } else {
      }
      %ge3A_1278 = arith.constant 1 : i32
      %ge3A_1279 = arith.cmpi sge, %mul3A_184, %ge3A_1278 : i32
      %convert_element_type3A_1280 = arith.extui %ge3A_1279 : i1 to i32
      %cond3A_1281 = arith.constant 0 : i32
      %cond3A_1282 = arith.cmpi ne, %convert_element_type3A_1280, %cond3A_1281 : i32
      scf.if %cond3A_1282 {
        %dma_wait3A_2393 = arith.constant 0 : i32
        %dma_wait3A_2394 = arith.constant 0 : i32
        %dma_wait3A_2395 = arith.constant 0 : i32
        %dma_wait3A_2396 = tpu.memref_slice %arg11[%dma_wait3A_2393, %dma_wait3A_2394, %dma_wait3A_2395] : memref<4x208x64xf32, #tpu.memory_space<vmem>> -> memref<1x104x64xf32, #tpu.memory_space<vmem>>
        %dma_wait3A_2397 = tpu.memref_squeeze %dma_wait3A_2396 : memref<1x104x64xf32, #tpu.memory_space<vmem>> -> memref<104x64xf32, #tpu.memory_space<vmem>>
        %dma_wait3A_2398 = arith.constant 0 : i32
        %dma_wait3A_2399 = tpu.memref_slice %arg9[%dma_wait3A_2398] : memref<832xi32, #tpu.memory_space<vmem>> -> memref<104xi32, #tpu.memory_space<vmem>>
        %dma_wait3A_2400 = arith.constant 0 : i32
        %dma_wait3A_2401 = arith.constant 0 : i32
        %dma_wait3A_2402 = tpu.memref_slice %arg5[%dma_wait3A_2400, %dma_wait3A_2401] : memref<201x64xf32, #tpu.memory_space<vmem_shared>> -> memref<201x64xf32, #tpu.memory_space<vmem_shared>>
        tpu.wait_indirect_dma semaphore(%arg16 : memref<!tpu.dma_semaphore, #tpu.memory_space<semaphore_mem>>) src(%dma_wait3A_2402 : memref<201x64xf32, #tpu.memory_space<vmem_shared>>) dst(%dma_wait3A_2397 : memref<104x64xf32, #tpu.memory_space<vmem>>)
        %dma_wait3A_2403 = arith.constant 0 : i32
        %dma_wait3A_2404 = arith.constant 104 : i32
        %dma_wait3A_2405 = arith.constant 0 : i32
        %dma_wait3A_2406 = tpu.memref_slice %arg11[%dma_wait3A_2403, %dma_wait3A_2404, %dma_wait3A_2405] : memref<4x208x64xf32, #tpu.memory_space<vmem>> -> memref<1x104x64xf32, #tpu.memory_space<vmem>>
        %dma_wait3A_2407 = tpu.memref_squeeze %dma_wait3A_2406 : memref<1x104x64xf32, #tpu.memory_space<vmem>> -> memref<104x64xf32, #tpu.memory_space<vmem>>
        %dma_wait3A_2408 = arith.constant 104 : i32
        %dma_wait3A_2409 = tpu.memref_slice %arg9[%dma_wait3A_2408] : memref<832xi32, #tpu.memory_space<vmem>> -> memref<104xi32, #tpu.memory_space<vmem>>
        %dma_wait3A_2410 = arith.constant 0 : i32
        %dma_wait3A_2411 = arith.constant 0 : i32
        %dma_wait3A_2412 = tpu.memref_slice %arg5[%dma_wait3A_2410, %dma_wait3A_2411] : memref<201x64xf32, #tpu.memory_space<vmem_shared>> -> memref<201x64xf32, #tpu.memory_space<vmem_shared>>
        tpu.wait_indirect_dma semaphore(%arg16 : memref<!tpu.dma_semaphore, #tpu.memory_space<semaphore_mem>>) src(%dma_wait3A_2412 : memref<201x64xf32, #tpu.memory_space<vmem_shared>>) dst(%dma_wait3A_2407 : memref<104x64xf32, #tpu.memory_space<vmem>>)
        %dma_wait3A_2413 = arith.constant 1 : i32
        %dma_wait3A_2414 = arith.constant 0 : i32
        %dma_wait3A_2415 = arith.constant 0 : i32
        %dma_wait3A_2416 = tpu.memref_slice %arg11[%dma_wait3A_2413, %dma_wait3A_2414, %dma_wait3A_2415] : memref<4x208x64xf32, #tpu.memory_space<vmem>> -> memref<1x104x64xf32, #tpu.memory_space<vmem>>
        %dma_wait3A_2417 = tpu.memref_squeeze %dma_wait3A_2416 : memref<1x104x64xf32, #tpu.memory_space<vmem>> -> memref<104x64xf32, #tpu.memory_space<vmem>>
        %dma_wait3A_2418 = arith.constant 208 : i32
        %dma_wait3A_2419 = tpu.memref_slice %arg9[%dma_wait3A_2418] : memref<832xi32, #tpu.memory_space<vmem>> -> memref<104xi32, #tpu.memory_space<vmem>>
        %dma_wait3A_2420 = arith.constant 0 : i32
        %dma_wait3A_2421 = arith.constant 0 : i32
        %dma_wait3A_2422 = tpu.memref_slice %arg5[%dma_wait3A_2420, %dma_wait3A_2421] : memref<201x64xf32, #tpu.memory_space<vmem_shared>> -> memref<201x64xf32, #tpu.memory_space<vmem_shared>>
        tpu.wait_indirect_dma semaphore(%arg16 : memref<!tpu.dma_semaphore, #tpu.memory_space<semaphore_mem>>) src(%dma_wait3A_2422 : memref<201x64xf32, #tpu.memory_space<vmem_shared>>) dst(%dma_wait3A_2417 : memref<104x64xf32, #tpu.memory_space<vmem>>)
        %dma_wait3A_2423 = arith.constant 1 : i32
        %dma_wait3A_2424 = arith.constant 104 : i32
        %dma_wait3A_2425 = arith.constant 0 : i32
        %dma_wait3A_2426 = tpu.memref_slice %arg11[%dma_wait3A_2423, %dma_wait3A_2424, %dma_wait3A_2425] : memref<4x208x64xf32, #tpu.memory_space<vmem>> -> memref<1x104x64xf32, #tpu.memory_space<vmem>>
        %dma_wait3A_2427 = tpu.memref_squeeze %dma_wait3A_2426 : memref<1x104x64xf32, #tpu.memory_space<vmem>> -> memref<104x64xf32, #tpu.memory_space<vmem>>
        %dma_wait3A_2428 = arith.constant 312 : i32
        %dma_wait3A_2429 = tpu.memref_slice %arg9[%dma_wait3A_2428] : memref<832xi32, #tpu.memory_space<vmem>> -> memref<104xi32, #tpu.memory_space<vmem>>
        %dma_wait3A_2430 = arith.constant 0 : i32
        %dma_wait3A_2431 = arith.constant 0 : i32
        %dma_wait3A_2432 = tpu.memref_slice %arg5[%dma_wait3A_2430, %dma_wait3A_2431] : memref<201x64xf32, #tpu.memory_space<vmem_shared>> -> memref<201x64xf32, #tpu.memory_space<vmem_shared>>
        tpu.wait_indirect_dma semaphore(%arg16 : memref<!tpu.dma_semaphore, #tpu.memory_space<semaphore_mem>>) src(%dma_wait3A_2432 : memref<201x64xf32, #tpu.memory_space<vmem_shared>>) dst(%dma_wait3A_2427 : memref<104x64xf32, #tpu.memory_space<vmem>>)
        %dma_wait3A_2433 = arith.constant 2 : i32
        %dma_wait3A_2434 = arith.constant 0 : i32
        %dma_wait3A_2435 = arith.constant 0 : i32
        %dma_wait3A_2436 = tpu.memref_slice %arg11[%dma_wait3A_2433, %dma_wait3A_2434, %dma_wait3A_2435] : memref<4x208x64xf32, #tpu.memory_space<vmem>> -> memref<1x104x64xf32, #tpu.memory_space<vmem>>
        %dma_wait3A_2437 = tpu.memref_squeeze %dma_wait3A_2436 : memref<1x104x64xf32, #tpu.memory_space<vmem>> -> memref<104x64xf32, #tpu.memory_space<vmem>>
        %dma_wait3A_2438 = arith.constant 416 : i32
        %dma_wait3A_2439 = tpu.memref_slice %arg9[%dma_wait3A_2438] : memref<832xi32, #tpu.memory_space<vmem>> -> memref<104xi32, #tpu.memory_space<vmem>>
        %dma_wait3A_2440 = arith.constant 0 : i32
        %dma_wait3A_2441 = arith.constant 0 : i32
        %dma_wait3A_2442 = tpu.memref_slice %arg5[%dma_wait3A_2440, %dma_wait3A_2441] : memref<201x64xf32, #tpu.memory_space<vmem_shared>> -> memref<201x64xf32, #tpu.memory_space<vmem_shared>>
        tpu.wait_indirect_dma semaphore(%arg16 : memref<!tpu.dma_semaphore, #tpu.memory_space<semaphore_mem>>) src(%dma_wait3A_2442 : memref<201x64xf32, #tpu.memory_space<vmem_shared>>) dst(%dma_wait3A_2437 : memref<104x64xf32, #tpu.memory_space<vmem>>)
        %dma_wait3A_2443 = arith.constant 2 : i32
        %dma_wait3A_2444 = arith.constant 104 : i32
        %dma_wait3A_2445 = arith.constant 0 : i32
        %dma_wait3A_2446 = tpu.memref_slice %arg11[%dma_wait3A_2443, %dma_wait3A_2444, %dma_wait3A_2445] : memref<4x208x64xf32, #tpu.memory_space<vmem>> -> memref<1x104x64xf32, #tpu.memory_space<vmem>>
        %dma_wait3A_2447 = tpu.memref_squeeze %dma_wait3A_2446 : memref<1x104x64xf32, #tpu.memory_space<vmem>> -> memref<104x64xf32, #tpu.memory_space<vmem>>
        %dma_wait3A_2448 = arith.constant 520 : i32
        %dma_wait3A_2449 = tpu.memref_slice %arg9[%dma_wait3A_2448] : memref<832xi32, #tpu.memory_space<vmem>> -> memref<104xi32, #tpu.memory_space<vmem>>
        %dma_wait3A_2450 = arith.constant 0 : i32
        %dma_wait3A_2451 = arith.constant 0 : i32
        %dma_wait3A_2452 = tpu.memref_slice %arg5[%dma_wait3A_2450, %dma_wait3A_2451] : memref<201x64xf32, #tpu.memory_space<vmem_shared>> -> memref<201x64xf32, #tpu.memory_space<vmem_shared>>
        tpu.wait_indirect_dma semaphore(%arg16 : memref<!tpu.dma_semaphore, #tpu.memory_space<semaphore_mem>>) src(%dma_wait3A_2452 : memref<201x64xf32, #tpu.memory_space<vmem_shared>>) dst(%dma_wait3A_2447 : memref<104x64xf32, #tpu.memory_space<vmem>>)
        %dma_wait3A_2453 = arith.constant 3 : i32
        %dma_wait3A_2454 = arith.constant 0 : i32
        %dma_wait3A_2455 = arith.constant 0 : i32
        %dma_wait3A_2456 = tpu.memref_slice %arg11[%dma_wait3A_2453, %dma_wait3A_2454, %dma_wait3A_2455] : memref<4x208x64xf32, #tpu.memory_space<vmem>> -> memref<1x104x64xf32, #tpu.memory_space<vmem>>
        %dma_wait3A_2457 = tpu.memref_squeeze %dma_wait3A_2456 : memref<1x104x64xf32, #tpu.memory_space<vmem>> -> memref<104x64xf32, #tpu.memory_space<vmem>>
        %dma_wait3A_2458 = arith.constant 624 : i32
        %dma_wait3A_2459 = tpu.memref_slice %arg9[%dma_wait3A_2458] : memref<832xi32, #tpu.memory_space<vmem>> -> memref<104xi32, #tpu.memory_space<vmem>>
        %dma_wait3A_2460 = arith.constant 0 : i32
        %dma_wait3A_2461 = arith.constant 0 : i32
        %dma_wait3A_2462 = tpu.memref_slice %arg5[%dma_wait3A_2460, %dma_wait3A_2461] : memref<201x64xf32, #tpu.memory_space<vmem_shared>> -> memref<201x64xf32, #tpu.memory_space<vmem_shared>>
        tpu.wait_indirect_dma semaphore(%arg16 : memref<!tpu.dma_semaphore, #tpu.memory_space<semaphore_mem>>) src(%dma_wait3A_2462 : memref<201x64xf32, #tpu.memory_space<vmem_shared>>) dst(%dma_wait3A_2457 : memref<104x64xf32, #tpu.memory_space<vmem>>)
        %dma_wait3A_2463 = arith.constant 3 : i32
        %dma_wait3A_2464 = arith.constant 104 : i32
        %dma_wait3A_2465 = arith.constant 0 : i32
        %dma_wait3A_2466 = tpu.memref_slice %arg11[%dma_wait3A_2463, %dma_wait3A_2464, %dma_wait3A_2465] : memref<4x208x64xf32, #tpu.memory_space<vmem>> -> memref<1x104x64xf32, #tpu.memory_space<vmem>>
        %dma_wait3A_2467 = tpu.memref_squeeze %dma_wait3A_2466 : memref<1x104x64xf32, #tpu.memory_space<vmem>> -> memref<104x64xf32, #tpu.memory_space<vmem>>
        %dma_wait3A_2468 = arith.constant 728 : i32
        %dma_wait3A_2469 = tpu.memref_slice %arg9[%dma_wait3A_2468] : memref<832xi32, #tpu.memory_space<vmem>> -> memref<104xi32, #tpu.memory_space<vmem>>
        %dma_wait3A_2470 = arith.constant 0 : i32
        %dma_wait3A_2471 = arith.constant 0 : i32
        %dma_wait3A_2472 = tpu.memref_slice %arg5[%dma_wait3A_2470, %dma_wait3A_2471] : memref<201x64xf32, #tpu.memory_space<vmem_shared>> -> memref<201x64xf32, #tpu.memory_space<vmem_shared>>
        tpu.wait_indirect_dma semaphore(%arg16 : memref<!tpu.dma_semaphore, #tpu.memory_space<semaphore_mem>>) src(%dma_wait3A_2472 : memref<201x64xf32, #tpu.memory_space<vmem_shared>>) dst(%dma_wait3A_2467 : memref<104x64xf32, #tpu.memory_space<vmem>>)
        %sub3A = arith.constant 1 : i32
        %sub3A_2473 = arith.subi %mul3A_184, %sub3A : i32
        %mul3A_2474 = arith.constant 4 : i32
        %mul3A_2475 = arith.muli %sub3A_2473, %mul3A_2474 : i32
        %add3A_2476 = arith.addi %mul3A_2, %mul3A_2475 : i32
        %dma_start3A_2477 = arith.constant 0 : i32
        %dma_start3A_2478 = arith.constant 0 : i32
        %dma_start3A_2479 = arith.constant 0 : i32
        %dma_start3A_2480 = tpu.memref_slice %arg11[%dma_start3A_2477, %dma_start3A_2478, %dma_start3A_2479] : memref<4x208x64xf32, #tpu.memory_space<vmem>> -> memref<4x200x64xf32, #tpu.memory_space<vmem>>
        %dma_start3A_2481 = arith.constant 0 : i32
        %dma_start3A_2482 = arith.constant 0 : i32
        %dma_start3A_2483 = tpu.memref_slice %arg4[%add3A_2476, %dma_start3A_2481, %dma_start3A_2482] : memref<16384x200x64xf32, #tpu.memory_space<hbm>> -> memref<4x200x64xf32, #tpu.memory_space<hbm>>
        %dma_start3A_2484 = arith.constant 0 : i32
        %dma_start3A_2485 = arith.constant 0 : i32
        %dma_start3A_2486 = tpu.memref_slice %arg4[%add3A_2476, %dma_start3A_2484, %dma_start3A_2485] : memref<16384x200x64xf32, #tpu.memory_space<hbm>> -> memref<4x200x64xf32, #tpu.memory_space<hbm>>
        %dma_start3A_2487 = arith.constant 0 : i32
        %dma_start3A_2488 = arith.constant 0 : i32
        %dma_start3A_2489 = arith.constant 0 : i32
        %dma_start3A_2490 = tpu.memref_slice %arg11[%dma_start3A_2487, %dma_start3A_2488, %dma_start3A_2489] : memref<4x208x64xf32, #tpu.memory_space<vmem>> -> memref<4x200x64xf32, #tpu.memory_space<vmem>>
        tpu.enqueue_dma source(%dma_start3A_2490 : memref<4x200x64xf32, #tpu.memory_space<vmem>>) target(%dma_start3A_2486 : memref<4x200x64xf32, #tpu.memory_space<hbm>>) target_semaphore(%arg18 : memref<!tpu.dma_semaphore, #tpu.memory_space<semaphore_mem>>)
      } else {
      }
      %mul3A_1283 = arith.constant 2 : i32
      %mul3A_1284 = arith.muli %scan3A_182, %mul3A_1283 : i32
      %add3A_1285 = arith.constant 1 : i32
      %add3A_1286 = arith.addi %mul3A_1284, %add3A_1285 : i32
      %mul3A_1287 = arith.constant 4 : i32
      %mul3A_1288 = arith.muli %add3A_1286, %mul3A_1287 : i32
      %add3A_1289 = arith.addi %mul3A_2, %mul3A_1288 : i32
      %dma_wait3A_1290 = arith.constant 0 : i32
      %dma_wait3A_1291 = arith.constant 0 : i32
      %dma_wait3A_1292 = tpu.memref_slice %arg7[%dma_wait3A_1290, %dma_wait3A_1291] : memref<4x208xi32, #tpu.memory_space<vmem>> -> memref<4x200xi32, #tpu.memory_space<vmem>>
      %dma_wait3A_1293 = arith.constant 0 : i32
      %dma_wait3A_1294 = tpu.memref_slice %arg2[%add3A_1289, %dma_wait3A_1293] : memref<16384x200xi32, #tpu.memory_space<hbm>> -> memref<4x200xi32, #tpu.memory_space<hbm>>
      %dma_wait3A_1295 = arith.constant 0 : i32
      %dma_wait3A_1296 = arith.constant 0 : i32
      %dma_wait3A_1297 = tpu.memref_slice %arg7[%dma_wait3A_1295, %dma_wait3A_1296] : memref<4x208xi32, #tpu.memory_space<vmem>> -> memref<4x200xi32, #tpu.memory_space<vmem>>
      %dma_wait3A_1298 = arith.constant 0 : i32
      %dma_wait3A_1299 = tpu.memref_slice %arg2[%add3A_1289, %dma_wait3A_1298] : memref<16384x200xi32, #tpu.memory_space<hbm>> -> memref<4x200xi32, #tpu.memory_space<hbm>>
      tpu.wait_dma2 semaphore(%arg14 : memref<!tpu.dma_semaphore, #tpu.memory_space<semaphore_mem>>) src(%dma_wait3A_1299 : memref<4x200xi32, #tpu.memory_space<hbm>>) dst(%dma_wait3A_1297 : memref<4x200xi32, #tpu.memory_space<vmem>>)
      %get3A_1300 = arith.constant 0 : i32
      %get3A_1301 = arith.index_cast %get3A_1300 : i32 to index
      %get3A_1302 = arith.constant 0 : index
      %get3A_1303 = tpu.vector_load %arg7[%get3A_1301, %get3A_1302] {strides = array<i32>} : memref<4x208xi32, #tpu.memory_space<vmem>>, vector<16xi32>,
      %abs3A_1304 = math.absi %get3A_1303 : vector<16xi32>
      %min3A_1305 = arith.constant 1 : i32
      %min3A_1306 = vector.broadcast %min3A_1305 : i32 to vector<16xi32>
      %min3A_1307 = arith.minsi %abs3A_1304, %min3A_1306 : vector<16xi32>
      %cumsum3A_1308 = arith.constant true
      %cumsum3A_1309 = vector.broadcast %cumsum3A_1308 : i1 to vector<16xi1>
      %cumsum3A_1310 = tpu.scan <sum>, %min3A_1307 masked %cumsum3A_1309 : vector<16xi32>, vector<16xi1> -> vector<16xi32>
      %add3A_1311 = arith.constant 0 : i32
      %add3A_1312 = vector.broadcast %add3A_1311 : i32 to vector<16xi32>
      %add3A_1313 = arith.addi %add3A_1312, %cumsum3A_1310 : vector<16xi32>
      %mul3A_1314 = arith.muli %add3A_1313, %min3A_1307 : vector<16xi32>
      %swap3A_1315 = arith.constant 0 : index
      %swap3A_1316 = tpu.vector_load %arg9[%swap3A_1315] {strides = array<i32>} : memref<832xi32, #tpu.memory_space<vmem>>, vector<16xi32>,
      tpu.vector_store %arg9[%swap3A_1315], %mul3A_1314 {strides = array<i32>} : memref<832xi32, #tpu.memory_space<vmem>>, vector<16xi32>,
      %slice3A_1317 = vector.extract_strided_slice %cumsum3A_1310 {offsets = [15], sizes = [1], strides = [1]} : vector<16xi32> to vector<1xi32>
      %squeeze3A_1318 = vector.extract %slice3A_1317[0] : i32 from vector<1xi32>
      %add3A_1319 = arith.constant 0 : i32
      %add3A_1320 = arith.addi %add3A_1319, %squeeze3A_1318 : i32
      %get3A_1321 = arith.constant 0 : i32
      %get3A_1322 = arith.index_cast %get3A_1321 : i32 to index
      %get3A_1323 = arith.constant 16 : index
      %get3A_1324 = tpu.vector_load %arg7[%get3A_1322, %get3A_1323] {strides = array<i32>} : memref<4x208xi32, #tpu.memory_space<vmem>>, vector<16xi32>,
      %abs3A_1325 = math.absi %get3A_1324 : vector<16xi32>
      %min3A_1326 = arith.constant 1 : i32
      %min3A_1327 = vector.broadcast %min3A_1326 : i32 to vector<16xi32>
      %min3A_1328 = arith.minsi %abs3A_1325, %min3A_1327 : vector<16xi32>
      %cumsum3A_1329 = arith.constant true
      %cumsum3A_1330 = vector.broadcast %cumsum3A_1329 : i1 to vector<16xi1>
      %cumsum3A_1331 = tpu.scan <sum>, %min3A_1328 masked %cumsum3A_1330 : vector<16xi32>, vector<16xi1> -> vector<16xi32>
      %add3A_1332 = vector.broadcast %add3A_1320 : i32 to vector<16xi32>
      %add3A_1333 = arith.addi %add3A_1332, %cumsum3A_1331 : vector<16xi32>
      %mul3A_1334 = arith.muli %add3A_1333, %min3A_1328 : vector<16xi32>
      %swap3A_1335 = arith.constant 16 : index
      %swap3A_1336 = tpu.vector_load %arg9[%swap3A_1335] {strides = array<i32>} : memref<832xi32, #tpu.memory_space<vmem>>, vector<16xi32>,
      tpu.vector_store %arg9[%swap3A_1335], %mul3A_1334 {strides = array<i32>} : memref<832xi32, #tpu.memory_space<vmem>>, vector<16xi32>,
      %slice3A_1337 = vector.extract_strided_slice %cumsum3A_1331 {offsets = [15], sizes = [1], strides = [1]} : vector<16xi32> to vector<1xi32>
      %squeeze3A_1338 = vector.extract %slice3A_1337[0] : i32 from vector<1xi32>
      %add3A_1339 = arith.addi %add3A_1320, %squeeze3A_1338 : i32
      %get3A_1340 = arith.constant 0 : i32
      %get3A_1341 = arith.index_cast %get3A_1340 : i32 to index
      %get3A_1342 = arith.constant 32 : index
      %get3A_1343 = tpu.vector_load %arg7[%get3A_1341, %get3A_1342] {strides = array<i32>} : memref<4x208xi32, #tpu.memory_space<vmem>>, vector<16xi32>,
      %abs3A_1344 = math.absi %get3A_1343 : vector<16xi32>
      %min3A_1345 = arith.constant 1 : i32
      %min3A_1346 = vector.broadcast %min3A_1345 : i32 to vector<16xi32>
      %min3A_1347 = arith.minsi %abs3A_1344, %min3A_1346 : vector<16xi32>
      %cumsum3A_1348 = arith.constant true
      %cumsum3A_1349 = vector.broadcast %cumsum3A_1348 : i1 to vector<16xi1>
      %cumsum3A_1350 = tpu.scan <sum>, %min3A_1347 masked %cumsum3A_1349 : vector<16xi32>, vector<16xi1> -> vector<16xi32>
      %add3A_1351 = vector.broadcast %add3A_1339 : i32 to vector<16xi32>
      %add3A_1352 = arith.addi %add3A_1351, %cumsum3A_1350 : vector<16xi32>
      %mul3A_1353 = arith.muli %add3A_1352, %min3A_1347 : vector<16xi32>
      %swap3A_1354 = arith.constant 32 : index
      %swap3A_1355 = tpu.vector_load %arg9[%swap3A_1354] {strides = array<i32>} : memref<832xi32, #tpu.memory_space<vmem>>, vector<16xi32>,
      tpu.vector_store %arg9[%swap3A_1354], %mul3A_1353 {strides = array<i32>} : memref<832xi32, #tpu.memory_space<vmem>>, vector<16xi32>,
      %slice3A_1356 = vector.extract_strided_slice %cumsum3A_1350 {offsets = [15], sizes = [1], strides = [1]} : vector<16xi32> to vector<1xi32>
      %squeeze3A_1357 = vector.extract %slice3A_1356[0] : i32 from vector<1xi32>
      %add3A_1358 = arith.addi %add3A_1339, %squeeze3A_1357 : i32
      %get3A_1359 = arith.constant 0 : i32
      %get3A_1360 = arith.index_cast %get3A_1359 : i32 to index
      %get3A_1361 = arith.constant 48 : index
      %get3A_1362 = tpu.vector_load %arg7[%get3A_1360, %get3A_1361] {strides = array<i32>} : memref<4x208xi32, #tpu.memory_space<vmem>>, vector<16xi32>,
      %abs3A_1363 = math.absi %get3A_1362 : vector<16xi32>
      %min3A_1364 = arith.constant 1 : i32
      %min3A_1365 = vector.broadcast %min3A_1364 : i32 to vector<16xi32>
      %min3A_1366 = arith.minsi %abs3A_1363, %min3A_1365 : vector<16xi32>
      %cumsum3A_1367 = arith.constant true
      %cumsum3A_1368 = vector.broadcast %cumsum3A_1367 : i1 to vector<16xi1>
      %cumsum3A_1369 = tpu.scan <sum>, %min3A_1366 masked %cumsum3A_1368 : vector<16xi32>, vector<16xi1> -> vector<16xi32>
      %add3A_1370 = vector.broadcast %add3A_1358 : i32 to vector<16xi32>
      %add3A_1371 = arith.addi %add3A_1370, %cumsum3A_1369 : vector<16xi32>
      %mul3A_1372 = arith.muli %add3A_1371, %min3A_1366 : vector<16xi32>
      %swap3A_1373 = arith.constant 48 : index
      %swap3A_1374 = tpu.vector_load %arg9[%swap3A_1373] {strides = array<i32>} : memref<832xi32, #tpu.memory_space<vmem>>, vector<16xi32>,
      tpu.vector_store %arg9[%swap3A_1373], %mul3A_1372 {strides = array<i32>} : memref<832xi32, #tpu.memory_space<vmem>>, vector<16xi32>,
      %slice3A_1375 = vector.extract_strided_slice %cumsum3A_1369 {offsets = [15], sizes = [1], strides = [1]} : vector<16xi32> to vector<1xi32>
      %squeeze3A_1376 = vector.extract %slice3A_1375[0] : i32 from vector<1xi32>
      %add3A_1377 = arith.addi %add3A_1358, %squeeze3A_1376 : i32
      %get3A_1378 = arith.constant 0 : i32
      %get3A_1379 = arith.index_cast %get3A_1378 : i32 to index
      %get3A_1380 = arith.constant 64 : index
      %get3A_1381 = tpu.vector_load %arg7[%get3A_1379, %get3A_1380] {strides = array<i32>} : memref<4x208xi32, #tpu.memory_space<vmem>>, vector<16xi32>,
      %abs3A_1382 = math.absi %get3A_1381 : vector<16xi32>
      %min3A_1383 = arith.constant 1 : i32
      %min3A_1384 = vector.broadcast %min3A_1383 : i32 to vector<16xi32>
      %min3A_1385 = arith.minsi %abs3A_1382, %min3A_1384 : vector<16xi32>
      %cumsum3A_1386 = arith.constant true
      %cumsum3A_1387 = vector.broadcast %cumsum3A_1386 : i1 to vector<16xi1>
      %cumsum3A_1388 = tpu.scan <sum>, %min3A_1385 masked %cumsum3A_1387 : vector<16xi32>, vector<16xi1> -> vector<16xi32>
      %add3A_1389 = vector.broadcast %add3A_1377 : i32 to vector<16xi32>
      %add3A_1390 = arith.addi %add3A_1389, %cumsum3A_1388 : vector<16xi32>
      %mul3A_1391 = arith.muli %add3A_1390, %min3A_1385 : vector<16xi32>
      %swap3A_1392 = arith.constant 64 : index
      %swap3A_1393 = tpu.vector_load %arg9[%swap3A_1392] {strides = array<i32>} : memref<832xi32, #tpu.memory_space<vmem>>, vector<16xi32>,
      tpu.vector_store %arg9[%swap3A_1392], %mul3A_1391 {strides = array<i32>} : memref<832xi32, #tpu.memory_space<vmem>>, vector<16xi32>,
      %slice3A_1394 = vector.extract_strided_slice %cumsum3A_1388 {offsets = [15], sizes = [1], strides = [1]} : vector<16xi32> to vector<1xi32>
      %squeeze3A_1395 = vector.extract %slice3A_1394[0] : i32 from vector<1xi32>
      %add3A_1396 = arith.addi %add3A_1377, %squeeze3A_1395 : i32
      %get3A_1397 = arith.constant 0 : i32
      %get3A_1398 = arith.index_cast %get3A_1397 : i32 to index
      %get3A_1399 = arith.constant 80 : index
      %get3A_1400 = tpu.vector_load %arg7[%get3A_1398, %get3A_1399] {strides = array<i32>} : memref<4x208xi32, #tpu.memory_space<vmem>>, vector<16xi32>,
      %abs3A_1401 = math.absi %get3A_1400 : vector<16xi32>
      %min3A_1402 = arith.constant 1 : i32
      %min3A_1403 = vector.broadcast %min3A_1402 : i32 to vector<16xi32>
      %min3A_1404 = arith.minsi %abs3A_1401, %min3A_1403 : vector<16xi32>
      %cumsum3A_1405 = arith.constant true
      %cumsum3A_1406 = vector.broadcast %cumsum3A_1405 : i1 to vector<16xi1>
      %cumsum3A_1407 = tpu.scan <sum>, %min3A_1404 masked %cumsum3A_1406 : vector<16xi32>, vector<16xi1> -> vector<16xi32>
      %add3A_1408 = vector.broadcast %add3A_1396 : i32 to vector<16xi32>
      %add3A_1409 = arith.addi %add3A_1408, %cumsum3A_1407 : vector<16xi32>
      %mul3A_1410 = arith.muli %add3A_1409, %min3A_1404 : vector<16xi32>
      %swap3A_1411 = arith.constant 80 : index
      %swap3A_1412 = tpu.vector_load %arg9[%swap3A_1411] {strides = array<i32>} : memref<832xi32, #tpu.memory_space<vmem>>, vector<16xi32>,
      tpu.vector_store %arg9[%swap3A_1411], %mul3A_1410 {strides = array<i32>} : memref<832xi32, #tpu.memory_space<vmem>>, vector<16xi32>,
      %slice3A_1413 = vector.extract_strided_slice %cumsum3A_1407 {offsets = [15], sizes = [1], strides = [1]} : vector<16xi32> to vector<1xi32>
      %squeeze3A_1414 = vector.extract %slice3A_1413[0] : i32 from vector<1xi32>
      %add3A_1415 = arith.addi %add3A_1396, %squeeze3A_1414 : i32
      %get3A_1416 = arith.constant 0 : i32
      %get3A_1417 = arith.index_cast %get3A_1416 : i32 to index
      %get3A_1418 = arith.constant 96 : index
      %get3A_1419 = tpu.vector_load %arg7[%get3A_1417, %get3A_1418] {strides = array<i32>} : memref<4x208xi32, #tpu.memory_space<vmem>>, vector<16xi32>,
      %abs3A_1420 = math.absi %get3A_1419 : vector<16xi32>
      %min3A_1421 = arith.constant 1 : i32
      %min3A_1422 = vector.broadcast %min3A_1421 : i32 to vector<16xi32>
      %min3A_1423 = arith.minsi %abs3A_1420, %min3A_1422 : vector<16xi32>
      %cumsum3A_1424 = arith.constant true
      %cumsum3A_1425 = vector.broadcast %cumsum3A_1424 : i1 to vector<16xi1>
      %cumsum3A_1426 = tpu.scan <sum>, %min3A_1423 masked %cumsum3A_1425 : vector<16xi32>, vector<16xi1> -> vector<16xi32>
      %add3A_1427 = vector.broadcast %add3A_1415 : i32 to vector<16xi32>
      %add3A_1428 = arith.addi %add3A_1427, %cumsum3A_1426 : vector<16xi32>
      %mul3A_1429 = arith.muli %add3A_1428, %min3A_1423 : vector<16xi32>
      %swap3A_1430 = arith.constant 96 : index
      %swap3A_1431 = tpu.vector_load %arg9[%swap3A_1430] {strides = array<i32>} : memref<832xi32, #tpu.memory_space<vmem>>, vector<16xi32>,
      tpu.vector_store %arg9[%swap3A_1430], %mul3A_1429 {strides = array<i32>} : memref<832xi32, #tpu.memory_space<vmem>>, vector<16xi32>,
      %slice3A_1432 = vector.extract_strided_slice %cumsum3A_1426 {offsets = [15], sizes = [1], strides = [1]} : vector<16xi32> to vector<1xi32>
      %squeeze3A_1433 = vector.extract %slice3A_1432[0] : i32 from vector<1xi32>
      %add3A_1434 = arith.addi %add3A_1415, %squeeze3A_1433 : i32
      %get3A_1435 = arith.constant 0 : i32
      %get3A_1436 = arith.index_cast %get3A_1435 : i32 to index
      %get3A_1437 = arith.constant 112 : index
      %get3A_1438 = tpu.vector_load %arg7[%get3A_1436, %get3A_1437] {strides = array<i32>} : memref<4x208xi32, #tpu.memory_space<vmem>>, vector<16xi32>,
      %abs3A_1439 = math.absi %get3A_1438 : vector<16xi32>
      %min3A_1440 = arith.constant 1 : i32
      %min3A_1441 = vector.broadcast %min3A_1440 : i32 to vector<16xi32>
      %min3A_1442 = arith.minsi %abs3A_1439, %min3A_1441 : vector<16xi32>
      %cumsum3A_1443 = arith.constant true
      %cumsum3A_1444 = vector.broadcast %cumsum3A_1443 : i1 to vector<16xi1>
      %cumsum3A_1445 = tpu.scan <sum>, %min3A_1442 masked %cumsum3A_1444 : vector<16xi32>, vector<16xi1> -> vector<16xi32>
      %add3A_1446 = vector.broadcast %add3A_1434 : i32 to vector<16xi32>
      %add3A_1447 = arith.addi %add3A_1446, %cumsum3A_1445 : vector<16xi32>
      %mul3A_1448 = arith.muli %add3A_1447, %min3A_1442 : vector<16xi32>
      %swap3A_1449 = arith.constant 112 : index
      %swap3A_1450 = tpu.vector_load %arg9[%swap3A_1449] {strides = array<i32>} : memref<832xi32, #tpu.memory_space<vmem>>, vector<16xi32>,
      tpu.vector_store %arg9[%swap3A_1449], %mul3A_1448 {strides = array<i32>} : memref<832xi32, #tpu.memory_space<vmem>>, vector<16xi32>,
      %slice3A_1451 = vector.extract_strided_slice %cumsum3A_1445 {offsets = [15], sizes = [1], strides = [1]} : vector<16xi32> to vector<1xi32>
      %squeeze3A_1452 = vector.extract %slice3A_1451[0] : i32 from vector<1xi32>
      %add3A_1453 = arith.addi %add3A_1434, %squeeze3A_1452 : i32
      %get3A_1454 = arith.constant 0 : i32
      %get3A_1455 = arith.index_cast %get3A_1454 : i32 to index
      %get3A_1456 = arith.constant 128 : index
      %get3A_1457 = tpu.vector_load %arg7[%get3A_1455, %get3A_1456] {strides = array<i32>} : memref<4x208xi32, #tpu.memory_space<vmem>>, vector<16xi32>,
      %abs3A_1458 = math.absi %get3A_1457 : vector<16xi32>
      %min3A_1459 = arith.constant 1 : i32
      %min3A_1460 = vector.broadcast %min3A_1459 : i32 to vector<16xi32>
      %min3A_1461 = arith.minsi %abs3A_1458, %min3A_1460 : vector<16xi32>
      %cumsum3A_1462 = arith.constant true
      %cumsum3A_1463 = vector.broadcast %cumsum3A_1462 : i1 to vector<16xi1>
      %cumsum3A_1464 = tpu.scan <sum>, %min3A_1461 masked %cumsum3A_1463 : vector<16xi32>, vector<16xi1> -> vector<16xi32>
      %add3A_1465 = vector.broadcast %add3A_1453 : i32 to vector<16xi32>
      %add3A_1466 = arith.addi %add3A_1465, %cumsum3A_1464 : vector<16xi32>
      %mul3A_1467 = arith.muli %add3A_1466, %min3A_1461 : vector<16xi32>
      %swap3A_1468 = arith.constant 128 : index
      %swap3A_1469 = tpu.vector_load %arg9[%swap3A_1468] {strides = array<i32>} : memref<832xi32, #tpu.memory_space<vmem>>, vector<16xi32>,
      tpu.vector_store %arg9[%swap3A_1468], %mul3A_1467 {strides = array<i32>} : memref<832xi32, #tpu.memory_space<vmem>>, vector<16xi32>,
      %slice3A_1470 = vector.extract_strided_slice %cumsum3A_1464 {offsets = [15], sizes = [1], strides = [1]} : vector<16xi32> to vector<1xi32>
      %squeeze3A_1471 = vector.extract %slice3A_1470[0] : i32 from vector<1xi32>
      %add3A_1472 = arith.addi %add3A_1453, %squeeze3A_1471 : i32
      %get3A_1473 = arith.constant 0 : i32
      %get3A_1474 = arith.index_cast %get3A_1473 : i32 to index
      %get3A_1475 = arith.constant 144 : index
      %get3A_1476 = tpu.vector_load %arg7[%get3A_1474, %get3A_1475] {strides = array<i32>} : memref<4x208xi32, #tpu.memory_space<vmem>>, vector<16xi32>,
      %abs3A_1477 = math.absi %get3A_1476 : vector<16xi32>
      %min3A_1478 = arith.constant 1 : i32
      %min3A_1479 = vector.broadcast %min3A_1478 : i32 to vector<16xi32>
      %min3A_1480 = arith.minsi %abs3A_1477, %min3A_1479 : vector<16xi32>
      %cumsum3A_1481 = arith.constant true
      %cumsum3A_1482 = vector.broadcast %cumsum3A_1481 : i1 to vector<16xi1>
      %cumsum3A_1483 = tpu.scan <sum>, %min3A_1480 masked %cumsum3A_1482 : vector<16xi32>, vector<16xi1> -> vector<16xi32>
      %add3A_1484 = vector.broadcast %add3A_1472 : i32 to vector<16xi32>
      %add3A_1485 = arith.addi %add3A_1484, %cumsum3A_1483 : vector<16xi32>
      %mul3A_1486 = arith.muli %add3A_1485, %min3A_1480 : vector<16xi32>
      %swap3A_1487 = arith.constant 144 : index
      %swap3A_1488 = tpu.vector_load %arg9[%swap3A_1487] {strides = array<i32>} : memref<832xi32, #tpu.memory_space<vmem>>, vector<16xi32>,
      tpu.vector_store %arg9[%swap3A_1487], %mul3A_1486 {strides = array<i32>} : memref<832xi32, #tpu.memory_space<vmem>>, vector<16xi32>,
      %slice3A_1489 = vector.extract_strided_slice %cumsum3A_1483 {offsets = [15], sizes = [1], strides = [1]} : vector<16xi32> to vector<1xi32>
      %squeeze3A_1490 = vector.extract %slice3A_1489[0] : i32 from vector<1xi32>
      %add3A_1491 = arith.addi %add3A_1472, %squeeze3A_1490 : i32
      %get3A_1492 = arith.constant 0 : i32
      %get3A_1493 = arith.index_cast %get3A_1492 : i32 to index
      %get3A_1494 = arith.constant 160 : index
      %get3A_1495 = tpu.vector_load %arg7[%get3A_1493, %get3A_1494] {strides = array<i32>} : memref<4x208xi32, #tpu.memory_space<vmem>>, vector<16xi32>,
      %abs3A_1496 = math.absi %get3A_1495 : vector<16xi32>
      %min3A_1497 = arith.constant 1 : i32
      %min3A_1498 = vector.broadcast %min3A_1497 : i32 to vector<16xi32>
      %min3A_1499 = arith.minsi %abs3A_1496, %min3A_1498 : vector<16xi32>
      %cumsum3A_1500 = arith.constant true
      %cumsum3A_1501 = vector.broadcast %cumsum3A_1500 : i1 to vector<16xi1>
      %cumsum3A_1502 = tpu.scan <sum>, %min3A_1499 masked %cumsum3A_1501 : vector<16xi32>, vector<16xi1> -> vector<16xi32>
      %add3A_1503 = vector.broadcast %add3A_1491 : i32 to vector<16xi32>
      %add3A_1504 = arith.addi %add3A_1503, %cumsum3A_1502 : vector<16xi32>
      %mul3A_1505 = arith.muli %add3A_1504, %min3A_1499 : vector<16xi32>
      %swap3A_1506 = arith.constant 160 : index
      %swap3A_1507 = tpu.vector_load %arg9[%swap3A_1506] {strides = array<i32>} : memref<832xi32, #tpu.memory_space<vmem>>, vector<16xi32>,
      tpu.vector_store %arg9[%swap3A_1506], %mul3A_1505 {strides = array<i32>} : memref<832xi32, #tpu.memory_space<vmem>>, vector<16xi32>,
      %slice3A_1508 = vector.extract_strided_slice %cumsum3A_1502 {offsets = [15], sizes = [1], strides = [1]} : vector<16xi32> to vector<1xi32>
      %squeeze3A_1509 = vector.extract %slice3A_1508[0] : i32 from vector<1xi32>
      %add3A_1510 = arith.addi %add3A_1491, %squeeze3A_1509 : i32
      %get3A_1511 = arith.constant 0 : i32
      %get3A_1512 = arith.index_cast %get3A_1511 : i32 to index
      %get3A_1513 = arith.constant 176 : index
      %get3A_1514 = tpu.vector_load %arg7[%get3A_1512, %get3A_1513] {strides = array<i32>} : memref<4x208xi32, #tpu.memory_space<vmem>>, vector<16xi32>,
      %abs3A_1515 = math.absi %get3A_1514 : vector<16xi32>
      %min3A_1516 = arith.constant 1 : i32
      %min3A_1517 = vector.broadcast %min3A_1516 : i32 to vector<16xi32>
      %min3A_1518 = arith.minsi %abs3A_1515, %min3A_1517 : vector<16xi32>
      %cumsum3A_1519 = arith.constant true
      %cumsum3A_1520 = vector.broadcast %cumsum3A_1519 : i1 to vector<16xi1>
      %cumsum3A_1521 = tpu.scan <sum>, %min3A_1518 masked %cumsum3A_1520 : vector<16xi32>, vector<16xi1> -> vector<16xi32>
      %add3A_1522 = vector.broadcast %add3A_1510 : i32 to vector<16xi32>
      %add3A_1523 = arith.addi %add3A_1522, %cumsum3A_1521 : vector<16xi32>
      %mul3A_1524 = arith.muli %add3A_1523, %min3A_1518 : vector<16xi32>
      %swap3A_1525 = arith.constant 176 : index
      %swap3A_1526 = tpu.vector_load %arg9[%swap3A_1525] {strides = array<i32>} : memref<832xi32, #tpu.memory_space<vmem>>, vector<16xi32>,
      tpu.vector_store %arg9[%swap3A_1525], %mul3A_1524 {strides = array<i32>} : memref<832xi32, #tpu.memory_space<vmem>>, vector<16xi32>,
      %slice3A_1527 = vector.extract_strided_slice %cumsum3A_1521 {offsets = [15], sizes = [1], strides = [1]} : vector<16xi32> to vector<1xi32>
      %squeeze3A_1528 = vector.extract %slice3A_1527[0] : i32 from vector<1xi32>
      %add3A_1529 = arith.addi %add3A_1510, %squeeze3A_1528 : i32
      %get3A_1530 = arith.constant 0 : i32
      %get3A_1531 = arith.index_cast %get3A_1530 : i32 to index
      %get3A_1532 = arith.constant 192 : index
      %get3A_1533 = tpu.vector_load %arg7[%get3A_1531, %get3A_1532] {strides = array<i32>} : memref<4x208xi32, #tpu.memory_space<vmem>>, vector<16xi32>,
      %abs3A_1534 = math.absi %get3A_1533 : vector<16xi32>
      %min3A_1535 = arith.constant 1 : i32
      %min3A_1536 = vector.broadcast %min3A_1535 : i32 to vector<16xi32>
      %min3A_1537 = arith.minsi %abs3A_1534, %min3A_1536 : vector<16xi32>
      %cumsum3A_1538 = arith.constant true
      %cumsum3A_1539 = vector.broadcast %cumsum3A_1538 : i1 to vector<16xi1>
      %cumsum3A_1540 = tpu.scan <sum>, %min3A_1537 masked %cumsum3A_1539 : vector<16xi32>, vector<16xi1> -> vector<16xi32>
      %add3A_1541 = vector.broadcast %add3A_1529 : i32 to vector<16xi32>
      %add3A_1542 = arith.addi %add3A_1541, %cumsum3A_1540 : vector<16xi32>
      %mul3A_1543 = arith.muli %add3A_1542, %min3A_1537 : vector<16xi32>
      %swap3A_1544 = arith.constant 192 : index
      %swap3A_1545 = tpu.vector_load %arg9[%swap3A_1544] {strides = array<i32>} : memref<832xi32, #tpu.memory_space<vmem>>, vector<16xi32>,
      tpu.vector_store %arg9[%swap3A_1544], %mul3A_1543 {strides = array<i32>} : memref<832xi32, #tpu.memory_space<vmem>>, vector<16xi32>,
      %slice3A_1546 = vector.extract_strided_slice %cumsum3A_1540 {offsets = [15], sizes = [1], strides = [1]} : vector<16xi32> to vector<1xi32>
      %squeeze3A_1547 = vector.extract %slice3A_1546[0] : i32 from vector<1xi32>
      %add3A_1548 = arith.addi %add3A_1529, %squeeze3A_1547 : i32
      %get3A_1549 = arith.constant 1 : i32
      %get3A_1550 = arith.index_cast %get3A_1549 : i32 to index
      %get3A_1551 = arith.constant 0 : index
      %get3A_1552 = tpu.vector_load %arg7[%get3A_1550, %get3A_1551] {strides = array<i32>} : memref<4x208xi32, #tpu.memory_space<vmem>>, vector<16xi32>,
      %abs3A_1553 = math.absi %get3A_1552 : vector<16xi32>
      %min3A_1554 = arith.constant 1 : i32
      %min3A_1555 = vector.broadcast %min3A_1554 : i32 to vector<16xi32>
      %min3A_1556 = arith.minsi %abs3A_1553, %min3A_1555 : vector<16xi32>
      %cumsum3A_1557 = arith.constant true
      %cumsum3A_1558 = vector.broadcast %cumsum3A_1557 : i1 to vector<16xi1>
      %cumsum3A_1559 = tpu.scan <sum>, %min3A_1556 masked %cumsum3A_1558 : vector<16xi32>, vector<16xi1> -> vector<16xi32>
      %add3A_1560 = arith.constant 0 : i32
      %add3A_1561 = vector.broadcast %add3A_1560 : i32 to vector<16xi32>
      %add3A_1562 = arith.addi %add3A_1561, %cumsum3A_1559 : vector<16xi32>
      %mul3A_1563 = arith.muli %add3A_1562, %min3A_1556 : vector<16xi32>
      %swap3A_1564 = arith.constant 208 : index
      %swap3A_1565 = tpu.vector_load %arg9[%swap3A_1564] {strides = array<i32>} : memref<832xi32, #tpu.memory_space<vmem>>, vector<16xi32>,
      tpu.vector_store %arg9[%swap3A_1564], %mul3A_1563 {strides = array<i32>} : memref<832xi32, #tpu.memory_space<vmem>>, vector<16xi32>,
      %slice3A_1566 = vector.extract_strided_slice %cumsum3A_1559 {offsets = [15], sizes = [1], strides = [1]} : vector<16xi32> to vector<1xi32>
      %squeeze3A_1567 = vector.extract %slice3A_1566[0] : i32 from vector<1xi32>
      %add3A_1568 = arith.constant 0 : i32
      %add3A_1569 = arith.addi %add3A_1568, %squeeze3A_1567 : i32
      %get3A_1570 = arith.constant 1 : i32
      %get3A_1571 = arith.index_cast %get3A_1570 : i32 to index
      %get3A_1572 = arith.constant 16 : index
      %get3A_1573 = tpu.vector_load %arg7[%get3A_1571, %get3A_1572] {strides = array<i32>} : memref<4x208xi32, #tpu.memory_space<vmem>>, vector<16xi32>,
      %abs3A_1574 = math.absi %get3A_1573 : vector<16xi32>
      %min3A_1575 = arith.constant 1 : i32
      %min3A_1576 = vector.broadcast %min3A_1575 : i32 to vector<16xi32>
      %min3A_1577 = arith.minsi %abs3A_1574, %min3A_1576 : vector<16xi32>
      %cumsum3A_1578 = arith.constant true
      %cumsum3A_1579 = vector.broadcast %cumsum3A_1578 : i1 to vector<16xi1>
      %cumsum3A_1580 = tpu.scan <sum>, %min3A_1577 masked %cumsum3A_1579 : vector<16xi32>, vector<16xi1> -> vector<16xi32>
      %add3A_1581 = vector.broadcast %add3A_1569 : i32 to vector<16xi32>
      %add3A_1582 = arith.addi %add3A_1581, %cumsum3A_1580 : vector<16xi32>
      %mul3A_1583 = arith.muli %add3A_1582, %min3A_1577 : vector<16xi32>
      %swap3A_1584 = arith.constant 224 : index
      %swap3A_1585 = tpu.vector_load %arg9[%swap3A_1584] {strides = array<i32>} : memref<832xi32, #tpu.memory_space<vmem>>, vector<16xi32>,
      tpu.vector_store %arg9[%swap3A_1584], %mul3A_1583 {strides = array<i32>} : memref<832xi32, #tpu.memory_space<vmem>>, vector<16xi32>,
      %slice3A_1586 = vector.extract_strided_slice %cumsum3A_1580 {offsets = [15], sizes = [1], strides = [1]} : vector<16xi32> to vector<1xi32>
      %squeeze3A_1587 = vector.extract %slice3A_1586[0] : i32 from vector<1xi32>
      %add3A_1588 = arith.addi %add3A_1569, %squeeze3A_1587 : i32
      %get3A_1589 = arith.constant 1 : i32
      %get3A_1590 = arith.index_cast %get3A_1589 : i32 to index
      %get3A_1591 = arith.constant 32 : index
      %get3A_1592 = tpu.vector_load %arg7[%get3A_1590, %get3A_1591] {strides = array<i32>} : memref<4x208xi32, #tpu.memory_space<vmem>>, vector<16xi32>,
      %abs3A_1593 = math.absi %get3A_1592 : vector<16xi32>
      %min3A_1594 = arith.constant 1 : i32
      %min3A_1595 = vector.broadcast %min3A_1594 : i32 to vector<16xi32>
      %min3A_1596 = arith.minsi %abs3A_1593, %min3A_1595 : vector<16xi32>
      %cumsum3A_1597 = arith.constant true
      %cumsum3A_1598 = vector.broadcast %cumsum3A_1597 : i1 to vector<16xi1>
      %cumsum3A_1599 = tpu.scan <sum>, %min3A_1596 masked %cumsum3A_1598 : vector<16xi32>, vector<16xi1> -> vector<16xi32>
      %add3A_1600 = vector.broadcast %add3A_1588 : i32 to vector<16xi32>
      %add3A_1601 = arith.addi %add3A_1600, %cumsum3A_1599 : vector<16xi32>
      %mul3A_1602 = arith.muli %add3A_1601, %min3A_1596 : vector<16xi32>
      %swap3A_1603 = arith.constant 240 : index
      %swap3A_1604 = tpu.vector_load %arg9[%swap3A_1603] {strides = array<i32>} : memref<832xi32, #tpu.memory_space<vmem>>, vector<16xi32>,
      tpu.vector_store %arg9[%swap3A_1603], %mul3A_1602 {strides = array<i32>} : memref<832xi32, #tpu.memory_space<vmem>>, vector<16xi32>,
      %slice3A_1605 = vector.extract_strided_slice %cumsum3A_1599 {offsets = [15], sizes = [1], strides = [1]} : vector<16xi32> to vector<1xi32>
      %squeeze3A_1606 = vector.extract %slice3A_1605[0] : i32 from vector<1xi32>
      %add3A_1607 = arith.addi %add3A_1588, %squeeze3A_1606 : i32
      %get3A_1608 = arith.constant 1 : i32
      %get3A_1609 = arith.index_cast %get3A_1608 : i32 to index
      %get3A_1610 = arith.constant 48 : index
      %get3A_1611 = tpu.vector_load %arg7[%get3A_1609, %get3A_1610] {strides = array<i32>} : memref<4x208xi32, #tpu.memory_space<vmem>>, vector<16xi32>,
      %abs3A_1612 = math.absi %get3A_1611 : vector<16xi32>
      %min3A_1613 = arith.constant 1 : i32
      %min3A_1614 = vector.broadcast %min3A_1613 : i32 to vector<16xi32>
      %min3A_1615 = arith.minsi %abs3A_1612, %min3A_1614 : vector<16xi32>
      %cumsum3A_1616 = arith.constant true
      %cumsum3A_1617 = vector.broadcast %cumsum3A_1616 : i1 to vector<16xi1>
      %cumsum3A_1618 = tpu.scan <sum>, %min3A_1615 masked %cumsum3A_1617 : vector<16xi32>, vector<16xi1> -> vector<16xi32>
      %add3A_1619 = vector.broadcast %add3A_1607 : i32 to vector<16xi32>
      %add3A_1620 = arith.addi %add3A_1619, %cumsum3A_1618 : vector<16xi32>
      %mul3A_1621 = arith.muli %add3A_1620, %min3A_1615 : vector<16xi32>
      %swap3A_1622 = arith.constant 256 : index
      %swap3A_1623 = tpu.vector_load %arg9[%swap3A_1622] {strides = array<i32>} : memref<832xi32, #tpu.memory_space<vmem>>, vector<16xi32>,
      tpu.vector_store %arg9[%swap3A_1622], %mul3A_1621 {strides = array<i32>} : memref<832xi32, #tpu.memory_space<vmem>>, vector<16xi32>,
      %slice3A_1624 = vector.extract_strided_slice %cumsum3A_1618 {offsets = [15], sizes = [1], strides = [1]} : vector<16xi32> to vector<1xi32>
      %squeeze3A_1625 = vector.extract %slice3A_1624[0] : i32 from vector<1xi32>
      %add3A_1626 = arith.addi %add3A_1607, %squeeze3A_1625 : i32
      %get3A_1627 = arith.constant 1 : i32
      %get3A_1628 = arith.index_cast %get3A_1627 : i32 to index
      %get3A_1629 = arith.constant 64 : index
      %get3A_1630 = tpu.vector_load %arg7[%get3A_1628, %get3A_1629] {strides = array<i32>} : memref<4x208xi32, #tpu.memory_space<vmem>>, vector<16xi32>,
      %abs3A_1631 = math.absi %get3A_1630 : vector<16xi32>
      %min3A_1632 = arith.constant 1 : i32
      %min3A_1633 = vector.broadcast %min3A_1632 : i32 to vector<16xi32>
      %min3A_1634 = arith.minsi %abs3A_1631, %min3A_1633 : vector<16xi32>
      %cumsum3A_1635 = arith.constant true
      %cumsum3A_1636 = vector.broadcast %cumsum3A_1635 : i1 to vector<16xi1>
      %cumsum3A_1637 = tpu.scan <sum>, %min3A_1634 masked %cumsum3A_1636 : vector<16xi32>, vector<16xi1> -> vector<16xi32>
      %add3A_1638 = vector.broadcast %add3A_1626 : i32 to vector<16xi32>
      %add3A_1639 = arith.addi %add3A_1638, %cumsum3A_1637 : vector<16xi32>
      %mul3A_1640 = arith.muli %add3A_1639, %min3A_1634 : vector<16xi32>
      %swap3A_1641 = arith.constant 272 : index
      %swap3A_1642 = tpu.vector_load %arg9[%swap3A_1641] {strides = array<i32>} : memref<832xi32, #tpu.memory_space<vmem>>, vector<16xi32>,
      tpu.vector_store %arg9[%swap3A_1641], %mul3A_1640 {strides = array<i32>} : memref<832xi32, #tpu.memory_space<vmem>>, vector<16xi32>,
      %slice3A_1643 = vector.extract_strided_slice %cumsum3A_1637 {offsets = [15], sizes = [1], strides = [1]} : vector<16xi32> to vector<1xi32>
      %squeeze3A_1644 = vector.extract %slice3A_1643[0] : i32 from vector<1xi32>
      %add3A_1645 = arith.addi %add3A_1626, %squeeze3A_1644 : i32
      %get3A_1646 = arith.constant 1 : i32
      %get3A_1647 = arith.index_cast %get3A_1646 : i32 to index
      %get3A_1648 = arith.constant 80 : index
      %get3A_1649 = tpu.vector_load %arg7[%get3A_1647, %get3A_1648] {strides = array<i32>} : memref<4x208xi32, #tpu.memory_space<vmem>>, vector<16xi32>,
      %abs3A_1650 = math.absi %get3A_1649 : vector<16xi32>
      %min3A_1651 = arith.constant 1 : i32
      %min3A_1652 = vector.broadcast %min3A_1651 : i32 to vector<16xi32>
      %min3A_1653 = arith.minsi %abs3A_1650, %min3A_1652 : vector<16xi32>
      %cumsum3A_1654 = arith.constant true
      %cumsum3A_1655 = vector.broadcast %cumsum3A_1654 : i1 to vector<16xi1>
      %cumsum3A_1656 = tpu.scan <sum>, %min3A_1653 masked %cumsum3A_1655 : vector<16xi32>, vector<16xi1> -> vector<16xi32>
      %add3A_1657 = vector.broadcast %add3A_1645 : i32 to vector<16xi32>
      %add3A_1658 = arith.addi %add3A_1657, %cumsum3A_1656 : vector<16xi32>
      %mul3A_1659 = arith.muli %add3A_1658, %min3A_1653 : vector<16xi32>
      %swap3A_1660 = arith.constant 288 : index
      %swap3A_1661 = tpu.vector_load %arg9[%swap3A_1660] {strides = array<i32>} : memref<832xi32, #tpu.memory_space<vmem>>, vector<16xi32>,
      tpu.vector_store %arg9[%swap3A_1660], %mul3A_1659 {strides = array<i32>} : memref<832xi32, #tpu.memory_space<vmem>>, vector<16xi32>,
      %slice3A_1662 = vector.extract_strided_slice %cumsum3A_1656 {offsets = [15], sizes = [1], strides = [1]} : vector<16xi32> to vector<1xi32>
      %squeeze3A_1663 = vector.extract %slice3A_1662[0] : i32 from vector<1xi32>
      %add3A_1664 = arith.addi %add3A_1645, %squeeze3A_1663 : i32
      %get3A_1665 = arith.constant 1 : i32
      %get3A_1666 = arith.index_cast %get3A_1665 : i32 to index
      %get3A_1667 = arith.constant 96 : index
      %get3A_1668 = tpu.vector_load %arg7[%get3A_1666, %get3A_1667] {strides = array<i32>} : memref<4x208xi32, #tpu.memory_space<vmem>>, vector<16xi32>,
      %abs3A_1669 = math.absi %get3A_1668 : vector<16xi32>
      %min3A_1670 = arith.constant 1 : i32
      %min3A_1671 = vector.broadcast %min3A_1670 : i32 to vector<16xi32>
      %min3A_1672 = arith.minsi %abs3A_1669, %min3A_1671 : vector<16xi32>
      %cumsum3A_1673 = arith.constant true
      %cumsum3A_1674 = vector.broadcast %cumsum3A_1673 : i1 to vector<16xi1>
      %cumsum3A_1675 = tpu.scan <sum>, %min3A_1672 masked %cumsum3A_1674 : vector<16xi32>, vector<16xi1> -> vector<16xi32>
      %add3A_1676 = vector.broadcast %add3A_1664 : i32 to vector<16xi32>
      %add3A_1677 = arith.addi %add3A_1676, %cumsum3A_1675 : vector<16xi32>
      %mul3A_1678 = arith.muli %add3A_1677, %min3A_1672 : vector<16xi32>
      %swap3A_1679 = arith.constant 304 : index
      %swap3A_1680 = tpu.vector_load %arg9[%swap3A_1679] {strides = array<i32>} : memref<832xi32, #tpu.memory_space<vmem>>, vector<16xi32>,
      tpu.vector_store %arg9[%swap3A_1679], %mul3A_1678 {strides = array<i32>} : memref<832xi32, #tpu.memory_space<vmem>>, vector<16xi32>,
      %slice3A_1681 = vector.extract_strided_slice %cumsum3A_1675 {offsets = [15], sizes = [1], strides = [1]} : vector<16xi32> to vector<1xi32>
      %squeeze3A_1682 = vector.extract %slice3A_1681[0] : i32 from vector<1xi32>
      %add3A_1683 = arith.addi %add3A_1664, %squeeze3A_1682 : i32
      %get3A_1684 = arith.constant 1 : i32
      %get3A_1685 = arith.index_cast %get3A_1684 : i32 to index
      %get3A_1686 = arith.constant 112 : index
      %get3A_1687 = tpu.vector_load %arg7[%get3A_1685, %get3A_1686] {strides = array<i32>} : memref<4x208xi32, #tpu.memory_space<vmem>>, vector<16xi32>,
      %abs3A_1688 = math.absi %get3A_1687 : vector<16xi32>
      %min3A_1689 = arith.constant 1 : i32
      %min3A_1690 = vector.broadcast %min3A_1689 : i32 to vector<16xi32>
      %min3A_1691 = arith.minsi %abs3A_1688, %min3A_1690 : vector<16xi32>
      %cumsum3A_1692 = arith.constant true
      %cumsum3A_1693 = vector.broadcast %cumsum3A_1692 : i1 to vector<16xi1>
      %cumsum3A_1694 = tpu.scan <sum>, %min3A_1691 masked %cumsum3A_1693 : vector<16xi32>, vector<16xi1> -> vector<16xi32>
      %add3A_1695 = vector.broadcast %add3A_1683 : i32 to vector<16xi32>
      %add3A_1696 = arith.addi %add3A_1695, %cumsum3A_1694 : vector<16xi32>
      %mul3A_1697 = arith.muli %add3A_1696, %min3A_1691 : vector<16xi32>
      %swap3A_1698 = arith.constant 320 : index
      %swap3A_1699 = tpu.vector_load %arg9[%swap3A_1698] {strides = array<i32>} : memref<832xi32, #tpu.memory_space<vmem>>, vector<16xi32>,
      tpu.vector_store %arg9[%swap3A_1698], %mul3A_1697 {strides = array<i32>} : memref<832xi32, #tpu.memory_space<vmem>>, vector<16xi32>,
      %slice3A_1700 = vector.extract_strided_slice %cumsum3A_1694 {offsets = [15], sizes = [1], strides = [1]} : vector<16xi32> to vector<1xi32>
      %squeeze3A_1701 = vector.extract %slice3A_1700[0] : i32 from vector<1xi32>
      %add3A_1702 = arith.addi %add3A_1683, %squeeze3A_1701 : i32
      %get3A_1703 = arith.constant 1 : i32
      %get3A_1704 = arith.index_cast %get3A_1703 : i32 to index
      %get3A_1705 = arith.constant 128 : index
      %get3A_1706 = tpu.vector_load %arg7[%get3A_1704, %get3A_1705] {strides = array<i32>} : memref<4x208xi32, #tpu.memory_space<vmem>>, vector<16xi32>,
      %abs3A_1707 = math.absi %get3A_1706 : vector<16xi32>
      %min3A_1708 = arith.constant 1 : i32
      %min3A_1709 = vector.broadcast %min3A_1708 : i32 to vector<16xi32>
      %min3A_1710 = arith.minsi %abs3A_1707, %min3A_1709 : vector<16xi32>
      %cumsum3A_1711 = arith.constant true
      %cumsum3A_1712 = vector.broadcast %cumsum3A_1711 : i1 to vector<16xi1>
      %cumsum3A_1713 = tpu.scan <sum>, %min3A_1710 masked %cumsum3A_1712 : vector<16xi32>, vector<16xi1> -> vector<16xi32>
      %add3A_1714 = vector.broadcast %add3A_1702 : i32 to vector<16xi32>
      %add3A_1715 = arith.addi %add3A_1714, %cumsum3A_1713 : vector<16xi32>
      %mul3A_1716 = arith.muli %add3A_1715, %min3A_1710 : vector<16xi32>
      %swap3A_1717 = arith.constant 336 : index
      %swap3A_1718 = tpu.vector_load %arg9[%swap3A_1717] {strides = array<i32>} : memref<832xi32, #tpu.memory_space<vmem>>, vector<16xi32>,
      tpu.vector_store %arg9[%swap3A_1717], %mul3A_1716 {strides = array<i32>} : memref<832xi32, #tpu.memory_space<vmem>>, vector<16xi32>,
      %slice3A_1719 = vector.extract_strided_slice %cumsum3A_1713 {offsets = [15], sizes = [1], strides = [1]} : vector<16xi32> to vector<1xi32>
      %squeeze3A_1720 = vector.extract %slice3A_1719[0] : i32 from vector<1xi32>
      %add3A_1721 = arith.addi %add3A_1702, %squeeze3A_1720 : i32
      %get3A_1722 = arith.constant 1 : i32
      %get3A_1723 = arith.index_cast %get3A_1722 : i32 to index
      %get3A_1724 = arith.constant 144 : index
      %get3A_1725 = tpu.vector_load %arg7[%get3A_1723, %get3A_1724] {strides = array<i32>} : memref<4x208xi32, #tpu.memory_space<vmem>>, vector<16xi32>,
      %abs3A_1726 = math.absi %get3A_1725 : vector<16xi32>
      %min3A_1727 = arith.constant 1 : i32
      %min3A_1728 = vector.broadcast %min3A_1727 : i32 to vector<16xi32>
      %min3A_1729 = arith.minsi %abs3A_1726, %min3A_1728 : vector<16xi32>
      %cumsum3A_1730 = arith.constant true
      %cumsum3A_1731 = vector.broadcast %cumsum3A_1730 : i1 to vector<16xi1>
      %cumsum3A_1732 = tpu.scan <sum>, %min3A_1729 masked %cumsum3A_1731 : vector<16xi32>, vector<16xi1> -> vector<16xi32>
      %add3A_1733 = vector.broadcast %add3A_1721 : i32 to vector<16xi32>
      %add3A_1734 = arith.addi %add3A_1733, %cumsum3A_1732 : vector<16xi32>
      %mul3A_1735 = arith.muli %add3A_1734, %min3A_1729 : vector<16xi32>
      %swap3A_1736 = arith.constant 352 : index
      %swap3A_1737 = tpu.vector_load %arg9[%swap3A_1736] {strides = array<i32>} : memref<832xi32, #tpu.memory_space<vmem>>, vector<16xi32>,
      tpu.vector_store %arg9[%swap3A_1736], %mul3A_1735 {strides = array<i32>} : memref<832xi32, #tpu.memory_space<vmem>>, vector<16xi32>,
      %slice3A_1738 = vector.extract_strided_slice %cumsum3A_1732 {offsets = [15], sizes = [1], strides = [1]} : vector<16xi32> to vector<1xi32>
      %squeeze3A_1739 = vector.extract %slice3A_1738[0] : i32 from vector<1xi32>
      %add3A_1740 = arith.addi %add3A_1721, %squeeze3A_1739 : i32
      %get3A_1741 = arith.constant 1 : i32
      %get3A_1742 = arith.index_cast %get3A_1741 : i32 to index
      %get3A_1743 = arith.constant 160 : index
      %get3A_1744 = tpu.vector_load %arg7[%get3A_1742, %get3A_1743] {strides = array<i32>} : memref<4x208xi32, #tpu.memory_space<vmem>>, vector<16xi32>,
      %abs3A_1745 = math.absi %get3A_1744 : vector<16xi32>
      %min3A_1746 = arith.constant 1 : i32
      %min3A_1747 = vector.broadcast %min3A_1746 : i32 to vector<16xi32>
      %min3A_1748 = arith.minsi %abs3A_1745, %min3A_1747 : vector<16xi32>
      %cumsum3A_1749 = arith.constant true
      %cumsum3A_1750 = vector.broadcast %cumsum3A_1749 : i1 to vector<16xi1>
      %cumsum3A_1751 = tpu.scan <sum>, %min3A_1748 masked %cumsum3A_1750 : vector<16xi32>, vector<16xi1> -> vector<16xi32>
      %add3A_1752 = vector.broadcast %add3A_1740 : i32 to vector<16xi32>
      %add3A_1753 = arith.addi %add3A_1752, %cumsum3A_1751 : vector<16xi32>
      %mul3A_1754 = arith.muli %add3A_1753, %min3A_1748 : vector<16xi32>
      %swap3A_1755 = arith.constant 368 : index
      %swap3A_1756 = tpu.vector_load %arg9[%swap3A_1755] {strides = array<i32>} : memref<832xi32, #tpu.memory_space<vmem>>, vector<16xi32>,
      tpu.vector_store %arg9[%swap3A_1755], %mul3A_1754 {strides = array<i32>} : memref<832xi32, #tpu.memory_space<vmem>>, vector<16xi32>,
      %slice3A_1757 = vector.extract_strided_slice %cumsum3A_1751 {offsets = [15], sizes = [1], strides = [1]} : vector<16xi32> to vector<1xi32>
      %squeeze3A_1758 = vector.extract %slice3A_1757[0] : i32 from vector<1xi32>
      %add3A_1759 = arith.addi %add3A_1740, %squeeze3A_1758 : i32
      %get3A_1760 = arith.constant 1 : i32
      %get3A_1761 = arith.index_cast %get3A_1760 : i32 to index
      %get3A_1762 = arith.constant 176 : index
      %get3A_1763 = tpu.vector_load %arg7[%get3A_1761, %get3A_1762] {strides = array<i32>} : memref<4x208xi32, #tpu.memory_space<vmem>>, vector<16xi32>,
      %abs3A_1764 = math.absi %get3A_1763 : vector<16xi32>
      %min3A_1765 = arith.constant 1 : i32
      %min3A_1766 = vector.broadcast %min3A_1765 : i32 to vector<16xi32>
      %min3A_1767 = arith.minsi %abs3A_1764, %min3A_1766 : vector<16xi32>
      %cumsum3A_1768 = arith.constant true
      %cumsum3A_1769 = vector.broadcast %cumsum3A_1768 : i1 to vector<16xi1>
      %cumsum3A_1770 = tpu.scan <sum>, %min3A_1767 masked %cumsum3A_1769 : vector<16xi32>, vector<16xi1> -> vector<16xi32>
      %add3A_1771 = vector.broadcast %add3A_1759 : i32 to vector<16xi32>
      %add3A_1772 = arith.addi %add3A_1771, %cumsum3A_1770 : vector<16xi32>
      %mul3A_1773 = arith.muli %add3A_1772, %min3A_1767 : vector<16xi32>
      %swap3A_1774 = arith.constant 384 : index
      %swap3A_1775 = tpu.vector_load %arg9[%swap3A_1774] {strides = array<i32>} : memref<832xi32, #tpu.memory_space<vmem>>, vector<16xi32>,
      tpu.vector_store %arg9[%swap3A_1774], %mul3A_1773 {strides = array<i32>} : memref<832xi32, #tpu.memory_space<vmem>>, vector<16xi32>,
      %slice3A_1776 = vector.extract_strided_slice %cumsum3A_1770 {offsets = [15], sizes = [1], strides = [1]} : vector<16xi32> to vector<1xi32>
      %squeeze3A_1777 = vector.extract %slice3A_1776[0] : i32 from vector<1xi32>
      %add3A_1778 = arith.addi %add3A_1759, %squeeze3A_1777 : i32
      %get3A_1779 = arith.constant 1 : i32
      %get3A_1780 = arith.index_cast %get3A_1779 : i32 to index
      %get3A_1781 = arith.constant 192 : index
      %get3A_1782 = tpu.vector_load %arg7[%get3A_1780, %get3A_1781] {strides = array<i32>} : memref<4x208xi32, #tpu.memory_space<vmem>>, vector<16xi32>,
      %abs3A_1783 = math.absi %get3A_1782 : vector<16xi32>
      %min3A_1784 = arith.constant 1 : i32
      %min3A_1785 = vector.broadcast %min3A_1784 : i32 to vector<16xi32>
      %min3A_1786 = arith.minsi %abs3A_1783, %min3A_1785 : vector<16xi32>
      %cumsum3A_1787 = arith.constant true
      %cumsum3A_1788 = vector.broadcast %cumsum3A_1787 : i1 to vector<16xi1>
      %cumsum3A_1789 = tpu.scan <sum>, %min3A_1786 masked %cumsum3A_1788 : vector<16xi32>, vector<16xi1> -> vector<16xi32>
      %add3A_1790 = vector.broadcast %add3A_1778 : i32 to vector<16xi32>
      %add3A_1791 = arith.addi %add3A_1790, %cumsum3A_1789 : vector<16xi32>
      %mul3A_1792 = arith.muli %add3A_1791, %min3A_1786 : vector<16xi32>
      %swap3A_1793 = arith.constant 400 : index
      %swap3A_1794 = tpu.vector_load %arg9[%swap3A_1793] {strides = array<i32>} : memref<832xi32, #tpu.memory_space<vmem>>, vector<16xi32>,
      tpu.vector_store %arg9[%swap3A_1793], %mul3A_1792 {strides = array<i32>} : memref<832xi32, #tpu.memory_space<vmem>>, vector<16xi32>,
      %slice3A_1795 = vector.extract_strided_slice %cumsum3A_1789 {offsets = [15], sizes = [1], strides = [1]} : vector<16xi32> to vector<1xi32>
      %squeeze3A_1796 = vector.extract %slice3A_1795[0] : i32 from vector<1xi32>
      %add3A_1797 = arith.addi %add3A_1778, %squeeze3A_1796 : i32
      %get3A_1798 = arith.constant 2 : i32
      %get3A_1799 = arith.index_cast %get3A_1798 : i32 to index
      %get3A_1800 = arith.constant 0 : index
      %get3A_1801 = tpu.vector_load %arg7[%get3A_1799, %get3A_1800] {strides = array<i32>} : memref<4x208xi32, #tpu.memory_space<vmem>>, vector<16xi32>,
      %abs3A_1802 = math.absi %get3A_1801 : vector<16xi32>
      %min3A_1803 = arith.constant 1 : i32
      %min3A_1804 = vector.broadcast %min3A_1803 : i32 to vector<16xi32>
      %min3A_1805 = arith.minsi %abs3A_1802, %min3A_1804 : vector<16xi32>
      %cumsum3A_1806 = arith.constant true
      %cumsum3A_1807 = vector.broadcast %cumsum3A_1806 : i1 to vector<16xi1>
      %cumsum3A_1808 = tpu.scan <sum>, %min3A_1805 masked %cumsum3A_1807 : vector<16xi32>, vector<16xi1> -> vector<16xi32>
      %add3A_1809 = arith.constant 0 : i32
      %add3A_1810 = vector.broadcast %add3A_1809 : i32 to vector<16xi32>
      %add3A_1811 = arith.addi %add3A_1810, %cumsum3A_1808 : vector<16xi32>
      %mul3A_1812 = arith.muli %add3A_1811, %min3A_1805 : vector<16xi32>
      %swap3A_1813 = arith.constant 416 : index
      %swap3A_1814 = tpu.vector_load %arg9[%swap3A_1813] {strides = array<i32>} : memref<832xi32, #tpu.memory_space<vmem>>, vector<16xi32>,
      tpu.vector_store %arg9[%swap3A_1813], %mul3A_1812 {strides = array<i32>} : memref<832xi32, #tpu.memory_space<vmem>>, vector<16xi32>,
      %slice3A_1815 = vector.extract_strided_slice %cumsum3A_1808 {offsets = [15], sizes = [1], strides = [1]} : vector<16xi32> to vector<1xi32>
      %squeeze3A_1816 = vector.extract %slice3A_1815[0] : i32 from vector<1xi32>
      %add3A_1817 = arith.constant 0 : i32
      %add3A_1818 = arith.addi %add3A_1817, %squeeze3A_1816 : i32
      %get3A_1819 = arith.constant 2 : i32
      %get3A_1820 = arith.index_cast %get3A_1819 : i32 to index
      %get3A_1821 = arith.constant 16 : index
      %get3A_1822 = tpu.vector_load %arg7[%get3A_1820, %get3A_1821] {strides = array<i32>} : memref<4x208xi32, #tpu.memory_space<vmem>>, vector<16xi32>,
      %abs3A_1823 = math.absi %get3A_1822 : vector<16xi32>
      %min3A_1824 = arith.constant 1 : i32
      %min3A_1825 = vector.broadcast %min3A_1824 : i32 to vector<16xi32>
      %min3A_1826 = arith.minsi %abs3A_1823, %min3A_1825 : vector<16xi32>
      %cumsum3A_1827 = arith.constant true
      %cumsum3A_1828 = vector.broadcast %cumsum3A_1827 : i1 to vector<16xi1>
      %cumsum3A_1829 = tpu.scan <sum>, %min3A_1826 masked %cumsum3A_1828 : vector<16xi32>, vector<16xi1> -> vector<16xi32>
      %add3A_1830 = vector.broadcast %add3A_1818 : i32 to vector<16xi32>
      %add3A_1831 = arith.addi %add3A_1830, %cumsum3A_1829 : vector<16xi32>
      %mul3A_1832 = arith.muli %add3A_1831, %min3A_1826 : vector<16xi32>
      %swap3A_1833 = arith.constant 432 : index
      %swap3A_1834 = tpu.vector_load %arg9[%swap3A_1833] {strides = array<i32>} : memref<832xi32, #tpu.memory_space<vmem>>, vector<16xi32>,
      tpu.vector_store %arg9[%swap3A_1833], %mul3A_1832 {strides = array<i32>} : memref<832xi32, #tpu.memory_space<vmem>>, vector<16xi32>,
      %slice3A_1835 = vector.extract_strided_slice %cumsum3A_1829 {offsets = [15], sizes = [1], strides = [1]} : vector<16xi32> to vector<1xi32>
      %squeeze3A_1836 = vector.extract %slice3A_1835[0] : i32 from vector<1xi32>
      %add3A_1837 = arith.addi %add3A_1818, %squeeze3A_1836 : i32
      %get3A_1838 = arith.constant 2 : i32
      %get3A_1839 = arith.index_cast %get3A_1838 : i32 to index
      %get3A_1840 = arith.constant 32 : index
      %get3A_1841 = tpu.vector_load %arg7[%get3A_1839, %get3A_1840] {strides = array<i32>} : memref<4x208xi32, #tpu.memory_space<vmem>>, vector<16xi32>,
      %abs3A_1842 = math.absi %get3A_1841 : vector<16xi32>
      %min3A_1843 = arith.constant 1 : i32
      %min3A_1844 = vector.broadcast %min3A_1843 : i32 to vector<16xi32>
      %min3A_1845 = arith.minsi %abs3A_1842, %min3A_1844 : vector<16xi32>
      %cumsum3A_1846 = arith.constant true
      %cumsum3A_1847 = vector.broadcast %cumsum3A_1846 : i1 to vector<16xi1>
      %cumsum3A_1848 = tpu.scan <sum>, %min3A_1845 masked %cumsum3A_1847 : vector<16xi32>, vector<16xi1> -> vector<16xi32>
      %add3A_1849 = vector.broadcast %add3A_1837 : i32 to vector<16xi32>
      %add3A_1850 = arith.addi %add3A_1849, %cumsum3A_1848 : vector<16xi32>
      %mul3A_1851 = arith.muli %add3A_1850, %min3A_1845 : vector<16xi32>
      %swap3A_1852 = arith.constant 448 : index
      %swap3A_1853 = tpu.vector_load %arg9[%swap3A_1852] {strides = array<i32>} : memref<832xi32, #tpu.memory_space<vmem>>, vector<16xi32>,
      tpu.vector_store %arg9[%swap3A_1852], %mul3A_1851 {strides = array<i32>} : memref<832xi32, #tpu.memory_space<vmem>>, vector<16xi32>,
      %slice3A_1854 = vector.extract_strided_slice %cumsum3A_1848 {offsets = [15], sizes = [1], strides = [1]} : vector<16xi32> to vector<1xi32>
      %squeeze3A_1855 = vector.extract %slice3A_1854[0] : i32 from vector<1xi32>
      %add3A_1856 = arith.addi %add3A_1837, %squeeze3A_1855 : i32
      %get3A_1857 = arith.constant 2 : i32
      %get3A_1858 = arith.index_cast %get3A_1857 : i32 to index
      %get3A_1859 = arith.constant 48 : index
      %get3A_1860 = tpu.vector_load %arg7[%get3A_1858, %get3A_1859] {strides = array<i32>} : memref<4x208xi32, #tpu.memory_space<vmem>>, vector<16xi32>,
      %abs3A_1861 = math.absi %get3A_1860 : vector<16xi32>
      %min3A_1862 = arith.constant 1 : i32
      %min3A_1863 = vector.broadcast %min3A_1862 : i32 to vector<16xi32>
      %min3A_1864 = arith.minsi %abs3A_1861, %min3A_1863 : vector<16xi32>
      %cumsum3A_1865 = arith.constant true
      %cumsum3A_1866 = vector.broadcast %cumsum3A_1865 : i1 to vector<16xi1>
      %cumsum3A_1867 = tpu.scan <sum>, %min3A_1864 masked %cumsum3A_1866 : vector<16xi32>, vector<16xi1> -> vector<16xi32>
      %add3A_1868 = vector.broadcast %add3A_1856 : i32 to vector<16xi32>
      %add3A_1869 = arith.addi %add3A_1868, %cumsum3A_1867 : vector<16xi32>
      %mul3A_1870 = arith.muli %add3A_1869, %min3A_1864 : vector<16xi32>
      %swap3A_1871 = arith.constant 464 : index
      %swap3A_1872 = tpu.vector_load %arg9[%swap3A_1871] {strides = array<i32>} : memref<832xi32, #tpu.memory_space<vmem>>, vector<16xi32>,
      tpu.vector_store %arg9[%swap3A_1871], %mul3A_1870 {strides = array<i32>} : memref<832xi32, #tpu.memory_space<vmem>>, vector<16xi32>,
      %slice3A_1873 = vector.extract_strided_slice %cumsum3A_1867 {offsets = [15], sizes = [1], strides = [1]} : vector<16xi32> to vector<1xi32>
      %squeeze3A_1874 = vector.extract %slice3A_1873[0] : i32 from vector<1xi32>
      %add3A_1875 = arith.addi %add3A_1856, %squeeze3A_1874 : i32
      %get3A_1876 = arith.constant 2 : i32
      %get3A_1877 = arith.index_cast %get3A_1876 : i32 to index
      %get3A_1878 = arith.constant 64 : index
      %get3A_1879 = tpu.vector_load %arg7[%get3A_1877, %get3A_1878] {strides = array<i32>} : memref<4x208xi32, #tpu.memory_space<vmem>>, vector<16xi32>,
      %abs3A_1880 = math.absi %get3A_1879 : vector<16xi32>
      %min3A_1881 = arith.constant 1 : i32
      %min3A_1882 = vector.broadcast %min3A_1881 : i32 to vector<16xi32>
      %min3A_1883 = arith.minsi %abs3A_1880, %min3A_1882 : vector<16xi32>
      %cumsum3A_1884 = arith.constant true
      %cumsum3A_1885 = vector.broadcast %cumsum3A_1884 : i1 to vector<16xi1>
      %cumsum3A_1886 = tpu.scan <sum>, %min3A_1883 masked %cumsum3A_1885 : vector<16xi32>, vector<16xi1> -> vector<16xi32>
      %add3A_1887 = vector.broadcast %add3A_1875 : i32 to vector<16xi32>
      %add3A_1888 = arith.addi %add3A_1887, %cumsum3A_1886 : vector<16xi32>
      %mul3A_1889 = arith.muli %add3A_1888, %min3A_1883 : vector<16xi32>
      %swap3A_1890 = arith.constant 480 : index
      %swap3A_1891 = tpu.vector_load %arg9[%swap3A_1890] {strides = array<i32>} : memref<832xi32, #tpu.memory_space<vmem>>, vector<16xi32>,
      tpu.vector_store %arg9[%swap3A_1890], %mul3A_1889 {strides = array<i32>} : memref<832xi32, #tpu.memory_space<vmem>>, vector<16xi32>,
      %slice3A_1892 = vector.extract_strided_slice %cumsum3A_1886 {offsets = [15], sizes = [1], strides = [1]} : vector<16xi32> to vector<1xi32>
      %squeeze3A_1893 = vector.extract %slice3A_1892[0] : i32 from vector<1xi32>
      %add3A_1894 = arith.addi %add3A_1875, %squeeze3A_1893 : i32
      %get3A_1895 = arith.constant 2 : i32
      %get3A_1896 = arith.index_cast %get3A_1895 : i32 to index
      %get3A_1897 = arith.constant 80 : index
      %get3A_1898 = tpu.vector_load %arg7[%get3A_1896, %get3A_1897] {strides = array<i32>} : memref<4x208xi32, #tpu.memory_space<vmem>>, vector<16xi32>,
      %abs3A_1899 = math.absi %get3A_1898 : vector<16xi32>
      %min3A_1900 = arith.constant 1 : i32
      %min3A_1901 = vector.broadcast %min3A_1900 : i32 to vector<16xi32>
      %min3A_1902 = arith.minsi %abs3A_1899, %min3A_1901 : vector<16xi32>
      %cumsum3A_1903 = arith.constant true
      %cumsum3A_1904 = vector.broadcast %cumsum3A_1903 : i1 to vector<16xi1>
      %cumsum3A_1905 = tpu.scan <sum>, %min3A_1902 masked %cumsum3A_1904 : vector<16xi32>, vector<16xi1> -> vector<16xi32>
      %add3A_1906 = vector.broadcast %add3A_1894 : i32 to vector<16xi32>
      %add3A_1907 = arith.addi %add3A_1906, %cumsum3A_1905 : vector<16xi32>
      %mul3A_1908 = arith.muli %add3A_1907, %min3A_1902 : vector<16xi32>
      %swap3A_1909 = arith.constant 496 : index
      %swap3A_1910 = tpu.vector_load %arg9[%swap3A_1909] {strides = array<i32>} : memref<832xi32, #tpu.memory_space<vmem>>, vector<16xi32>,
      tpu.vector_store %arg9[%swap3A_1909], %mul3A_1908 {strides = array<i32>} : memref<832xi32, #tpu.memory_space<vmem>>, vector<16xi32>,
      %slice3A_1911 = vector.extract_strided_slice %cumsum3A_1905 {offsets = [15], sizes = [1], strides = [1]} : vector<16xi32> to vector<1xi32>
      %squeeze3A_1912 = vector.extract %slice3A_1911[0] : i32 from vector<1xi32>
      %add3A_1913 = arith.addi %add3A_1894, %squeeze3A_1912 : i32
      %get3A_1914 = arith.constant 2 : i32
      %get3A_1915 = arith.index_cast %get3A_1914 : i32 to index
      %get3A_1916 = arith.constant 96 : index
      %get3A_1917 = tpu.vector_load %arg7[%get3A_1915, %get3A_1916] {strides = array<i32>} : memref<4x208xi32, #tpu.memory_space<vmem>>, vector<16xi32>,
      %abs3A_1918 = math.absi %get3A_1917 : vector<16xi32>
      %min3A_1919 = arith.constant 1 : i32
      %min3A_1920 = vector.broadcast %min3A_1919 : i32 to vector<16xi32>
      %min3A_1921 = arith.minsi %abs3A_1918, %min3A_1920 : vector<16xi32>
      %cumsum3A_1922 = arith.constant true
      %cumsum3A_1923 = vector.broadcast %cumsum3A_1922 : i1 to vector<16xi1>
      %cumsum3A_1924 = tpu.scan <sum>, %min3A_1921 masked %cumsum3A_1923 : vector<16xi32>, vector<16xi1> -> vector<16xi32>
      %add3A_1925 = vector.broadcast %add3A_1913 : i32 to vector<16xi32>
      %add3A_1926 = arith.addi %add3A_1925, %cumsum3A_1924 : vector<16xi32>
      %mul3A_1927 = arith.muli %add3A_1926, %min3A_1921 : vector<16xi32>
      %swap3A_1928 = arith.constant 512 : index
      %swap3A_1929 = tpu.vector_load %arg9[%swap3A_1928] {strides = array<i32>} : memref<832xi32, #tpu.memory_space<vmem>>, vector<16xi32>,
      tpu.vector_store %arg9[%swap3A_1928], %mul3A_1927 {strides = array<i32>} : memref<832xi32, #tpu.memory_space<vmem>>, vector<16xi32>,
      %slice3A_1930 = vector.extract_strided_slice %cumsum3A_1924 {offsets = [15], sizes = [1], strides = [1]} : vector<16xi32> to vector<1xi32>
      %squeeze3A_1931 = vector.extract %slice3A_1930[0] : i32 from vector<1xi32>
      %add3A_1932 = arith.addi %add3A_1913, %squeeze3A_1931 : i32
      %get3A_1933 = arith.constant 2 : i32
      %get3A_1934 = arith.index_cast %get3A_1933 : i32 to index
      %get3A_1935 = arith.constant 112 : index
      %get3A_1936 = tpu.vector_load %arg7[%get3A_1934, %get3A_1935] {strides = array<i32>} : memref<4x208xi32, #tpu.memory_space<vmem>>, vector<16xi32>,
      %abs3A_1937 = math.absi %get3A_1936 : vector<16xi32>
      %min3A_1938 = arith.constant 1 : i32
      %min3A_1939 = vector.broadcast %min3A_1938 : i32 to vector<16xi32>
      %min3A_1940 = arith.minsi %abs3A_1937, %min3A_1939 : vector<16xi32>
      %cumsum3A_1941 = arith.constant true
      %cumsum3A_1942 = vector.broadcast %cumsum3A_1941 : i1 to vector<16xi1>
      %cumsum3A_1943 = tpu.scan <sum>, %min3A_1940 masked %cumsum3A_1942 : vector<16xi32>, vector<16xi1> -> vector<16xi32>
      %add3A_1944 = vector.broadcast %add3A_1932 : i32 to vector<16xi32>
      %add3A_1945 = arith.addi %add3A_1944, %cumsum3A_1943 : vector<16xi32>
      %mul3A_1946 = arith.muli %add3A_1945, %min3A_1940 : vector<16xi32>
      %swap3A_1947 = arith.constant 528 : index
      %swap3A_1948 = tpu.vector_load %arg9[%swap3A_1947] {strides = array<i32>} : memref<832xi32, #tpu.memory_space<vmem>>, vector<16xi32>,
      tpu.vector_store %arg9[%swap3A_1947], %mul3A_1946 {strides = array<i32>} : memref<832xi32, #tpu.memory_space<vmem>>, vector<16xi32>,
      %slice3A_1949 = vector.extract_strided_slice %cumsum3A_1943 {offsets = [15], sizes = [1], strides = [1]} : vector<16xi32> to vector<1xi32>
      %squeeze3A_1950 = vector.extract %slice3A_1949[0] : i32 from vector<1xi32>
      %add3A_1951 = arith.addi %add3A_1932, %squeeze3A_1950 : i32
      %get3A_1952 = arith.constant 2 : i32
      %get3A_1953 = arith.index_cast %get3A_1952 : i32 to index
      %get3A_1954 = arith.constant 128 : index
      %get3A_1955 = tpu.vector_load %arg7[%get3A_1953, %get3A_1954] {strides = array<i32>} : memref<4x208xi32, #tpu.memory_space<vmem>>, vector<16xi32>,
      %abs3A_1956 = math.absi %get3A_1955 : vector<16xi32>
      %min3A_1957 = arith.constant 1 : i32
      %min3A_1958 = vector.broadcast %min3A_1957 : i32 to vector<16xi32>
      %min3A_1959 = arith.minsi %abs3A_1956, %min3A_1958 : vector<16xi32>
      %cumsum3A_1960 = arith.constant true
      %cumsum3A_1961 = vector.broadcast %cumsum3A_1960 : i1 to vector<16xi1>
      %cumsum3A_1962 = tpu.scan <sum>, %min3A_1959 masked %cumsum3A_1961 : vector<16xi32>, vector<16xi1> -> vector<16xi32>
      %add3A_1963 = vector.broadcast %add3A_1951 : i32 to vector<16xi32>
      %add3A_1964 = arith.addi %add3A_1963, %cumsum3A_1962 : vector<16xi32>
      %mul3A_1965 = arith.muli %add3A_1964, %min3A_1959 : vector<16xi32>
      %swap3A_1966 = arith.constant 544 : index
      %swap3A_1967 = tpu.vector_load %arg9[%swap3A_1966] {strides = array<i32>} : memref<832xi32, #tpu.memory_space<vmem>>, vector<16xi32>,
      tpu.vector_store %arg9[%swap3A_1966], %mul3A_1965 {strides = array<i32>} : memref<832xi32, #tpu.memory_space<vmem>>, vector<16xi32>,
      %slice3A_1968 = vector.extract_strided_slice %cumsum3A_1962 {offsets = [15], sizes = [1], strides = [1]} : vector<16xi32> to vector<1xi32>
      %squeeze3A_1969 = vector.extract %slice3A_1968[0] : i32 from vector<1xi32>
      %add3A_1970 = arith.addi %add3A_1951, %squeeze3A_1969 : i32
      %get3A_1971 = arith.constant 2 : i32
      %get3A_1972 = arith.index_cast %get3A_1971 : i32 to index
      %get3A_1973 = arith.constant 144 : index
      %get3A_1974 = tpu.vector_load %arg7[%get3A_1972, %get3A_1973] {strides = array<i32>} : memref<4x208xi32, #tpu.memory_space<vmem>>, vector<16xi32>,
      %abs3A_1975 = math.absi %get3A_1974 : vector<16xi32>
      %min3A_1976 = arith.constant 1 : i32
      %min3A_1977 = vector.broadcast %min3A_1976 : i32 to vector<16xi32>
      %min3A_1978 = arith.minsi %abs3A_1975, %min3A_1977 : vector<16xi32>
      %cumsum3A_1979 = arith.constant true
      %cumsum3A_1980 = vector.broadcast %cumsum3A_1979 : i1 to vector<16xi1>
      %cumsum3A_1981 = tpu.scan <sum>, %min3A_1978 masked %cumsum3A_1980 : vector<16xi32>, vector<16xi1> -> vector<16xi32>
      %add3A_1982 = vector.broadcast %add3A_1970 : i32 to vector<16xi32>
      %add3A_1983 = arith.addi %add3A_1982, %cumsum3A_1981 : vector<16xi32>
      %mul3A_1984 = arith.muli %add3A_1983, %min3A_1978 : vector<16xi32>
      %swap3A_1985 = arith.constant 560 : index
      %swap3A_1986 = tpu.vector_load %arg9[%swap3A_1985] {strides = array<i32>} : memref<832xi32, #tpu.memory_space<vmem>>, vector<16xi32>,
      tpu.vector_store %arg9[%swap3A_1985], %mul3A_1984 {strides = array<i32>} : memref<832xi32, #tpu.memory_space<vmem>>, vector<16xi32>,
      %slice3A_1987 = vector.extract_strided_slice %cumsum3A_1981 {offsets = [15], sizes = [1], strides = [1]} : vector<16xi32> to vector<1xi32>
      %squeeze3A_1988 = vector.extract %slice3A_1987[0] : i32 from vector<1xi32>
      %add3A_1989 = arith.addi %add3A_1970, %squeeze3A_1988 : i32
      %get3A_1990 = arith.constant 2 : i32
      %get3A_1991 = arith.index_cast %get3A_1990 : i32 to index
      %get3A_1992 = arith.constant 160 : index
      %get3A_1993 = tpu.vector_load %arg7[%get3A_1991, %get3A_1992] {strides = array<i32>} : memref<4x208xi32, #tpu.memory_space<vmem>>, vector<16xi32>,
      %abs3A_1994 = math.absi %get3A_1993 : vector<16xi32>
      %min3A_1995 = arith.constant 1 : i32
      %min3A_1996 = vector.broadcast %min3A_1995 : i32 to vector<16xi32>
      %min3A_1997 = arith.minsi %abs3A_1994, %min3A_1996 : vector<16xi32>
      %cumsum3A_1998 = arith.constant true
      %cumsum3A_1999 = vector.broadcast %cumsum3A_1998 : i1 to vector<16xi1>
      %cumsum3A_2000 = tpu.scan <sum>, %min3A_1997 masked %cumsum3A_1999 : vector<16xi32>, vector<16xi1> -> vector<16xi32>
      %add3A_2001 = vector.broadcast %add3A_1989 : i32 to vector<16xi32>
      %add3A_2002 = arith.addi %add3A_2001, %cumsum3A_2000 : vector<16xi32>
      %mul3A_2003 = arith.muli %add3A_2002, %min3A_1997 : vector<16xi32>
      %swap3A_2004 = arith.constant 576 : index
      %swap3A_2005 = tpu.vector_load %arg9[%swap3A_2004] {strides = array<i32>} : memref<832xi32, #tpu.memory_space<vmem>>, vector<16xi32>,
      tpu.vector_store %arg9[%swap3A_2004], %mul3A_2003 {strides = array<i32>} : memref<832xi32, #tpu.memory_space<vmem>>, vector<16xi32>,
      %slice3A_2006 = vector.extract_strided_slice %cumsum3A_2000 {offsets = [15], sizes = [1], strides = [1]} : vector<16xi32> to vector<1xi32>
      %squeeze3A_2007 = vector.extract %slice3A_2006[0] : i32 from vector<1xi32>
      %add3A_2008 = arith.addi %add3A_1989, %squeeze3A_2007 : i32
      %get3A_2009 = arith.constant 2 : i32
      %get3A_2010 = arith.index_cast %get3A_2009 : i32 to index
      %get3A_2011 = arith.constant 176 : index
      %get3A_2012 = tpu.vector_load %arg7[%get3A_2010, %get3A_2011] {strides = array<i32>} : memref<4x208xi32, #tpu.memory_space<vmem>>, vector<16xi32>,
      %abs3A_2013 = math.absi %get3A_2012 : vector<16xi32>
      %min3A_2014 = arith.constant 1 : i32
      %min3A_2015 = vector.broadcast %min3A_2014 : i32 to vector<16xi32>
      %min3A_2016 = arith.minsi %abs3A_2013, %min3A_2015 : vector<16xi32>
      %cumsum3A_2017 = arith.constant true
      %cumsum3A_2018 = vector.broadcast %cumsum3A_2017 : i1 to vector<16xi1>
      %cumsum3A_2019 = tpu.scan <sum>, %min3A_2016 masked %cumsum3A_2018 : vector<16xi32>, vector<16xi1> -> vector<16xi32>
      %add3A_2020 = vector.broadcast %add3A_2008 : i32 to vector<16xi32>
      %add3A_2021 = arith.addi %add3A_2020, %cumsum3A_2019 : vector<16xi32>
      %mul3A_2022 = arith.muli %add3A_2021, %min3A_2016 : vector<16xi32>
      %swap3A_2023 = arith.constant 592 : index
      %swap3A_2024 = tpu.vector_load %arg9[%swap3A_2023] {strides = array<i32>} : memref<832xi32, #tpu.memory_space<vmem>>, vector<16xi32>,
      tpu.vector_store %arg9[%swap3A_2023], %mul3A_2022 {strides = array<i32>} : memref<832xi32, #tpu.memory_space<vmem>>, vector<16xi32>,
      %slice3A_2025 = vector.extract_strided_slice %cumsum3A_2019 {offsets = [15], sizes = [1], strides = [1]} : vector<16xi32> to vector<1xi32>
      %squeeze3A_2026 = vector.extract %slice3A_2025[0] : i32 from vector<1xi32>
      %add3A_2027 = arith.addi %add3A_2008, %squeeze3A_2026 : i32
      %get3A_2028 = arith.constant 2 : i32
      %get3A_2029 = arith.index_cast %get3A_2028 : i32 to index
      %get3A_2030 = arith.constant 192 : index
      %get3A_2031 = tpu.vector_load %arg7[%get3A_2029, %get3A_2030] {strides = array<i32>} : memref<4x208xi32, #tpu.memory_space<vmem>>, vector<16xi32>,
      %abs3A_2032 = math.absi %get3A_2031 : vector<16xi32>
      %min3A_2033 = arith.constant 1 : i32
      %min3A_2034 = vector.broadcast %min3A_2033 : i32 to vector<16xi32>
      %min3A_2035 = arith.minsi %abs3A_2032, %min3A_2034 : vector<16xi32>
      %cumsum3A_2036 = arith.constant true
      %cumsum3A_2037 = vector.broadcast %cumsum3A_2036 : i1 to vector<16xi1>
      %cumsum3A_2038 = tpu.scan <sum>, %min3A_2035 masked %cumsum3A_2037 : vector<16xi32>, vector<16xi1> -> vector<16xi32>
      %add3A_2039 = vector.broadcast %add3A_2027 : i32 to vector<16xi32>
      %add3A_2040 = arith.addi %add3A_2039, %cumsum3A_2038 : vector<16xi32>
      %mul3A_2041 = arith.muli %add3A_2040, %min3A_2035 : vector<16xi32>
      %swap3A_2042 = arith.constant 608 : index
      %swap3A_2043 = tpu.vector_load %arg9[%swap3A_2042] {strides = array<i32>} : memref<832xi32, #tpu.memory_space<vmem>>, vector<16xi32>,
      tpu.vector_store %arg9[%swap3A_2042], %mul3A_2041 {strides = array<i32>} : memref<832xi32, #tpu.memory_space<vmem>>, vector<16xi32>,
      %slice3A_2044 = vector.extract_strided_slice %cumsum3A_2038 {offsets = [15], sizes = [1], strides = [1]} : vector<16xi32> to vector<1xi32>
      %squeeze3A_2045 = vector.extract %slice3A_2044[0] : i32 from vector<1xi32>
      %add3A_2046 = arith.addi %add3A_2027, %squeeze3A_2045 : i32
      %get3A_2047 = arith.constant 3 : i32
      %get3A_2048 = arith.index_cast %get3A_2047 : i32 to index
      %get3A_2049 = arith.constant 0 : index
      %get3A_2050 = tpu.vector_load %arg7[%get3A_2048, %get3A_2049] {strides = array<i32>} : memref<4x208xi32, #tpu.memory_space<vmem>>, vector<16xi32>,
      %abs3A_2051 = math.absi %get3A_2050 : vector<16xi32>
      %min3A_2052 = arith.constant 1 : i32
      %min3A_2053 = vector.broadcast %min3A_2052 : i32 to vector<16xi32>
      %min3A_2054 = arith.minsi %abs3A_2051, %min3A_2053 : vector<16xi32>
      %cumsum3A_2055 = arith.constant true
      %cumsum3A_2056 = vector.broadcast %cumsum3A_2055 : i1 to vector<16xi1>
      %cumsum3A_2057 = tpu.scan <sum>, %min3A_2054 masked %cumsum3A_2056 : vector<16xi32>, vector<16xi1> -> vector<16xi32>
      %add3A_2058 = arith.constant 0 : i32
      %add3A_2059 = vector.broadcast %add3A_2058 : i32 to vector<16xi32>
      %add3A_2060 = arith.addi %add3A_2059, %cumsum3A_2057 : vector<16xi32>
      %mul3A_2061 = arith.muli %add3A_2060, %min3A_2054 : vector<16xi32>
      %swap3A_2062 = arith.constant 624 : index
      %swap3A_2063 = tpu.vector_load %arg9[%swap3A_2062] {strides = array<i32>} : memref<832xi32, #tpu.memory_space<vmem>>, vector<16xi32>,
      tpu.vector_store %arg9[%swap3A_2062], %mul3A_2061 {strides = array<i32>} : memref<832xi32, #tpu.memory_space<vmem>>, vector<16xi32>,
      %slice3A_2064 = vector.extract_strided_slice %cumsum3A_2057 {offsets = [15], sizes = [1], strides = [1]} : vector<16xi32> to vector<1xi32>
      %squeeze3A_2065 = vector.extract %slice3A_2064[0] : i32 from vector<1xi32>
      %add3A_2066 = arith.constant 0 : i32
      %add3A_2067 = arith.addi %add3A_2066, %squeeze3A_2065 : i32
      %get3A_2068 = arith.constant 3 : i32
      %get3A_2069 = arith.index_cast %get3A_2068 : i32 to index
      %get3A_2070 = arith.constant 16 : index
      %get3A_2071 = tpu.vector_load %arg7[%get3A_2069, %get3A_2070] {strides = array<i32>} : memref<4x208xi32, #tpu.memory_space<vmem>>, vector<16xi32>,
      %abs3A_2072 = math.absi %get3A_2071 : vector<16xi32>
      %min3A_2073 = arith.constant 1 : i32
      %min3A_2074 = vector.broadcast %min3A_2073 : i32 to vector<16xi32>
      %min3A_2075 = arith.minsi %abs3A_2072, %min3A_2074 : vector<16xi32>
      %cumsum3A_2076 = arith.constant true
      %cumsum3A_2077 = vector.broadcast %cumsum3A_2076 : i1 to vector<16xi1>
      %cumsum3A_2078 = tpu.scan <sum>, %min3A_2075 masked %cumsum3A_2077 : vector<16xi32>, vector<16xi1> -> vector<16xi32>
      %add3A_2079 = vector.broadcast %add3A_2067 : i32 to vector<16xi32>
      %add3A_2080 = arith.addi %add3A_2079, %cumsum3A_2078 : vector<16xi32>
      %mul3A_2081 = arith.muli %add3A_2080, %min3A_2075 : vector<16xi32>
      %swap3A_2082 = arith.constant 640 : index
      %swap3A_2083 = tpu.vector_load %arg9[%swap3A_2082] {strides = array<i32>} : memref<832xi32, #tpu.memory_space<vmem>>, vector<16xi32>,
      tpu.vector_store %arg9[%swap3A_2082], %mul3A_2081 {strides = array<i32>} : memref<832xi32, #tpu.memory_space<vmem>>, vector<16xi32>,
      %slice3A_2084 = vector.extract_strided_slice %cumsum3A_2078 {offsets = [15], sizes = [1], strides = [1]} : vector<16xi32> to vector<1xi32>
      %squeeze3A_2085 = vector.extract %slice3A_2084[0] : i32 from vector<1xi32>
      %add3A_2086 = arith.addi %add3A_2067, %squeeze3A_2085 : i32
      %get3A_2087 = arith.constant 3 : i32
      %get3A_2088 = arith.index_cast %get3A_2087 : i32 to index
      %get3A_2089 = arith.constant 32 : index
      %get3A_2090 = tpu.vector_load %arg7[%get3A_2088, %get3A_2089] {strides = array<i32>} : memref<4x208xi32, #tpu.memory_space<vmem>>, vector<16xi32>,
      %abs3A_2091 = math.absi %get3A_2090 : vector<16xi32>
      %min3A_2092 = arith.constant 1 : i32
      %min3A_2093 = vector.broadcast %min3A_2092 : i32 to vector<16xi32>
      %min3A_2094 = arith.minsi %abs3A_2091, %min3A_2093 : vector<16xi32>
      %cumsum3A_2095 = arith.constant true
      %cumsum3A_2096 = vector.broadcast %cumsum3A_2095 : i1 to vector<16xi1>
      %cumsum3A_2097 = tpu.scan <sum>, %min3A_2094 masked %cumsum3A_2096 : vector<16xi32>, vector<16xi1> -> vector<16xi32>
      %add3A_2098 = vector.broadcast %add3A_2086 : i32 to vector<16xi32>
      %add3A_2099 = arith.addi %add3A_2098, %cumsum3A_2097 : vector<16xi32>
      %mul3A_2100 = arith.muli %add3A_2099, %min3A_2094 : vector<16xi32>
      %swap3A_2101 = arith.constant 656 : index
      %swap3A_2102 = tpu.vector_load %arg9[%swap3A_2101] {strides = array<i32>} : memref<832xi32, #tpu.memory_space<vmem>>, vector<16xi32>,
      tpu.vector_store %arg9[%swap3A_2101], %mul3A_2100 {strides = array<i32>} : memref<832xi32, #tpu.memory_space<vmem>>, vector<16xi32>,
      %slice3A_2103 = vector.extract_strided_slice %cumsum3A_2097 {offsets = [15], sizes = [1], strides = [1]} : vector<16xi32> to vector<1xi32>
      %squeeze3A_2104 = vector.extract %slice3A_2103[0] : i32 from vector<1xi32>
      %add3A_2105 = arith.addi %add3A_2086, %squeeze3A_2104 : i32
      %get3A_2106 = arith.constant 3 : i32
      %get3A_2107 = arith.index_cast %get3A_2106 : i32 to index
      %get3A_2108 = arith.constant 48 : index
      %get3A_2109 = tpu.vector_load %arg7[%get3A_2107, %get3A_2108] {strides = array<i32>} : memref<4x208xi32, #tpu.memory_space<vmem>>, vector<16xi32>,
      %abs3A_2110 = math.absi %get3A_2109 : vector<16xi32>
      %min3A_2111 = arith.constant 1 : i32
      %min3A_2112 = vector.broadcast %min3A_2111 : i32 to vector<16xi32>
      %min3A_2113 = arith.minsi %abs3A_2110, %min3A_2112 : vector<16xi32>
      %cumsum3A_2114 = arith.constant true
      %cumsum3A_2115 = vector.broadcast %cumsum3A_2114 : i1 to vector<16xi1>
      %cumsum3A_2116 = tpu.scan <sum>, %min3A_2113 masked %cumsum3A_2115 : vector<16xi32>, vector<16xi1> -> vector<16xi32>
      %add3A_2117 = vector.broadcast %add3A_2105 : i32 to vector<16xi32>
      %add3A_2118 = arith.addi %add3A_2117, %cumsum3A_2116 : vector<16xi32>
      %mul3A_2119 = arith.muli %add3A_2118, %min3A_2113 : vector<16xi32>
      %swap3A_2120 = arith.constant 672 : index
      %swap3A_2121 = tpu.vector_load %arg9[%swap3A_2120] {strides = array<i32>} : memref<832xi32, #tpu.memory_space<vmem>>, vector<16xi32>,
      tpu.vector_store %arg9[%swap3A_2120], %mul3A_2119 {strides = array<i32>} : memref<832xi32, #tpu.memory_space<vmem>>, vector<16xi32>,
      %slice3A_2122 = vector.extract_strided_slice %cumsum3A_2116 {offsets = [15], sizes = [1], strides = [1]} : vector<16xi32> to vector<1xi32>
      %squeeze3A_2123 = vector.extract %slice3A_2122[0] : i32 from vector<1xi32>
      %add3A_2124 = arith.addi %add3A_2105, %squeeze3A_2123 : i32
      %get3A_2125 = arith.constant 3 : i32
      %get3A_2126 = arith.index_cast %get3A_2125 : i32 to index
      %get3A_2127 = arith.constant 64 : index
      %get3A_2128 = tpu.vector_load %arg7[%get3A_2126, %get3A_2127] {strides = array<i32>} : memref<4x208xi32, #tpu.memory_space<vmem>>, vector<16xi32>,
      %abs3A_2129 = math.absi %get3A_2128 : vector<16xi32>
      %min3A_2130 = arith.constant 1 : i32
      %min3A_2131 = vector.broadcast %min3A_2130 : i32 to vector<16xi32>
      %min3A_2132 = arith.minsi %abs3A_2129, %min3A_2131 : vector<16xi32>
      %cumsum3A_2133 = arith.constant true
      %cumsum3A_2134 = vector.broadcast %cumsum3A_2133 : i1 to vector<16xi1>
      %cumsum3A_2135 = tpu.scan <sum>, %min3A_2132 masked %cumsum3A_2134 : vector<16xi32>, vector<16xi1> -> vector<16xi32>
      %add3A_2136 = vector.broadcast %add3A_2124 : i32 to vector<16xi32>
      %add3A_2137 = arith.addi %add3A_2136, %cumsum3A_2135 : vector<16xi32>
      %mul3A_2138 = arith.muli %add3A_2137, %min3A_2132 : vector<16xi32>
      %swap3A_2139 = arith.constant 688 : index
      %swap3A_2140 = tpu.vector_load %arg9[%swap3A_2139] {strides = array<i32>} : memref<832xi32, #tpu.memory_space<vmem>>, vector<16xi32>,
      tpu.vector_store %arg9[%swap3A_2139], %mul3A_2138 {strides = array<i32>} : memref<832xi32, #tpu.memory_space<vmem>>, vector<16xi32>,
      %slice3A_2141 = vector.extract_strided_slice %cumsum3A_2135 {offsets = [15], sizes = [1], strides = [1]} : vector<16xi32> to vector<1xi32>
      %squeeze3A_2142 = vector.extract %slice3A_2141[0] : i32 from vector<1xi32>
      %add3A_2143 = arith.addi %add3A_2124, %squeeze3A_2142 : i32
      %get3A_2144 = arith.constant 3 : i32
      %get3A_2145 = arith.index_cast %get3A_2144 : i32 to index
      %get3A_2146 = arith.constant 80 : index
      %get3A_2147 = tpu.vector_load %arg7[%get3A_2145, %get3A_2146] {strides = array<i32>} : memref<4x208xi32, #tpu.memory_space<vmem>>, vector<16xi32>,
      %abs3A_2148 = math.absi %get3A_2147 : vector<16xi32>
      %min3A_2149 = arith.constant 1 : i32
      %min3A_2150 = vector.broadcast %min3A_2149 : i32 to vector<16xi32>
      %min3A_2151 = arith.minsi %abs3A_2148, %min3A_2150 : vector<16xi32>
      %cumsum3A_2152 = arith.constant true
      %cumsum3A_2153 = vector.broadcast %cumsum3A_2152 : i1 to vector<16xi1>
      %cumsum3A_2154 = tpu.scan <sum>, %min3A_2151 masked %cumsum3A_2153 : vector<16xi32>, vector<16xi1> -> vector<16xi32>
      %add3A_2155 = vector.broadcast %add3A_2143 : i32 to vector<16xi32>
      %add3A_2156 = arith.addi %add3A_2155, %cumsum3A_2154 : vector<16xi32>
      %mul3A_2157 = arith.muli %add3A_2156, %min3A_2151 : vector<16xi32>
      %swap3A_2158 = arith.constant 704 : index
      %swap3A_2159 = tpu.vector_load %arg9[%swap3A_2158] {strides = array<i32>} : memref<832xi32, #tpu.memory_space<vmem>>, vector<16xi32>,
      tpu.vector_store %arg9[%swap3A_2158], %mul3A_2157 {strides = array<i32>} : memref<832xi32, #tpu.memory_space<vmem>>, vector<16xi32>,
      %slice3A_2160 = vector.extract_strided_slice %cumsum3A_2154 {offsets = [15], sizes = [1], strides = [1]} : vector<16xi32> to vector<1xi32>
      %squeeze3A_2161 = vector.extract %slice3A_2160[0] : i32 from vector<1xi32>
      %add3A_2162 = arith.addi %add3A_2143, %squeeze3A_2161 : i32
      %get3A_2163 = arith.constant 3 : i32
      %get3A_2164 = arith.index_cast %get3A_2163 : i32 to index
      %get3A_2165 = arith.constant 96 : index
      %get3A_2166 = tpu.vector_load %arg7[%get3A_2164, %get3A_2165] {strides = array<i32>} : memref<4x208xi32, #tpu.memory_space<vmem>>, vector<16xi32>,
      %abs3A_2167 = math.absi %get3A_2166 : vector<16xi32>
      %min3A_2168 = arith.constant 1 : i32
      %min3A_2169 = vector.broadcast %min3A_2168 : i32 to vector<16xi32>
      %min3A_2170 = arith.minsi %abs3A_2167, %min3A_2169 : vector<16xi32>
      %cumsum3A_2171 = arith.constant true
      %cumsum3A_2172 = vector.broadcast %cumsum3A_2171 : i1 to vector<16xi1>
      %cumsum3A_2173 = tpu.scan <sum>, %min3A_2170 masked %cumsum3A_2172 : vector<16xi32>, vector<16xi1> -> vector<16xi32>
      %add3A_2174 = vector.broadcast %add3A_2162 : i32 to vector<16xi32>
      %add3A_2175 = arith.addi %add3A_2174, %cumsum3A_2173 : vector<16xi32>
      %mul3A_2176 = arith.muli %add3A_2175, %min3A_2170 : vector<16xi32>
      %swap3A_2177 = arith.constant 720 : index
      %swap3A_2178 = tpu.vector_load %arg9[%swap3A_2177] {strides = array<i32>} : memref<832xi32, #tpu.memory_space<vmem>>, vector<16xi32>,
      tpu.vector_store %arg9[%swap3A_2177], %mul3A_2176 {strides = array<i32>} : memref<832xi32, #tpu.memory_space<vmem>>, vector<16xi32>,
      %slice3A_2179 = vector.extract_strided_slice %cumsum3A_2173 {offsets = [15], sizes = [1], strides = [1]} : vector<16xi32> to vector<1xi32>
      %squeeze3A_2180 = vector.extract %slice3A_2179[0] : i32 from vector<1xi32>
      %add3A_2181 = arith.addi %add3A_2162, %squeeze3A_2180 : i32
      %get3A_2182 = arith.constant 3 : i32
      %get3A_2183 = arith.index_cast %get3A_2182 : i32 to index
      %get3A_2184 = arith.constant 112 : index
      %get3A_2185 = tpu.vector_load %arg7[%get3A_2183, %get3A_2184] {strides = array<i32>} : memref<4x208xi32, #tpu.memory_space<vmem>>, vector<16xi32>,
      %abs3A_2186 = math.absi %get3A_2185 : vector<16xi32>
      %min3A_2187 = arith.constant 1 : i32
      %min3A_2188 = vector.broadcast %min3A_2187 : i32 to vector<16xi32>
      %min3A_2189 = arith.minsi %abs3A_2186, %min3A_2188 : vector<16xi32>
      %cumsum3A_2190 = arith.constant true
      %cumsum3A_2191 = vector.broadcast %cumsum3A_2190 : i1 to vector<16xi1>
      %cumsum3A_2192 = tpu.scan <sum>, %min3A_2189 masked %cumsum3A_2191 : vector<16xi32>, vector<16xi1> -> vector<16xi32>
      %add3A_2193 = vector.broadcast %add3A_2181 : i32 to vector<16xi32>
      %add3A_2194 = arith.addi %add3A_2193, %cumsum3A_2192 : vector<16xi32>
      %mul3A_2195 = arith.muli %add3A_2194, %min3A_2189 : vector<16xi32>
      %swap3A_2196 = arith.constant 736 : index
      %swap3A_2197 = tpu.vector_load %arg9[%swap3A_2196] {strides = array<i32>} : memref<832xi32, #tpu.memory_space<vmem>>, vector<16xi32>,
      tpu.vector_store %arg9[%swap3A_2196], %mul3A_2195 {strides = array<i32>} : memref<832xi32, #tpu.memory_space<vmem>>, vector<16xi32>,
      %slice3A_2198 = vector.extract_strided_slice %cumsum3A_2192 {offsets = [15], sizes = [1], strides = [1]} : vector<16xi32> to vector<1xi32>
      %squeeze3A_2199 = vector.extract %slice3A_2198[0] : i32 from vector<1xi32>
      %add3A_2200 = arith.addi %add3A_2181, %squeeze3A_2199 : i32
      %get3A_2201 = arith.constant 3 : i32
      %get3A_2202 = arith.index_cast %get3A_2201 : i32 to index
      %get3A_2203 = arith.constant 128 : index
      %get3A_2204 = tpu.vector_load %arg7[%get3A_2202, %get3A_2203] {strides = array<i32>} : memref<4x208xi32, #tpu.memory_space<vmem>>, vector<16xi32>,
      %abs3A_2205 = math.absi %get3A_2204 : vector<16xi32>
      %min3A_2206 = arith.constant 1 : i32
      %min3A_2207 = vector.broadcast %min3A_2206 : i32 to vector<16xi32>
      %min3A_2208 = arith.minsi %abs3A_2205, %min3A_2207 : vector<16xi32>
      %cumsum3A_2209 = arith.constant true
      %cumsum3A_2210 = vector.broadcast %cumsum3A_2209 : i1 to vector<16xi1>
      %cumsum3A_2211 = tpu.scan <sum>, %min3A_2208 masked %cumsum3A_2210 : vector<16xi32>, vector<16xi1> -> vector<16xi32>
      %add3A_2212 = vector.broadcast %add3A_2200 : i32 to vector<16xi32>
      %add3A_2213 = arith.addi %add3A_2212, %cumsum3A_2211 : vector<16xi32>
      %mul3A_2214 = arith.muli %add3A_2213, %min3A_2208 : vector<16xi32>
      %swap3A_2215 = arith.constant 752 : index
      %swap3A_2216 = tpu.vector_load %arg9[%swap3A_2215] {strides = array<i32>} : memref<832xi32, #tpu.memory_space<vmem>>, vector<16xi32>,
      tpu.vector_store %arg9[%swap3A_2215], %mul3A_2214 {strides = array<i32>} : memref<832xi32, #tpu.memory_space<vmem>>, vector<16xi32>,
      %slice3A_2217 = vector.extract_strided_slice %cumsum3A_2211 {offsets = [15], sizes = [1], strides = [1]} : vector<16xi32> to vector<1xi32>
      %squeeze3A_2218 = vector.extract %slice3A_2217[0] : i32 from vector<1xi32>
      %add3A_2219 = arith.addi %add3A_2200, %squeeze3A_2218 : i32
      %get3A_2220 = arith.constant 3 : i32
      %get3A_2221 = arith.index_cast %get3A_2220 : i32 to index
      %get3A_2222 = arith.constant 144 : index
      %get3A_2223 = tpu.vector_load %arg7[%get3A_2221, %get3A_2222] {strides = array<i32>} : memref<4x208xi32, #tpu.memory_space<vmem>>, vector<16xi32>,
      %abs3A_2224 = math.absi %get3A_2223 : vector<16xi32>
      %min3A_2225 = arith.constant 1 : i32
      %min3A_2226 = vector.broadcast %min3A_2225 : i32 to vector<16xi32>
      %min3A_2227 = arith.minsi %abs3A_2224, %min3A_2226 : vector<16xi32>
      %cumsum3A_2228 = arith.constant true
      %cumsum3A_2229 = vector.broadcast %cumsum3A_2228 : i1 to vector<16xi1>
      %cumsum3A_2230 = tpu.scan <sum>, %min3A_2227 masked %cumsum3A_2229 : vector<16xi32>, vector<16xi1> -> vector<16xi32>
      %add3A_2231 = vector.broadcast %add3A_2219 : i32 to vector<16xi32>
      %add3A_2232 = arith.addi %add3A_2231, %cumsum3A_2230 : vector<16xi32>
      %mul3A_2233 = arith.muli %add3A_2232, %min3A_2227 : vector<16xi32>
      %swap3A_2234 = arith.constant 768 : index
      %swap3A_2235 = tpu.vector_load %arg9[%swap3A_2234] {strides = array<i32>} : memref<832xi32, #tpu.memory_space<vmem>>, vector<16xi32>,
      tpu.vector_store %arg9[%swap3A_2234], %mul3A_2233 {strides = array<i32>} : memref<832xi32, #tpu.memory_space<vmem>>, vector<16xi32>,
      %slice3A_2236 = vector.extract_strided_slice %cumsum3A_2230 {offsets = [15], sizes = [1], strides = [1]} : vector<16xi32> to vector<1xi32>
      %squeeze3A_2237 = vector.extract %slice3A_2236[0] : i32 from vector<1xi32>
      %add3A_2238 = arith.addi %add3A_2219, %squeeze3A_2237 : i32
      %get3A_2239 = arith.constant 3 : i32
      %get3A_2240 = arith.index_cast %get3A_2239 : i32 to index
      %get3A_2241 = arith.constant 160 : index
      %get3A_2242 = tpu.vector_load %arg7[%get3A_2240, %get3A_2241] {strides = array<i32>} : memref<4x208xi32, #tpu.memory_space<vmem>>, vector<16xi32>,
      %abs3A_2243 = math.absi %get3A_2242 : vector<16xi32>
      %min3A_2244 = arith.constant 1 : i32
      %min3A_2245 = vector.broadcast %min3A_2244 : i32 to vector<16xi32>
      %min3A_2246 = arith.minsi %abs3A_2243, %min3A_2245 : vector<16xi32>
      %cumsum3A_2247 = arith.constant true
      %cumsum3A_2248 = vector.broadcast %cumsum3A_2247 : i1 to vector<16xi1>
      %cumsum3A_2249 = tpu.scan <sum>, %min3A_2246 masked %cumsum3A_2248 : vector<16xi32>, vector<16xi1> -> vector<16xi32>
      %add3A_2250 = vector.broadcast %add3A_2238 : i32 to vector<16xi32>
      %add3A_2251 = arith.addi %add3A_2250, %cumsum3A_2249 : vector<16xi32>
      %mul3A_2252 = arith.muli %add3A_2251, %min3A_2246 : vector<16xi32>
      %swap3A_2253 = arith.constant 784 : index
      %swap3A_2254 = tpu.vector_load %arg9[%swap3A_2253] {strides = array<i32>} : memref<832xi32, #tpu.memory_space<vmem>>, vector<16xi32>,
      tpu.vector_store %arg9[%swap3A_2253], %mul3A_2252 {strides = array<i32>} : memref<832xi32, #tpu.memory_space<vmem>>, vector<16xi32>,
      %slice3A_2255 = vector.extract_strided_slice %cumsum3A_2249 {offsets = [15], sizes = [1], strides = [1]} : vector<16xi32> to vector<1xi32>
      %squeeze3A_2256 = vector.extract %slice3A_2255[0] : i32 from vector<1xi32>
      %add3A_2257 = arith.addi %add3A_2238, %squeeze3A_2256 : i32
      %get3A_2258 = arith.constant 3 : i32
      %get3A_2259 = arith.index_cast %get3A_2258 : i32 to index
      %get3A_2260 = arith.constant 176 : index
      %get3A_2261 = tpu.vector_load %arg7[%get3A_2259, %get3A_2260] {strides = array<i32>} : memref<4x208xi32, #tpu.memory_space<vmem>>, vector<16xi32>,
      %abs3A_2262 = math.absi %get3A_2261 : vector<16xi32>
      %min3A_2263 = arith.constant 1 : i32
      %min3A_2264 = vector.broadcast %min3A_2263 : i32 to vector<16xi32>
      %min3A_2265 = arith.minsi %abs3A_2262, %min3A_2264 : vector<16xi32>
      %cumsum3A_2266 = arith.constant true
      %cumsum3A_2267 = vector.broadcast %cumsum3A_2266 : i1 to vector<16xi1>
      %cumsum3A_2268 = tpu.scan <sum>, %min3A_2265 masked %cumsum3A_2267 : vector<16xi32>, vector<16xi1> -> vector<16xi32>
      %add3A_2269 = vector.broadcast %add3A_2257 : i32 to vector<16xi32>
      %add3A_2270 = arith.addi %add3A_2269, %cumsum3A_2268 : vector<16xi32>
      %mul3A_2271 = arith.muli %add3A_2270, %min3A_2265 : vector<16xi32>
      %swap3A_2272 = arith.constant 800 : index
      %swap3A_2273 = tpu.vector_load %arg9[%swap3A_2272] {strides = array<i32>} : memref<832xi32, #tpu.memory_space<vmem>>, vector<16xi32>,
      tpu.vector_store %arg9[%swap3A_2272], %mul3A_2271 {strides = array<i32>} : memref<832xi32, #tpu.memory_space<vmem>>, vector<16xi32>,
      %slice3A_2274 = vector.extract_strided_slice %cumsum3A_2268 {offsets = [15], sizes = [1], strides = [1]} : vector<16xi32> to vector<1xi32>
      %squeeze3A_2275 = vector.extract %slice3A_2274[0] : i32 from vector<1xi32>
      %add3A_2276 = arith.addi %add3A_2257, %squeeze3A_2275 : i32
      %get3A_2277 = arith.constant 3 : i32
      %get3A_2278 = arith.index_cast %get3A_2277 : i32 to index
      %get3A_2279 = arith.constant 192 : index
      %get3A_2280 = tpu.vector_load %arg7[%get3A_2278, %get3A_2279] {strides = array<i32>} : memref<4x208xi32, #tpu.memory_space<vmem>>, vector<16xi32>,
      %abs3A_2281 = math.absi %get3A_2280 : vector<16xi32>
      %min3A_2282 = arith.constant 1 : i32
      %min3A_2283 = vector.broadcast %min3A_2282 : i32 to vector<16xi32>
      %min3A_2284 = arith.minsi %abs3A_2281, %min3A_2283 : vector<16xi32>
      %cumsum3A_2285 = arith.constant true
      %cumsum3A_2286 = vector.broadcast %cumsum3A_2285 : i1 to vector<16xi1>
      %cumsum3A_2287 = tpu.scan <sum>, %min3A_2284 masked %cumsum3A_2286 : vector<16xi32>, vector<16xi1> -> vector<16xi32>
      %add3A_2288 = vector.broadcast %add3A_2276 : i32 to vector<16xi32>
      %add3A_2289 = arith.addi %add3A_2288, %cumsum3A_2287 : vector<16xi32>
      %mul3A_2290 = arith.muli %add3A_2289, %min3A_2284 : vector<16xi32>
      %swap3A_2291 = arith.constant 816 : index
      %swap3A_2292 = tpu.vector_load %arg9[%swap3A_2291] {strides = array<i32>} : memref<832xi32, #tpu.memory_space<vmem>>, vector<16xi32>,
      tpu.vector_store %arg9[%swap3A_2291], %mul3A_2290 {strides = array<i32>} : memref<832xi32, #tpu.memory_space<vmem>>, vector<16xi32>,
      %slice3A_2293 = vector.extract_strided_slice %cumsum3A_2287 {offsets = [15], sizes = [1], strides = [1]} : vector<16xi32> to vector<1xi32>
      %squeeze3A_2294 = vector.extract %slice3A_2293[0] : i32 from vector<1xi32>
      %add3A_2295 = arith.addi %add3A_2276, %squeeze3A_2294 : i32
      %ge3A_2296 = arith.constant 2 : i32
      %ge3A_2297 = arith.cmpi sge, %add3A_1286, %ge3A_2296 : i32
      %convert_element_type3A_2298 = arith.extui %ge3A_2297 : i1 to i32
      %cond3A_2299 = arith.constant 0 : i32
      %cond3A_2300 = arith.cmpi ne, %convert_element_type3A_2298, %cond3A_2299 : i32
      scf.if %cond3A_2300 {
        %sub3A = arith.constant 2 : i32
        %sub3A_2393 = arith.subi %add3A_1286, %sub3A : i32
        %mul3A_2394 = arith.constant 4 : i32
        %mul3A_2395 = arith.muli %sub3A_2393, %mul3A_2394 : i32
        %add3A_2396 = arith.addi %mul3A_2, %mul3A_2395 : i32
        %dma_wait3A_2397 = arith.constant 0 : i32
        %dma_wait3A_2398 = arith.constant 0 : i32
        %dma_wait3A_2399 = arith.constant 0 : i32
        %dma_wait3A_2400 = tpu.memref_slice %arg11[%dma_wait3A_2397, %dma_wait3A_2398, %dma_wait3A_2399] : memref<4x208x64xf32, #tpu.memory_space<vmem>> -> memref<4x200x64xf32, #tpu.memory_space<vmem>>
        %dma_wait3A_2401 = arith.constant 0 : i32
        %dma_wait3A_2402 = arith.constant 0 : i32
        %dma_wait3A_2403 = tpu.memref_slice %arg4[%add3A_2396, %dma_wait3A_2401, %dma_wait3A_2402] : memref<16384x200x64xf32, #tpu.memory_space<hbm>> -> memref<4x200x64xf32, #tpu.memory_space<hbm>>
        %dma_wait3A_2404 = arith.constant 0 : i32
        %dma_wait3A_2405 = arith.constant 0 : i32
        %dma_wait3A_2406 = tpu.memref_slice %arg4[%add3A_2396, %dma_wait3A_2404, %dma_wait3A_2405] : memref<16384x200x64xf32, #tpu.memory_space<hbm>> -> memref<4x200x64xf32, #tpu.memory_space<hbm>>
        %dma_wait3A_2407 = arith.constant 0 : i32
        %dma_wait3A_2408 = arith.constant 0 : i32
        %dma_wait3A_2409 = arith.constant 0 : i32
        %dma_wait3A_2410 = tpu.memref_slice %arg11[%dma_wait3A_2407, %dma_wait3A_2408, %dma_wait3A_2409] : memref<4x208x64xf32, #tpu.memory_space<vmem>> -> memref<4x200x64xf32, #tpu.memory_space<vmem>>
        tpu.wait_dma2 semaphore(%arg18 : memref<!tpu.dma_semaphore, #tpu.memory_space<semaphore_mem>>) src(%dma_wait3A_2410 : memref<4x200x64xf32, #tpu.memory_space<vmem>>) dst(%dma_wait3A_2406 : memref<4x200x64xf32, #tpu.memory_space<hbm>>)
      } else {
      }
      %dma_start3A_2301 = arith.constant 0 : i32
      %dma_start3A_2302 = arith.constant 0 : i32
      %dma_start3A_2303 = arith.constant 0 : i32
      %dma_start3A_2304 = tpu.memref_slice %arg11[%dma_start3A_2301, %dma_start3A_2302, %dma_start3A_2303] : memref<4x208x64xf32, #tpu.memory_space<vmem>> -> memref<1x104x64xf32, #tpu.memory_space<vmem>>
      %dma_start3A_2305 = tpu.memref_squeeze %dma_start3A_2304 : memref<1x104x64xf32, #tpu.memory_space<vmem>> -> memref<104x64xf32, #tpu.memory_space<vmem>>
      %dma_start3A_2306 = arith.constant 0 : i32
      %dma_start3A_2307 = tpu.memref_slice %arg9[%dma_start3A_2306] : memref<832xi32, #tpu.memory_space<vmem>> -> memref<104xi32, #tpu.memory_space<vmem>>
      %dma_start3A_2308 = arith.constant 0 : i32
      %dma_start3A_2309 = arith.constant 0 : i32
      %dma_start3A_2310 = tpu.memref_slice %arg5[%dma_start3A_2308, %dma_start3A_2309] : memref<201x64xf32, #tpu.memory_space<vmem_shared>> -> memref<201x64xf32, #tpu.memory_space<vmem_shared>>
      tpu.enqueue_indirect_dma source(%dma_start3A_2310 : memref<201x64xf32, #tpu.memory_space<vmem_shared>>) target(%dma_start3A_2305 : memref<104x64xf32, #tpu.memory_space<vmem>>) offsets(%dma_start3A_2307 : memref<104xi32, #tpu.memory_space<vmem>>) semaphore(%arg16 : memref<!tpu.dma_semaphore, #tpu.memory_space<semaphore_mem>>)
      %dma_start3A_2311 = arith.constant 0 : i32
      %dma_start3A_2312 = arith.constant 104 : i32
      %dma_start3A_2313 = arith.constant 0 : i32
      %dma_start3A_2314 = tpu.memref_slice %arg11[%dma_start3A_2311, %dma_start3A_2312, %dma_start3A_2313] : memref<4x208x64xf32, #tpu.memory_space<vmem>> -> memref<1x104x64xf32, #tpu.memory_space<vmem>>
      %dma_start3A_2315 = tpu.memref_squeeze %dma_start3A_2314 : memref<1x104x64xf32, #tpu.memory_space<vmem>> -> memref<104x64xf32, #tpu.memory_space<vmem>>
      %dma_start3A_2316 = arith.constant 104 : i32
      %dma_start3A_2317 = tpu.memref_slice %arg9[%dma_start3A_2316] : memref<832xi32, #tpu.memory_space<vmem>> -> memref<104xi32, #tpu.memory_space<vmem>>
      %dma_start3A_2318 = arith.constant 0 : i32
      %dma_start3A_2319 = arith.constant 0 : i32
      %dma_start3A_2320 = tpu.memref_slice %arg5[%dma_start3A_2318, %dma_start3A_2319] : memref<201x64xf32, #tpu.memory_space<vmem_shared>> -> memref<201x64xf32, #tpu.memory_space<vmem_shared>>
      tpu.enqueue_indirect_dma source(%dma_start3A_2320 : memref<201x64xf32, #tpu.memory_space<vmem_shared>>) target(%dma_start3A_2315 : memref<104x64xf32, #tpu.memory_space<vmem>>) offsets(%dma_start3A_2317 : memref<104xi32, #tpu.memory_space<vmem>>) semaphore(%arg16 : memref<!tpu.dma_semaphore, #tpu.memory_space<semaphore_mem>>)
      %dma_start3A_2321 = arith.constant 1 : i32
      %dma_start3A_2322 = arith.constant 0 : i32
      %dma_start3A_2323 = arith.constant 0 : i32
      %dma_start3A_2324 = tpu.memref_slice %arg11[%dma_start3A_2321, %dma_start3A_2322, %dma_start3A_2323] : memref<4x208x64xf32, #tpu.memory_space<vmem>> -> memref<1x104x64xf32, #tpu.memory_space<vmem>>
      %dma_start3A_2325 = tpu.memref_squeeze %dma_start3A_2324 : memref<1x104x64xf32, #tpu.memory_space<vmem>> -> memref<104x64xf32, #tpu.memory_space<vmem>>
      %dma_start3A_2326 = arith.constant 208 : i32
      %dma_start3A_2327 = tpu.memref_slice %arg9[%dma_start3A_2326] : memref<832xi32, #tpu.memory_space<vmem>> -> memref<104xi32, #tpu.memory_space<vmem>>
      %dma_start3A_2328 = arith.constant 0 : i32
      %dma_start3A_2329 = arith.constant 0 : i32
      %dma_start3A_2330 = tpu.memref_slice %arg5[%dma_start3A_2328, %dma_start3A_2329] : memref<201x64xf32, #tpu.memory_space<vmem_shared>> -> memref<201x64xf32, #tpu.memory_space<vmem_shared>>
      tpu.enqueue_indirect_dma source(%dma_start3A_2330 : memref<201x64xf32, #tpu.memory_space<vmem_shared>>) target(%dma_start3A_2325 : memref<104x64xf32, #tpu.memory_space<vmem>>) offsets(%dma_start3A_2327 : memref<104xi32, #tpu.memory_space<vmem>>) semaphore(%arg16 : memref<!tpu.dma_semaphore, #tpu.memory_space<semaphore_mem>>)
      %dma_start3A_2331 = arith.constant 1 : i32
      %dma_start3A_2332 = arith.constant 104 : i32
      %dma_start3A_2333 = arith.constant 0 : i32
      %dma_start3A_2334 = tpu.memref_slice %arg11[%dma_start3A_2331, %dma_start3A_2332, %dma_start3A_2333] : memref<4x208x64xf32, #tpu.memory_space<vmem>> -> memref<1x104x64xf32, #tpu.memory_space<vmem>>
      %dma_start3A_2335 = tpu.memref_squeeze %dma_start3A_2334 : memref<1x104x64xf32, #tpu.memory_space<vmem>> -> memref<104x64xf32, #tpu.memory_space<vmem>>
      %dma_start3A_2336 = arith.constant 312 : i32
      %dma_start3A_2337 = tpu.memref_slice %arg9[%dma_start3A_2336] : memref<832xi32, #tpu.memory_space<vmem>> -> memref<104xi32, #tpu.memory_space<vmem>>
      %dma_start3A_2338 = arith.constant 0 : i32
      %dma_start3A_2339 = arith.constant 0 : i32
      %dma_start3A_2340 = tpu.memref_slice %arg5[%dma_start3A_2338, %dma_start3A_2339] : memref<201x64xf32, #tpu.memory_space<vmem_shared>> -> memref<201x64xf32, #tpu.memory_space<vmem_shared>>
      tpu.enqueue_indirect_dma source(%dma_start3A_2340 : memref<201x64xf32, #tpu.memory_space<vmem_shared>>) target(%dma_start3A_2335 : memref<104x64xf32, #tpu.memory_space<vmem>>) offsets(%dma_start3A_2337 : memref<104xi32, #tpu.memory_space<vmem>>) semaphore(%arg16 : memref<!tpu.dma_semaphore, #tpu.memory_space<semaphore_mem>>)
      %dma_start3A_2341 = arith.constant 2 : i32
      %dma_start3A_2342 = arith.constant 0 : i32
      %dma_start3A_2343 = arith.constant 0 : i32
      %dma_start3A_2344 = tpu.memref_slice %arg11[%dma_start3A_2341, %dma_start3A_2342, %dma_start3A_2343] : memref<4x208x64xf32, #tpu.memory_space<vmem>> -> memref<1x104x64xf32, #tpu.memory_space<vmem>>
      %dma_start3A_2345 = tpu.memref_squeeze %dma_start3A_2344 : memref<1x104x64xf32, #tpu.memory_space<vmem>> -> memref<104x64xf32, #tpu.memory_space<vmem>>
      %dma_start3A_2346 = arith.constant 416 : i32
      %dma_start3A_2347 = tpu.memref_slice %arg9[%dma_start3A_2346] : memref<832xi32, #tpu.memory_space<vmem>> -> memref<104xi32, #tpu.memory_space<vmem>>
      %dma_start3A_2348 = arith.constant 0 : i32
      %dma_start3A_2349 = arith.constant 0 : i32
      %dma_start3A_2350 = tpu.memref_slice %arg5[%dma_start3A_2348, %dma_start3A_2349] : memref<201x64xf32, #tpu.memory_space<vmem_shared>> -> memref<201x64xf32, #tpu.memory_space<vmem_shared>>
      tpu.enqueue_indirect_dma source(%dma_start3A_2350 : memref<201x64xf32, #tpu.memory_space<vmem_shared>>) target(%dma_start3A_2345 : memref<104x64xf32, #tpu.memory_space<vmem>>) offsets(%dma_start3A_2347 : memref<104xi32, #tpu.memory_space<vmem>>) semaphore(%arg16 : memref<!tpu.dma_semaphore, #tpu.memory_space<semaphore_mem>>)
      %dma_start3A_2351 = arith.constant 2 : i32
      %dma_start3A_2352 = arith.constant 104 : i32
      %dma_start3A_2353 = arith.constant 0 : i32
      %dma_start3A_2354 = tpu.memref_slice %arg11[%dma_start3A_2351, %dma_start3A_2352, %dma_start3A_2353] : memref<4x208x64xf32, #tpu.memory_space<vmem>> -> memref<1x104x64xf32, #tpu.memory_space<vmem>>
      %dma_start3A_2355 = tpu.memref_squeeze %dma_start3A_2354 : memref<1x104x64xf32, #tpu.memory_space<vmem>> -> memref<104x64xf32, #tpu.memory_space<vmem>>
      %dma_start3A_2356 = arith.constant 520 : i32
      %dma_start3A_2357 = tpu.memref_slice %arg9[%dma_start3A_2356] : memref<832xi32, #tpu.memory_space<vmem>> -> memref<104xi32, #tpu.memory_space<vmem>>
      %dma_start3A_2358 = arith.constant 0 : i32
      %dma_start3A_2359 = arith.constant 0 : i32
      %dma_start3A_2360 = tpu.memref_slice %arg5[%dma_start3A_2358, %dma_start3A_2359] : memref<201x64xf32, #tpu.memory_space<vmem_shared>> -> memref<201x64xf32, #tpu.memory_space<vmem_shared>>
      tpu.enqueue_indirect_dma source(%dma_start3A_2360 : memref<201x64xf32, #tpu.memory_space<vmem_shared>>) target(%dma_start3A_2355 : memref<104x64xf32, #tpu.memory_space<vmem>>) offsets(%dma_start3A_2357 : memref<104xi32, #tpu.memory_space<vmem>>) semaphore(%arg16 : memref<!tpu.dma_semaphore, #tpu.memory_space<semaphore_mem>>)
      %dma_start3A_2361 = arith.constant 3 : i32
      %dma_start3A_2362 = arith.constant 0 : i32
      %dma_start3A_2363 = arith.constant 0 : i32
      %dma_start3A_2364 = tpu.memref_slice %arg11[%dma_start3A_2361, %dma_start3A_2362, %dma_start3A_2363] : memref<4x208x64xf32, #tpu.memory_space<vmem>> -> memref<1x104x64xf32, #tpu.memory_space<vmem>>
      %dma_start3A_2365 = tpu.memref_squeeze %dma_start3A_2364 : memref<1x104x64xf32, #tpu.memory_space<vmem>> -> memref<104x64xf32, #tpu.memory_space<vmem>>
      %dma_start3A_2366 = arith.constant 624 : i32
      %dma_start3A_2367 = tpu.memref_slice %arg9[%dma_start3A_2366] : memref<832xi32, #tpu.memory_space<vmem>> -> memref<104xi32, #tpu.memory_space<vmem>>
      %dma_start3A_2368 = arith.constant 0 : i32
      %dma_start3A_2369 = arith.constant 0 : i32
      %dma_start3A_2370 = tpu.memref_slice %arg5[%dma_start3A_2368, %dma_start3A_2369] : memref<201x64xf32, #tpu.memory_space<vmem_shared>> -> memref<201x64xf32, #tpu.memory_space<vmem_shared>>
      tpu.enqueue_indirect_dma source(%dma_start3A_2370 : memref<201x64xf32, #tpu.memory_space<vmem_shared>>) target(%dma_start3A_2365 : memref<104x64xf32, #tpu.memory_space<vmem>>) offsets(%dma_start3A_2367 : memref<104xi32, #tpu.memory_space<vmem>>) semaphore(%arg16 : memref<!tpu.dma_semaphore, #tpu.memory_space<semaphore_mem>>)
      %dma_start3A_2371 = arith.constant 3 : i32
      %dma_start3A_2372 = arith.constant 104 : i32
      %dma_start3A_2373 = arith.constant 0 : i32
      %dma_start3A_2374 = tpu.memref_slice %arg11[%dma_start3A_2371, %dma_start3A_2372, %dma_start3A_2373] : memref<4x208x64xf32, #tpu.memory_space<vmem>> -> memref<1x104x64xf32, #tpu.memory_space<vmem>>
      %dma_start3A_2375 = tpu.memref_squeeze %dma_start3A_2374 : memref<1x104x64xf32, #tpu.memory_space<vmem>> -> memref<104x64xf32, #tpu.memory_space<vmem>>
      %dma_start3A_2376 = arith.constant 728 : i32
      %dma_start3A_2377 = tpu.memref_slice %arg9[%dma_start3A_2376] : memref<832xi32, #tpu.memory_space<vmem>> -> memref<104xi32, #tpu.memory_space<vmem>>
      %dma_start3A_2378 = arith.constant 0 : i32
      %dma_start3A_2379 = arith.constant 0 : i32
      %dma_start3A_2380 = tpu.memref_slice %arg5[%dma_start3A_2378, %dma_start3A_2379] : memref<201x64xf32, #tpu.memory_space<vmem_shared>> -> memref<201x64xf32, #tpu.memory_space<vmem_shared>>
      tpu.enqueue_indirect_dma source(%dma_start3A_2380 : memref<201x64xf32, #tpu.memory_space<vmem_shared>>) target(%dma_start3A_2375 : memref<104x64xf32, #tpu.memory_space<vmem>>) offsets(%dma_start3A_2377 : memref<104xi32, #tpu.memory_space<vmem>>) semaphore(%arg16 : memref<!tpu.dma_semaphore, #tpu.memory_space<semaphore_mem>>)
      %add3A_2381 = arith.constant 1 : i32
      %add3A_2382 = arith.addi %add3A_1286, %add3A_2381 : i32
      %lt3A_2383 = arith.constant 128 : i32
      %lt3A_2384 = arith.cmpi slt, %add3A_2382, %lt3A_2383 : i32
      %convert_element_type3A_2385 = arith.extui %lt3A_2384 : i1 to i32
      %cond3A_2386 = arith.constant 0 : i32
      %cond3A_2387 = arith.cmpi ne, %convert_element_type3A_2385, %cond3A_2386 : i32
      scf.if %cond3A_2387 {
        %add3A_2393 = arith.constant 4 : i32
        %add3A_2394 = arith.addi %add3A_1289, %add3A_2393 : i32
        %dma_start3A_2395 = arith.constant 0 : i32
        %dma_start3A_2396 = arith.constant 0 : i32
        %dma_start3A_2397 = tpu.memref_slice %arg6[%dma_start3A_2395, %dma_start3A_2396] : memref<4x208xi32, #tpu.memory_space<vmem>> -> memref<4x200xi32, #tpu.memory_space<vmem>>
        %dma_start3A_2398 = arith.constant 0 : i32
        %dma_start3A_2399 = tpu.memref_slice %arg2[%add3A_2394, %dma_start3A_2398] : memref<16384x200xi32, #tpu.memory_space<hbm>> -> memref<4x200xi32, #tpu.memory_space<hbm>>
        %dma_start3A_2400 = arith.constant 0 : i32
        %dma_start3A_2401 = arith.constant 0 : i32
        %dma_start3A_2402 = tpu.memref_slice %arg6[%dma_start3A_2400, %dma_start3A_2401] : memref<4x208xi32, #tpu.memory_space<vmem>> -> memref<4x200xi32, #tpu.memory_space<vmem>>
        %dma_start3A_2403 = arith.constant 0 : i32
        %dma_start3A_2404 = tpu.memref_slice %arg2[%add3A_2394, %dma_start3A_2403] : memref<16384x200xi32, #tpu.memory_space<hbm>> -> memref<4x200xi32, #tpu.memory_space<hbm>>
        tpu.enqueue_dma source(%dma_start3A_2404 : memref<4x200xi32, #tpu.memory_space<hbm>>) target(%dma_start3A_2402 : memref<4x200xi32, #tpu.memory_space<vmem>>) target_semaphore(%arg13 : memref<!tpu.dma_semaphore, #tpu.memory_space<semaphore_mem>>)
      } else {
      }
      %ge3A_2388 = arith.constant 1 : i32
      %ge3A_2389 = arith.cmpi sge, %add3A_1286, %ge3A_2388 : i32
      %convert_element_type3A_2390 = arith.extui %ge3A_2389 : i1 to i32
      %cond3A_2391 = arith.constant 0 : i32
      %cond3A_2392 = arith.cmpi ne, %convert_element_type3A_2390, %cond3A_2391 : i32
      scf.if %cond3A_2392 {
        %dma_wait3A_2393 = arith.constant 0 : i32
        %dma_wait3A_2394 = arith.constant 0 : i32
        %dma_wait3A_2395 = arith.constant 0 : i32
        %dma_wait3A_2396 = tpu.memref_slice %arg10[%dma_wait3A_2393, %dma_wait3A_2394, %dma_wait3A_2395] : memref<4x208x64xf32, #tpu.memory_space<vmem>> -> memref<1x104x64xf32, #tpu.memory_space<vmem>>
        %dma_wait3A_2397 = tpu.memref_squeeze %dma_wait3A_2396 : memref<1x104x64xf32, #tpu.memory_space<vmem>> -> memref<104x64xf32, #tpu.memory_space<vmem>>
        %dma_wait3A_2398 = arith.constant 0 : i32
        %dma_wait3A_2399 = tpu.memref_slice %arg8[%dma_wait3A_2398] : memref<832xi32, #tpu.memory_space<vmem>> -> memref<104xi32, #tpu.memory_space<vmem>>
        %dma_wait3A_2400 = arith.constant 0 : i32
        %dma_wait3A_2401 = arith.constant 0 : i32
        %dma_wait3A_2402 = tpu.memref_slice %arg5[%dma_wait3A_2400, %dma_wait3A_2401] : memref<201x64xf32, #tpu.memory_space<vmem_shared>> -> memref<201x64xf32, #tpu.memory_space<vmem_shared>>
        tpu.wait_indirect_dma semaphore(%arg15 : memref<!tpu.dma_semaphore, #tpu.memory_space<semaphore_mem>>) src(%dma_wait3A_2402 : memref<201x64xf32, #tpu.memory_space<vmem_shared>>) dst(%dma_wait3A_2397 : memref<104x64xf32, #tpu.memory_space<vmem>>)
        %dma_wait3A_2403 = arith.constant 0 : i32
        %dma_wait3A_2404 = arith.constant 104 : i32
        %dma_wait3A_2405 = arith.constant 0 : i32
        %dma_wait3A_2406 = tpu.memref_slice %arg10[%dma_wait3A_2403, %dma_wait3A_2404, %dma_wait3A_2405] : memref<4x208x64xf32, #tpu.memory_space<vmem>> -> memref<1x104x64xf32, #tpu.memory_space<vmem>>
        %dma_wait3A_2407 = tpu.memref_squeeze %dma_wait3A_2406 : memref<1x104x64xf32, #tpu.memory_space<vmem>> -> memref<104x64xf32, #tpu.memory_space<vmem>>
        %dma_wait3A_2408 = arith.constant 104 : i32
        %dma_wait3A_2409 = tpu.memref_slice %arg8[%dma_wait3A_2408] : memref<832xi32, #tpu.memory_space<vmem>> -> memref<104xi32, #tpu.memory_space<vmem>>
        %dma_wait3A_2410 = arith.constant 0 : i32
        %dma_wait3A_2411 = arith.constant 0 : i32
        %dma_wait3A_2412 = tpu.memref_slice %arg5[%dma_wait3A_2410, %dma_wait3A_2411] : memref<201x64xf32, #tpu.memory_space<vmem_shared>> -> memref<201x64xf32, #tpu.memory_space<vmem_shared>>
        tpu.wait_indirect_dma semaphore(%arg15 : memref<!tpu.dma_semaphore, #tpu.memory_space<semaphore_mem>>) src(%dma_wait3A_2412 : memref<201x64xf32, #tpu.memory_space<vmem_shared>>) dst(%dma_wait3A_2407 : memref<104x64xf32, #tpu.memory_space<vmem>>)
        %dma_wait3A_2413 = arith.constant 1 : i32
        %dma_wait3A_2414 = arith.constant 0 : i32
        %dma_wait3A_2415 = arith.constant 0 : i32
        %dma_wait3A_2416 = tpu.memref_slice %arg10[%dma_wait3A_2413, %dma_wait3A_2414, %dma_wait3A_2415] : memref<4x208x64xf32, #tpu.memory_space<vmem>> -> memref<1x104x64xf32, #tpu.memory_space<vmem>>
        %dma_wait3A_2417 = tpu.memref_squeeze %dma_wait3A_2416 : memref<1x104x64xf32, #tpu.memory_space<vmem>> -> memref<104x64xf32, #tpu.memory_space<vmem>>
        %dma_wait3A_2418 = arith.constant 208 : i32
        %dma_wait3A_2419 = tpu.memref_slice %arg8[%dma_wait3A_2418] : memref<832xi32, #tpu.memory_space<vmem>> -> memref<104xi32, #tpu.memory_space<vmem>>
        %dma_wait3A_2420 = arith.constant 0 : i32
        %dma_wait3A_2421 = arith.constant 0 : i32
        %dma_wait3A_2422 = tpu.memref_slice %arg5[%dma_wait3A_2420, %dma_wait3A_2421] : memref<201x64xf32, #tpu.memory_space<vmem_shared>> -> memref<201x64xf32, #tpu.memory_space<vmem_shared>>
        tpu.wait_indirect_dma semaphore(%arg15 : memref<!tpu.dma_semaphore, #tpu.memory_space<semaphore_mem>>) src(%dma_wait3A_2422 : memref<201x64xf32, #tpu.memory_space<vmem_shared>>) dst(%dma_wait3A_2417 : memref<104x64xf32, #tpu.memory_space<vmem>>)
        %dma_wait3A_2423 = arith.constant 1 : i32
        %dma_wait3A_2424 = arith.constant 104 : i32
        %dma_wait3A_2425 = arith.constant 0 : i32
        %dma_wait3A_2426 = tpu.memref_slice %arg10[%dma_wait3A_2423, %dma_wait3A_2424, %dma_wait3A_2425] : memref<4x208x64xf32, #tpu.memory_space<vmem>> -> memref<1x104x64xf32, #tpu.memory_space<vmem>>
        %dma_wait3A_2427 = tpu.memref_squeeze %dma_wait3A_2426 : memref<1x104x64xf32, #tpu.memory_space<vmem>> -> memref<104x64xf32, #tpu.memory_space<vmem>>
        %dma_wait3A_2428 = arith.constant 312 : i32
        %dma_wait3A_2429 = tpu.memref_slice %arg8[%dma_wait3A_2428] : memref<832xi32, #tpu.memory_space<vmem>> -> memref<104xi32, #tpu.memory_space<vmem>>
        %dma_wait3A_2430 = arith.constant 0 : i32
        %dma_wait3A_2431 = arith.constant 0 : i32
        %dma_wait3A_2432 = tpu.memref_slice %arg5[%dma_wait3A_2430, %dma_wait3A_2431] : memref<201x64xf32, #tpu.memory_space<vmem_shared>> -> memref<201x64xf32, #tpu.memory_space<vmem_shared>>
        tpu.wait_indirect_dma semaphore(%arg15 : memref<!tpu.dma_semaphore, #tpu.memory_space<semaphore_mem>>) src(%dma_wait3A_2432 : memref<201x64xf32, #tpu.memory_space<vmem_shared>>) dst(%dma_wait3A_2427 : memref<104x64xf32, #tpu.memory_space<vmem>>)
        %dma_wait3A_2433 = arith.constant 2 : i32
        %dma_wait3A_2434 = arith.constant 0 : i32
        %dma_wait3A_2435 = arith.constant 0 : i32
        %dma_wait3A_2436 = tpu.memref_slice %arg10[%dma_wait3A_2433, %dma_wait3A_2434, %dma_wait3A_2435] : memref<4x208x64xf32, #tpu.memory_space<vmem>> -> memref<1x104x64xf32, #tpu.memory_space<vmem>>
        %dma_wait3A_2437 = tpu.memref_squeeze %dma_wait3A_2436 : memref<1x104x64xf32, #tpu.memory_space<vmem>> -> memref<104x64xf32, #tpu.memory_space<vmem>>
        %dma_wait3A_2438 = arith.constant 416 : i32
        %dma_wait3A_2439 = tpu.memref_slice %arg8[%dma_wait3A_2438] : memref<832xi32, #tpu.memory_space<vmem>> -> memref<104xi32, #tpu.memory_space<vmem>>
        %dma_wait3A_2440 = arith.constant 0 : i32
        %dma_wait3A_2441 = arith.constant 0 : i32
        %dma_wait3A_2442 = tpu.memref_slice %arg5[%dma_wait3A_2440, %dma_wait3A_2441] : memref<201x64xf32, #tpu.memory_space<vmem_shared>> -> memref<201x64xf32, #tpu.memory_space<vmem_shared>>
        tpu.wait_indirect_dma semaphore(%arg15 : memref<!tpu.dma_semaphore, #tpu.memory_space<semaphore_mem>>) src(%dma_wait3A_2442 : memref<201x64xf32, #tpu.memory_space<vmem_shared>>) dst(%dma_wait3A_2437 : memref<104x64xf32, #tpu.memory_space<vmem>>)
        %dma_wait3A_2443 = arith.constant 2 : i32
        %dma_wait3A_2444 = arith.constant 104 : i32
        %dma_wait3A_2445 = arith.constant 0 : i32
        %dma_wait3A_2446 = tpu.memref_slice %arg10[%dma_wait3A_2443, %dma_wait3A_2444, %dma_wait3A_2445] : memref<4x208x64xf32, #tpu.memory_space<vmem>> -> memref<1x104x64xf32, #tpu.memory_space<vmem>>
        %dma_wait3A_2447 = tpu.memref_squeeze %dma_wait3A_2446 : memref<1x104x64xf32, #tpu.memory_space<vmem>> -> memref<104x64xf32, #tpu.memory_space<vmem>>
        %dma_wait3A_2448 = arith.constant 520 : i32
        %dma_wait3A_2449 = tpu.memref_slice %arg8[%dma_wait3A_2448] : memref<832xi32, #tpu.memory_space<vmem>> -> memref<104xi32, #tpu.memory_space<vmem>>
        %dma_wait3A_2450 = arith.constant 0 : i32
        %dma_wait3A_2451 = arith.constant 0 : i32
        %dma_wait3A_2452 = tpu.memref_slice %arg5[%dma_wait3A_2450, %dma_wait3A_2451] : memref<201x64xf32, #tpu.memory_space<vmem_shared>> -> memref<201x64xf32, #tpu.memory_space<vmem_shared>>
        tpu.wait_indirect_dma semaphore(%arg15 : memref<!tpu.dma_semaphore, #tpu.memory_space<semaphore_mem>>) src(%dma_wait3A_2452 : memref<201x64xf32, #tpu.memory_space<vmem_shared>>) dst(%dma_wait3A_2447 : memref<104x64xf32, #tpu.memory_space<vmem>>)
        %dma_wait3A_2453 = arith.constant 3 : i32
        %dma_wait3A_2454 = arith.constant 0 : i32
        %dma_wait3A_2455 = arith.constant 0 : i32
        %dma_wait3A_2456 = tpu.memref_slice %arg10[%dma_wait3A_2453, %dma_wait3A_2454, %dma_wait3A_2455] : memref<4x208x64xf32, #tpu.memory_space<vmem>> -> memref<1x104x64xf32, #tpu.memory_space<vmem>>
        %dma_wait3A_2457 = tpu.memref_squeeze %dma_wait3A_2456 : memref<1x104x64xf32, #tpu.memory_space<vmem>> -> memref<104x64xf32, #tpu.memory_space<vmem>>
        %dma_wait3A_2458 = arith.constant 624 : i32
        %dma_wait3A_2459 = tpu.memref_slice %arg8[%dma_wait3A_2458] : memref<832xi32, #tpu.memory_space<vmem>> -> memref<104xi32, #tpu.memory_space<vmem>>
        %dma_wait3A_2460 = arith.constant 0 : i32
        %dma_wait3A_2461 = arith.constant 0 : i32
        %dma_wait3A_2462 = tpu.memref_slice %arg5[%dma_wait3A_2460, %dma_wait3A_2461] : memref<201x64xf32, #tpu.memory_space<vmem_shared>> -> memref<201x64xf32, #tpu.memory_space<vmem_shared>>
        tpu.wait_indirect_dma semaphore(%arg15 : memref<!tpu.dma_semaphore, #tpu.memory_space<semaphore_mem>>) src(%dma_wait3A_2462 : memref<201x64xf32, #tpu.memory_space<vmem_shared>>) dst(%dma_wait3A_2457 : memref<104x64xf32, #tpu.memory_space<vmem>>)
        %dma_wait3A_2463 = arith.constant 3 : i32
        %dma_wait3A_2464 = arith.constant 104 : i32
        %dma_wait3A_2465 = arith.constant 0 : i32
        %dma_wait3A_2466 = tpu.memref_slice %arg10[%dma_wait3A_2463, %dma_wait3A_2464, %dma_wait3A_2465] : memref<4x208x64xf32, #tpu.memory_space<vmem>> -> memref<1x104x64xf32, #tpu.memory_space<vmem>>
        %dma_wait3A_2467 = tpu.memref_squeeze %dma_wait3A_2466 : memref<1x104x64xf32, #tpu.memory_space<vmem>> -> memref<104x64xf32, #tpu.memory_space<vmem>>
        %dma_wait3A_2468 = arith.constant 728 : i32
        %dma_wait3A_2469 = tpu.memref_slice %arg8[%dma_wait3A_2468] : memref<832xi32, #tpu.memory_space<vmem>> -> memref<104xi32, #tpu.memory_space<vmem>>
        %dma_wait3A_2470 = arith.constant 0 : i32
        %dma_wait3A_2471 = arith.constant 0 : i32
        %dma_wait3A_2472 = tpu.memref_slice %arg5[%dma_wait3A_2470, %dma_wait3A_2471] : memref<201x64xf32, #tpu.memory_space<vmem_shared>> -> memref<201x64xf32, #tpu.memory_space<vmem_shared>>
        tpu.wait_indirect_dma semaphore(%arg15 : memref<!tpu.dma_semaphore, #tpu.memory_space<semaphore_mem>>) src(%dma_wait3A_2472 : memref<201x64xf32, #tpu.memory_space<vmem_shared>>) dst(%dma_wait3A_2467 : memref<104x64xf32, #tpu.memory_space<vmem>>)
        %sub3A = arith.constant 1 : i32
        %sub3A_2473 = arith.subi %add3A_1286, %sub3A : i32
        %mul3A_2474 = arith.constant 4 : i32
        %mul3A_2475 = arith.muli %sub3A_2473, %mul3A_2474 : i32
        %add3A_2476 = arith.addi %mul3A_2, %mul3A_2475 : i32
        %dma_start3A_2477 = arith.constant 0 : i32
        %dma_start3A_2478 = arith.constant 0 : i32
        %dma_start3A_2479 = arith.constant 0 : i32
        %dma_start3A_2480 = tpu.memref_slice %arg10[%dma_start3A_2477, %dma_start3A_2478, %dma_start3A_2479] : memref<4x208x64xf32, #tpu.memory_space<vmem>> -> memref<4x200x64xf32, #tpu.memory_space<vmem>>
        %dma_start3A_2481 = arith.constant 0 : i32
        %dma_start3A_2482 = arith.constant 0 : i32
        %dma_start3A_2483 = tpu.memref_slice %arg4[%add3A_2476, %dma_start3A_2481, %dma_start3A_2482] : memref<16384x200x64xf32, #tpu.memory_space<hbm>> -> memref<4x200x64xf32, #tpu.memory_space<hbm>>
        %dma_start3A_2484 = arith.constant 0 : i32
        %dma_start3A_2485 = arith.constant 0 : i32
        %dma_start3A_2486 = tpu.memref_slice %arg4[%add3A_2476, %dma_start3A_2484, %dma_start3A_2485] : memref<16384x200x64xf32, #tpu.memory_space<hbm>> -> memref<4x200x64xf32, #tpu.memory_space<hbm>>
        %dma_start3A_2487 = arith.constant 0 : i32
        %dma_start3A_2488 = arith.constant 0 : i32
        %dma_start3A_2489 = arith.constant 0 : i32
        %dma_start3A_2490 = tpu.memref_slice %arg10[%dma_start3A_2487, %dma_start3A_2488, %dma_start3A_2489] : memref<4x208x64xf32, #tpu.memory_space<vmem>> -> memref<4x200x64xf32, #tpu.memory_space<vmem>>
        tpu.enqueue_dma source(%dma_start3A_2490 : memref<4x200x64xf32, #tpu.memory_space<vmem>>) target(%dma_start3A_2486 : memref<4x200x64xf32, #tpu.memory_space<hbm>>) target_semaphore(%arg17 : memref<!tpu.dma_semaphore, #tpu.memory_space<semaphore_mem>>)
      } else {
      }
    }
    %scan3A_54 = arith.constant 64 : i32
    %dma_wait3A = arith.constant 0 : i32
    %dma_wait3A_55 = arith.constant 0 : i32
    %dma_wait3A_56 = arith.constant 0 : i32
    %dma_wait3A_57 = tpu.memref_slice %arg11[%dma_wait3A, %dma_wait3A_55, %dma_wait3A_56] : memref<4x208x64xf32, #tpu.memory_space<vmem>> -> memref<1x104x64xf32, #tpu.memory_space<vmem>>
    %dma_wait3A_58 = tpu.memref_squeeze %dma_wait3A_57 : memref<1x104x64xf32, #tpu.memory_space<vmem>> -> memref<104x64xf32, #tpu.memory_space<vmem>>
    %dma_wait3A_59 = arith.constant 0 : i32
    %dma_wait3A_60 = tpu.memref_slice %arg9[%dma_wait3A_59] : memref<832xi32, #tpu.memory_space<vmem>> -> memref<104xi32, #tpu.memory_space<vmem>>
    %dma_wait3A_61 = arith.constant 0 : i32
    %dma_wait3A_62 = arith.constant 0 : i32
    %dma_wait3A_63 = tpu.memref_slice %arg5[%dma_wait3A_61, %dma_wait3A_62] : memref<201x64xf32, #tpu.memory_space<vmem_shared>> -> memref<201x64xf32, #tpu.memory_space<vmem_shared>>
    tpu.wait_indirect_dma semaphore(%arg16 : memref<!tpu.dma_semaphore, #tpu.memory_space<semaphore_mem>>) src(%dma_wait3A_63 : memref<201x64xf32, #tpu.memory_space<vmem_shared>>) dst(%dma_wait3A_58 : memref<104x64xf32, #tpu.memory_space<vmem>>)
    %dma_wait3A_64 = arith.constant 0 : i32
    %dma_wait3A_65 = arith.constant 104 : i32
    %dma_wait3A_66 = arith.constant 0 : i32
    %dma_wait3A_67 = tpu.memref_slice %arg11[%dma_wait3A_64, %dma_wait3A_65, %dma_wait3A_66] : memref<4x208x64xf32, #tpu.memory_space<vmem>> -> memref<1x104x64xf32, #tpu.memory_space<vmem>>
    %dma_wait3A_68 = tpu.memref_squeeze %dma_wait3A_67 : memref<1x104x64xf32, #tpu.memory_space<vmem>> -> memref<104x64xf32, #tpu.memory_space<vmem>>
    %dma_wait3A_69 = arith.constant 104 : i32
    %dma_wait3A_70 = tpu.memref_slice %arg9[%dma_wait3A_69] : memref<832xi32, #tpu.memory_space<vmem>> -> memref<104xi32, #tpu.memory_space<vmem>>
    %dma_wait3A_71 = arith.constant 0 : i32
    %dma_wait3A_72 = arith.constant 0 : i32
    %dma_wait3A_73 = tpu.memref_slice %arg5[%dma_wait3A_71, %dma_wait3A_72] : memref<201x64xf32, #tpu.memory_space<vmem_shared>> -> memref<201x64xf32, #tpu.memory_space<vmem_shared>>
    tpu.wait_indirect_dma semaphore(%arg16 : memref<!tpu.dma_semaphore, #tpu.memory_space<semaphore_mem>>) src(%dma_wait3A_73 : memref<201x64xf32, #tpu.memory_space<vmem_shared>>) dst(%dma_wait3A_68 : memref<104x64xf32, #tpu.memory_space<vmem>>)
    %dma_wait3A_74 = arith.constant 1 : i32
    %dma_wait3A_75 = arith.constant 0 : i32
    %dma_wait3A_76 = arith.constant 0 : i32
    %dma_wait3A_77 = tpu.memref_slice %arg11[%dma_wait3A_74, %dma_wait3A_75, %dma_wait3A_76] : memref<4x208x64xf32, #tpu.memory_space<vmem>> -> memref<1x104x64xf32, #tpu.memory_space<vmem>>
    %dma_wait3A_78 = tpu.memref_squeeze %dma_wait3A_77 : memref<1x104x64xf32, #tpu.memory_space<vmem>> -> memref<104x64xf32, #tpu.memory_space<vmem>>
    %dma_wait3A_79 = arith.constant 208 : i32
    %dma_wait3A_80 = tpu.memref_slice %arg9[%dma_wait3A_79] : memref<832xi32, #tpu.memory_space<vmem>> -> memref<104xi32, #tpu.memory_space<vmem>>
    %dma_wait3A_81 = arith.constant 0 : i32
    %dma_wait3A_82 = arith.constant 0 : i32
    %dma_wait3A_83 = tpu.memref_slice %arg5[%dma_wait3A_81, %dma_wait3A_82] : memref<201x64xf32, #tpu.memory_space<vmem_shared>> -> memref<201x64xf32, #tpu.memory_space<vmem_shared>>
    tpu.wait_indirect_dma semaphore(%arg16 : memref<!tpu.dma_semaphore, #tpu.memory_space<semaphore_mem>>) src(%dma_wait3A_83 : memref<201x64xf32, #tpu.memory_space<vmem_shared>>) dst(%dma_wait3A_78 : memref<104x64xf32, #tpu.memory_space<vmem>>)
    %dma_wait3A_84 = arith.constant 1 : i32
    %dma_wait3A_85 = arith.constant 104 : i32
    %dma_wait3A_86 = arith.constant 0 : i32
    %dma_wait3A_87 = tpu.memref_slice %arg11[%dma_wait3A_84, %dma_wait3A_85, %dma_wait3A_86] : memref<4x208x64xf32, #tpu.memory_space<vmem>> -> memref<1x104x64xf32, #tpu.memory_space<vmem>>
    %dma_wait3A_88 = tpu.memref_squeeze %dma_wait3A_87 : memref<1x104x64xf32, #tpu.memory_space<vmem>> -> memref<104x64xf32, #tpu.memory_space<vmem>>
    %dma_wait3A_89 = arith.constant 312 : i32
    %dma_wait3A_90 = tpu.memref_slice %arg9[%dma_wait3A_89] : memref<832xi32, #tpu.memory_space<vmem>> -> memref<104xi32, #tpu.memory_space<vmem>>
    %dma_wait3A_91 = arith.constant 0 : i32
    %dma_wait3A_92 = arith.constant 0 : i32
    %dma_wait3A_93 = tpu.memref_slice %arg5[%dma_wait3A_91, %dma_wait3A_92] : memref<201x64xf32, #tpu.memory_space<vmem_shared>> -> memref<201x64xf32, #tpu.memory_space<vmem_shared>>
    tpu.wait_indirect_dma semaphore(%arg16 : memref<!tpu.dma_semaphore, #tpu.memory_space<semaphore_mem>>) src(%dma_wait3A_93 : memref<201x64xf32, #tpu.memory_space<vmem_shared>>) dst(%dma_wait3A_88 : memref<104x64xf32, #tpu.memory_space<vmem>>)
    %dma_wait3A_94 = arith.constant 2 : i32
    %dma_wait3A_95 = arith.constant 0 : i32
    %dma_wait3A_96 = arith.constant 0 : i32
    %dma_wait3A_97 = tpu.memref_slice %arg11[%dma_wait3A_94, %dma_wait3A_95, %dma_wait3A_96] : memref<4x208x64xf32, #tpu.memory_space<vmem>> -> memref<1x104x64xf32, #tpu.memory_space<vmem>>
    %dma_wait3A_98 = tpu.memref_squeeze %dma_wait3A_97 : memref<1x104x64xf32, #tpu.memory_space<vmem>> -> memref<104x64xf32, #tpu.memory_space<vmem>>
    %dma_wait3A_99 = arith.constant 416 : i32
    %dma_wait3A_100 = tpu.memref_slice %arg9[%dma_wait3A_99] : memref<832xi32, #tpu.memory_space<vmem>> -> memref<104xi32, #tpu.memory_space<vmem>>
    %dma_wait3A_101 = arith.constant 0 : i32
    %dma_wait3A_102 = arith.constant 0 : i32
    %dma_wait3A_103 = tpu.memref_slice %arg5[%dma_wait3A_101, %dma_wait3A_102] : memref<201x64xf32, #tpu.memory_space<vmem_shared>> -> memref<201x64xf32, #tpu.memory_space<vmem_shared>>
    tpu.wait_indirect_dma semaphore(%arg16 : memref<!tpu.dma_semaphore, #tpu.memory_space<semaphore_mem>>) src(%dma_wait3A_103 : memref<201x64xf32, #tpu.memory_space<vmem_shared>>) dst(%dma_wait3A_98 : memref<104x64xf32, #tpu.memory_space<vmem>>)
    %dma_wait3A_104 = arith.constant 2 : i32
    %dma_wait3A_105 = arith.constant 104 : i32
    %dma_wait3A_106 = arith.constant 0 : i32
    %dma_wait3A_107 = tpu.memref_slice %arg11[%dma_wait3A_104, %dma_wait3A_105, %dma_wait3A_106] : memref<4x208x64xf32, #tpu.memory_space<vmem>> -> memref<1x104x64xf32, #tpu.memory_space<vmem>>
    %dma_wait3A_108 = tpu.memref_squeeze %dma_wait3A_107 : memref<1x104x64xf32, #tpu.memory_space<vmem>> -> memref<104x64xf32, #tpu.memory_space<vmem>>
    %dma_wait3A_109 = arith.constant 520 : i32
    %dma_wait3A_110 = tpu.memref_slice %arg9[%dma_wait3A_109] : memref<832xi32, #tpu.memory_space<vmem>> -> memref<104xi32, #tpu.memory_space<vmem>>
    %dma_wait3A_111 = arith.constant 0 : i32
    %dma_wait3A_112 = arith.constant 0 : i32
    %dma_wait3A_113 = tpu.memref_slice %arg5[%dma_wait3A_111, %dma_wait3A_112] : memref<201x64xf32, #tpu.memory_space<vmem_shared>> -> memref<201x64xf32, #tpu.memory_space<vmem_shared>>
    tpu.wait_indirect_dma semaphore(%arg16 : memref<!tpu.dma_semaphore, #tpu.memory_space<semaphore_mem>>) src(%dma_wait3A_113 : memref<201x64xf32, #tpu.memory_space<vmem_shared>>) dst(%dma_wait3A_108 : memref<104x64xf32, #tpu.memory_space<vmem>>)
    %dma_wait3A_114 = arith.constant 3 : i32
    %dma_wait3A_115 = arith.constant 0 : i32
    %dma_wait3A_116 = arith.constant 0 : i32
    %dma_wait3A_117 = tpu.memref_slice %arg11[%dma_wait3A_114, %dma_wait3A_115, %dma_wait3A_116] : memref<4x208x64xf32, #tpu.memory_space<vmem>> -> memref<1x104x64xf32, #tpu.memory_space<vmem>>
    %dma_wait3A_118 = tpu.memref_squeeze %dma_wait3A_117 : memref<1x104x64xf32, #tpu.memory_space<vmem>> -> memref<104x64xf32, #tpu.memory_space<vmem>>
    %dma_wait3A_119 = arith.constant 624 : i32
    %dma_wait3A_120 = tpu.memref_slice %arg9[%dma_wait3A_119] : memref<832xi32, #tpu.memory_space<vmem>> -> memref<104xi32, #tpu.memory_space<vmem>>
    %dma_wait3A_121 = arith.constant 0 : i32
    %dma_wait3A_122 = arith.constant 0 : i32
    %dma_wait3A_123 = tpu.memref_slice %arg5[%dma_wait3A_121, %dma_wait3A_122] : memref<201x64xf32, #tpu.memory_space<vmem_shared>> -> memref<201x64xf32, #tpu.memory_space<vmem_shared>>
    tpu.wait_indirect_dma semaphore(%arg16 : memref<!tpu.dma_semaphore, #tpu.memory_space<semaphore_mem>>) src(%dma_wait3A_123 : memref<201x64xf32, #tpu.memory_space<vmem_shared>>) dst(%dma_wait3A_118 : memref<104x64xf32, #tpu.memory_space<vmem>>)
    %dma_wait3A_124 = arith.constant 3 : i32
    %dma_wait3A_125 = arith.constant 104 : i32
    %dma_wait3A_126 = arith.constant 0 : i32
    %dma_wait3A_127 = tpu.memref_slice %arg11[%dma_wait3A_124, %dma_wait3A_125, %dma_wait3A_126] : memref<4x208x64xf32, #tpu.memory_space<vmem>> -> memref<1x104x64xf32, #tpu.memory_space<vmem>>
    %dma_wait3A_128 = tpu.memref_squeeze %dma_wait3A_127 : memref<1x104x64xf32, #tpu.memory_space<vmem>> -> memref<104x64xf32, #tpu.memory_space<vmem>>
    %dma_wait3A_129 = arith.constant 728 : i32
    %dma_wait3A_130 = tpu.memref_slice %arg9[%dma_wait3A_129] : memref<832xi32, #tpu.memory_space<vmem>> -> memref<104xi32, #tpu.memory_space<vmem>>
    %dma_wait3A_131 = arith.constant 0 : i32
    %dma_wait3A_132 = arith.constant 0 : i32
    %dma_wait3A_133 = tpu.memref_slice %arg5[%dma_wait3A_131, %dma_wait3A_132] : memref<201x64xf32, #tpu.memory_space<vmem_shared>> -> memref<201x64xf32, #tpu.memory_space<vmem_shared>>
    tpu.wait_indirect_dma semaphore(%arg16 : memref<!tpu.dma_semaphore, #tpu.memory_space<semaphore_mem>>) src(%dma_wait3A_133 : memref<201x64xf32, #tpu.memory_space<vmem_shared>>) dst(%dma_wait3A_128 : memref<104x64xf32, #tpu.memory_space<vmem>>)
    %add3A_134 = arith.constant 508 : i32
    %add3A_135 = arith.addi %mul3A_2, %add3A_134 : i32
    %dma_start3A_136 = arith.constant 0 : i32
    %dma_start3A_137 = arith.constant 0 : i32
    %dma_start3A_138 = arith.constant 0 : i32
    %dma_start3A_139 = tpu.memref_slice %arg11[%dma_start3A_136, %dma_start3A_137, %dma_start3A_138] : memref<4x208x64xf32, #tpu.memory_space<vmem>> -> memref<4x200x64xf32, #tpu.memory_space<vmem>>
    %dma_start3A_140 = arith.constant 0 : i32
    %dma_start3A_141 = arith.constant 0 : i32
    %dma_start3A_142 = tpu.memref_slice %arg4[%add3A_135, %dma_start3A_140, %dma_start3A_141] : memref<16384x200x64xf32, #tpu.memory_space<hbm>> -> memref<4x200x64xf32, #tpu.memory_space<hbm>>
    %dma_start3A_143 = arith.constant 0 : i32
    %dma_start3A_144 = arith.constant 0 : i32
    %dma_start3A_145 = tpu.memref_slice %arg4[%add3A_135, %dma_start3A_143, %dma_start3A_144] : memref<16384x200x64xf32, #tpu.memory_space<hbm>> -> memref<4x200x64xf32, #tpu.memory_space<hbm>>
    %dma_start3A_146 = arith.constant 0 : i32
    %dma_start3A_147 = arith.constant 0 : i32
    %dma_start3A_148 = arith.constant 0 : i32
    %dma_start3A_149 = tpu.memref_slice %arg11[%dma_start3A_146, %dma_start3A_147, %dma_start3A_148] : memref<4x208x64xf32, #tpu.memory_space<vmem>> -> memref<4x200x64xf32, #tpu.memory_space<vmem>>
    tpu.enqueue_dma source(%dma_start3A_149 : memref<4x200x64xf32, #tpu.memory_space<vmem>>) target(%dma_start3A_145 : memref<4x200x64xf32, #tpu.memory_space<hbm>>) target_semaphore(%arg18 : memref<!tpu.dma_semaphore, #tpu.memory_space<semaphore_mem>>)
    %add3A_150 = arith.constant 504 : i32
    %add3A_151 = arith.addi %mul3A_2, %add3A_150 : i32
    %dma_wait3A_152 = arith.constant 0 : i32
    %dma_wait3A_153 = arith.constant 0 : i32
    %dma_wait3A_154 = arith.constant 0 : i32
    %dma_wait3A_155 = tpu.memref_slice %arg10[%dma_wait3A_152, %dma_wait3A_153, %dma_wait3A_154] : memref<4x208x64xf32, #tpu.memory_space<vmem>> -> memref<4x200x64xf32, #tpu.memory_space<vmem>>
    %dma_wait3A_156 = arith.constant 0 : i32
    %dma_wait3A_157 = arith.constant 0 : i32
    %dma_wait3A_158 = tpu.memref_slice %arg4[%add3A_151, %dma_wait3A_156, %dma_wait3A_157] : memref<16384x200x64xf32, #tpu.memory_space<hbm>> -> memref<4x200x64xf32, #tpu.memory_space<hbm>>
    %dma_wait3A_159 = arith.constant 0 : i32
    %dma_wait3A_160 = arith.constant 0 : i32
    %dma_wait3A_161 = tpu.memref_slice %arg4[%add3A_151, %dma_wait3A_159, %dma_wait3A_160] : memref<16384x200x64xf32, #tpu.memory_space<hbm>> -> memref<4x200x64xf32, #tpu.memory_space<hbm>>
    %dma_wait3A_162 = arith.constant 0 : i32
    %dma_wait3A_163 = arith.constant 0 : i32
    %dma_wait3A_164 = arith.constant 0 : i32
    %dma_wait3A_165 = tpu.memref_slice %arg10[%dma_wait3A_162, %dma_wait3A_163, %dma_wait3A_164] : memref<4x208x64xf32, #tpu.memory_space<vmem>> -> memref<4x200x64xf32, #tpu.memory_space<vmem>>
    tpu.wait_dma2 semaphore(%arg17 : memref<!tpu.dma_semaphore, #tpu.memory_space<semaphore_mem>>) src(%dma_wait3A_165 : memref<4x200x64xf32, #tpu.memory_space<vmem>>) dst(%dma_wait3A_161 : memref<4x200x64xf32, #tpu.memory_space<hbm>>)
    %add3A_166 = arith.constant 508 : i32
    %add3A_167 = arith.addi %mul3A_2, %add3A_166 : i32
    %dma_wait3A_168 = arith.constant 0 : i32
    %dma_wait3A_169 = arith.constant 0 : i32
    %dma_wait3A_170 = arith.constant 0 : i32
    %dma_wait3A_171 = tpu.memref_slice %arg11[%dma_wait3A_168, %dma_wait3A_169, %dma_wait3A_170] : memref<4x208x64xf32, #tpu.memory_space<vmem>> -> memref<4x200x64xf32, #tpu.memory_space<vmem>>
    %dma_wait3A_172 = arith.constant 0 : i32
    %dma_wait3A_173 = arith.constant 0 : i32
    %dma_wait3A_174 = tpu.memref_slice %arg4[%add3A_167, %dma_wait3A_172, %dma_wait3A_173] : memref<16384x200x64xf32, #tpu.memory_space<hbm>> -> memref<4x200x64xf32, #tpu.memory_space<hbm>>
    %dma_wait3A_175 = arith.constant 0 : i32
    %dma_wait3A_176 = arith.constant 0 : i32
    %dma_wait3A_177 = tpu.memref_slice %arg4[%add3A_167, %dma_wait3A_175, %dma_wait3A_176] : memref<16384x200x64xf32, #tpu.memory_space<hbm>> -> memref<4x200x64xf32, #tpu.memory_space<hbm>>
    %dma_wait3A_178 = arith.constant 0 : i32
    %dma_wait3A_179 = arith.constant 0 : i32
    %dma_wait3A_180 = arith.constant 0 : i32
    %dma_wait3A_181 = tpu.memref_slice %arg11[%dma_wait3A_178, %dma_wait3A_179, %dma_wait3A_180] : memref<4x208x64xf32, #tpu.memory_space<vmem>> -> memref<4x200x64xf32, #tpu.memory_space<vmem>>
    tpu.wait_dma2 semaphore(%arg18 : memref<!tpu.dma_semaphore, #tpu.memory_space<semaphore_mem>>) src(%dma_wait3A_181 : memref<4x200x64xf32, #tpu.memory_space<vmem>>) dst(%dma_wait3A_177 : memref<4x200x64xf32, #tpu.memory_space<hbm>>)
    return
  }
}

</mosaic_0001>

<sc_bundles>
// kernel: kernel.3.cloned.1.call-start
scs
__scs_entry_jumppad:
0x0: {  	(pc) =	sbr.rel $0x88, $3  }
0x1: {  	(tag) =	ssettag $0x0;
	lr =	simm.s32 $0x1  }
0x2: {  	[smem:$0x3F9F] =	sst lr;
	_ =	strace $0xD0000000  }
0x3: {  	_ = 	snop  }
0x4: {  	_ = 	snop  }
0x5: {  	_ = 	snop  }
0x6: {  	_ = 	snop  }
0x7: {  	_ = 	snop  }
__scs_overlays_trampoline_lowered:
0x8: {  	[smem:$0x3FAE] =	sst s0  }
0x9: {  	[smem:$0x3FAF] =	sst s1  }
0xa: {  	[smem:$0x3FB0] =	sst s2  }
0xb: {  	[smem:$0x3FB1] =	sst s3  }
0xc: {  	[smem:$0x3FB2] =	sst s4  }
0xd: {  	[smem:$0x3FB3] =	sst s5  }
0xe: {  	[smem:$0x3FB4] =	sst s6  }
0xf: {  	[smem:$0x3FB5] =	sst s7  }
0x10: {  	[smem:$0x3FB6] =	sst s8  }
0x11: {  	[smem:$0x3FB7] =	sst s9;
	s0 =	simm.s32 @!p0 $0x0  }
0x12: {  	s1 =	sld [smem:$0x3F9D];
	s0 =	simm.s32 @p0 $0x1  }
0x13: {  	[smem:$0x3FB8] =	sst s0;
	s0 =	simm.s32 @!p1 $0x0  }
0x14: {  	s2 =	sld [smem:$0x3F9C];
	s0 =	simm.s32 @p1 $0x1  }
0x15: {  	[smem:$0x3FB9] =	sst s0;
	s0 =	simm.s32 @!p2 $0x0  }
0x16: {  	s3 =	sld [smem:$0x3FDB];
	s0 =	simm.s32 @p2 $0x1  }
0x17: {  	s4 =	simm.s32 $0x1BF5;
	[smem:$0x3FBB] =	sst s0  }
0x18: {  	s0 =	sld [smem:$0x3F9E];
	_ =	swait.ge [sflag:s4], $0x0  }
0x19: {  	s7 =	sld [smem:$0x3F9F]  }
0x1a: {  	s8 =	sadd.s32 $0xFFFFE003, lr  }
0x1b: {  	s9 =	sadd.s32 $0xFFFFFEF7, lr;
	s5 =	simm.s32 $0xFFFFFFFF;
	p2 =	slt.u32 s8, $0xFFFFF086  }
0x1c: {  	p1 =	slt.u32 s9, $0xF7A;
	s5 =	simm.s32 @!p2 $0x0  }
0x1d: {  	s5 =	simm.s32 @p1 $0x1;
	p0 =	seq.s32 s7, s2  }
0x1e: {  	s7 =	smul.u32 @!p0 $0xF7A, s2;
	p2 =	seq.s32 @!p0 s5, $0x0  }
0x1f: {  	s9 =	smul.u32 $0xF7A, s1;
	s8 =	simm.s32 @!p0 $0x1BF5;
	p2 =	por !p2, p0  }
0x20: {  	[sflag:s8] =	ssyncset.s32 @!p0 $0xFFFFF086;
	s6 =	sadd.s32 @!p0 s3, s7;
	s7 =	simm.s32 @!p0 $0x108  }
0x21: {  	s3 =	sadd.s32 s3, s9;
	s6 =	sadd.s32 @!p0 $0x88, s6;
	s7 =	simm.s32 @p2 $0x1082  }
0x22: {  	[simem:s7], [sflag:s8] =	dma.local @!p0 [hbm:s6], $0xF7A  }
0x23: {  	s9 =	sor.u32 $0xD0000000, s2;
	s6 =	simm.s32 $0x108;
	_ =	swait.ge @!p0 [sflag:s8], $0x0  }
0x24: {  	s3 =	sadd.s32 $0x88, s3;
	s6 =	simm.s32 @!p1 $0x1082;
	[sflag:s4] =	ssyncset.s32 $0xFFFFF086  }
0x25: {  	[simem:s6], [sflag:s4] =	dma.local [hbm:s3], $0xF7A  }
0x26: {  	[smem:$0x3F9F] =	sst s1;
	(tag) =	ssettag s2;
	_ =	strace s9  }
0x27: {  	s1 =	sld [smem:$0x3FAF]  }
0x28: {  	s2 =	sld [smem:$0x3FB0]  }
0x29: {  	s4 =	sld [smem:$0x3FB2]  }
0x2a: {  	p0 =	seq.s32 s5, $0x0;
	s5 =	sld [smem:$0x3FB3]  }
0x2b: {  	s6 =	sld [smem:$0x3FB4]  }
0x2c: {  	s7 =	sld [smem:$0x3FB5]  }
0x2d: {  	s3 =	simm.s32 $0x108;
	s8 =	sld [smem:$0x3FB6]  }
0x2e: {  	s3 =	simm.s32 @!p0 $0x1082;
	s9 =	sld [smem:$0x3FB7]  }
0x2f: {  	lr =	sadd.s32 s0, s3;
	s0 =	sld [smem:$0x3FAE]  }
0x30: {  	s3 =	sld [smem:$0x3FB1]  }
0x31: {  	[smem:$0x3FBA] =	sst s10  }
0x32: {  	s10 =	sld [smem:$0x3FB8];
	_ =	sdelay $0x3  }
0x33: {  	p0 =	seq.s32 s10, $0x1;
	s10 =	sld [smem:$0x3FBA];
	_ =	sdelay $0x3  }
0x34: {  	[smem:$0x3FBA] =	sst s10  }
0x35: {  	s10 =	sld [smem:$0x3FB9];
	_ =	sdelay $0x3  }
0x36: {  	p1 =	seq.s32 s10, $0x1;
	s10 =	sld [smem:$0x3FBA];
	_ =	sdelay $0x3  }
0x37: {  	[smem:$0x3FBA] =	sst s10  }
0x38: {  	s10 =	sld [smem:$0x3FBB]  }
0x39: {  	_ = 	snop;
	(pc) =	sbr.ind lr, $3  }
0x3a: {  	_ = 	snop  }
0x3b: {  	_ = 	snop  }
0x3c: {  	p2 =	seq.s32 s10, $0x1;
	s10 =	sld [smem:$0x3FBA]  }
0x3d: {  	_ =	shalt  }
0x3e: {  	_ =	shalt  }
0x3f: {  	_ =	shalt  }
0x40: {  	_ =	shalt  }
0x41: {  	_ =	shalt  }
0x42: {  	_ =	shalt  }
0x43: {  	_ =	shalt  }
0x44: {  	_ =	shalt  }
0x45: {  	_ =	shalt  }
0x46: {  	_ =	shalt  }
0x47: {  	_ =	shalt  }
0x48: {  	_ =	shalt  }
0x49: {  	_ =	shalt  }
0x4a: {  	_ =	shalt  }
0x4b: {  	_ =	shalt  }
0x4c: {  	_ =	shalt  }
0x4d: {  	_ =	shalt  }
0x4e: {  	_ =	shalt  }
0x4f: {  	_ =	shalt  }
0x50: {  	_ =	shalt  }
0x51: {  	_ =	shalt  }
0x52: {  	_ =	shalt  }
0x53: {  	_ =	shalt  }
0x54: {  	_ =	shalt  }
0x55: {  	_ =	shalt  }
0x56: {  	_ =	shalt  }
0x57: {  	_ =	shalt  }
0x58: {  	_ =	shalt  }
0x59: {  	_ =	shalt  }
0x5a: {  	_ =	shalt  }
0x5b: {  	_ =	shalt  }
0x5c: {  	_ =	shalt  }
0x5d: {  	_ =	shalt  }
0x5e: {  	_ =	shalt  }
0x5f: {  	_ =	shalt  }
0x60: {  	_ =	shalt  }
0x61: {  	_ =	shalt  }
0x62: {  	_ =	shalt  }
0x63: {  	_ =	shalt  }
0x64: {  	_ =	shalt  }
0x65: {  	_ =	shalt  }
0x66: {  	_ =	shalt  }
0x67: {  	_ =	shalt  }
0x68: {  	_ =	shalt  }
0x69: {  	_ =	shalt  }
0x6a: {  	_ =	shalt  }
0x6b: {  	_ =	shalt  }
0x6c: {  	_ =	shalt  }
0x6d: {  	_ =	shalt  }
0x6e: {  	_ =	shalt  }
0x6f: {  	_ =	shalt  }
0x70: {  	_ =	shalt  }
0x71: {  	_ =	shalt  }
0x72: {  	_ =	shalt  }
0x73: {  	_ =	shalt  }
0x74: {  	_ =	shalt  }
0x75: {  	_ =	shalt  }
0x76: {  	_ =	shalt  }
0x77: {  	_ =	shalt  }
0x78: {  	_ =	shalt  }
0x79: {  	_ =	shalt  }
0x7a: {  	_ =	shalt  }
0x7b: {  	_ =	shalt  }
0x7c: {  	_ =	shalt  }
0x7d: {  	_ =	shalt  }
0x7e: {  	_ =	shalt  }
0x7f: {  	_ =	shalt  }
0x80: {  	_ =	shalt  }
0x81: {  	_ =	shalt  }
0x82: {  	_ =	shalt  }
0x83: {  	_ =	shalt  }
0x84: {  	_ =	shalt  }
0x85: {  	_ =	shalt  }
0x86: {  	_ =	shalt  }
0x87: {  	_ =	shalt  }
.Lfunc_end0:
.L_simem_size_0:
called_computation.1_lowered:
.L_overlay_start_0:
0x88: {  	s2 =	sld [smem:$0x3FD9]  }
0x89: {  	s3 =	sld [smem:$0x3FFE];
	_ =	sdelay $0x1  }
0x8a: {  	s1 =	srdreg.scid  }
0x8b: {  	s0 =	sand.u32 $0x1, s1  }
0x8c: {  	s17 =	sshll.u32 s0, $0xA;
	s2 =	sadd.s32 s3, s2  }
0x8d: {  	s2 =	sadd.s32 s2, s17  }
0x8e: {  	[smem:$0x3FC6] =	sst s2  }
0x8f: {  	_ = 	snop  }
0x90: {  	s2 =	sld [smem:$0x3FD0];
	(tm) =	ssettm $0x1  }
0x91: {  	s18 =	sld [smem:$0x3FFB];
	_ =	sdelay $0x3  }
0x92: {  	_ =	strace s18  }
0x93: {  	s3 =	sld [smem:$0x3FFC];
	_ =	sdelay $0x3  }
0x94: {  	_ =	strace s3  }
0x95: {  	s3 =	sld [smem:$0x3FFD];
	_ =	sdelay $0x3  }
0x96: {  	_ =	strace s3  }
0x97: {  	_ =	strace $0x8FFFFFFF  }
0x98: {  	s19 =	sld [smem:$0x3FDB];
	_ =	sdelay $0x1  }
0x99: {  	s4 =	simm.s32 $_scs_section_size  }
0x9a: {  	s5 =	simm.s32 $_size__tile_overlayer_lowered;
	s6 =	simm.s32 $_tile_overlayer_lowered  }
0x9b: {  	s22 =	simm.s32 $0x1BFF;
	s21 =	sshll.u32 s6, $0x1;
	s3 =	sadd.s32 s4, s19  }
0x9c: {  	s7 =	simm.s32 $0x0;
	s20 =	sshll.u32 s5, $0x1;
	s5 =	sadd.s32 s21, s3  }
0x9d: {  	[timem:s7], [sflag:s22] =	dma.local [hbm:s5], s20  }
0x9e: {  	_ =	swait.ge [sflag:s22], s20  }
0x9f: {  	s4 =	ssub.s32 $0x0, s20;
	[sflag:s22] =	ssyncset.done $0x0  }
0xa0: {  	[sflag:s22] =	ssyncadd.s32 s4;
	_ =	sdelay $0x1  }
0xa1: {  	s23 =	simm.s32 $0x1B8B  }
0xa2: {  	_ =	swait.ge [sflag:s23], $0x1  }
0xa3: {  	[sflag:s23] =	ssyncset.done $0x0  }
0xa4: {  	s25 =	simm.s32 $0x1B8E;
	s24 =	sld [smem:$0x3FFE];
	[sflag:s23] =	ssyncadd.s32 $0xFFFFFFFF  }
0xa5: {  	s26 =	simm.s32 $execute0_lowered;
	[smem:$0x3FD2] =	sst s25  }
0xa6: {  	s5 =	sshll.u32 s26, $0x1;
	_ =	strace $0x80000046;
	[dreg:$0x1] =	wrdreg $0xFFFFFFFF  }
0xa7: {  	s28 =	simm.s32 $_size_execute0_lowered;
	s3 =	sadd.s32 s3, s5;
	[dreg:$0x0] =	wrdreg $0x0  }
0xa8: {  	s5 =	sshll.u32 s28, $0x1;
	[dreg:$0x2] =	wrdreg s3  }
0xa9: {  	[dreg:$0x3] =	wrdreg s5  }
0xaa: {  	[dreg:$0x4] =	wrdreg $0xC0  }
0xab: {  	_ =	task [dreg:s7], $0x5FFFF  }
0xac: {  	[dreg:$0x1] =	wrdreg $0xFFFFFFFF  }
0xad: {  	[dreg:$0x0] =	wrdreg $0x60  }
0xae: {  	[dreg:$0x2] =	wrdreg s24  }
0xaf: {  	[dreg:$0x3] =	wrdreg s2  }
0xb0: {  	[dreg:$0x4] =	wrdreg $0x0  }
0xb1: {  	[dreg:$0x5] =	wrdreg $0x9  }
0xb2: {  	_ =	task.clear_ibuf [dreg:s7], $0x6FFFF;
	_ =	strace $0x90000046  }
0xb3: {  	s29 =	simm.s32 $0x9;
	_ =	strace $0x80000048  }
0xb4: {  	_ =	swait.ge [sflag:s29], $0x1  }
0xb5: {  	[sflag:s29] =	ssyncadd.s32 $0xFFFFFFFF  }
0xb6: {  	_ =	strace $0x90000048  }
0xb7: {  	_ =	sfence  }
0xb8: {  	s30 =	sld [smem:$0x0];
	_ =	sdelay $0x2  }
0xb9: {  	s31 =	sshll.u32 s1, $0xD;
	s1 =	sshrl.u32 s1, $0x2  }
0xba: {  	s3 =	sand.u32 $0x4000, s31;
	s1 =	sadd.s32 s1, s30  }
0xbb: {  	s0 =	sor.u32 s3, s0;
	s1 =	sshll.u32 s1, $0x11  }
0xbc: {  	s0 =	sor.u32 s1, s0  }
0xbd: {  	s0 =	sadd.s32 $0x8F2B, s0  }
0xbe: {  	[sflag:s0] =	ssyncadd.remote.s32 $0x1  }
0xbf: {  	_ =	sfence.sel $0xFFFF  }
0xc0: {  	[dreg:$0x0] =	wrdreg $0xFFFFFFFF;
	(pc) =	sbr.abs _section_cstart, $3  }
0xc1: {  	[dreg:$0x1] =	wrdreg $0xFFFFFFFF  }
0xc2: {  	_ =	task.clear_ibuf [dreg:s7], $0x2FFFF;
	_ =	strace $0x9FFFFFFF  }
0xc3: {  	(tm) =	ssettm $0x7FFFFFFF  }
tec
execute0_lowered:
.L_overlay_start_1:
0x0: {  	(tag) =	ssettag $0x1  }
0x1: {  	s4 =	rddreg [dreg:$0x0]  }
0x2: {  	s0 =	rddreg [dreg:$0x1];
	s3 =	srdreg.scid  }
0x3: {  	s1 =	stileid.u32;
	s2 =	rddreg [dreg:$0x2]  }
0x4: {  	s12 =	simm.s32 $0x9A8;
	s7 =	sand.u32 $0x1, s3;
	s3 =	simm.s32 $0x0  }
0x5: {  	s8 =	sadd.s32 $0x1000, s4;
	s4 =	sadd.s32 $0x800, s4;
	[smem:$0x7FF] =	sst s3  }
0x6: {  	s13 =	simm.s32 $0xA10;
	_ =	strace $0x80000047;
	[smem:$0x7F7] =	sst s4  }
0x7: {  	s14 =	simm.s32 $0x2A28;
	s15 =	simm.s32 $0xA78;
	[dreg:$0x6] =	wrdreg s12  }
0x8: {  	s16 =	simm.s32 $0xAE0;
	s18 =	simm.s32 $0x5E28;
	[dreg:$0x7] =	wrdreg s13  }
0x9: {  	s19 =	simm.s32 $0xB48;
	s20 =	simm.s32 $0xBB0;
	[dreg:$0x8] =	wrdreg s14  }
0xa: {  	s21 =	simm.s32 $0x9228;
	s23 =	simm.s32 $0xC18;
	[dreg:$0x9] =	wrdreg s15  }
0xb: {  	s25 =	simm.s32 $0xC80;
	s28 =	simm.s32 $0x14828;
	[dreg:$0xa] =	wrdreg s16  }
0xc: {  	s29 =	simm.s32 $0x17C28;
	s30 =	simm.s32 $0x4;
	[dreg:$0xb] =	wrdreg s18  }
0xd: {  	s31 =	simm.s32 $0x5;
	s5 =	smul.u32 $0x32000, s1;
	[dreg:$0xc] =	wrdreg s19  }
0xe: {  	s10 =	sshll.u32 s1, $0xA;
	s24 =	smul.u32 $0x190000, s1;
	[dreg:$0xd] =	wrdreg s20  }
0xf: {  	p0 =	sne.s32 s1, $0x0;
	s1 =	simm.s32 $0x6;
	[dreg:$0xe] =	wrdreg s21  }
0x10: {  	s6 =	smul.u32 $0x19000, s7;
	s26 =	ssub.s32 $0x2, s7;
	[dreg:$0xf] =	wrdreg s23  }
0x11: {  	s11 =	sshll.u32 s7, $0x9;
	[dreg:$0x10] =	wrdreg s25;
	s12 =	simm.s32 $0x8D8  }
0x12: {  	s7 =	smul.u32 $0xC8000, s7;
	s13 =	simm.s32 $0xCE8;
	[dreg:$0x15] =	wrdreg s12  }
0x13: {  	s9 =	sshrl.u32 s26, $0x1;
	s16 =	simm.s32 $0xD50;
	[dreg:$0x16] =	wrdreg s13  }
0x14: {  	s18 =	simm.s32 $0xDB8;
	s19 =	simm.s32 $0xE20;
	[dreg:$0x17] =	wrdreg s16  }
0x15: {  	s20 =	simm.s32 $0x12E28;
	s21 =	simm.s32 $0xE88;
	[dreg:$0x19] =	wrdreg s18  }
0x16: {  	s23 =	simm.s32 $0x16228;
	s25 =	simm.s32 $0xFC0;
	[dreg:$0x1a] =	wrdreg s19  }
0x17: {  	s5 =	sadd.s32 s6, s5;
	s4 =	ssub.s32 s26, s9;
	[dreg:$0x1b] =	wrdreg s20  }
0x18: {  	s26 =	simm.s32 $0xC628;
	s18 =	simm.s32 $0x2;
	[dreg:$0x1c] =	wrdreg s21  }
0x19: {  	s19 =	simm.s32 $0x68;
	s20 =	simm.s32 $0x1028;
	[dreg:$0x1e] =	wrdreg s23  }
0x1a: {  	s21 =	simm.s32 $0x4428;
	[smem:$0x7FC] =	sst s25;
	s23 =	simm.s32 $0xAC28  }
0x1b: {  	s25 =	simm.s32 $0xE028;
	s13 =	simm.s32 $0x0;
	s6 =	sor.u32 $0x640, s5  }
0x1c: {  	s5 =	sor.u32 $0x320, s5;
	s4 =	smax.u32 s4, $0x1;
	[dreg:$0x11] =	wrdreg s26  }
0x1d: {  	s26 =	simm.s32 $0x19628;
	s6 =	sshrl.u32 s6, $0x3;
	[smem:$0x7F8] =	sst s4  }
0x1e: {  	s5 =	sshrl.u32 s5, $0x3;
	[smem:$0x7FD] =	sst s26;
	s6 =	sadd.s32 s6, s8  }
0x1f: {  	s4 =	sshrl.u32 @!p0 s2, $0x3;
	[dreg:$0x4] =	wrdreg s6;
	s6 =	sor.u32 s11, s10  }
0x20: {  	s5 =	sadd.s32 s5, s8;
	[smem:$0x7FA] =	sst s4;
	s10 =	smul.u32 $0x3200, s6  }
0x21: {  	[dreg:$0x5] =	wrdreg s5;
	s11 =	simm.s32 $0x808;
	s9 =	smul.u32 $0x19, s6  }
0x22: {  	s26 =	simm.s32 $0x11428;
	[dreg:$0x14] =	wrdreg s11;
	s22 =	sadd.s32 $0xFFFF3800, s10  }
0x23: {  	s5 =	sadd.s32 s8, s9;
	s9 =	simm.s32 $0x668;
	[smem:$0x7F9] =	sst s22  }
0x24: {  	s17 =	sshrl.u32 s10, $0x3;
	s10 =	simm.s32 $0x738;
	[dreg:$0x12] =	wrdreg s9  }
0x25: {  	s11 =	simm.s32 $0x7;
	s8 =	sadd.s32 s0, s17;
	[dreg:$0x13] =	wrdreg s10  }
0x26: {  	s14 =	sadd.s32 $0x19, s5;
	s17 =	simm.s32 $0xFA28;
	s16 =	sadd.s32 $0x4B, s5  }
0x27: {  	s22 =	simm.s32 $0xEF0;
	s6 =	sadd.s32 $0xC6700, s8;
	[smem:$0x7FB] =	sst s14  }
0x28: {  	s8 =	sadd.s32 s24, s0;
	s14 =	sadd.s32 $0x32, s5;
	[dreg:$0x18] =	wrdreg s17  }
0x29: {  	[dreg:$0x1d] =	wrdreg s22;
	s24 =	simm.s32 $0xF58;
	s22 =	simm.s32 $0x7828  }
0x2a: {  	v0 =	vimm.s32 $0x0;
	s15 =	sadd.s32 s7, s8;
	[dreg:$0x1f] =	wrdreg s24;
	s24 =	simm.s32 $0x3  }
.LBB2_1:
0x2b: {  	s7 =	sld [smem:$0x7F7]  }
0x2c: {  	s8 =	sld [smem:$0x7FA];
	_ =	sdelay $0x1  }
0x2d: {  	s4 =	simm.s32 @!p0 $0x1C01  }
0x2e: {  	[spmem:s8], [sflag:s4] =	dma.local @!p0 [hbm:s7], $0x648  }
0x2f: {  	s4 =	simm.s32 @!p0 $0x1  }
0x30: {  	_ =	swait.ge @!p0 [sflag:s4], $0x648  }
0x31: {  	[sflag:s4] =	ssyncset.done @!p0 $0x0  }
0x32: {  	[sflag:s4] =	ssyncadd.s32 @!p0 $0xFFFFF9B8  }
0x33: {  	[tilespmem:$0x3E8] =	vst v0  }
0x34: {  	[tilespmem:$0x4B8] =	vst v0  }
0x35: {  	[tilespmem:$0x588] =	vst v0  }
0x36: {  	[tilespmem:$0x658] =	vst v0  }
0x37: {  	[tilespmem:$0x728] =	vst v0  }
0x38: {  	[tilespmem:$0x7F8] =	vst v0  }
0x39: {  	[tilespmem:$0x8C8] =	vst v0  }
0x3a: {  	[tilespmem:$0x998] =	vst v0  }
0x3b: {  	[bflag:$0x0] =	sbarrier.arrive $0xFFFF  }
0x3c: {  	s8 =	simm.s32 $0x328;
	s9 =	sld [smem:$0x7FB]  }
0x3d: {  	[tilespmem:s8], [sflag:$0x2] =	stream.linear.gather [hbm4b:s5+s3], $0xC8, $0x38;
	[tilespmem:$0x1B028] =	vst v63  }
0x3e: {  	s10 =	simm.s32 $0x3F8  }
0x3f: {  	[tilespmem:s10], [sflag:$0x2] =	stream.linear.gather [hbm4b:s9+s3], $0xC8, $0x38;
	[tilespmem:$0x1B028] =	vst v63  }
0x40: {  	s12 =	simm.s32 $0x4C8;
	s17 =	simm.s32 $0x598  }
0x41: {  	[tilespmem:s12], [sflag:$0x2] =	stream.linear.gather [hbm4b:s14+s3], $0xC8, $0x38;
	[tilespmem:$0x1B028] =	vst v63  }
0x42: {  	s4 =	simm.s32 $0x0;
	s8 =	sld [smem:$0x7F9];
	s9 =	smov.u32 s15  }
0x43: {  	[tilespmem:s17], [sflag:$0x2] =	stream.linear.gather [hbm4b:s16+s3], $0xC8, $0x38;
	[tilespmem:$0x1B028] =	vst v63  }
.LBB2_2:
0x44: {  	_ =	swait.ge [sflag:s18], $0x320  }
0x45: {  	[sflag:s18] =	ssyncset.done $0x0  }
0x46: {  	[sflag:s18] =	ssyncadd.s32 $0xFFFFFCE0  }
0x47: {  	v1 =	vld [tilespmem:$0x328]  }
0x48: {  	v2 =	vld [tilespmem:$0x338]  }
0x49: {  	v3 =	vld [tilespmem:$0x348]  }
0x4a: {  	v11 =	vld [tilespmem:$0x398]  }
0x4b: {  	v53 =	vld [tilespmem:$0x3F8]  }
0x4c: {  	v58 =	vld [tilespmem:$0x408]  }
0x4d: {  	v60 =	vld [tilespmem:$0x418]  }
0x4e: {  	v63 =	vld [tilespmem:$0x428];
	v4 =	vsub.s32 $0x0, v1  }
0x4f: {  	v21 =	vld [tilespmem:$0x438];
	v45 =	vsub.s32 $0x0, v2;
	v1 =	vmin.u32 v1, v4  }
0x50: {  	v41 =	vld [tilespmem:$0x458];
	v46 =	vsub.s32 $0x0, v3;
	v2 =	vmin.u32 v2, v45;
	vm0 =	vlt.s32 v1, $0x1  }
0x51: {  	v43 =	vld [tilespmem:$0x468];
	vm9 =	vlt.s32 v2, $0x1;
	v5 =	vnsel vm0, $0x1, v1;
	v1 =	vmin.u32 v3, v46  }
0x52: {  	v6 =	vnsel vm9, $0x1, v2;
	v2 =	vld [tilespmem:$0x368];
	(xrf0) =	vadd.scan.msk.s32 $0xffff, v5;
	vm10 =	vlt.s32 v1, $0x1  }
0x53: {  	v7 =	vnsel vm10, $0x1, v1;
	v1 =	vld [tilespmem:$0x358]  }
0x54: {  	v50 =	vsub.s32 $0x0, v11;
	v57 =	vsub.s32 $0x0, v53  }
0x55: {  	v47 =	vld [tilespmem:$0x388];
	v24 =	vsub.s32 $0x0, v58;
	v40 =	vsub.s32 $0x0, v60;
	v44 =	vsub.s32 $0x0, v21;
	(xrf0) =	vadd.scan.msk.s32 $0xffff, v6  }
0x56: {  	v42 =	vsub.s32 $0x0, v63;
	v38 =	vmin.u32 v58, v24;
	v45 =	vmin.u32 v21, v44;
	(xrf0) =	vadd.scan.msk.s32 $0xffff, v7  }
0x57: {  	v24 =	vsub.s32 $0x0, v43;
	vm10 =	vlt.s32 v38, $0x1;
	v48 =	vsub.s32 $0x0, v2  }
0x58: {  	v39 =	vld [tilespmem:$0x448];
	v2 =	vmin.u32 v2, v48;
	v48 =	vsub.s32 $0x0, v41;
	v8, _, _ =	vpop (xrf0);
	v10 =	vsub.s32 $0x0, v1  }
0x59: {  	v3 =	vld [tilespmem:$0x378];
	vm12 =	vlt.s32 v2, $0x1;
	(v2sf) =	vpush v8, $0xF;
	v1 =	vmin.u32 v1, v10  }
0x5a: {  	v26 =	vnsel vm12, $0x1, v2;
	v2 =	vsub.s32 $0x0, v47;
	v59 =	vbroadcast v8, $0xF  }
0x5b: {  	v49 =	vld [tilespmem:$0x3A8];
	v9, _, _ =	vpop (xrf0);
	v31 =	vmul.u32 v5, v8;
	v5 =	vmin.u32 v60, v40;
	v8 =	vmin.u32 v41, v48  }
0x5c: {  	(v2sf) =	vpush v9, $0xF;
	v12, _, _ =	vpop (xrf0);
	vm11 =	vlt.s32 v1, $0x1;
	v2 =	vmin.u32 v47, v2  }
0x5d: {  	v47 =	vsub.s32 $0x0, v39;
	(v2sf) =	vpush v12, $0xF;
	v13 =	vnsel vm11, $0x1, v1  }
0x5e: {  	v46 =	vld [tilespmem:$0x478];
	v1 =	vsub.s32 $0x0, v3;
	vm14 =	vlt.s32 v2, $0x1;
	v61 =	vadd.s32 v59, v9  }
0x5f: {  	v14 =	vld [tilespmem:$0x3B8];
	vm11 =	vlt.s32 v5, $0x1;
	v1 =	vmin.u32 v3, v1;
	v22 =	vnsel vm14, $0x1, v2  }
0x60: {  	v2 =	vsub.s32 $0x0, v49;
	v34 =	vmul.u32 v6, v61;
	vm13 =	vlt.s32 v1, $0x1  }
0x61: {  	v3 =	vld [tilespmem:$0x3C8];
	(xrf0) =	vadd.scan.msk.s32 $0xffff, v13;
	v9 =	vnsel vm11, $0x1, v5;
	v25 =	vnsel vm13, $0x1, v1;
	v1 =	vmin.u32 v11, v50  }
0x62: {  	v11 =	vnsel vm10, $0x1, v38;
	vm13 =	vlt.s32 v45, $0x1;
	vm15 =	vlt.s32 v1, $0x1  }
0x63: {  	v51 =	vld [tilespmem:$0x3D8];
	(xrf0) =	vadd.scan.msk.s32 $0xffff, v26;
	v50 =	vsub.s32 $0x0, v46;
	v5 =	vnsel vm13, $0x1, v45;
	v19 =	vnsel vm15, $0x1, v1  }
0x64: {  	v52 =	vld [tilespmem:$0x3E8];
	(xrf0) =	vadd.scan.msk.s32 $0xffff, v25;
	v1 =	vmin.u32 v49, v2;
	v2 =	vsub.s32 $0x0, v14;
	vm15 =	vlt.s32 v8, $0x1  }
0x65: {  	(xrf0) =	vadd.scan.msk.s32 $0xffff, v22;
	v49 =	vmin.u32 v43, v24;
	vm4 =	vlt.s32 v1, $0x1;
	v2 =	vmin.u32 v14, v2  }
0x66: {  	v54 =	vsub.s32 $0x0, v3;
	(xrf0) =	vadd.scan.msk.s32 $0xffff, v19;
	v20 =	vnsel vm4, $0x1, v1;
	vm5 =	vlt.s32 v2, $0x1  }
0x67: {  	v8 =	vnsel vm15, $0x1, v8;
	v1 =	vmin.u32 v3, v54;
	v55, _, _ =	vpop (xrf0);
	v18 =	vnsel vm5, $0x1, v2;
	(xrf0) =	vadd.scan.msk.s32 $0xffff, v20  }
0x68: {  	v21 =	vld [tilespmem:$0x488];
	v3 =	vsub.s32 $0x0, v51;
	vm6 =	vlt.s32 v1, $0x1;
	(v2sf) =	vpush v55, $0xF;
	(xrf0) =	vadd.scan.msk.s32 $0xffff, v18  }
0x69: {  	v60 =	vld [tilespmem:$0x4C8];
	v15, _, _ =	vpop (xrf0);
	v2 =	vnsel vm6, $0x1, v1;
	v1 =	vmin.u32 v51, v3;
	v3 =	vsub.s32 $0x0, v52  }
0x6a: {  	v43 =	vld [tilespmem:$0x4E8];
	(v2sf) =	vpush v15, $0xF;
	vm7 =	vlt.s32 v1, $0x1;
	v56 =	vmin.u32 v52, v3;
	v27, _, _ =	vpop (xrf0)  }
0x6b: {  	(xrf0) =	vadd.scan.msk.s32 $0xffff, v2;
	v3 =	vnsel vm7, $0x1, v1;
	v1 =	vmin.u32 v53, v57;
	v28, _, _ =	vpop (xrf0);
	(v2sf) =	vpush v27, $0xF;
	v57 =	vld [tilespmem:$0x4B8]  }
0x6c: {  	vm4 =	vlt.s32 v49, $0x1;
	vm8 =	vlt.s32 v56, $0x1;
	(xrf0) =	vadd.scan.msk.s32 $0xffff, v3;
	v29, _, _ =	vpop (xrf0);
	(v2sf) =	vpush v28, $0xF;
	s7 =	spop (v2sf)  }
0x6d: {  	v4 =	vnsel vm8, $0x1, v56;
	vm9 =	vlt.s32 v1, $0x1;
	(v2sf) =	vpush v29, $0xF;
	s17 =	spop (v2sf);
	v30, _, _ =	vpop (xrf0)  }
0x6e: {  	v51 =	vsub.s32 $0x0, v21;
	(xrf0) =	vadd.scan.msk.s32 $0xffff, v4;
	v1 =	vnsel vm9, $0x1, v1;
	s7 =	sadd.s32 s7, s17;
	v32, _, _ =	vpop (xrf0);
	(v2sf) =	vpush v30, $0xF  }
0x6f: {  	(xrf0) =	vadd.scan.msk.s32 $0xffff, v1;
	s10 =	spop (v2sf);
	v62 =	vadd.s32 s7, v12;
	(v2sf) =	vpush v32, $0xF;
	v12 =	vmin.u32 v46, v50  }
0x70: {  	s7 =	sadd.s32 s7, s10;
	v44 =	vsub.s32 $0x0, v57;
	v46 =	vsub.s32 $0x0, v60;
	v50 =	vsub.s32 $0x0, v43  }
0x71: {  	v54 =	vld [tilespmem:$0x4A8];
	v33, _, _ =	vpop (xrf0);
	v35 =	vmul.u32 v7, v62;
	v23 =	vadd.s32 s7, v55;
	v7 =	vmin.u32 v63, v42  }
0x72: {  	(v2sf) =	vpush v33, $0xF;
	v17, _, _ =	vpop (xrf0);
	v36 =	vmul.u32 v13, v23;
	vm12 =	vlt.s32 v7, $0x1;
	(xrf0) =	vadd.scan.msk.s32 $0xffff, v11;
	v23 =	vld [tilespmem:$0x498]  }
0x73: {  	vm5 =	vlt.s32 v12, $0x1;
	v63 =	vld [tilespmem:$0x4D8];
	v6 =	vnsel vm12, $0x1, v7;
	v7 =	vmin.u32 v39, v47;
	(xrf0) =	vadd.scan.msk.s32 $0xffff, v9  }
0x74: {  	v45 =	vld [tilespmem:$0x4F8];
	v13 =	vmin.u32 v21, v51;
	v12 =	vnsel vm5, $0x1, v12;
	v16, _, _ =	vpop (xrf0);
	vm14 =	vlt.s32 v7, $0x1;
	(xrf0) =	vadd.scan.msk.s32 $0xffff, v6  }
0x75: {  	(v2sf) =	vpush v17, $0xF;
	vm6 =	vlt.s32 v13, $0x1;
	v14, _, _ =	vpop (xrf0);
	v10 =	vnsel vm14, $0x1, v7;
	(xrf0) =	vadd.scan.msk.s32 $0xffff, v5  }
0x76: {  	[tilespmem:$0x9C8] =	vst v35;
	v35 =	vsub.s32 $0x0, v54;
	v13 =	vnsel vm6, $0x1, v13;
	(xrf0) =	vadd.scan.msk.s32 $0xffff, v10  }
0x77: {  	(v2sf) =	vpush v14, $0xF;
	v7 =	vnsel vm4, $0x1, v49;
	v52 =	vsub.s32 $0x0, v23  }
0x78: {  	v1 =	vmul.u32 v1, v14;
	v48 =	vsub.s32 $0x0, v63;
	(xrf0) =	vadd.scan.msk.s32 $0xffff, v8;
	s12 =	spop (v2sf);
	v21, _, _ =	vpop (xrf0);
	v37 =	vmin.u32 v23, v52  }
0x79: {  	v51 =	vld [tilespmem:$0x528];
	s7 =	sadd.s32 s7, s12;
	s10 =	spop (v2sf);
	v52 =	vsub.s32 $0x0, v45;
	(v2sf) =	vpush v21, $0xF;
	v23, _, _ =	vpop (xrf0);
	vm7 =	vlt.s32 v37, $0x1  }
0x7a: {  	(xrf0) =	vadd.scan.msk.s32 $0xffff, v7;
	v38 =	vadd.s32 s7, v15;
	s7 =	sadd.s32 s7, s10;
	s12 =	spop (v2sf);
	(v2sf) =	vpush v23, $0xF;
	v24, _, _ =	vpop (xrf0);
	v15 =	vnsel vm7, $0x1, v37  }
0x7b: {  	v49 =	vld [tilespmem:$0x518];
	v53 =	vmul.u32 v26, v38;
	v27 =	vadd.s32 s7, v27;
	s7 =	sadd.s32 s7, s12;
	s10 =	spop (v2sf);
	(v2sf) =	vpush v24, $0xF;
	v26, _, _ =	vpop (xrf0)  }
0x7c: {  	v39 =	vmul.u32 v25, v27;
	v55 =	vadd.s32 s7, v28;
	s7 =	sadd.s32 s7, s10;
	(v2sf) =	vpush v26, $0xF;
	v25, _, _ =	vpop (xrf0)  }
0x7d: {  	v47 =	vld [tilespmem:$0x508];
	(xrf0) =	vadd.scan.msk.s32 $0xffff, v12;
	s12 =	spop (v2sf);
	v40 =	vmul.u32 v22, v55;
	v56 =	vadd.s32 s7, v29;
	(v2sf) =	vpush v25, $0xF  }
0x7e: {  	[tilespmem:$0x9A8] =	vst v31;
	s7 =	sadd.s32 s7, s12;
	v22, _, _ =	vpop (xrf0);
	v29 =	vmin.u32 v57, v44;
	v57 =	vsub.s32 $0x0, v51;
	v58 =	vmul.u32 v19, v56  }
0x7f: {  	[tilespmem:$0x9D8] =	vst v36;
	s10 =	spop (v2sf);
	v59 =	vadd.s32 s7, v30;
	(v2sf) =	vpush v22, $0xF;
	vm9 =	vlt.s32 v29, $0x1  }
0x80: {  	(xrf0) =	vadd.scan.msk.s32 $0xffff, v13;
	v19, _, _ =	vpop (xrf0);
	v30 =	vmin.u32 v60, v46;
	v56 =	vsub.s32 $0x0, v49;
	v36 =	vmin.u32 v51, v57  }
0x81: {  	[tilespmem:$0x9B8] =	vst v34;
	v61 =	vmul.u32 v20, v59;
	s12 =	spop (v2sf);
	(v2sf) =	vpush v19, $0xF;
	v20 =	vmin.u32 v54, v35  }
0x82: {  	(xrf0) =	vadd.scan.msk.s32 $0xffff, v15;
	s7 =	sadd.s32 s7, s10;
	v29 =	vnsel vm9, $0x1, v29;
	vm10 =	vlt.s32 v30, $0x1;
	v54 =	vsub.s32 $0x0, v47  }
0x83: {  	[tilespmem:$0x9E8] =	vst v53;
	v27, _, _ =	vpop (xrf0);
	v35 =	vmin.u32 v49, v56;
	vm4 =	vlt.s32 v36, $0x1;
	v62 =	vadd.s32 s7, v32  }
0x84: {  	[tilespmem:$0x9F8] =	vst v39;
	(v2sf) =	vpush v27, $0xF;
	vm8 =	vlt.s32 v20, $0x1;
	v32 =	vmin.u32 v63, v48  }
0x85: {  	v53 =	vld [tilespmem:$0x538];
	[tilespmem:$0xA18] =	vst v58;
	v31 =	vnsel vm10, $0x1, v30;
	v30 =	vmin.u32 v43, v50;
	v20 =	vnsel vm8, $0x1, v20  }
0x86: {  	s7 =	sadd.s32 s7, s12;
	v28, _, _ =	vpop (xrf0);
	v55 =	vmin.u32 v47, v54;
	vm15 =	vlt.s32 v35, $0x1;
	v36 =	vnsel vm4, $0x1, v36;
	(xrf0) =	vadd.scan.msk.s32 $0xffff, v20  }
0x87: {  	v41 =	vmul.u32 v18, v62;
	v42 =	vadd.s32 s7, v33;
	vm11 =	vlt.s32 v32, $0x1;
	(xrf0) =	vadd.scan.msk.s32 $0xffff, v29  }
0x88: {  	v18, _, _ =	vpop (xrf0);
	vm12 =	vlt.s32 v30, $0x1;
	v33 =	vmin.u32 v45, v52;
	v32 =	vnsel vm11, $0x1, v32;
	(xrf0) =	vadd.scan.msk.s32 $0xffff, v31  }
0x89: {  	(v2sf) =	vpush v28, $0xF;
	v34 =	vnsel vm12, $0x1, v30;
	vm13 =	vlt.s32 v33, $0x1;
	(xrf0) =	vadd.scan.msk.s32 $0xffff, v32  }
0x8a: {  	s10 =	spop (v2sf);
	vm14 =	vlt.s32 v55, $0x1;
	v58 =	vsub.s32 $0x0, v53;
	v33 =	vnsel vm13, $0x1, v33;
	(xrf0) =	vadd.scan.msk.s32 $0xffff, v34  }
0x8b: {  	v59 =	vld [tilespmem:$0x548];
	v35 =	vnsel vm15, $0x1, v35;
	s7 =	sadd.s32 s7, s10;
	(v2sf) =	vpush v18, $0xF;
	v30 =	vnsel vm14, $0x1, v55;
	s12 =	spop (v2sf);
	(xrf0) =	vadd.scan.msk.s32 $0xffff, v33  }
0x8c: {  	v37 =	vmin.u32 v53, v58;
	v42 =	vmul.u32 v2, v42;
	v17 =	vadd.s32 s7, v17;
	s7 =	sadd.s32 s7, s12;
	v60, _, _ =	vpop (xrf0);
	(xrf0) =	vadd.scan.msk.s32 $0xffff, v30  }
0x8d: {  	vm5 =	vlt.s32 v37, $0x1;
	v16 =	vadd.s32 s7, v16;
	(v2sf) =	vpush v60, $0xF;
	v39, _, _ =	vpop (xrf0);
	(xrf0) =	vadd.scan.msk.s32 $0xffff, v35  }
0x8e: {  	[tilespmem:$0xA78] =	vst v1;
	v3 =	vmul.u32 v3, v17;
	v2 =	vnsel vm5, $0x1, v37;
	v43, _, _ =	vpop (xrf0);
	(xrf0) =	vadd.scan.msk.s32 $0xffff, v36  }
0x8f: {  	[tilespmem:$0xA28] =	vst v61;
	(v2sf) =	vpush v43, $0xF;
	v17, _, _ =	vpop (xrf0);
	(xrf0) =	vadd.scan.msk.s32 $0xffff, v2  }
0x90: {  	[tilespmem:$0xA38] =	vst v41;
	v61 =	vsub.s32 $0x0, v59;
	v4 =	vmul.u32 v4, v16;
	(v2sf) =	vpush v17, $0xF;
	v16, _, _ =	vpop (xrf0)  }
0x91: {  	v62 =	vbroadcast v14, $0xF;
	[tilespmem:$0xA48] =	vst v42;
	s10 =	spop (v2sf);
	v37 =	vmin.u32 v59, v61;
	(v2sf) =	vpush v16, $0xF;
	v42, _, _ =	vpop (xrf0)  }
0x92: {  	[tilespmem:$0xA58] =	vst v3;
	vm6 =	vlt.s32 v37, $0x1;
	s12 =	spop (v2sf);
	(v2sf) =	vpush v42, $0xF;
	v3, _, _ =	vpop (xrf0)  }
0x93: {  	v63 =	vadd.s32 v62, v21;
	[tilespmem:$0xA68] =	vst v4;
	v37 =	vnsel vm6, $0x1, v37;
	s7 =	sadd.s32 s10, s12;
	s10 =	spop (v2sf);
	(v2sf) =	vpush v3, $0xF;
	v14, _, _ =	vpop (xrf0)  }
0x94: {  	v4 =	vmul.u32 v11, v63;
	v38 =	vadd.s32 s7, v23;
	s7 =	sadd.s32 s7, s10;
	s12 =	spop (v2sf);
	(v2sf) =	vpush v14, $0xF;
	v41, _, _ =	vpop (xrf0);
	(xrf0) =	vadd.scan.msk.s32 $0xffff, v37  }
0x95: {  	[tilespmem:$0xA08] =	vst v40;
	v1 =	vmul.u32 v9, v38;
	v44 =	vadd.s32 s7, v24;
	s7 =	sadd.s32 s7, s12;
	s10 =	spop (v2sf);
	(v2sf) =	vpush v41, $0xF;
	v45, _, _ =	vpop (xrf0)  }
0x96: {  	[tilespmem:$0xA88] =	vst v4;
	v63 =	vmul.u32 v31, v43;
	v47 =	vadd.s32 s7, v26;
	s7 =	sadd.s32 s7, s10;
	s12 =	spop (v2sf);
	(v2sf) =	vpush v45, $0xF  }
0x97: {  	[tilespmem:$0xA98] =	vst v1;
	v1 =	vmul.u32 v5, v47;
	v48 =	vadd.s32 s7, v25;
	s7 =	sadd.s32 s7, s12;
	s10 =	spop (v2sf)  }
0x98: {  	v46 =	vmul.u32 v6, v44;
	[tilespmem:$0xB48] =	vst v63;
	v50 =	vadd.s32 s7, v22;
	s7 =	sadd.s32 s7, s10;
	s12 =	spop (v2sf)  }
0x99: {  	[tilespmem:$0xAB8] =	vst v1;
	v1 =	vmul.u32 v8, v50;
	v51 =	vadd.s32 s7, v19;
	s7 =	sadd.s32 s7, s12;
	s10 =	spop (v2sf)  }
0x9a: {  	[tilespmem:$0xAA8] =	vst v46;
	v49 =	vmul.u32 v10, v48;
	v53 =	vadd.s32 s7, v27;
	s7 =	sadd.s32 s7, s10;
	s12 =	spop (v2sf);
	v54, _, _ =	vpop (xrf0)  }
0x9b: {  	[tilespmem:$0xAD8] =	vst v1;
	v1 =	vmul.u32 v12, v53;
	v55 =	vadd.s32 s7, v28;
	s7 =	sadd.s32 s7, s12;
	s10 =	spop (v2sf);
	(v2sf) =	vpush v54, $0xF  }
0x9c: {  	v58 =	vld [tilespmem:$0x558];
	[tilespmem:$0xAC8] =	vst v49;
	v52 =	vmul.u32 v7, v51;
	v57 =	vadd.s32 s7, v18;
	s7 =	sadd.s32 s7, s10;
	s12 =	spop (v2sf)  }
0x9d: {  	[tilespmem:$0xAF8] =	vst v1;
	v1 =	vmul.u32 v15, v57;
	v59 =	vadd.s32 s7, v60;
	s7 =	sadd.s32 s7, s12  }
0x9e: {  	v62 =	vbroadcast v43, $0xF;
	[tilespmem:$0xAE8] =	vst v52;
	v56 =	vmul.u32 v13, v55;
	v61 =	vadd.s32 s7, v39;
	s10 =	spop (v2sf)  }
0x9f: {  	[tilespmem:$0xB18] =	vst v1;
	v1 =	vmul.u32 v29, v61;
	s12 =	spop (v2sf)  }
0xa0: {  	v12 =	vadd.s32 v62, v17;
	[tilespmem:$0xB08] =	vst v56;
	v60 =	vmul.u32 v20, v59;
	s7 =	sadd.s32 s10, s12;
	s10 =	spop (v2sf)  }
0xa1: {  	v15 =	vsub.s32 $0x0, v58;
	[tilespmem:$0xB38] =	vst v1;
	v1 =	vmul.u32 v32, v12;
	v13 =	vadd.s32 s7, v16;
	s7 =	sadd.s32 s7, s10;
	s12 =	spop (v2sf)  }
0xa2: {  	v7 =	vmin.u32 v58, v15;
	[tilespmem:$0xB28] =	vst v60;
	v16 =	vmul.u32 v34, v13;
	v17 =	vadd.s32 s7, v42;
	s7 =	sadd.s32 s7, s12;
	s10 =	spop (v2sf)  }
0xa3: {  	vm7 =	vlt.s32 v7, $0x1;
	[tilespmem:$0xB58] =	vst v1;
	v5 =	vmul.u32 v33, v17;
	v1 =	vadd.s32 s7, v3;
	s7 =	sadd.s32 s7, s10;
	s12 =	spop (v2sf)  }
0xa4: {  	[tilespmem:$0xB68] =	vst v16;
	v3 =	vmul.u32 v30, v1;
	v18 =	vadd.s32 s7, v14;
	s7 =	sadd.s32 s7, s12;
	s10 =	spop (v2sf);
	v1 =	vnsel vm7, $0x1, v7  }
0xa5: {  	[tilespmem:$0xB78] =	vst v5;
	v4 =	vmul.u32 v35, v18;
	v19 =	vadd.s32 s7, v41;
	s7 =	sadd.s32 s7, s10;
	s12 =	spop (v2sf);
	(xrf0) =	vadd.scan.msk.s32 $0xffff, v1  }
0xa6: {  	[tilespmem:$0xB88] =	vst v3;
	v3 =	vmul.u32 v36, v19;
	v20 =	vadd.s32 s7, v45;
	s7 =	sadd.s32 s7, s12  }
0xa7: {  	[tilespmem:$0xB98] =	vst v4;
	v2 =	vmul.u32 v2, v20;
	v22 =	vadd.s32 s7, v54  }
0xa8: {  	[tilespmem:$0xBA8] =	vst v3;
	v3 =	vmul.u32 v37, v22  }
0xa9: {  	[tilespmem:$0xBB8] =	vst v2  }
0xaa: {  	[tilespmem:$0xBC8] =	vst v3;
	s10 =	spop (v2sf)  }
0xab: {  	v2, _, _ =	vpop (xrf0)  }
0xac: {  	v3 =	vld [tilespmem:$0x568]  }
0xad: {  	v23 =	vld [tilespmem:$0x578]  }
0xae: {  	v24 =	vld [tilespmem:$0x588]  }
0xaf: {  	v25 =	vld [tilespmem:$0x598]  }
0xb0: {  	v27 =	vld [tilespmem:$0x5A8]  }
0xb1: {  	v32 =	vld [tilespmem:$0x5B8]  }
0xb2: {  	v33 =	vld [tilespmem:$0x5C8]  }
0xb3: {  	v34 =	vld [tilespmem:$0x5D8]  }
0xb4: {  	v35 =	vld [tilespmem:$0x5E8]  }
0xb5: {  	v38 =	vld [tilespmem:$0x5F8]  }
0xb6: {  	v40 =	vld [tilespmem:$0x608]  }
0xb7: {  	v42 =	vld [tilespmem:$0x618]  }
0xb8: {  	(v2sf) =	vpush v2, $0xF;
	v44 =	vld [tilespmem:$0x628];
	v26 =	vsub.s32 $0x0, v3  }
0xb9: {  	v28 =	vsub.s32 $0x0, v23;
	v29 =	vsub.s32 $0x0, v24;
	v30 =	vsub.s32 $0x0, v25  }
0xba: {  	v31 =	vsub.s32 $0x0, v27;
	v36 =	vsub.s32 $0x0, v32;
	v39 =	vsub.s32 $0x0, v33  }
0xbb: {  	v41 =	vsub.s32 $0x0, v34;
	v43 =	vsub.s32 $0x0, v35;
	v45 =	vsub.s32 $0x0, v38  }
0xbc: {  	v46 =	vld [tilespmem:$0x638];
	v47 =	vsub.s32 $0x0, v40;
	v49 =	vsub.s32 $0x0, v42;
	v3 =	vmin.u32 v3, v26  }
0xbd: {  	v48 =	vld [tilespmem:$0x648];
	v50 =	vsub.s32 $0x0, v44;
	v4 =	vmin.u32 v23, v28;
	vm8 =	vlt.s32 v3, $0x1  }
0xbe: {  	v5 =	vmin.u32 v24, v29;
	vm9 =	vlt.s32 v4, $0x1;
	v3 =	vnsel vm8, $0x1, v3  }
0xbf: {  	v6 =	vmin.u32 v25, v30;
	vm10 =	vlt.s32 v5, $0x1;
	v4 =	vnsel vm9, $0x1, v4;
	(xrf0) =	vadd.scan.msk.s32 $0xffff, v3  }
0xc0: {  	v7 =	vmin.u32 v27, v31;
	vm11 =	vlt.s32 v6, $0x1;
	v5 =	vnsel vm10, $0x1, v5;
	(xrf0) =	vadd.scan.msk.s32 $0xffff, v4  }
0xc1: {  	v51 =	vsub.s32 $0x0, v46;
	vm12 =	vlt.s32 v7, $0x1;
	v6 =	vnsel vm11, $0x1, v6;
	(xrf0) =	vadd.scan.msk.s32 $0xffff, v5  }
0xc2: {  	v52 =	vsub.s32 $0x0, v48;
	v8 =	vmin.u32 v32, v36;
	v7 =	vnsel vm12, $0x1, v7;
	(xrf0) =	vadd.scan.msk.s32 $0xffff, v6  }
0xc3: {  	v10 =	vmin.u32 v33, v39;
	v12 =	vmin.u32 v34, v41;
	v14 =	vmin.u32 v35, v43;
	(xrf0) =	vadd.scan.msk.s32 $0xffff, v7  }
0xc4: {  	v16 =	vmin.u32 v38, v45;
	v19 =	vmin.u32 v40, v47;
	vm13 =	vlt.s32 v8, $0x1  }
0xc5: {  	v20 =	vmin.u32 v42, v49;
	vm14 =	vlt.s32 v10, $0x1;
	v8 =	vnsel vm13, $0x1, v8;
	v9, _, _ =	vpop (xrf0)  }
0xc6: {  	v18 =	vmin.u32 v44, v50;
	vm15 =	vlt.s32 v12, $0x1;
	v10 =	vnsel vm14, $0x1, v10;
	(xrf0) =	vadd.scan.msk.s32 $0xffff, v8;
	v11, _, _ =	vpop (xrf0)  }
0xc7: {  	v21 =	vmin.u32 v46, v51;
	vm4 =	vlt.s32 v14, $0x1;
	v12 =	vnsel vm15, $0x1, v12;
	(xrf0) =	vadd.scan.msk.s32 $0xffff, v10;
	v13, _, _ =	vpop (xrf0)  }
0xc8: {  	vm5 =	vlt.s32 v16, $0x1;
	v14 =	vnsel vm4, $0x1, v14;
	(v2sf) =	vpush v9, $0xF;
	(xrf0) =	vadd.scan.msk.s32 $0xffff, v12;
	v15, _, _ =	vpop (xrf0)  }
0xc9: {  	vm6 =	vlt.s32 v19, $0x1;
	v16 =	vnsel vm5, $0x1, v16;
	(v2sf) =	vpush v11, $0xF;
	v37, _, _ =	vpop (xrf0);
	(xrf0) =	vadd.scan.msk.s32 $0xffff, v14  }
0xca: {  	v22 =	vmin.u32 v48, v52;
	vm7 =	vlt.s32 v20, $0x1;
	v19 =	vnsel vm6, $0x1, v19;
	(xrf0) =	vadd.scan.msk.s32 $0xffff, v16  }
0xcb: {  	v20 =	vnsel vm7, $0x1, v20;
	vm8 =	vlt.s32 v18, $0x1;
	(v2sf) =	vpush v15, $0xF;
	(xrf0) =	vadd.scan.msk.s32 $0xffff, v19  }
0xcc: {  	vm9 =	vlt.s32 v21, $0x1;
	v18 =	vnsel vm8, $0x1, v18;
	(v2sf) =	vpush v37, $0xF;
	v53, _, _ =	vpop (xrf0);
	(xrf0) =	vadd.scan.msk.s32 $0xffff, v20  }
0xcd: {  	vm10 =	vlt.s32 v22, $0x1;
	v21 =	vnsel vm9, $0x1, v21;
	(v2sf) =	vpush v53, $0xF;
	v54, _, _ =	vpop (xrf0);
	(xrf0) =	vadd.scan.msk.s32 $0xffff, v18  }
0xce: {  	v22 =	vnsel vm10, $0x1, v22;
	(v2sf) =	vpush v54, $0xF;
	v55, _, _ =	vpop (xrf0);
	(xrf0) =	vadd.scan.msk.s32 $0xffff, v21  }
0xcf: {  	(v2sf) =	vpush v55, $0xF;
	v56, _, _ =	vpop (xrf0);
	(xrf0) =	vadd.scan.msk.s32 $0xffff, v22  }
0xd0: {  	(v2sf) =	vpush v56, $0xF;
	v57, _, _ =	vpop (xrf0)  }
0xd1: {  	(v2sf) =	vpush v57, $0xF;
	v58, _, _ =	vpop (xrf0)  }
0xd2: {  	(v2sf) =	vpush v58, $0xF;
	v59, _, _ =	vpop (xrf0)  }
0xd3: {  	(v2sf) =	vpush v59, $0xF;
	v60, _, _ =	vpop (xrf0)  }
0xd4: {  	(v2sf) =	vpush v60, $0xF;
	v61, _, _ =	vpop (xrf0)  }
0xd5: {  	(v2sf) =	vpush v61, $0xF;
	v62, _, _ =	vpop (xrf0)  }
0xd6: {  	s7 =	sadd.s32 s7, s10;
	s12 =	spop (v2sf);
	(v2sf) =	vpush v62, $0xF  }
0xd7: {  	v2 =	vadd.s32 s7, v2;
	v63 =	vld [tilespmem:$0x658];
	s7 =	sadd.s32 s7, s12;
	s10 =	spop (v2sf)  }
0xd8: {  	v1 =	vmul.u32 v1, v2;
	v2 =	vadd.s32 s7, v9;
	s7 =	sadd.s32 s7, s10;
	s12 =	spop (v2sf)  }
0xd9: {  	v2 =	vmul.u32 v3, v2;
	v3 =	vadd.s32 s7, v11;
	s7 =	sadd.s32 s7, s12  }
0xda: {  	[tilespmem:$0xBD8] =	vst v1;
	v1 =	vmul.u32 v4, v3;
	v3 =	vadd.s32 s7, v13;
	s17 =	spop (v2sf);
	v13 =	vbroadcast v15, $0xF  }
0xdb: {  	[tilespmem:$0xBE8] =	vst v2;
	v2 =	vmul.u32 v5, v3;
	s10 =	spop (v2sf)  }
0xdc: {  	v17 =	vsub.s32 $0x0, v63;
	[tilespmem:$0xBF8] =	vst v1;
	v1 =	vmul.u32 v6, v15;
	v3 =	vadd.s32 v13, v37;
	s7 =	sadd.s32 s17, s10;
	s12 =	spop (v2sf)  }
0xdd: {  	v4 =	vmin.u32 v63, v17;
	[tilespmem:$0xC08] =	vst v2;
	v2 =	vmul.u32 v7, v3;
	v3 =	vadd.s32 s7, v53;
	s7 =	sadd.s32 s7, s12;
	s10 =	spop (v2sf)  }
0xde: {  	vm11 =	vlt.s32 v4, $0x1;
	[tilespmem:$0xC18] =	vst v1;
	v1 =	vmul.u32 v8, v3;
	v3 =	vadd.s32 s7, v54;
	s7 =	sadd.s32 s7, s10;
	s12 =	spop (v2sf)  }
0xdf: {  	v4 =	vnsel vm11, $0x1, v4;
	[tilespmem:$0xC28] =	vst v2;
	v2 =	vmul.u32 v10, v3;
	v3 =	vadd.s32 s7, v55;
	s7 =	sadd.s32 s7, s12;
	s10 =	spop (v2sf)  }
0xe0: {  	(xrf0) =	vadd.scan.msk.s32 $0xffff, v4;
	[tilespmem:$0xC38] =	vst v1;
	v1 =	vmul.u32 v12, v3;
	v3 =	vadd.s32 s7, v56;
	s7 =	sadd.s32 s7, s10;
	s12 =	spop (v2sf)  }
0xe1: {  	[tilespmem:$0xC48] =	vst v2;
	v2 =	vmul.u32 v14, v3;
	v3 =	vadd.s32 s7, v57;
	s7 =	sadd.s32 s7, s12;
	s10 =	spop (v2sf)  }
0xe2: {  	[tilespmem:$0xC58] =	vst v1;
	v1 =	vmul.u32 v16, v3;
	v3 =	vadd.s32 s7, v58;
	s7 =	sadd.s32 s7, s10;
	s12 =	spop (v2sf)  }
0xe3: {  	[tilespmem:$0xC68] =	vst v2;
	v2 =	vmul.u32 v19, v3;
	v3 =	vadd.s32 s7, v59;
	s7 =	sadd.s32 s7, s12;
	s10 =	spop (v2sf)  }
0xe4: {  	[tilespmem:$0xC78] =	vst v1;
	v1 =	vmul.u32 v20, v3;
	v3 =	vadd.s32 s7, v60;
	s7 =	sadd.s32 s7, s10;
	s12 =	spop (v2sf)  }
0xe5: {  	[tilespmem:$0xC88] =	vst v2;
	v2 =	vmul.u32 v18, v3;
	v3 =	vadd.s32 s7, v61;
	s7 =	sadd.s32 s7, s12;
	s10 =	spop (v2sf)  }
0xe6: {  	v25, _, _ =	vpop (xrf0);
	[tilespmem:$0xC98] =	vst v1;
	v1 =	vmul.u32 v21, v3;
	v3 =	vadd.s32 s7, v62;
	s7 =	sadd.s32 s7, s10  }
0xe7: {  	[tilespmem:$0xCA8] =	vst v2;
	v2 =	vmul.u32 v22, v3;
	v3 =	vadd.s32 s7, v25  }
0xe8: {  	[tilespmem:$0xCB8] =	vst v1;
	v1 =	vmul.u32 v4, v3  }
0xe9: {  	p1 =	seq.s32 s4, $0x0;
	[tilespmem:$0xCC8] =	vst v2  }
0xea: {  	s7 =	simm.s32 @!p1 $0x6;
	[tilespmem:$0xCD8] =	vst v1  }
0xeb: {  	_ =	swait.ge @!p1 [sflag:s7], $0xC800  }
0xec: {  	s17 =	rddreg [dreg:$0x6]  }
0xed: {  	s10 =	rddreg [dreg:$0x7]  }
0xee: {  	[sflag:s7] =	ssyncset.done @!p1 $0x0;
	s12 =	rddreg [dreg:$0x8]  }
0xef: {  	[sflag:s7] =	ssyncadd.s32 @!p1 $0xFFFF3800;
	s7 =	rddreg [dreg:$0x10]  }
0xf0: {  	[tilespmem:s20], [sflag:$0x4] =	stream.indirect.gather [spmem:s2], $0x40, s17, s19, $0xb8;
	[tilespmem:$0x1B028] =	vst v63  }
0xf1: {  	s17 =	rddreg [dreg:$0xa]  }
0xf2: {  	[tilespmem:s12], [sflag:$0x4] =	stream.indirect.gather [spmem:s2], $0x40, s10, s19, $0xb8;
	[tilespmem:$0x1B028] =	vst v63  }
0xf3: {  	s10 =	rddreg [dreg:$0x9]  }
0xf4: {  	s12 =	rddreg [dreg:$0xb]  }
0xf5: {  	[tilespmem:s21], [sflag:$0x4] =	stream.indirect.gather [spmem:s2], $0x40, s10, s19, $0xb8;
	[tilespmem:$0x1B028] =	vst v63  }
0xf6: {  	s10 =	rddreg [dreg:$0xd]  }
0xf7: {  	[tilespmem:s12], [sflag:$0x4] =	stream.indirect.gather [spmem:s2], $0x40, s17, s19, $0xb8;
	[tilespmem:$0x1B028] =	vst v63  }
0xf8: {  	s12 =	rddreg [dreg:$0xc]  }
0xf9: {  	s17 =	rddreg [dreg:$0xe]  }
0xfa: {  	[tilespmem:s22], [sflag:$0x4] =	stream.indirect.gather [spmem:s2], $0x40, s12, s19, $0xb8;
	[tilespmem:$0x1B028] =	vst v63  }
0xfb: {  	s12 =	rddreg [dreg:$0xf]  }
0xfc: {  	[tilespmem:s17], [sflag:$0x4] =	stream.indirect.gather [spmem:s2], $0x40, s10, s19, $0xb8;
	[tilespmem:$0x1B028] =	vst v63  }
0xfd: {  	s10 =	rddreg [dreg:$0x11]  }
0xfe: {  	[tilespmem:s23], [sflag:$0x4] =	stream.indirect.gather [spmem:s2], $0x40, s12, s19, $0xb8;
	[tilespmem:$0x1B028] =	vst v63  }
0xff: {  	s17 =	rddreg [dreg:$0x5]  }
0x100: {  	[tilespmem:s10], [sflag:$0x4] =	stream.indirect.gather [spmem:s2], $0x40, s7, s19, $0xb8;
	[tilespmem:$0x1B028] =	vst v63  }
0x101: {  	s12 =	rddreg [dreg:$0x12];
	s7 =	sadd.s32 s4, s17  }
0x102: {  	[tilespmem:s12], [sflag:$0x3] =	stream.linear.gather [hbm4b:s7+s3], $0xC8, $0x38;
	[tilespmem:$0x1B028] =	vst v63  }
0x103: {  	s10 =	rddreg [dreg:$0x13];
	s12 =	sadd.s32 $0x19, s7  }
0x104: {  	[tilespmem:s10], [sflag:$0x3] =	stream.linear.gather [hbm4b:s12+s3], $0xC8, $0x38;
	[tilespmem:$0x1B028] =	vst v63  }
0x105: {  	s17 =	rddreg [dreg:$0x14];
	s10 =	sadd.s32 $0x32, s7  }
0x106: {  	[tilespmem:s17], [sflag:$0x3] =	stream.linear.gather [hbm4b:s10+s3], $0xC8, $0x38;
	[tilespmem:$0x1B028] =	vst v63  }
0x107: {  	s12 =	rddreg [dreg:$0x15];
	s7 =	sadd.s32 $0x4B, s7  }
0x108: {  	[tilespmem:s12], [sflag:$0x3] =	stream.linear.gather [hbm4b:s7+s3], $0xC8, $0x38;
	[tilespmem:$0x1B028] =	vst v63  }
0x109: {  	s7 =	simm.s32 @!p1 $0x5  }
0x10a: {  	_ =	swait.ge @!p1 [sflag:s7], $0x1A00  }
0x10b: {  	[sflag:s7] =	ssyncset.done @!p1 $0x0  }
0x10c: {  	[sflag:s7] =	ssyncadd.s32 @!p1 $0xFFFFE600  }
0x10d: {  	_ =	swait.ge @!p1 [sflag:s7], $0x1A00  }
0x10e: {  	[sflag:s7] =	ssyncset.done @!p1 $0x0  }
0x10f: {  	[sflag:s7] =	ssyncadd.s32 @!p1 $0xFFFFE600  }
0x110: {  	_ =	swait.ge @!p1 [sflag:s7], $0x1A00  }
0x111: {  	[sflag:s7] =	ssyncset.done @!p1 $0x0  }
0x112: {  	[sflag:s7] =	ssyncadd.s32 @!p1 $0xFFFFE600  }
0x113: {  	_ =	swait.ge @!p1 [sflag:s7], $0x1A00  }
0x114: {  	[sflag:s7] =	ssyncset.done @!p1 $0x0  }
0x115: {  	[sflag:s7] =	ssyncadd.s32 @!p1 $0xFFFFE600  }
0x116: {  	_ =	swait.ge @!p1 [sflag:s7], $0x1A00  }
0x117: {  	[sflag:s7] =	ssyncset.done @!p1 $0x0  }
0x118: {  	[sflag:s7] =	ssyncadd.s32 @!p1 $0xFFFFE600  }
0x119: {  	_ =	swait.ge @!p1 [sflag:s7], $0x1A00  }
0x11a: {  	[sflag:s7] =	ssyncset.done @!p1 $0x0  }
0x11b: {  	[sflag:s7] =	ssyncadd.s32 @!p1 $0xFFFFE600  }
0x11c: {  	_ =	swait.ge @!p1 [sflag:s7], $0x1A00  }
0x11d: {  	[sflag:s7] =	ssyncset.done @!p1 $0x0  }
0x11e: {  	[sflag:s7] =	ssyncadd.s32 @!p1 $0xFFFFE600  }
0x11f: {  	_ =	swait.ge @!p1 [sflag:s7], $0x1A00  }
0x120: {  	[sflag:s7] =	ssyncset.done @!p1 $0x0  }
0x121: {  	[sflag:s7] =	ssyncadd.s32 @!p1 $0xFFFFE600;
	s7 =	sshrl.u32 @!p1 s8, $0x3  }
0x122: {  	s10 =	simm.s32 @!p1 $0x0;
	s12 =	simm.s32 @!p1 $0xE028;
	s7 =	sadd.s32 @!p1 s0, s7  }
0x123: {  	[hbm4b:s7+s10] =	stream.linear.scatter @!p1 [tilespmem:s12], [sflag:$0x7], $0x3200, $0x38;
	[tilespmem:$0x1B028] =	vst v63  }
0x124: {  	s17 =	simm.s32 @!p1 $0x11428;
	s12 =	sadd.s32 @!p1 $0x640, s7  }
0x125: {  	[hbm4b:s12+s10] =	stream.linear.scatter @!p1 [tilespmem:s17], [sflag:$0x7], $0x3200, $0x38;
	[tilespmem:$0x1B028] =	vst v63  }
0x126: {  	s12 =	sadd.s32 @!p1 $0xC80, s7;
	s17 =	simm.s32 @!p1 $0x14828  }
0x127: {  	[hbm4b:s12+s10] =	stream.linear.scatter @!p1 [tilespmem:s17], [sflag:$0x7], $0x3200, $0x38;
	[tilespmem:$0x1B028] =	vst v63  }
0x128: {  	s7 =	sadd.s32 @!p1 $0x12C0, s7;
	s12 =	simm.s32 @!p1 $0x17C28  }
0x129: {  	[hbm4b:s7+s10] =	stream.linear.scatter @!p1 [tilespmem:s12], [sflag:$0x7], $0x3200, $0x38;
	[tilespmem:$0x1B028] =	vst v63  }
0x12a: {  	_ =	swait.ge [sflag:s24], $0x320  }
0x12b: {  	[sflag:s24] =	ssyncset.done $0x0  }
0x12c: {  	[sflag:s24] =	ssyncadd.s32 $0xFFFFFCE0  }
0x12d: {  	v1 =	vld [tilespmem:$0x668]  }
0x12e: {  	v2 =	vld [tilespmem:$0x678]  }
0x12f: {  	v3 =	vld [tilespmem:$0x688]  }
0x130: {  	v26 =	vld [tilespmem:$0x698]  }
0x131: {  	v28 =	vld [tilespmem:$0x6A8]  }
0x132: {  	v33 =	vld [tilespmem:$0x6B8]  }
0x133: {  	v34 =	vld [tilespmem:$0x6C8]  }
0x134: {  	v36 =	vld [tilespmem:$0x6D8]  }
0x135: {  	v38 =	vld [tilespmem:$0x6E8]  }
0x136: {  	v42 =	vld [tilespmem:$0x6F8]  }
0x137: {  	v27 =	vsub.s32 $0x0, v1  }
0x138: {  	v29 =	vsub.s32 $0x0, v2;
	v30 =	vsub.s32 $0x0, v3;
	v31 =	vsub.s32 $0x0, v26  }
0x139: {  	v32 =	vsub.s32 $0x0, v28;
	v40 =	vsub.s32 $0x0, v33;
	v43 =	vsub.s32 $0x0, v34  }
0x13a: {  	v46 =	vsub.s32 $0x0, v36;
	v48 =	vsub.s32 $0x0, v38;
	v1 =	vmin.u32 v1, v27  }
0x13b: {  	v50 =	vsub.s32 $0x0, v42;
	v2 =	vmin.u32 v2, v29;
	vm12 =	vlt.s32 v1, $0x1  }
0x13c: {  	v3 =	vmin.u32 v3, v30;
	vm13 =	vlt.s32 v2, $0x1;
	v1 =	vnsel vm12, $0x1, v1  }
0x13d: {  	v44 =	vld [tilespmem:$0x708];
	v4 =	vmin.u32 v26, v31;
	vm14 =	vlt.s32 v3, $0x1;
	v2 =	vnsel vm13, $0x1, v2;
	(xrf0) =	vadd.scan.msk.s32 $0xffff, v1  }
0x13e: {  	v5 =	vmin.u32 v28, v32;
	vm15 =	vlt.s32 v4, $0x1;
	v3 =	vnsel vm14, $0x1, v3;
	(xrf0) =	vadd.scan.msk.s32 $0xffff, v2  }
0x13f: {  	v6 =	vmin.u32 v33, v40;
	vm4 =	vlt.s32 v5, $0x1;
	v4 =	vnsel vm15, $0x1, v4;
	(xrf0) =	vadd.scan.msk.s32 $0xffff, v3  }
0x140: {  	v45 =	vmin.u32 v34, v43;
	vm5 =	vlt.s32 v6, $0x1;
	v5 =	vnsel vm4, $0x1, v5;
	(xrf0) =	vadd.scan.msk.s32 $0xffff, v4  }
0x141: {  	v8 =	vmin.u32 v36, v46;
	vm6 =	vlt.s32 v45, $0x1;
	v18 =	vnsel vm5, $0x1, v6;
	(xrf0) =	vadd.scan.msk.s32 $0xffff, v5  }
0x142: {  	v52 =	vsub.s32 $0x0, v44;
	vm7 =	vlt.s32 v8, $0x1;
	v19 =	vnsel vm6, $0x1, v45;
	(xrf0) =	vadd.scan.msk.s32 $0xffff, v18  }
0x143: {  	v47 =	vld [tilespmem:$0x718];
	v49 =	vmin.u32 v38, v48;
	v51 =	vmin.u32 v42, v50;
	v10 =	vnsel vm7, $0x1, v8;
	v7, _, _ =	vpop (xrf0);
	(xrf0) =	vadd.scan.msk.s32 $0xffff, v19  }
0x144: {  	vm8 =	vlt.s32 v49, $0x1;
	vm9 =	vlt.s32 v51, $0x1;
	(v2sf) =	vpush v7, $0xF;
	v35, _, _ =	vpop (xrf0);
	(xrf0) =	vadd.scan.msk.s32 $0xffff, v10  }
0x145: {  	v20 =	vnsel vm8, $0x1, v49;
	v8 =	vmin.u32 v44, v52;
	(v2sf) =	vpush v35, $0xF;
	v37, _, _ =	vpop (xrf0)  }
0x146: {  	v21 =	vnsel vm9, $0x1, v51;
	vm10 =	vlt.s32 v8, $0x1;
	(xrf0) =	vadd.scan.msk.s32 $0xffff, v20;
	(v2sf) =	vpush v37, $0xF;
	v39, _, _ =	vpop (xrf0)  }
0x147: {  	v22 =	vnsel vm10, $0x1, v8;
	(xrf0) =	vadd.scan.msk.s32 $0xffff, v21;
	(v2sf) =	vpush v39, $0xF;
	v41, _, _ =	vpop (xrf0)  }
0x148: {  	v53 =	vsub.s32 $0x0, v47;
	(xrf0) =	vadd.scan.msk.s32 $0xffff, v22;
	(v2sf) =	vpush v41, $0xF;
	v55, _, _ =	vpop (xrf0)  }
0x149: {  	v54 =	vmin.u32 v47, v53;
	v33 =	vld [tilespmem:$0x738];
	(v2sf) =	vpush v55, $0xF;
	v56, _, _ =	vpop (xrf0)  }
0x14a: {  	v36 =	vld [tilespmem:$0x758];
	vm11 =	vlt.s32 v54, $0x1;
	(v2sf) =	vpush v56, $0xF;
	v57, _, _ =	vpop (xrf0)  }
0x14b: {  	v46 =	vld [tilespmem:$0x788];
	v23 =	vnsel vm11, $0x1, v54;
	(v2sf) =	vpush v57, $0xF  }
0x14c: {  	(xrf0) =	vadd.scan.msk.s32 $0xffff, v23;
	v58, _, _ =	vpop (xrf0)  }
0x14d: {  	v44 =	vld [tilespmem:$0x778];
	v61 =	vbroadcast v7, $0xF;
	(v2sf) =	vpush v58, $0xF;
	v59, _, _ =	vpop (xrf0)  }
0x14e: {  	(v2sf) =	vpush v59, $0xF;
	v62, _, _ =	vpop (xrf0)  }
0x14f: {  	v43 =	vsub.s32 $0x0, v33;
	v6 =	vadd.s32 v61, v35;
	v35 =	vld [tilespmem:$0x748];
	(v2sf) =	vpush v62, $0xF  }
0x150: {  	v47 =	vsub.s32 $0x0, v36;
	v51 =	vsub.s32 $0x0, v46;
	v8 =	vmin.u32 v33, v43  }
0x151: {  	v48 =	vmin.u32 v36, v47;
	v52 =	vmin.u32 v46, v51;
	vm13 =	vlt.s32 v8, $0x1  }
0x152: {  	v60 =	vld [tilespmem:$0x728];
	vm15 =	vlt.s32 v48, $0x1;
	v50 =	vsub.s32 $0x0, v44;
	vm6 =	vlt.s32 v52, $0x1;
	v63, _, _ =	vpop (xrf0)  }
0x153: {  	v12 =	vnsel vm13, $0x1, v8;
	v9 =	vmin.u32 v44, v50;
	(v2sf) =	vpush v63, $0xF;
	s12 =	spop (v2sf)  }
0x154: {  	v8 =	vnsel vm15, $0x1, v48;
	vm5 =	vlt.s32 v9, $0x1;
	v45 =	vsub.s32 $0x0, v35;
	s17 =	spop (v2sf)  }
0x155: {  	v1 =	vmul.u32 v1, v7;
	v9 =	vnsel vm5, $0x1, v9;
	v11 =	vmin.u32 v35, v45;
	s7 =	sadd.s32 s12, s17;
	s12 =	spop (v2sf)  }
0x156: {  	v2 =	vmul.u32 v2, v6;
	vm14 =	vlt.s32 v11, $0x1;
	v34 =	vadd.s32 s7, v37;
	s7 =	sadd.s32 s7, s12;
	s17 =	spop (v2sf)  }
0x157: {  	v45 =	vld [tilespmem:$0x7D8];
	v16 =	vnsel vm14, $0x1, v11;
	s10 =	sadd.s32 s7, s17;
	v37 =	vadd.s32 s7, v39;
	s12 =	spop (v2sf);
	v39 =	vsub.s32 $0x0, v60  }
0x158: {  	v3 =	vmul.u32 v3, v34;
	v38 =	vadd.s32 s10, v41;
	s7 =	sadd.s32 s10, s12;
	v40 =	vmin.u32 v60, v39;
	v41 =	vld [tilespmem:$0x768];
	s17 =	spop (v2sf)  }
0x159: {  	v7 =	vmul.u32 v4, v37;
	v60 =	vld [tilespmem:$0x7A8];
	v42 =	vadd.s32 s7, v55;
	vm12 =	vlt.s32 v40, $0x1;
	s7 =	sadd.s32 s7, s17;
	s12 =	spop (v2sf)  }
0x15a: {  	v6 =	vmul.u32 v5, v38;
	v4 =	vnsel vm12, $0x1, v40;
	s10 =	sadd.s32 s7, s12;
	s17 =	spop (v2sf);
	v14 =	vmul.u32 v18, v42  }
0x15b: {  	v48 =	vld [tilespmem:$0x7E8];
	v53 =	vadd.s32 s7, v56;
	v18 =	vnsel vm6, $0x1, v52;
	s12 =	sadd.s32 s10, s17;
	v54 =	vadd.s32 s10, v57  }
0x15c: {  	v42 =	vld [tilespmem:$0x7C8];
	s17 =	spop (v2sf);
	v27 =	vmul.u32 v19, v53;
	v53 =	vsub.s32 $0x0, v45;
	v55 =	vadd.s32 s12, v58  }
0x15d: {  	(xrf0) =	vadd.scan.msk.s32 $0xffff, v4;
	v57 =	vld [tilespmem:$0x798];
	s7 =	sadd.s32 s12, s17;
	s17 =	spop (v2sf);
	v13 =	vmul.u32 v10, v54;
	v49 =	vsub.s32 $0x0, v41;
	v15 =	vmul.u32 v20, v55  }
0x15e: {  	[tilespmem:$0xD08] =	vst v3;
	v3 =	vld [tilespmem:$0x818];
	s10 =	sadd.s32 s7, s17;
	s17 =	spop (v2sf);
	v58 =	vadd.s32 s7, v59;
	v46 =	vsub.s32 $0x0, v60;
	v5 =	vmin.u32 v41, v49  }
0x15f: {  	v54 =	vld [tilespmem:$0x828];
	v59 =	vadd.s32 s10, v62;
	s12 =	sadd.s32 s10, s17;
	v19 =	vmul.u32 v21, v58;
	v47 =	vmin.u32 v60, v46  }
0x160: {  	v52 =	vld [tilespmem:$0x808];
	(xrf0) =	vadd.scan.msk.s32 $0xffff, v12;
	vm4 =	vlt.s32 v5, $0x1;
	v10 =	vmul.u32 v22, v59;
	v61 =	vadd.s32 s12, v63  }
0x161: {  	v55 =	vld [tilespmem:$0x838];
	vm8 =	vlt.s32 v47, $0x1;
	v51 =	vsub.s32 $0x0, v42;
	v17 =	vnsel vm4, $0x1, v5  }
0x162: {  	[tilespmem:$0xCF8] =	vst v2;
	s17 =	spop (v2sf);
	v20 =	vmul.u32 v23, v61;
	v44 =	vsub.s32 $0x0, v57;
	v2 =	vmin.u32 v42, v51  }
0x163: {  	(xrf0) =	vadd.scan.msk.s32 $0xffff, v16;
	v62 =	vld [tilespmem:$0x7B8];
	s10 =	sadd.s32 s12, s17;
	v26 =	vnsel vm8, $0x1, v47;
	v56, _, _ =	vpop (xrf0);
	v22 =	vmin.u32 v57, v44;
	vm10 =	vlt.s32 v2, $0x1  }
0x164: {  	(xrf0) =	vadd.scan.msk.s32 $0xffff, v8;
	v57 =	vsub.s32 $0x0, v3;
	v58 =	vsub.s32 $0x0, v54;
	v11 =	vadd.s32 s10, v56  }
0x165: {  	vm7 =	vlt.s32 v22, $0x1;
	v24 =	vnsel vm10, $0x1, v2;
	v2 =	vsub.s32 $0x0, v48  }
0x166: {  	v28, _, _ =	vpop (xrf0);
	v56 =	vsub.s32 $0x0, v52;
	v3 =	vmin.u32 v3, v57;
	v60 =	vsub.s32 $0x0, v55  }
0x167: {  	(xrf0) =	vadd.scan.msk.s32 $0xffff, v17;
	(v2sf) =	vpush v28, $0xF;
	v11 =	vmul.u32 v4, v11;
	v43 =	vbroadcast v28, $0xF  }
0x168: {  	[tilespmem:$0xCE8] =	vst v1;
	v61 =	vld [tilespmem:$0x848];
	v23 =	vnsel vm7, $0x1, v22;
	v49 =	vsub.s32 $0x0, v62;
	vm15 =	vlt.s32 v3, $0x1  }
0x169: {  	(xrf0) =	vadd.scan.msk.s32 $0xffff, v9;
	v5, _, _ =	vpop (xrf0);
	v4 =	vmin.u32 v54, v58;
	v35 =	vmin.u32 v55, v60;
	v12 =	vmul.u32 v12, v28  }
0x16a: {  	v50 =	vld [tilespmem:$0x7F8];
	[tilespmem:$0xD18] =	vst v7;
	(v2sf) =	vpush v5, $0xF;
	v29, _, _ =	vpop (xrf0);
	v1 =	vmin.u32 v62, v49;
	v3 =	vnsel vm15, $0x1, v3  }
0x16b: {  	(xrf0) =	vadd.scan.msk.s32 $0xffff, v18;
	vm4 =	vlt.s32 v4, $0x1;
	vm5 =	vlt.s32 v35, $0x1;
	(v2sf) =	vpush v29, $0xF  }
0x16c: {  	[tilespmem:$0xD58] =	vst v13;
	vm9 =	vlt.s32 v1, $0x1;
	v4 =	vnsel vm4, $0x1, v4;
	v32 =	vadd.s32 v43, v5  }
0x16d: {  	(xrf0) =	vadd.scan.msk.s32 $0xffff, v23;
	v49 =	vsub.s32 $0x0, v61;
	v22 =	vnsel vm9, $0x1, v1;
	v1 =	vmin.u32 v45, v53;
	v63, _, _ =	vpop (xrf0)  }
0x16e: {  	v47 =	vld [tilespmem:$0x868];
	(xrf0) =	vadd.scan.msk.s32 $0xffff, v26;
	v7 =	vmin.u32 v61, v49;
	vm11 =	vlt.s32 v1, $0x1;
	(v2sf) =	vpush v63, $0xF  }
0x16f: {  	v44 =	vld [tilespmem:$0x858];
	(xrf0) =	vadd.scan.msk.s32 $0xffff, v22;
	v37, _, _ =	vpop (xrf0);
	v21 =	vnsel vm11, $0x1, v1;
	v1 =	vmin.u32 v48, v2;
	v2 =	vsub.s32 $0x0, v50  }
0x170: {  	v58 =	vld [tilespmem:$0x8C8];
	(xrf0) =	vadd.scan.msk.s32 $0xffff, v24;
	(v2sf) =	vpush v37, $0xF;
	vm12 =	vlt.s32 v1, $0x1;
	v2 =	vmin.u32 v50, v2  }
0x171: {  	v49 =	vld [tilespmem:$0x908];
	v38, _, _ =	vpop (xrf0);
	(xrf0) =	vadd.scan.msk.s32 $0xffff, v21;
	v25 =	vnsel vm12, $0x1, v1;
	vm13 =	vlt.s32 v2, $0x1;
	v1 =	vmin.u32 v52, v56  }
0x172: {  	v48 =	vld [tilespmem:$0x878];
	(v2sf) =	vpush v38, $0xF;
	v2 =	vnsel vm13, $0x1, v2;
	vm14 =	vlt.s32 v1, $0x1;
	(xrf0) =	vadd.scan.msk.s32 $0xffff, v25  }
0x173: {  	v5 =	vnsel vm5, $0x1, v35;
	v36 =	vmul.u32 v16, v32;
	v50 =	vld [tilespmem:$0x888];
	v59, _, _ =	vpop (xrf0);
	v1 =	vnsel vm14, $0x1, v1;
	(xrf0) =	vadd.scan.msk.s32 $0xffff, v2  }
0x174: {  	v51 =	vsub.s32 $0x0, v44;
	v53 =	vsub.s32 $0x0, v47;
	vm6 =	vlt.s32 v7, $0x1;
	v56 =	vld [tilespmem:$0x8B8];
	v30, _, _ =	vpop (xrf0);
	(xrf0) =	vadd.scan.msk.s32 $0xffff, v1  }
0x175: {  	[tilespmem:$0xD88] =	vst v10;
	v13 =	vmin.u32 v44, v51;
	v10 =	vnsel vm6, $0x1, v7;
	(v2sf) =	vpush v59, $0xF;
	v31, _, _ =	vpop (xrf0)  }
0x176: {  	[tilespmem:$0xD28] =	vst v6;
	vm7 =	vlt.s32 v13, $0x1;
	v44 =	vsub.s32 $0x0, v58;
	(v2sf) =	vpush v30, $0xF;
	v34, _, _ =	vpop (xrf0)  }
0x177: {  	[tilespmem:$0xD38] =	vst v14;
	v54 =	vld [tilespmem:$0x8A8];
	v7 =	vnsel vm7, $0x1, v13;
	v55 =	vsub.s32 $0x0, v48;
	(v2sf) =	vpush v31, $0xF;
	v32, _, _ =	vpop (xrf0)  }
0x178: {  	[tilespmem:$0xD48] =	vst v27;
	v6 =	vmin.u32 v48, v55;
	v57 =	vsub.s32 $0x0, v50;
	v48 =	vld [tilespmem:$0x8F8];
	(v2sf) =	vpush v34, $0xF;
	v35, _, _ =	vpop (xrf0);
	s12 =	spop (v2sf)  }
0x179: {  	[tilespmem:$0xD68] =	vst v15;
	v55 =	vsub.s32 $0x0, v49;
	v28 =	vsub.s32 $0x0, v56;
	(v2sf) =	vpush v32, $0xF;
	v33, _, _ =	vpop (xrf0);
	s17 =	spop (v2sf)  }
0x17a: {  	[tilespmem:$0xD78] =	vst v19;
	vm9 =	vlt.s32 v6, $0x1;
	v43 =	vmin.u32 v56, v28;
	(v2sf) =	vpush v35, $0xF;
	v14, _, _ =	vpop (xrf0);
	s7 =	sadd.s32 s12, s17;
	s12 =	spop (v2sf)  }
0x17b: {  	[tilespmem:$0xD98] =	vst v20;
	vm13 =	vlt.s32 v43, $0x1;
	(v2sf) =	vpush v14, $0xF;
	s10 =	sadd.s32 s7, s12;
	v62 =	vadd.s32 s7, v29  }
0x17c: {  	[tilespmem:$0xDA8] =	vst v11;
	v1 =	vmul.u32 v1, v14;
	v63 =	vadd.s32 s10, v63;
	v40 =	vmul.u32 v8, v62  }
0x17d: {  	v60 =	vld [tilespmem:$0x8D8];
	[tilespmem:$0xDB8] =	vst v12;
	v8 =	vmin.u32 v47, v53;
	v62 =	vsub.s32 $0x0, v54;
	v53 =	vsub.s32 $0x0, v48  }
0x17e: {  	(xrf0) =	vadd.scan.msk.s32 $0xffff, v3;
	s17 =	spop (v2sf);
	v41 =	vmul.u32 v17, v63;
	vm8 =	vlt.s32 v8, $0x1;
	v11 =	vmin.u32 v54, v62  }
0x17f: {  	[tilespmem:$0xDC8] =	vst v36;
	v52 =	vld [tilespmem:$0x898];
	v17 =	vmin.u32 v58, v44;
	s17 =	sadd.s32 s10, s17;
	s12 =	spop (v2sf);
	v12 =	vnsel vm8, $0x1, v8;
	v8 =	vnsel vm9, $0x1, v6  }
0x180: {  	(xrf0) =	vadd.scan.msk.s32 $0xffff, v4;
	vm12 =	vlt.s32 v11, $0x1;
	vm14 =	vlt.s32 v17, $0x1;
	s10 =	sadd.s32 s17, s12;
	v45 =	vadd.s32 s17, v37  }
0x181: {  	(xrf0) =	vadd.scan.msk.s32 $0xffff, v5;
	v63 =	vld [tilespmem:$0x8E8];
	s17 =	spop (v2sf);
	v11 =	vnsel vm12, $0x1, v11;
	v17 =	vnsel vm14, $0x1, v17;
	v46 =	vadd.s32 s10, v38  }
0x182: {  	(xrf0) =	vadd.scan.msk.s32 $0xffff, v10;
	v37 =	vmul.u32 v9, v45;
	s7 =	sadd.s32 s10, s17;
	v9 =	vmin.u32 v50, v57;
	v45 =	vsub.s32 $0x0, v60  }
0x183: {  	[tilespmem:$0xDD8] =	vst v40;
	v57 =	vmin.u32 v49, v55;
	v38 =	vmul.u32 v18, v46;
	v39 =	vadd.s32 s7, v59  }
0x184: {  	[tilespmem:$0xDE8] =	vst v41;
	v18, _, _ =	vpop (xrf0);
	vm10 =	vlt.s32 v9, $0x1;
	v59 =	vsub.s32 $0x0, v52;
	v19 =	vmin.u32 v60, v45  }
0x185: {  	s12 =	spop (v2sf);
	(xrf0) =	vadd.scan.msk.s32 $0xffff, v7;
	vm6 =	vlt.s32 v57, $0x1;
	(v2sf) =	vpush v18, $0xF;
	v6 =	vnsel vm10, $0x1, v9  }
0x186: {  	v44 =	vld [tilespmem:$0x928];
	s7 =	sadd.s32 s7, s12;
	v16, _, _ =	vpop (xrf0);
	v61 =	vmin.u32 v52, v59;
	(xrf0) =	vadd.scan.msk.s32 $0xffff, v12;
	v9 =	vnsel vm13, $0x1, v43;
	v46 =	vsub.s32 $0x0, v63  }
0x187: {  	v54 =	vld [tilespmem:$0x938];
	s17 =	spop (v2sf);
	vm15 =	vlt.s32 v19, $0x1;
	v47 =	vadd.s32 s7, v30;
	v39 =	vmul.u32 v23, v39;
	[tilespmem:$0xDF8] =	vst v37  }
0x188: {  	v50 =	vld [tilespmem:$0x918];
	s7 =	sadd.s32 s7, s17;
	(v2sf) =	vpush v16, $0xF;
	v15, _, _ =	vpop (xrf0);
	vm11 =	vlt.s32 v61, $0x1;
	(xrf0) =	vadd.scan.msk.s32 $0xffff, v8;
	v20 =	vmin.u32 v63, v46  }
0x189: {  	v19 =	vnsel vm15, $0x1, v19;
	v42 =	vmul.u32 v26, v47;
	v31 =	vadd.s32 s7, v31;
	[tilespmem:$0xE08] =	vst v38  }
0x18a: {  	s12 =	spop (v2sf);
	v46 =	vbroadcast v14, $0xF;
	(v2sf) =	vpush v15, $0xF;
	v13 =	vnsel vm11, $0x1, v61;
	(xrf0) =	vadd.scan.msk.s32 $0xffff, v6  }
0x18b: {  	v59 =	vld [tilespmem:$0x958];
	v28, _, _ =	vpop (xrf0);
	vm4 =	vlt.s32 v20, $0x1;
	s10 =	sadd.s32 s7, s12;
	v31 =	vmul.u32 v22, v31;
	[tilespmem:$0xE18] =	vst v39;
	v61 =	vsub.s32 $0x0, v44  }
0x18c: {  	s17 =	spop (v2sf);
	(xrf0) =	vadd.scan.msk.s32 $0xffff, v13;
	(v2sf) =	vpush v28, $0xF;
	v20 =	vnsel vm4, $0x1, v20;
	v34 =	vadd.s32 s10, v34  }
0x18d: {  	s17 =	sadd.s32 s10, s17;
	[tilespmem:$0xE28] =	vst v42;
	v58 =	vsub.s32 $0x0, v50;
	v62 =	vmin.u32 v44, v61;
	v44 =	vsub.s32 $0x0, v54  }
0x18e: {  	(xrf0) =	vadd.scan.msk.s32 $0xffff, v11;
	v34 =	vmul.u32 v24, v34;
	v32 =	vadd.s32 s17, v32;
	v60 =	vmin.u32 v50, v58  }
0x18f: {  	v63 =	vld [tilespmem:$0x968];
	vm8 =	vlt.s32 v62, $0x1;
	v37 =	vmin.u32 v54, v44;
	(xrf0) =	vadd.scan.msk.s32 $0xffff, v9;
	v51 =	vmul.u32 v21, v32  }
0x190: {  	v27, _, _ =	vpop (xrf0);
	s12 =	spop (v2sf);
	vm7 =	vlt.s32 v60, $0x1;
	vm9 =	vlt.s32 v37, $0x1;
	v50 =	vsub.s32 $0x0, v59;
	(xrf0) =	vadd.scan.msk.s32 $0xffff, v17  }
0x191: {  	v56 =	vld [tilespmem:$0x948];
	v29, _, _ =	vpop (xrf0);
	(v2sf) =	vpush v27, $0xF;
	s10 =	sadd.s32 s17, s12;
	s17 =	spop (v2sf);
	[tilespmem:$0xE48] =	vst v34;
	v34 =	vnsel vm7, $0x1, v60;
	v38 =	vnsel vm9, $0x1, v37  }
0x192: {  	v49 =	vld [tilespmem:$0x988];
	v36 =	vmin.u32 v59, v50;
	v30, _, _ =	vpop (xrf0);
	(xrf0) =	vadd.scan.msk.s32 $0xffff, v19;
	(v2sf) =	vpush v29, $0xF;
	v35 =	vadd.s32 s10, v35;
	s7 =	sadd.s32 s10, s17  }
0x193: {  	[tilespmem:$0xE58] =	vst v51;
	vm11 =	vlt.s32 v36, $0x1;
	v23, _, _ =	vpop (xrf0);
	v45 =	vadd.s32 s7, v33;
	v33 =	vmin.u32 v48, v53  }
0x194: {  	v51 =	vsub.s32 $0x0, v63;
	(xrf0) =	vadd.scan.msk.s32 $0xffff, v20;
	(v2sf) =	vpush v30, $0xF;
	v26, _, _ =	vpop (xrf0);
	vm5 =	vlt.s32 v33, $0x1  }
0x195: {  	v47 =	vld [tilespmem:$0x978];
	[tilespmem:$0xE38] =	vst v31;
	v52 =	vmul.u32 v25, v35;
	v35 =	vnsel vm6, $0x1, v57;
	v22, _, _ =	vpop (xrf0);
	v31 =	vnsel vm5, $0x1, v33  }
0x196: {  	v48 =	vsub.s32 $0x0, v56;
	v36 =	vnsel vm11, $0x1, v36;
	(v2sf) =	vpush v23, $0xF;
	v24, _, _ =	vpop (xrf0);
	(xrf0) =	vadd.scan.msk.s32 $0xffff, v31  }
0x197: {  	v53 =	vsub.s32 $0x0, v49;
	v39 =	vmin.u32 v56, v48;
	(v2sf) =	vpush v26, $0xF;
	v25, _, _ =	vpop (xrf0);
	(xrf0) =	vadd.scan.msk.s32 $0xffff, v35  }
0x198: {  	v41 =	vmin.u32 v49, v53;
	v33 =	vnsel vm8, $0x1, v62;
	(v2sf) =	vpush v22, $0xF;
	(xrf0) =	vadd.scan.msk.s32 $0xffff, v34  }
0x199: {  	[tilespmem:$0xE68] =	vst v52;
	vm10 =	vlt.s32 v39, $0x1;
	(v2sf) =	vpush v24, $0xF;
	v21, _, _ =	vpop (xrf0);
	(xrf0) =	vadd.scan.msk.s32 $0xffff, v33  }
0x19a: {  	v52 =	vsub.s32 $0x0, v47;
	v37 =	vnsel vm10, $0x1, v39;
	v39 =	vmin.u32 v63, v51;
	v32, _, _ =	vpop (xrf0);
	(xrf0) =	vadd.scan.msk.s32 $0xffff, v38  }
0x19b: {  	v40 =	vmin.u32 v47, v52;
	vm12 =	vlt.s32 v39, $0x1;
	(v2sf) =	vpush v21, $0xF;
	(xrf0) =	vadd.scan.msk.s32 $0xffff, v37  }
0x19c: {  	vm13 =	vlt.s32 v40, $0x1;
	v39 =	vnsel vm12, $0x1, v39;
	(v2sf) =	vpush v32, $0xF;
	v54, _, _ =	vpop (xrf0);
	(xrf0) =	vadd.scan.msk.s32 $0xffff, v36  }
0x19d: {  	s12 =	spop (v2sf);
	vm14 =	vlt.s32 v41, $0x1;
	v40 =	vnsel vm13, $0x1, v40;
	(v2sf) =	vpush v54, $0xF;
	v42, _, _ =	vpop (xrf0);
	(xrf0) =	vadd.scan.msk.s32 $0xffff, v39  }
0x19e: {  	v55 =	vmul.u32 v2, v45;
	v2 =	vnsel vm14, $0x1, v41;
	s17 =	spop (v2sf);
	(v2sf) =	vpush v42, $0xF;
	v41, _, _ =	vpop (xrf0);
	(xrf0) =	vadd.scan.msk.s32 $0xffff, v40  }
0x19f: {  	v56 =	vadd.s32 v46, v18;
	s7 =	sadd.s32 s12, s17;
	s12 =	spop (v2sf);
	(v2sf) =	vpush v41, $0xF;
	v57, _, _ =	vpop (xrf0);
	(xrf0) =	vadd.scan.msk.s32 $0xffff, v2  }
0x1a0: {  	[tilespmem:$0xE88] =	vst v1;
	v3 =	vmul.u32 v3, v56;
	v58 =	vadd.s32 s7, v16;
	s7 =	sadd.s32 s7, s12;
	s17 =	spop (v2sf);
	v45, _, _ =	vpop (xrf0);
	(v2sf) =	vpush v57, $0xF  }
0x1a1: {  	[tilespmem:$0xE78] =	vst v55;
	v1 =	vmul.u32 v4, v58;
	v59 =	vadd.s32 s7, v15;
	s7 =	sadd.s32 s7, s17;
	s12 =	spop (v2sf);
	v16, _, _ =	vpop (xrf0);
	(v2sf) =	vpush v45, $0xF  }
0x1a2: {  	[tilespmem:$0xE98] =	vst v3;
	v3 =	vmul.u32 v5, v59;
	v61 =	vadd.s32 s7, v28;
	s7 =	sadd.s32 s7, s12;
	s17 =	spop (v2sf);
	v60, _, _ =	vpop (xrf0);
	(v2sf) =	vpush v16, $0xF  }
0x1a3: {  	[tilespmem:$0xEA8] =	vst v1;
	v1 =	vmul.u32 v10, v61;
	v63 =	vadd.s32 s7, v27;
	s7 =	sadd.s32 s7, s17;
	s12 =	spop (v2sf);
	v62, _, _ =	vpop (xrf0);
	(v2sf) =	vpush v60, $0xF  }
0x1a4: {  	[tilespmem:$0xEB8] =	vst v3;
	v3 =	vmul.u32 v7, v63;
	v27 =	vadd.s32 s7, v29;
	s7 =	sadd.s32 s7, s12;
	s17 =	spop (v2sf);
	v15, _, _ =	vpop (xrf0);
	(v2sf) =	vpush v62, $0xF  }
0x1a5: {  	[tilespmem:$0xEC8] =	vst v1;
	v1 =	vmul.u32 v12, v27;
	v28 =	vadd.s32 s7, v30;
	s7 =	sadd.s32 s7, s17;
	s12 =	spop (v2sf);
	(v2sf) =	vpush v15, $0xF;
	v29, _, _ =	vpop (xrf0)  }
0x1a6: {  	[tilespmem:$0xED8] =	vst v3;
	v3 =	vmul.u32 v8, v28;
	v30 =	vadd.s32 s7, v23;
	s7 =	sadd.s32 s7, s12;
	s17 =	spop (v2sf);
	(v2sf) =	vpush v29, $0xF  }
0x1a7: {  	v46 =	vld [tilespmem:$0x998];
	[tilespmem:$0xEE8] =	vst v1;
	s12 =	spop (v2sf);
	v1 =	vmul.u32 v6, v30;
	v44 =	vadd.s32 s7, v26;
	s7 =	sadd.s32 s7, s17  }
0x1a8: {  	[tilespmem:$0xEF8] =	vst v3;
	v3 =	vmul.u32 v13, v44;
	s17 =	spop (v2sf);
	v47 =	vadd.s32 s7, v22;
	s7 =	sadd.s32 s7, s12  }
0x1a9: {  	[tilespmem:$0xF08] =	vst v1;
	v1 =	vmul.u32 v11, v47;
	v48 =	vadd.s32 s7, v24;
	s7 =	sadd.s32 s7, s17  }
0x1aa: {  	v50 =	vbroadcast v21, $0xF;
	[tilespmem:$0xF18] =	vst v3;
	s10 =	spop (v2sf);
	v3 =	vmul.u32 v9, v48;
	v49 =	vadd.s32 s7, v25  }
0x1ab: {  	[tilespmem:$0xF28] =	vst v1;
	v1 =	vmul.u32 v17, v49;
	s12 =	spop (v2sf)  }
0x1ac: {  	v52 =	vsub.s32 $0x0, v46;
	v51 =	vadd.s32 v50, v32;
	[tilespmem:$0xF38] =	vst v3;
	v3 =	vmul.u32 v19, v21;
	s7 =	sadd.s32 s10, s12;
	s17 =	spop (v2sf)  }
0x1ad: {  	v53 =	vmin.u32 v46, v52;
	[tilespmem:$0xF48] =	vst v1;
	v1 =	vmul.u32 v20, v51;
	v54 =	vadd.s32 s7, v54;
	s10 =	spop (v2sf);
	s7 =	sadd.s32 s7, s17  }
0x1ae: {  	vm15 =	vlt.s32 v53, $0x1;
	[tilespmem:$0xF58] =	vst v3;
	v3 =	vmul.u32 v31, v54;
	s17 =	spop (v2sf);
	v55 =	vadd.s32 s7, v42;
	s7 =	sadd.s32 s7, s10  }
0x1af: {  	v4 =	vnsel vm15, $0x1, v53;
	[tilespmem:$0xF68] =	vst v1;
	v1 =	vmul.u32 v35, v55;
	s10 =	spop (v2sf);
	v56 =	vadd.s32 s7, v41;
	s7 =	sadd.s32 s7, s17  }
0x1b0: {  	(xrf0) =	vadd.scan.msk.s32 $0xffff, v4;
	[tilespmem:$0xF78] =	vst v3;
	v3 =	vmul.u32 v34, v56;
	s17 =	spop (v2sf);
	v57 =	vadd.s32 s7, v57;
	s7 =	sadd.s32 s7, s10  }
0x1b1: {  	[tilespmem:$0xF88] =	vst v1;
	v1 =	vmul.u32 v33, v57;
	s10 =	spop (v2sf);
	v58 =	vadd.s32 s7, v45;
	s7 =	sadd.s32 s7, s17  }
0x1b2: {  	[tilespmem:$0xF98] =	vst v3;
	v3 =	vmul.u32 v38, v58;
	s17 =	spop (v2sf);
	v59 =	vadd.s32 s7, v16;
	s7 =	sadd.s32 s7, s10  }
0x1b3: {  	[tilespmem:$0xFA8] =	vst v1;
	v1 =	vmul.u32 v37, v59;
	s10 =	spop (v2sf);
	v60 =	vadd.s32 s7, v60;
	s7 =	sadd.s32 s7, s17  }
0x1b4: {  	[tilespmem:$0xFB8] =	vst v3;
	v3 =	vmul.u32 v36, v60;
	s17 =	spop (v2sf);
	v5 =	vadd.s32 s7, v62;
	s7 =	sadd.s32 s7, s10  }
0x1b5: {  	[tilespmem:$0xFC8] =	vst v1;
	v1 =	vmul.u32 v39, v5;
	v61 =	vadd.s32 s7, v15;
	s7 =	sadd.s32 s7, s17;
	s12 =	spop (v2sf)  }
0x1b6: {  	v63, _, _ =	vpop (xrf0);
	[tilespmem:$0xFD8] =	vst v3;
	v3 =	vmul.u32 v40, v61;
	v62 =	vadd.s32 s7, v29;
	s7 =	sadd.s32 s7, s12  }
0x1b7: {  	[tilespmem:$0xFE8] =	vst v1;
	v1 =	vmul.u32 v2, v62;
	v2 =	vadd.s32 s7, v63  }
0x1b8: {  	[tilespmem:$0xFF8] =	vst v3;
	v2 =	vmul.u32 v4, v2  }
0x1b9: {  	[tilespmem:$0x1008] =	vst v1  }
0x1ba: {  	s7 =	simm.s32 @!p1 $0x7;
	[tilespmem:$0x1018] =	vst v2  }
0x1bb: {  	_ =	swait.ge @!p1 [sflag:s7], $0xC800  }
0x1bc: {  	s10 =	rddreg [dreg:$0x16]  }
0x1bd: {  	[sflag:s7] =	ssyncset.done @!p1 $0x0;
	s12 =	rddreg [dreg:$0x17]  }
0x1be: {  	s17 =	rddreg [dreg:$0x18];
	[sflag:s7] =	ssyncadd.s32 @!p1 $0xFFFF3800  }
0x1bf: {  	[tilespmem:s25], [sflag:$0x5] =	stream.indirect.gather [spmem:s2], $0x40, s10, s19, $0xb8;
	[tilespmem:$0x1B028] =	vst v63  }
0x1c0: {  	s10 =	rddreg [dreg:$0x19]  }
0x1c1: {  	[tilespmem:s17], [sflag:$0x5] =	stream.indirect.gather [spmem:s2], $0x40, s12, s19, $0xb8;
	[tilespmem:$0x1B028] =	vst v63  }
0x1c2: {  	s12 =	rddreg [dreg:$0x1a]  }
0x1c3: {  	s17 =	rddreg [dreg:$0x1b]  }
0x1c4: {  	[tilespmem:s26], [sflag:$0x5] =	stream.indirect.gather [spmem:s2], $0x40, s10, s19, $0xb8;
	[tilespmem:$0x1B028] =	vst v63  }
0x1c5: {  	s10 =	rddreg [dreg:$0x1c]  }
0x1c6: {  	[tilespmem:s17], [sflag:$0x5] =	stream.indirect.gather [spmem:s2], $0x40, s12, s19, $0xb8;
	[tilespmem:$0x1B028] =	vst v63  }
0x1c7: {  	s12 =	rddreg [dreg:$0x1d]  }
0x1c8: {  	s17 =	rddreg [dreg:$0x1e]  }
0x1c9: {  	[tilespmem:s28], [sflag:$0x5] =	stream.indirect.gather [spmem:s2], $0x40, s10, s19, $0xb8;
	[tilespmem:$0x1B028] =	vst v63  }
0x1ca: {  	s10 =	rddreg [dreg:$0x1f]  }
0x1cb: {  	[tilespmem:s17], [sflag:$0x5] =	stream.indirect.gather [spmem:s2], $0x40, s12, s19, $0xb8;
	[tilespmem:$0x1B028] =	vst v63  }
0x1cc: {  	s12 =	sld [smem:$0x7FC]  }
0x1cd: {  	s17 =	sld [smem:$0x7FD]  }
0x1ce: {  	[tilespmem:s29], [sflag:$0x5] =	stream.indirect.gather [spmem:s2], $0x40, s10, s19, $0xb8;
	[tilespmem:$0x1B028] =	vst v63  }
0x1cf: {  	s7 =	rddreg [dreg:$0x4];
	p1 =	seq.s32 s4, $0x3138  }
0x1d0: {  	[tilespmem:s17], [sflag:$0x5] =	stream.indirect.gather [spmem:s2], $0x40, s12, s19, $0xb8;
	[tilespmem:$0x1B028] =	vst v63  }
0x1d1: {  	s7 =	sadd.s32 @!p1 s4, s7;
	s10 =	simm.s32 @!p1 $0x0;
	s12 =	simm.s32 @!p1 $0x328  }
0x1d2: {  	[tilespmem:s12], [sflag:$0x2] =	stream.linear.gather @!p1 [hbm4b:s7+s10], $0xC8, $0x38;
	[tilespmem:$0x1B028] =	vst v63  }
0x1d3: {  	s17 =	simm.s32 @!p1 $0x3F8;
	s12 =	sadd.s32 @!p1 $0x19, s7  }
0x1d4: {  	[tilespmem:s17], [sflag:$0x2] =	stream.linear.gather @!p1 [hbm4b:s12+s10], $0xC8, $0x38;
	[tilespmem:$0x1B028] =	vst v63  }
0x1d5: {  	s12 =	sadd.s32 @!p1 $0x32, s7;
	s17 =	simm.s32 @!p1 $0x4C8  }
0x1d6: {  	[tilespmem:s17], [sflag:$0x2] =	stream.linear.gather @!p1 [hbm4b:s12+s10], $0xC8, $0x38;
	[tilespmem:$0x1B028] =	vst v63  }
0x1d7: {  	s7 =	sadd.s32 @!p1 $0x4B, s7;
	s12 =	simm.s32 @!p1 $0x598  }
0x1d8: {  	[tilespmem:s12], [sflag:$0x2] =	stream.linear.gather @!p1 [hbm4b:s7+s10], $0xC8, $0x38;
	[tilespmem:$0x1B028] =	vst v63  }
0x1d9: {  	_ =	swait.ge [sflag:s30], $0x1A00  }
0x1da: {  	[sflag:s30] =	ssyncset.done $0x0  }
0x1db: {  	[sflag:s30] =	ssyncadd.s32 $0xFFFFE600  }
0x1dc: {  	_ =	swait.ge [sflag:s30], $0x1A00  }
0x1dd: {  	[sflag:s30] =	ssyncset.done $0x0  }
0x1de: {  	[sflag:s30] =	ssyncadd.s32 $0xFFFFE600  }
0x1df: {  	_ =	swait.ge [sflag:s30], $0x1A00  }
0x1e0: {  	[sflag:s30] =	ssyncset.done $0x0  }
0x1e1: {  	[sflag:s30] =	ssyncadd.s32 $0xFFFFE600  }
0x1e2: {  	_ =	swait.ge [sflag:s30], $0x1A00  }
0x1e3: {  	[sflag:s30] =	ssyncset.done $0x0  }
0x1e4: {  	[sflag:s30] =	ssyncadd.s32 $0xFFFFE600  }
0x1e5: {  	_ =	swait.ge [sflag:s30], $0x1A00  }
0x1e6: {  	[sflag:s30] =	ssyncset.done $0x0  }
0x1e7: {  	[sflag:s30] =	ssyncadd.s32 $0xFFFFE600  }
0x1e8: {  	_ =	swait.ge [sflag:s30], $0x1A00  }
0x1e9: {  	[sflag:s30] =	ssyncset.done $0x0  }
0x1ea: {  	[sflag:s30] =	ssyncadd.s32 $0xFFFFE600  }
0x1eb: {  	_ =	swait.ge [sflag:s30], $0x1A00  }
0x1ec: {  	[sflag:s30] =	ssyncset.done $0x0  }
0x1ed: {  	[sflag:s30] =	ssyncadd.s32 $0xFFFFE600  }
0x1ee: {  	_ =	swait.ge [sflag:s30], $0x1A00  }
0x1ef: {  	[sflag:s30] =	ssyncset.done $0x0  }
0x1f0: {  	s4 =	sadd.s32 $0xC8, s4;
	[sflag:s30] =	ssyncadd.s32 $0xFFFFE600  }
0x1f1: {  	[hbm4b:s9+s3] =	stream.linear.scatter [tilespmem:s20], [sflag:$0x6], $0x3200, $0x38;
	[tilespmem:$0x1B028] =	vst v63  }
0x1f2: {  	s10 =	sadd.s32 $0x640, s9;
	p1 =	sne.s32 s4, $0x3200  }
0x1f3: {  	[hbm4b:s10+s3] =	stream.linear.scatter [tilespmem:s21], [sflag:$0x6], $0x3200, $0x38;
	[tilespmem:$0x1B028] =	vst v63  }
.Ltmp0:
0x1f4: {  	_ = 	snop;
	(pc) =	sbr.rel @p1 .LBB2_2-.Ltmp0, $4  }
0x1f5: {  	s12 =	sadd.s32 $0xC80, s9  }
0x1f6: {  	[hbm4b:s12+s3] =	stream.linear.scatter [tilespmem:s22], [sflag:$0x6], $0x3200, $0x38;
	[tilespmem:$0x1B028] =	vst v63  }
0x1f7: {  	s8 =	sadd.s32 $0x19000, s8;
	s17 =	sadd.s32 $0x12C0, s9;
	s9 =	sadd.s32 $0x3200, s9  }
0x1f8: {  	[hbm4b:s17+s3] =	stream.linear.scatter [tilespmem:s23], [sflag:$0x6], $0x3200, $0x38;
	[tilespmem:$0x1B028] =	vst v63  }
0x1f9: {  	_ =	swait.ge [sflag:s31], $0x1A00  }
0x1fa: {  	[sflag:s31] =	ssyncset.done $0x0  }
0x1fb: {  	[sflag:s31] =	ssyncadd.s32 $0xFFFFE600  }
0x1fc: {  	_ =	swait.ge [sflag:s31], $0x1A00  }
0x1fd: {  	[sflag:s31] =	ssyncset.done $0x0  }
0x1fe: {  	[sflag:s31] =	ssyncadd.s32 $0xFFFFE600  }
0x1ff: {  	_ =	swait.ge [sflag:s31], $0x1A00  }
0x200: {  	[sflag:s31] =	ssyncset.done $0x0  }
0x201: {  	[sflag:s31] =	ssyncadd.s32 $0xFFFFE600  }
0x202: {  	_ =	swait.ge [sflag:s31], $0x1A00  }
0x203: {  	[sflag:s31] =	ssyncset.done $0x0  }
0x204: {  	[sflag:s31] =	ssyncadd.s32 $0xFFFFE600  }
0x205: {  	_ =	swait.ge [sflag:s31], $0x1A00  }
0x206: {  	[sflag:s31] =	ssyncset.done $0x0  }
0x207: {  	[sflag:s31] =	ssyncadd.s32 $0xFFFFE600  }
0x208: {  	_ =	swait.ge [sflag:s31], $0x1A00  }
0x209: {  	[sflag:s31] =	ssyncset.done $0x0  }
0x20a: {  	[sflag:s31] =	ssyncadd.s32 $0xFFFFE600  }
0x20b: {  	_ =	swait.ge [sflag:s31], $0x1A00  }
0x20c: {  	[sflag:s31] =	ssyncset.done $0x0  }
0x20d: {  	[sflag:s31] =	ssyncadd.s32 $0xFFFFE600  }
0x20e: {  	_ =	swait.ge [sflag:s31], $0x1A00  }
0x20f: {  	[sflag:s31] =	ssyncset.done $0x0  }
0x210: {  	[sflag:s31] =	ssyncadd.s32 $0xFFFFE600  }
0x211: {  	[hbm4b:s6+s3] =	stream.linear.scatter [tilespmem:s25], [sflag:$0x7], $0x3200, $0x38;
	[tilespmem:$0x1B028] =	vst v63  }
0x212: {  	s4 =	sadd.s32 $0x640, s6  }
0x213: {  	[hbm4b:s4+s3] =	stream.linear.scatter [tilespmem:s26], [sflag:$0x7], $0x3200, $0x38;
	[tilespmem:$0x1B028] =	vst v63  }
0x214: {  	s10 =	sadd.s32 $0xC80, s6  }
0x215: {  	[hbm4b:s10+s3] =	stream.linear.scatter [tilespmem:s28], [sflag:$0x7], $0x3200, $0x38;
	[tilespmem:$0x1B028] =	vst v63  }
0x216: {  	s12 =	sadd.s32 $0x12C0, s6  }
0x217: {  	[hbm4b:s12+s3] =	stream.linear.scatter [tilespmem:s29], [sflag:$0x7], $0x3200, $0x38;
	[tilespmem:$0x1B028] =	vst v63  }
0x218: {  	_ =	swait.ge [sflag:s1], $0xC800  }
0x219: {  	[sflag:s1] =	ssyncset.done $0x0  }
0x21a: {  	[sflag:s1] =	ssyncadd.s32 $0xFFFF3800  }
0x21b: {  	_ =	swait.ge [sflag:s11], $0xC800  }
0x21c: {  	s17 =	sld [smem:$0x7F8];
	_ =	sdelay $0x1  }
0x21d: {  	s13 =	sadd.s32 $0x1, s13  }
0x21e: {  	p1 =	sne.s32 s13, s17  }
.Ltmp1:
0x21f: {  	_ = 	snop;
	(pc) =	sbr.rel @p1 .LBB2_1-.Ltmp1, $3  }
0x220: {  	_ =	sdelay $0x1  }
0x221: {  	[sflag:s11] =	ssyncset.done $0x0  }
0x222: {  	[sflag:s11] =	ssyncadd.s32 $0xFFFF3800  }
0x223: {  	_ =	sfence.sel $0x180000  }
0x224: {  	[bflag:$0x0] =	sbarrier.arrive $0xFFFF  }
0x225: {  	_ =	strace $0x90000047  }
0x226: {  	[bflag:$0x2] =	sbarrier.arrive $0xFFFF  }
0x227: {  	s0 =	rddreg [dreg:$0x3]  }
0x228: {  	s0 =	sadd.s32 @!p0 $0x100000, s0  }
0x229: {  	[sflag:s0] =	ssyncadd.tile.s32 @!p0 $0x1;
	_ =	shalt  }
.Lfunc_end2:
_tile_overlayer_lowered:
.L_overlay_start_2:
0x22a: {  	(tag) =	ssettag $0x2  }
0x22b: {  	s0 =	rddreg [dreg:$0x0];
	s2 =	stileid.u32  }
0x22c: {  	s1 =	rddreg [dreg:$0x1];
	p0 =	sne.s32 s2, $0x0  }
0x22d: {  	s3 =	rddreg [dreg:$0x2];
	[bflag:$0x3] =	sbarrier.arrive $0xFFFF;
	s2 =	simm.s32 @!p0 $0x1C08  }
0x22e: {  	[timem:s3], [sflag:s2] =	dma.local @!p0 [hbm:s0], s1  }
0x22f: {  	s0 =	simm.s32 @!p0 $0x8  }
0x230: {  	_ =	swait.ge @!p0 [sflag:s0], s1  }
0x231: {  	s1 =	ssub.s32 @!p0 $0x0, s1;
	[sflag:s0] =	ssyncset.done @!p0 $0x0  }
0x232: {  	[sflag:s0] =	ssyncadd.s32 @!p0 s1  }
0x233: {  	[bflag:$0x3] =	sbarrier.arrive $0xFFFF  }
0x234: {  	_ =	shalt  }

// kernel: sparse-core-data-format-call.cloned.1.call-start
scs
called_computation_lowered:
.L_overlay_start_0:
0x0: {  	s2 =	sld [smem:$0x3FD9]  }
0x1: {  	s3 =	sld [smem:$0x3FFE];
	_ =	sdelay $0x1  }
0x2: {  	s1 =	srdreg.scid  }
0x3: {  	s0 =	sand.u32 $0x1, s1  }
0x4: {  	s18 =	sshll.u32 s0, $0xA;
	s2 =	sadd.s32 s3, s2  }
0x5: {  	s2 =	sadd.s32 s2, s18  }
0x6: {  	[smem:$0x3FC6] =	sst s2  }
0x7: {  	_ = 	snop  }
0x8: {  	s2 =	sld [smem:$0x3FD0];
	(tm) =	ssettm $0x1  }
0x9: {  	s19 =	sld [smem:$0x3FFB];
	_ =	sdelay $0x3  }
0xa: {  	_ =	strace s19  }
0xb: {  	s3 =	sld [smem:$0x3FFC];
	_ =	sdelay $0x3  }
0xc: {  	_ =	strace s3  }
0xd: {  	s3 =	sld [smem:$0x3FFD];
	_ =	sdelay $0x3  }
0xe: {  	_ =	strace s3  }
0xf: {  	_ =	strace $0x8FFFFFFF  }
0x10: {  	s20 =	sld [smem:$0x3FDB];
	_ =	sdelay $0x1  }
0x11: {  	s4 =	simm.s32 $_scs_section_size  }
0x12: {  	s5 =	simm.s32 $_size__tile_overlayer_lowered;
	s6 =	simm.s32 $_tile_overlayer_lowered  }
0x13: {  	s23 =	simm.s32 $0x1BFF;
	s22 =	sshll.u32 s6, $0x1;
	s3 =	sadd.s32 s4, s20  }
0x14: {  	s7 =	simm.s32 $0x0;
	s21 =	sshll.u32 s5, $0x1;
	s5 =	sadd.s32 s22, s3  }
0x15: {  	[timem:s7], [sflag:s23] =	dma.local [hbm:s5], s21  }
0x16: {  	_ =	swait.ge [sflag:s23], s21  }
0x17: {  	s4 =	ssub.s32 $0x0, s21;
	[sflag:s23] =	ssyncset.done $0x0  }
0x18: {  	[sflag:s23] =	ssyncadd.s32 s4;
	_ =	sdelay $0x1  }
0x19: {  	s24 =	simm.s32 $0x1B8B  }
0x1a: {  	_ =	swait.ge [sflag:s24], $0x1  }
0x1b: {  	[sflag:s24] =	ssyncset.done $0x0  }
0x1c: {  	s26 =	simm.s32 $0x1B8E;
	s25 =	sld [smem:$0x3FFE];
	[sflag:s24] =	ssyncadd.s32 $0xFFFFFFFF  }
0x1d: {  	s27 =	simm.s32 $execute0_lowered;
	[smem:$0x3FD2] =	sst s26  }
0x1e: {  	s5 =	sshll.u32 s27, $0x1;
	_ =	strace $0x80000049;
	[dreg:$0x1] =	wrdreg $0xFFFFFFFF  }
0x1f: {  	s28 =	simm.s32 $_size_execute0_lowered;
	s3 =	sadd.s32 s3, s5;
	[dreg:$0x0] =	wrdreg $0x0  }
0x20: {  	s5 =	sshll.u32 s28, $0x1;
	[dreg:$0x2] =	wrdreg s3  }
0x21: {  	[dreg:$0x3] =	wrdreg s5  }
0x22: {  	[dreg:$0x4] =	wrdreg $0xC0  }
0x23: {  	_ =	task [dreg:s7], $0x5FFFF  }
0x24: {  	[dreg:$0x1] =	wrdreg $0xFFFFFFFF  }
0x25: {  	[dreg:$0x0] =	wrdreg $0x60  }
0x26: {  	[dreg:$0x2] =	wrdreg s25  }
0x27: {  	[dreg:$0x3] =	wrdreg s2  }
0x28: {  	[dreg:$0x4] =	wrdreg $0x9  }
0x29: {  	_ =	task.clear_ibuf [dreg:s7], $0x5FFFF;
	_ =	strace $0x90000049  }
0x2a: {  	s29 =	simm.s32 $0x9;
	_ =	strace $0x8000004B  }
0x2b: {  	_ =	swait.ge [sflag:s29], $0x1  }
0x2c: {  	[sflag:s29] =	ssyncadd.s32 $0xFFFFFFFF  }
0x2d: {  	_ =	strace $0x9000004B  }
0x2e: {  	_ =	sfence  }
0x2f: {  	s30 =	sld [smem:$0x0];
	_ =	sdelay $0x2  }
0x30: {  	s31 =	sshll.u32 s1, $0xD;
	s1 =	sshrl.u32 s1, $0x2  }
0x31: {  	s3 =	sand.u32 $0x4000, s31;
	s1 =	sadd.s32 s1, s30  }
0x32: {  	s0 =	sor.u32 s3, s0;
	s1 =	sshll.u32 s1, $0x11  }
0x33: {  	s0 =	sor.u32 s1, s0  }
0x34: {  	s0 =	sadd.s32 $0x8F2B, s0  }
0x35: {  	[sflag:s0] =	ssyncadd.remote.s32 $0x1  }
0x36: {  	_ =	sfence.sel $0xFFFF  }
0x37: {  	[dreg:$0x0] =	wrdreg $0xFFFFFFFF;
	(pc) =	sbr.abs _section_cstart, $3  }
0x38: {  	[dreg:$0x1] =	wrdreg $0xFFFFFFFF  }
0x39: {  	_ =	task.clear_ibuf [dreg:s7], $0x2FFFF;
	_ =	strace $0x9FFFFFFF  }
0x3a: {  	(tm) =	ssettm $0x7FFFFFFF  }
0x3b: {  	_ =	shalt  }
tec
execute0_lowered:
.L_overlay_start_1:
0x0: {  	(tag) =	ssettag $0x1  }
0x1: {  	s0 =	srdreg.scid  }
0x2: {  	s1 =	sshll.u32 s0, $0x4  }
0x3: {  	s0 =	stileid.u32;
	s1 =	sand.u32 $0x10, s1  }
0x4: {  	s1 =	sor.u32 s0, s1  }
0x5: {  	s6 =	rddreg [dreg:$0x0];
	s4 =	simm.s32 $0x1;
	s2 =	sshll.u32 s1, $0x7  }
0x6: {  	s7 =	simm.s32 $0x2;
	s12 =	simm.s32 $0x0;
	s1 =	ssub.s32 $0x4000, s2  }
0x7: {  	s8 =	simm.s32 $0x20000;
	s13 =	simm.s32 $0x0;
	s3 =	sand.u32 $0xF80, s1  }
0x8: {  	s9 =	simm.s32 $0x0;
	s5 =	sshrl.u32 s1, $0xC;
	p0 =	sne.s32 s3, $0x0  }
.Ltmp0:
0x9: {  	s1 =	rddreg [dreg:$0x2];
	s4 =	simm.s32 @!p0 $0x0;
	(pc) =	sbr.rel .LBB1_1-.Ltmp0, $4  }
0xa: {  	s11 =	simm.s32 $0x0;
	s3 =	rddreg [dreg:$0x1];
	s5 =	sadd.s32 s4, s5  }
0xb: {  	_ =	strace $0x8000004A;
	s4 =	simm.s32 $0x1;
	s5 =	smul.u32 $0xC8, s5  }
0xc: {  	s6 =	sadd.s32 $0x800, s6;
	s10 =	smov.u32 s2;
	[sflag:s4] =	ssyncpa.u1 $0x0  }
0xd: {  	p0 =	por $0x0, $0x0;
	[sflag:s7] =	ssyncpa.u1 $0x0;
	s7 =	sor.u32 $0x1, s5  }
.LBB1_4:
0xe: {  	s16 =	sshll.u32 s13, $0x3;
	s17 =	sand.u32 $0x78, s13  }
0xf: {  	s30 =	sand.u32 $0x1F800, s13;
	s12 =	sshll.u32 s12, $0x11;
	s16 =	sand.u32 $0x3C00, s16  }
0x10: {  	[tilespmem:s15+$0x810 ss:$0x81] =	vst.msk $0xffff, v2;
	s31 =	sand.u32 $0x7, s13;
	s16 =	sor.u32 s17, s16;
	s17 =	sadd.s32 s3, s30  }
0x11: {  	[tilespmem:s15+$0x1020 ss:$0x81] =	vst.msk $0xffff, v0;
	s13 =	sshll.u32 s31, $0x12;
	s12 =	sadd.s32 s12, s17;
	s16 =	sshrl.u32 s16, $0x3  }
0x12: {  	[tilespmem:s15+$0x0 ss:$0x81] =	vst.msk $0xffff, v1;
	s13 =	sor.u32 $0x400, s13;
	s12 =	sadd.s32 s16, s12  }
0x13: {  	[hbm4b:s12+s13] =	stream.strided.scatter [tilespmem:s14], [sflag:$0x2], $0x2000, s8, s13, $0x20;
	[tilespmem:$0x8080] =	vst v63  }
.LBB1_5:
0x14: {  	s14 =	sadd.s32 $0x1, s9  }
0x15: {  	s12 =	sadd.s32 $0x1000, s10;
	s16 =	smov.u32 s10;
	p2 =	sgt.s32 s14, $0xC7  }
0x16: {  	s16 =	smov.u32 @p2 s12  }
0x17: {  	s14 =	simm.s32 @p2 $0x0;
	p2 =	sgt.s32 s16, $0x3FFF  }
0x18: {  	s16 =	smov.u32 @p2 s2;
	p2 =	sne.s32 s11, s7  }
.Ltmp1:
0x19: {  	p1 =	slt.u32 s11, $0x2;
	(pc) =	sbr.rel @!p2 .LBB1_6-.Ltmp1, $4  }
0x1a: {  	s15 =	simm.s32 @!p1 $0x2  }
0x1b: {  	s13 =	smov.u32 s10;
	p0 =	por !p0, !p0;
	_ =	swait.ge @!p1 [sflag:s15], $0x2000  }
0x1c: {  	s12 =	smov.u32 s9;
	[sflag:s15] =	ssyncset.done @!p1 $0x0;
	s9 =	smov.u32 s14  }
0x1d: {  	s11 =	sadd.s32 $0x1, s11;
	[sflag:s15] =	ssyncadd.s32 @!p1 $0xFFFFE000;
	s10 =	smov.u32 s16  }
.LBB1_1:
0x1e: {  	p1 =	sge.u32 s11, s5  }
0x1f: {  	s14 =	sand.u32 @!p1 $0x1FFFFFF, s9  }
0x20: {  	s15 =	smulhi.u32 @!p1 $0x147AE15, s14;
	_ =	sdelay $0x1  }
0x21: {  	s15 =	smul.u32 @!p1 $0xC8, s15  }
0x22: {  	s16 =	sxor.u32 @!p1 $0xFFFFFFFF, s11;
	s17 =	smul.u32 @!p1 $0xC80, s10  }
0x23: {  	s31 =	sadd.s32 $0xFFFFFFFF, s11;
	s16 =	sshll.u32 @!p1 s16, $0xD;
	s14 =	ssub.s32 @!p1 s14, s15  }
0x24: {  	s15 =	sand.u32 @!p1 $0x2000, s16;
	s16 =	sadd.s32 @!p1 s6, s17;
	s14 =	sshll.u32 @!p1 s14, $0x4  }
0x25: {  	s17 =	simm.s32 @!p1 $0x6400;
	s14 =	sadd.s32 @!p1 s14, s16;
	s16 =	simm.s32 @!p1 $0x40  }
0x26: {  	[tilespmem:s15], [sflag:$0x1] =	stream.strided.gather @!p1 [hbm4b:s14+s16], $0x2000, s17, s16, $0x38;
	[tilespmem:$0x8080] =	vst v63  }
0x27: {  	p1 =	sge.u32 s31, s5  }
.Ltmp2:
0x28: {  	_ = 	snop;
	(pc) =	sbr.rel @p1 .LBB1_5-.Ltmp2, $1  }
0x29: {  	_ =	sdelay $0x3  }
0x2a: {  	s14 =	simm.s32 $0x1  }
0x2b: {  	_ =	swait.ge [sflag:s4], $0x2000;
	s14 =	simm.s32 @!p0 $0x0  }
0x2c: {  	[sflag:s4] =	ssyncset.done $0x0;
	s15 =	sshll.u32 s14, $0xD  }
0x2d: {  	[sflag:s4] =	ssyncadd.s32 $0xFFFFE000;
	s18 =	sor.u32 $0x20, s15  }
0x2e: {  	s14 =	smul.u32 $0x8100, s14;
	v3 =	vld [tilespmem:s18+$0x10]  }
0x2f: {  	s30 =	sand.u32 $0x1, s11;
	v2 =	vld [tilespmem:s18+$0xFFFFFFF0]  }
0x30: {  	s15 =	smul.u32 $0x8100, s30;
	s14 =	sshrl.u32 s14, $0x2;
	v0 =	vld [tilespmem:s18+$0x0]  }
0x31: {  	v1 =	vld [tilespmem:s18+$0xFFFFFFE0];
	s16 =	sor.u32 $0x4000, s14  }
0x32: {  	s31 =	sshrl.u32 s15, $0x2;
	s15 =	sadd.s32 $0x0, s16  }
0x33: {  	s17 =	simm.s32 $0x4;
	s18 =	sadd.s32 $0x40, s18;
	s14 =	sor.u32 $0x4000, s31;
	[tilespmem:s15+$0x1830 ss:$0x81] =	vst.msk $0xffff, v3  }
.LBB1_3:
0x34: {  	v3 =	vld [tilespmem:s18+$0x10];
	p1 =	sne.s32 s17, $0x1FC;
	[tilespmem:s15+$0x810 ss:$0x81] =	vst.msk $0xffff, v2;
	s19 =	smov.u32 s17;
	s17 =	sadd.s32 $0x4, s17  }
.Ltmp3:
0x35: {  	v2 =	vld [tilespmem:s18+$0xFFFFFFF0];
	[tilespmem:s15+$0x1020 ss:$0x81] =	vst.msk $0xffff, v0;
	(pc) =	sbr.rel @p1 .LBB1_3-.Ltmp3, $4  }
0x36: {  	v0 =	vld [tilespmem:s18+$0x0];
	[tilespmem:s15+$0x0 ss:$0x81] =	vst.msk $0xffff, v1  }
0x37: {  	s15 =	sshra.s32 s19, $0x2;
	v1 =	vld [tilespmem:s18+$0xFFFFFFE0]  }
0x38: {  	s15 =	sadd.s32 s15, s16  }
0x39: {  	s18 =	sadd.s32 $0x40, s18;
	[tilespmem:s15+$0x1830 ss:$0x81] =	vst.msk $0xffff, v3  }
.Ltmp4:
0x3a: {  	_ = 	snop;
	(pc) =	sbr.rel .LBB1_4-.Ltmp4, $1  }
0x3b: {  	_ =	sdelay $0x3  }
.LBB1_6:
0x3c: {  	_ =	sfence.sel $0x180000  }
0x3d: {  	s2 =	simm.s32 $0x1;
	[bflag:$0x0] =	sbarrier.arrive $0xFFFF  }
0x3e: {  	s31 =	simm.s32 $0x2;
	[sflag:s2] =	ssyncpa.u1 $0x1  }
0x3f: {  	[sflag:s31] =	ssyncpa.u1 $0x1  }
0x40: {  	p0 =	sne.s32 s0, $0x0;
	_ =	strace $0x9000004A  }
0x41: {  	s0 =	sadd.s32 @!p0 $0x100000, s1;
	[bflag:$0x2] =	sbarrier.arrive $0xFFFF  }
0x42: {  	[sflag:s0] =	ssyncadd.tile.s32 @!p0 $0x1;
	_ =	shalt  }
.Lfunc_end1:
_tile_overlayer_lowered:
.L_overlay_start_2:
0x43: {  	(tag) =	ssettag $0x2  }
0x44: {  	s0 =	rddreg [dreg:$0x0];
	s2 =	stileid.u32  }
0x45: {  	s1 =	rddreg [dreg:$0x1];
	p0 =	sne.s32 s2, $0x0  }
0x46: {  	s3 =	rddreg [dreg:$0x2];
	[bflag:$0x3] =	sbarrier.arrive $0xFFFF;
	s2 =	simm.s32 @!p0 $0x1C01  }
0x47: {  	[timem:s3], [sflag:s2] =	dma.local @!p0 [hbm:s0], s1  }
0x48: {  	s0 =	simm.s32 @!p0 $0x1  }
0x49: {  	_ =	swait.ge @!p0 [sflag:s0], s1  }
0x4a: {  	s1 =	ssub.s32 @!p0 $0x0, s1;
	[sflag:s0] =	ssyncset.done @!p0 $0x0  }
0x4b: {  	[sflag:s0] =	ssyncadd.s32 @!p0 s1  }
0x4c: {  	[bflag:$0x3] =	sbarrier.arrive $0xFFFF  }
0x4d: {  	_ =	shalt  }

</sc_bundles>
